<compile_context>
chip_gen: v7x
topology: tpu7x:2x2x1
jax: 0.10.2.dev20260603
libtpu: 0.0.44.dev20260713+nightly
codegen_flags: <defaults>
</compile_context>

<pallas_src>
import jax
import jax.numpy as jnp
from jax import lax
from jax.experimental import pallas as pl
from jax.experimental.pallas import tpu as pltpu
from jax.experimental.pallas import tpu_sc as plsc

_N = 10000
_E = 320000
_D = 128

_NC = 2
_NS = 16
_NW = _NC * _NS
_CH = 128
_CPW = 78
_H1 = 40
_H2 = _CPW - _H1
_EMAIN = _NW * _CPW * _CH
_NREM = (_E - _EMAIN) // _CH
_STRIDE = 624
_WIN = 640
_ZR = 128

_mesh = plsc.VectorSubcoreMesh(core_axis_name="c", subcore_axis_name="s",
                               num_cores=_NC, num_subcores=_NS)


def _fill_zeros(buf, nrows):
    def _zrow(j, carry):
        for k in range(_D // 16):
            buf[j, pl.ds(k * 16, 16)] = jnp.zeros((16,), jnp.float32)
        return carry
    lax.fori_loop(0, nrows, _zrow, 0)


def _zero_window(zsrc, acc, sid, sem0, sem1):
    sems = (sem0, sem1)
    ds = []
    for k in range(_WIN // _ZR):
        ds.append(pltpu.async_copy(
            zsrc, acc.at[pl.ds(sid * _STRIDE + k * _ZR, _ZR)], sems[k % 2]))
    for d in ds:
        d.wait()


def _segsum_body(h_hbm, src3_hbm, dst3_hbm, src1_hbm, dst1_hbm,
                 out_hbm, src_h, dst_h, rows0, rows1, rsrc_v, rdst_v, acc,
                 gs0, gs1, gs0b, gs1b, ss0, ss1, isem):
    cid = lax.axis_index("c")
    sid = lax.axis_index("s")
    wid = sid * _NC + cid

    ia = pltpu.async_copy(src3_hbm.at[wid, pl.ds(0, _H1)], src_h, isem)
    ib = pltpu.async_copy(dst3_hbm.at[wid, pl.ds(0, _H1)], dst_h, isem)
    _fill_zeros(rows0, _ZR)
    _zero_window(rows0, acc, sid, gs0, gs1)
    plsc.subcore_barrier()
    ia.wait()
    ib.wait()

    rows = (rows0, rows1)
    gsa = (gs0, gs1)
    gsb = (gs0b, gs1b)
    ss = (ss0, ss1)
    _HC = _CH // 2

    def g_start(i, b):
        pltpu.async_copy(h_hbm.at[src_h.at[i, pl.ds(0, _HC)]],
                         rows[b].at[pl.ds(0, _HC)], gsa[b])
        pltpu.async_copy(h_hbm.at[src_h.at[i, pl.ds(_HC, _HC)]],
                         rows[b].at[pl.ds(_HC, _HC)], gsb[b])

    def g_wait(b):
        pltpu.make_async_copy(h_hbm.at[src_h.at[0, pl.ds(0, _HC)]],
                              rows[b].at[pl.ds(0, _HC)], gsa[b]).wait()
        pltpu.make_async_copy(h_hbm.at[src_h.at[0, pl.ds(_HC, _HC)]],
                              rows[b].at[pl.ds(_HC, _HC)], gsb[b]).wait()

    def s_start(i, b):
        pltpu.async_copy(rows[b], acc.at[dst_h.at[i]], ss[b], add=True)

    def s_wait(b):
        pltpu.make_async_copy(rows[b], acc.at[dst_h.at[0]], ss[b]).wait()

    def _segment(n):
        g_start(0, 0)
        g_wait(0)
        s_start(0, 0)
        g_start(1, 1)

        def _body(k, carry):
            i1 = 2 * k + 1
            g_wait(1)
            s_start(i1, 1)
            s_wait(0)
            g_start(i1 + 1, 0)
            i2 = 2 * k + 2
            g_wait(0)
            s_start(i2, 0)
            s_wait(1)
            g_start(i2 + 1, 1)
            return carry
        lax.fori_loop(0, (n - 2) // 2, _body, 0)

        g_wait(1)
        s_start(n - 1, 1)
        s_wait(0)
        s_wait(1)

    _segment(_H1)
    pltpu.sync_copy(src3_hbm.at[wid, pl.ds(_H1, _H2)], src_h.at[pl.ds(0, _H2)])
    pltpu.sync_copy(dst3_hbm.at[wid, pl.ds(_H1, _H2)], dst_h.at[pl.ds(0, _H2)])
    _segment(_H2)

    @pl.when(wid < _NREM)
    def _rem():
        base = _EMAIN + wid * _CH
        pltpu.sync_copy(src1_hbm.at[pl.ds(base, _CH)], rsrc_v)
        pltpu.sync_copy(dst1_hbm.at[pl.ds(base, _CH)], rdst_v)
        pltpu.async_copy(h_hbm.at[rsrc_v], rows0, gs0).wait()
        pltpu.sync_copy(rows0, acc.at[rdst_v], add=True)

    plsc.subcore_barrier()
    pltpu.sync_copy(acc.at[pl.ds(sid * _STRIDE, _WIN)],
                    out_hbm.at[cid, pl.ds(sid * _STRIDE, _WIN)])


_segsum = pl.kernel(
    _segsum_body, mesh=_mesh,
    out_type=jax.ShapeDtypeStruct((_NC, _N, _D), jnp.float32),
    scratch_types=[
        pltpu.VMEM((_H1, _CH), jnp.int32),
        pltpu.VMEM((_H1, _CH), jnp.int32),
        pltpu.VMEM((_CH, _D), jnp.float32),
        pltpu.VMEM((_CH, _D), jnp.float32),
        pltpu.VMEM((_CH,), jnp.int32),
        pltpu.VMEM((_CH,), jnp.int32),
        pltpu.VMEM_SHARED((_N, _D), jnp.float32),
        pltpu.SemaphoreType.DMA,
        pltpu.SemaphoreType.DMA,
        pltpu.SemaphoreType.DMA,
        pltpu.SemaphoreType.DMA,
        pltpu.SemaphoreType.DMA,
        pltpu.SemaphoreType.DMA,
        pltpu.SemaphoreType.DMA,
    ],
)


def _deg_body(dst3_hbm, dst1_hbm, out_hbm, dst_all, hist, rdst_v, isem):
    cid = lax.axis_index("c")
    sid = lax.axis_index("s")
    wid = sid * _NC + cid

    ia = pltpu.async_copy(dst3_hbm.at[wid], dst_all, isem)

    def _zrow(j, carry):
        hist[pl.ds(j * 16, 16)] = jnp.zeros((16,), jnp.float32)
        return carry
    lax.fori_loop(0, _N // 16, _zrow, 0)
    ia.wait()

    ones16 = jnp.ones((16,), jnp.float32)

    def _chunk(i, carry):
        for g in range(_CH // 16):
            idx = dst_all[i, pl.ds(g * 16, 16)]
            plsc.addupdate_scatter(hist, [idx], ones16)
        return carry
    lax.fori_loop(0, _CPW, _chunk, 0)

    @pl.when(wid < _NREM)
    def _rem():
        base = _EMAIN + wid * _CH
        pltpu.sync_copy(dst1_hbm.at[pl.ds(base, _CH)], rdst_v)
        for g in range(_CH // 16):
            idx = rdst_v[pl.ds(g * 16, 16)]
            plsc.addupdate_scatter(hist, [idx], ones16)

    pltpu.sync_copy(hist, out_hbm.at[wid])


_deg = pl.kernel(
    _deg_body, mesh=_mesh,
    out_type=jax.ShapeDtypeStruct((_NW, _N), jnp.float32),
    scratch_types=[
        pltpu.VMEM((_CPW, _CH), jnp.int32),
        pltpu.VMEM((_N,), jnp.float32),
        pltpu.VMEM((_CH,), jnp.int32),
        pltpu.SemaphoreType.DMA,
    ],
    compiler_params=pltpu.CompilerParams(needs_layout_passes=False),
)


def _tc_r(h, Wr, b):
    dout = Wr.shape[1]
    blk = 2000

    def _body(h_ref, wr_ref, b_ref, o_ref):
        o_ref[...] = jnp.dot(h_ref[...], wr_ref[...],
                             preferred_element_type=jnp.float32) + b_ref[...]

    return pl.pallas_call(
        _body,
        grid=(_N // blk,),
        in_specs=[
            pl.BlockSpec((blk, _D), lambda i: (i, 0)),
            pl.BlockSpec((_D, dout), lambda i: (0, 0)),
            pl.BlockSpec((1, dout), lambda i: (0, 0)),
        ],
        out_specs=pl.BlockSpec((blk, dout), lambda i: (i, 0)),
        out_shape=jax.ShapeDtypeStruct((_N, dout), jnp.float32),
    )(h, Wr, b.reshape(1, dout))


def _tc_out(p, degp, r, Wl, act):
    dout = Wl.shape[1]
    blk = 2000

    def _body(p_ref, deg_ref, r_ref, wl_ref, o_ref):
        deg = jnp.sum(deg_ref[...], axis=1, keepdims=True)
        rdeg = 1.0 / jnp.maximum(deg, 1.0)
        mean = (p_ref[0] + p_ref[1]) * rdeg
        out = jnp.dot(mean, wl_ref[...], preferred_element_type=jnp.float32)
        out = out + r_ref[...]
        if act == "relu":
            out = jnp.maximum(out, 0.0)
        else:
            m = jnp.max(out, axis=1, keepdims=True)
            s = out - m
            out = s - jnp.log(jnp.sum(jnp.exp(s), axis=1, keepdims=True))
        o_ref[...] = out

    return pl.pallas_call(
        _body,
        grid=(_N // blk,),
        in_specs=[
            pl.BlockSpec((_NC, blk, _D), lambda i: (0, i, 0)),
            pl.BlockSpec((blk, _NW), lambda i: (i, 0)),
            pl.BlockSpec((blk, dout), lambda i: (i, 0)),
            pl.BlockSpec((_D, dout), lambda i: (0, 0)),
        ],
        out_specs=pl.BlockSpec((blk, dout), lambda i: (i, 0)),
        out_shape=jax.ShapeDtypeStruct((_N, dout), jnp.float32),
    )(p, degp, r, Wl)


def kernel(x, edge_index, Wl0, Wr0, b0, Wl1, Wr1, b1, Wl2, Wr2, b2):
    src1 = edge_index[0]
    dst1 = edge_index[1]
    src3 = src1[:_EMAIN].reshape(_NW, _CPW, _CH)
    dst3 = dst1[:_EMAIN].reshape(_NW, _CPW, _CH)
    degp = _deg(dst3, dst1).T
    p0 = _segsum(x, src3, dst3, src1, dst1)
    r0 = _tc_r(x, Wr0, b0)
    h1 = _tc_out(p0, degp, r0, Wl0, "relu")
    p1 = _segsum(h1, src3, dst3, src1, dst1)
    r1 = _tc_r(h1, Wr1, b1)
    h2 = _tc_out(p1, degp, r1, Wl1, "relu")
    p2 = _segsum(h2, src3, dst3, src1, dst1)
    r2 = _tc_r(h2, Wr2, b2)
    return _tc_out(p2, degp, r2, Wl2, "lsm")

# --- scband reference (transcript-rebuilt; emitter-appended) ---
"""Pipeline reference for scband-sage-36197984370866 (READ-ONLY COPY).

The authoritative reference and input builder live on the scoring server;
editing this copy changes nothing except your own understanding.
"""

import jax, jax.numpy as jnp
import numpy as np

N = 10000
E = 320000
D_IN = 128
D_HID = 128
N_CLS = 40


def _glorot(key, shape):
    fan_in = shape[0]
    s = 1.0 / np.sqrt(fan_in)
    return jax.random.uniform(key, shape, dtype=jnp.float32, minval=-s, maxval=s)


def setup_inputs(seed: int = 0) -> dict:
    key = jax.random.key(seed)
    ks = jax.random.split(key, 12)
    x = jax.random.normal(ks[0], (N, D_IN), dtype=jnp.float32)
    edge_index = jax.random.randint(ks[1], (2, E), 0, N, dtype=jnp.int32)
    dims = [(D_IN, D_HID), (D_HID, D_HID), (D_HID, N_CLS)]
    inp = {"x": x, "edge_index": edge_index}
    for i, (din, dout) in enumerate(dims):
        inp[f"Wl{i}"] = _glorot(ks[2 + 3 * i], (din, dout))
        inp[f"Wr{i}"] = _glorot(ks[3 + 3 * i], (din, dout))
        inp[f"b{i}"] = jnp.zeros((dout,), dtype=jnp.float32)
    return inp


def _sage_conv(h, src, dst, Wl, Wr, b):
    # PyG SAGEConv (aggr='mean'): out = lin_l(mean_{j in N(i)} x_j) + lin_r(x_i) + bias
    msgs = h[src]
    agg = jax.ops.segment_sum(msgs, dst, num_segments=N)
    deg = jax.ops.segment_sum(jnp.ones((src.shape[0],), dtype=h.dtype), dst, num_segments=N)
    mean = agg / jnp.clip(deg, 1.0, None)[:, None]
    return mean @ Wl + h @ Wr + b


def reference(x, edge_index, Wl0, Wr0, b0, Wl1, Wr1, b1, Wl2, Wr2, b2):
    src = edge_index[0]
    dst = edge_index[1]
    h = _sage_conv(x, src, dst, Wl0, Wr0, b0)
    h = jax.nn.relu(h)
    # dropout p=0.3 is identity in eval mode
    h = _sage_conv(h, src, dst, Wl1, Wr1, b1)
    h = jax.nn.relu(h)
    h = _sage_conv(h, src, dst, Wl2, Wr2, b2)
    return jax.nn.log_softmax(h, axis=1)

if __name__ == "__main__":
    import jax
    _d = setup_inputs()
    print(jax.jit(kernel)(*tuple(_d.values())))

</pallas_src>

<mosaic_0001>
#map = affine_map<(d0, d1) -> (0, 0)>
#map1 = affine_map<(d0, d1) -> (0, 0, 0)>
#map2 = affine_map<(d0, d1) -> (0)>
module attributes {stable_mosaic.version = 14 : i64} {
  func.func @_segsum_body(%arg0: i32, %arg1: i32, %arg2: memref<10000x128xf32, #tpu.memory_space<hbm>>, %arg3: memref<32x78x128xi32, #tpu.memory_space<hbm>>, %arg4: memref<32x78x128xi32, #tpu.memory_space<hbm>>, %arg5: memref<320000xi32, #tpu.memory_space<hbm>>, %arg6: memref<320000xi32, #tpu.memory_space<hbm>>, %arg7: memref<2x10000x128xf32, #tpu.memory_space<hbm>>, %arg8: memref<40x128xi32, #tpu.memory_space<vmem>>, %arg9: memref<40x128xi32, #tpu.memory_space<vmem>>, %arg10: memref<128x128xf32, #tpu.memory_space<vmem>>, %arg11: memref<128x128xf32, #tpu.memory_space<vmem>>, %arg12: memref<128xi32, #tpu.memory_space<vmem>>, %arg13: memref<128xi32, #tpu.memory_space<vmem>>, %arg14: memref<10000x128xf32, #tpu.memory_space<vmem_shared>>, %arg15: memref<!tpu.dma_semaphore, #tpu.memory_space<semaphore_mem>>, %arg16: memref<!tpu.dma_semaphore, #tpu.memory_space<semaphore_mem>>, %arg17: memref<!tpu.dma_semaphore, #tpu.memory_space<semaphore_mem>>, %arg18: memref<!tpu.dma_semaphore, #tpu.memory_space<semaphore_mem>>, %arg19: memref<!tpu.dma_semaphore, #tpu.memory_space<semaphore_mem>>, %arg20: memref<!tpu.dma_semaphore, #tpu.memory_space<semaphore_mem>>, %arg21: memref<!tpu.dma_semaphore, #tpu.memory_space<semaphore_mem>>) attributes {dimension_semantics = [#tpu.dimension_semantics<core_parallel>, #tpu.dimension_semantics<subcore_parallel>], iteration_bounds = array<i64: 2, 16>, scalar_prefetch = 0 : i64, scratch_operands = 14 : i64, tpu.core_type = #tpu.core_type<sc_vector_subcore>, window_params = [{transform_indices = #map}, {transform_indices = #map1}, {transform_indices = #map1}, {transform_indices = #map2}, {transform_indices = #map2}, {transform_indices = #map1}]} {
    %mul3A = arith.constant 2 : i32
    %mul3A_0 = arith.muli %arg1, %mul3A : i32
    %add3A = arith.addi %mul3A_0, %arg0 : i32
    %dma_start3A = arith.constant 0 : i32
    %dma_start3A_1 = arith.constant 0 : i32
    %dma_start3A_2 = tpu.memref_slice %arg3[%add3A, %dma_start3A, %dma_start3A_1] : memref<32x78x128xi32, #tpu.memory_space<hbm>> -> memref<1x40x128xi32, #tpu.memory_space<hbm>>
    %dma_start3A_3 = tpu.memref_squeeze %dma_start3A_2 : memref<1x40x128xi32, #tpu.memory_space<hbm>> -> memref<40x128xi32, #tpu.memory_space<hbm>>
    %dma_start3A_4 = arith.constant 0 : i32
    %dma_start3A_5 = arith.constant 0 : i32
    %dma_start3A_6 = tpu.memref_slice %arg3[%add3A, %dma_start3A_4, %dma_start3A_5] : memref<32x78x128xi32, #tpu.memory_space<hbm>> -> memref<1x40x128xi32, #tpu.memory_space<hbm>>
    %dma_start3A_7 = tpu.memref_squeeze %dma_start3A_6 : memref<1x40x128xi32, #tpu.memory_space<hbm>> -> memref<40x128xi32, #tpu.memory_space<hbm>>
    tpu.enqueue_dma source(%dma_start3A_7 : memref<40x128xi32, #tpu.memory_space<hbm>>) target(%arg8 : memref<40x128xi32, #tpu.memory_space<vmem>>) target_semaphore(%arg21 : memref<!tpu.dma_semaphore, #tpu.memory_space<semaphore_mem>>)
    %dma_start3A_8 = arith.constant 0 : i32
    %dma_start3A_9 = arith.constant 0 : i32
    %dma_start3A_10 = tpu.memref_slice %arg4[%add3A, %dma_start3A_8, %dma_start3A_9] : memref<32x78x128xi32, #tpu.memory_space<hbm>> -> memref<1x40x128xi32, #tpu.memory_space<hbm>>
    %dma_start3A_11 = tpu.memref_squeeze %dma_start3A_10 : memref<1x40x128xi32, #tpu.memory_space<hbm>> -> memref<40x128xi32, #tpu.memory_space<hbm>>
    %dma_start3A_12 = arith.constant 0 : i32
    %dma_start3A_13 = arith.constant 0 : i32
    %dma_start3A_14 = tpu.memref_slice %arg4[%add3A, %dma_start3A_12, %dma_start3A_13] : memref<32x78x128xi32, #tpu.memory_space<hbm>> -> memref<1x40x128xi32, #tpu.memory_space<hbm>>
    %dma_start3A_15 = tpu.memref_squeeze %dma_start3A_14 : memref<1x40x128xi32, #tpu.memory_space<hbm>> -> memref<40x128xi32, #tpu.memory_space<hbm>>
    tpu.enqueue_dma source(%dma_start3A_15 : memref<40x128xi32, #tpu.memory_space<hbm>>) target(%arg9 : memref<40x128xi32, #tpu.memory_space<vmem>>) target_semaphore(%arg21 : memref<!tpu.dma_semaphore, #tpu.memory_space<semaphore_mem>>)
    %scan3A = arith.constant 0 : i32
    %scan3A_16 = arith.constant 0 : i32
    %scan3A_17 = arith.constant 128 : i32
    %scan3A_18 = arith.addi %scan3A_16, %scan3A_17 : i32
    %scan3A_19 = arith.constant 1 : i32
    scf.for %scan3A_331 = %scan3A_16 to %scan3A_18 step %scan3A_19  : i32 {
      %broadcast_in_dim3A = arith.constant 0.000000e+00 : f32
      %broadcast_in_dim3A_332 = vector.broadcast %broadcast_in_dim3A : f32 to vector<16xf32>
      %swap3A = arith.index_cast %scan3A_331 : i32 to index
      %swap3A_333 = arith.constant 0 : index
      %swap3A_334 = tpu.vector_load %arg10[%swap3A, %swap3A_333] {strides = array<i32>} : memref<128x128xf32, #tpu.memory_space<vmem>>, vector<1x16xf32>,
      %swap3A_335 = vector.shape_cast %swap3A_334 : vector<1x16xf32> to vector<16xf32>
      %swap3A_336 = vector.shape_cast %broadcast_in_dim3A_332 : vector<16xf32> to vector<1x16xf32>
      tpu.vector_store %arg10[%swap3A, %swap3A_333], %swap3A_336 {strides = array<i32>} : memref<128x128xf32, #tpu.memory_space<vmem>>, vector<1x16xf32>,
      %broadcast_in_dim3A_337 = arith.constant 0.000000e+00 : f32
      %broadcast_in_dim3A_338 = vector.broadcast %broadcast_in_dim3A_337 : f32 to vector<16xf32>
      %swap3A_339 = arith.index_cast %scan3A_331 : i32 to index
      %swap3A_340 = arith.constant 16 : index
      %swap3A_341 = tpu.vector_load %arg10[%swap3A_339, %swap3A_340] {strides = array<i32>} : memref<128x128xf32, #tpu.memory_space<vmem>>, vector<1x16xf32>,
      %swap3A_342 = vector.shape_cast %swap3A_341 : vector<1x16xf32> to vector<16xf32>
      %swap3A_343 = vector.shape_cast %broadcast_in_dim3A_338 : vector<16xf32> to vector<1x16xf32>
      tpu.vector_store %arg10[%swap3A_339, %swap3A_340], %swap3A_343 {strides = array<i32>} : memref<128x128xf32, #tpu.memory_space<vmem>>, vector<1x16xf32>,
      %broadcast_in_dim3A_344 = arith.constant 0.000000e+00 : f32
      %broadcast_in_dim3A_345 = vector.broadcast %broadcast_in_dim3A_344 : f32 to vector<16xf32>
      %swap3A_346 = arith.index_cast %scan3A_331 : i32 to index
      %swap3A_347 = arith.constant 32 : index
      %swap3A_348 = tpu.vector_load %arg10[%swap3A_346, %swap3A_347] {strides = array<i32>} : memref<128x128xf32, #tpu.memory_space<vmem>>, vector<1x16xf32>,
      %swap3A_349 = vector.shape_cast %swap3A_348 : vector<1x16xf32> to vector<16xf32>
      %swap3A_350 = vector.shape_cast %broadcast_in_dim3A_345 : vector<16xf32> to vector<1x16xf32>
      tpu.vector_store %arg10[%swap3A_346, %swap3A_347], %swap3A_350 {strides = array<i32>} : memref<128x128xf32, #tpu.memory_space<vmem>>, vector<1x16xf32>,
      %broadcast_in_dim3A_351 = arith.constant 0.000000e+00 : f32
      %broadcast_in_dim3A_352 = vector.broadcast %broadcast_in_dim3A_351 : f32 to vector<16xf32>
      %swap3A_353 = arith.index_cast %scan3A_331 : i32 to index
      %swap3A_354 = arith.constant 48 : index
      %swap3A_355 = tpu.vector_load %arg10[%swap3A_353, %swap3A_354] {strides = array<i32>} : memref<128x128xf32, #tpu.memory_space<vmem>>, vector<1x16xf32>,
      %swap3A_356 = vector.shape_cast %swap3A_355 : vector<1x16xf32> to vector<16xf32>
      %swap3A_357 = vector.shape_cast %broadcast_in_dim3A_352 : vector<16xf32> to vector<1x16xf32>
      tpu.vector_store %arg10[%swap3A_353, %swap3A_354], %swap3A_357 {strides = array<i32>} : memref<128x128xf32, #tpu.memory_space<vmem>>, vector<1x16xf32>,
      %broadcast_in_dim3A_358 = arith.constant 0.000000e+00 : f32
      %broadcast_in_dim3A_359 = vector.broadcast %broadcast_in_dim3A_358 : f32 to vector<16xf32>
      %swap3A_360 = arith.index_cast %scan3A_331 : i32 to index
      %swap3A_361 = arith.constant 64 : index
      %swap3A_362 = tpu.vector_load %arg10[%swap3A_360, %swap3A_361] {strides = array<i32>} : memref<128x128xf32, #tpu.memory_space<vmem>>, vector<1x16xf32>,
      %swap3A_363 = vector.shape_cast %swap3A_362 : vector<1x16xf32> to vector<16xf32>
      %swap3A_364 = vector.shape_cast %broadcast_in_dim3A_359 : vector<16xf32> to vector<1x16xf32>
      tpu.vector_store %arg10[%swap3A_360, %swap3A_361], %swap3A_364 {strides = array<i32>} : memref<128x128xf32, #tpu.memory_space<vmem>>, vector<1x16xf32>,
      %broadcast_in_dim3A_365 = arith.constant 0.000000e+00 : f32
      %broadcast_in_dim3A_366 = vector.broadcast %broadcast_in_dim3A_365 : f32 to vector<16xf32>
      %swap3A_367 = arith.index_cast %scan3A_331 : i32 to index
      %swap3A_368 = arith.constant 80 : index
      %swap3A_369 = tpu.vector_load %arg10[%swap3A_367, %swap3A_368] {strides = array<i32>} : memref<128x128xf32, #tpu.memory_space<vmem>>, vector<1x16xf32>,
      %swap3A_370 = vector.shape_cast %swap3A_369 : vector<1x16xf32> to vector<16xf32>
      %swap3A_371 = vector.shape_cast %broadcast_in_dim3A_366 : vector<16xf32> to vector<1x16xf32>
      tpu.vector_store %arg10[%swap3A_367, %swap3A_368], %swap3A_371 {strides = array<i32>} : memref<128x128xf32, #tpu.memory_space<vmem>>, vector<1x16xf32>,
      %broadcast_in_dim3A_372 = arith.constant 0.000000e+00 : f32
      %broadcast_in_dim3A_373 = vector.broadcast %broadcast_in_dim3A_372 : f32 to vector<16xf32>
      %swap3A_374 = arith.index_cast %scan3A_331 : i32 to index
      %swap3A_375 = arith.constant 96 : index
      %swap3A_376 = tpu.vector_load %arg10[%swap3A_374, %swap3A_375] {strides = array<i32>} : memref<128x128xf32, #tpu.memory_space<vmem>>, vector<1x16xf32>,
      %swap3A_377 = vector.shape_cast %swap3A_376 : vector<1x16xf32> to vector<16xf32>
      %swap3A_378 = vector.shape_cast %broadcast_in_dim3A_373 : vector<16xf32> to vector<1x16xf32>
      tpu.vector_store %arg10[%swap3A_374, %swap3A_375], %swap3A_378 {strides = array<i32>} : memref<128x128xf32, #tpu.memory_space<vmem>>, vector<1x16xf32>,
      %broadcast_in_dim3A_379 = arith.constant 0.000000e+00 : f32
      %broadcast_in_dim3A_380 = vector.broadcast %broadcast_in_dim3A_379 : f32 to vector<16xf32>
      %swap3A_381 = arith.index_cast %scan3A_331 : i32 to index
      %swap3A_382 = arith.constant 112 : index
      %swap3A_383 = tpu.vector_load %arg10[%swap3A_381, %swap3A_382] {strides = array<i32>} : memref<128x128xf32, #tpu.memory_space<vmem>>, vector<1x16xf32>,
      %swap3A_384 = vector.shape_cast %swap3A_383 : vector<1x16xf32> to vector<16xf32>
      %swap3A_385 = vector.shape_cast %broadcast_in_dim3A_380 : vector<16xf32> to vector<1x16xf32>
      tpu.vector_store %arg10[%swap3A_381, %swap3A_382], %swap3A_385 {strides = array<i32>} : memref<128x128xf32, #tpu.memory_space<vmem>>, vector<1x16xf32>,
    }
    %scan3A_20 = arith.constant 128 : i32
    %mul3A_21 = arith.constant 624 : i32
    %mul3A_22 = arith.muli %arg1, %mul3A_21 : i32
    %add3A_23 = arith.constant 0 : i32
    %add3A_24 = arith.addi %mul3A_22, %add3A_23 : i32
    %dma_start3A_25 = arith.constant 0 : i32
    %dma_start3A_26 = tpu.memref_slice %arg14[%add3A_24, %dma_start3A_25] : memref<10000x128xf32, #tpu.memory_space<vmem_shared>> -> memref<128x128xf32, #tpu.memory_space<vmem_shared>>
    %dma_start3A_27 = arith.constant 0 : i32
    %dma_start3A_28 = tpu.memref_slice %arg14[%add3A_24, %dma_start3A_27] : memref<10000x128xf32, #tpu.memory_space<vmem_shared>> -> memref<128x128xf32, #tpu.memory_space<vmem_shared>>
    tpu.enqueue_dma source(%arg10 : memref<128x128xf32, #tpu.memory_space<vmem>>) target(%dma_start3A_28 : memref<128x128xf32, #tpu.memory_space<vmem_shared>>) target_semaphore(%arg15 : memref<!tpu.dma_semaphore, #tpu.memory_space<semaphore_mem>>)
    %mul3A_29 = arith.constant 624 : i32
    %mul3A_30 = arith.muli %arg1, %mul3A_29 : i32
    %add3A_31 = arith.constant 128 : i32
    %add3A_32 = arith.addi %mul3A_30, %add3A_31 : i32
    %dma_start3A_33 = arith.constant 0 : i32
    %dma_start3A_34 = tpu.memref_slice %arg14[%add3A_32, %dma_start3A_33] : memref<10000x128xf32, #tpu.memory_space<vmem_shared>> -> memref<128x128xf32, #tpu.memory_space<vmem_shared>>
    %dma_start3A_35 = arith.constant 0 : i32
    %dma_start3A_36 = tpu.memref_slice %arg14[%add3A_32, %dma_start3A_35] : memref<10000x128xf32, #tpu.memory_space<vmem_shared>> -> memref<128x128xf32, #tpu.memory_space<vmem_shared>>
    tpu.enqueue_dma source(%arg10 : memref<128x128xf32, #tpu.memory_space<vmem>>) target(%dma_start3A_36 : memref<128x128xf32, #tpu.memory_space<vmem_shared>>) target_semaphore(%arg16 : memref<!tpu.dma_semaphore, #tpu.memory_space<semaphore_mem>>)
    %mul3A_37 = arith.constant 624 : i32
    %mul3A_38 = arith.muli %arg1, %mul3A_37 : i32
    %add3A_39 = arith.constant 256 : i32
    %add3A_40 = arith.addi %mul3A_38, %add3A_39 : i32
    %dma_start3A_41 = arith.constant 0 : i32
    %dma_start3A_42 = tpu.memref_slice %arg14[%add3A_40, %dma_start3A_41] : memref<10000x128xf32, #tpu.memory_space<vmem_shared>> -> memref<128x128xf32, #tpu.memory_space<vmem_shared>>
    %dma_start3A_43 = arith.constant 0 : i32
    %dma_start3A_44 = tpu.memref_slice %arg14[%add3A_40, %dma_start3A_43] : memref<10000x128xf32, #tpu.memory_space<vmem_shared>> -> memref<128x128xf32, #tpu.memory_space<vmem_shared>>
    tpu.enqueue_dma source(%arg10 : memref<128x128xf32, #tpu.memory_space<vmem>>) target(%dma_start3A_44 : memref<128x128xf32, #tpu.memory_space<vmem_shared>>) target_semaphore(%arg15 : memref<!tpu.dma_semaphore, #tpu.memory_space<semaphore_mem>>)
    %mul3A_45 = arith.constant 624 : i32
    %mul3A_46 = arith.muli %arg1, %mul3A_45 : i32
    %add3A_47 = arith.constant 384 : i32
    %add3A_48 = arith.addi %mul3A_46, %add3A_47 : i32
    %dma_start3A_49 = arith.constant 0 : i32
    %dma_start3A_50 = tpu.memref_slice %arg14[%add3A_48, %dma_start3A_49] : memref<10000x128xf32, #tpu.memory_space<vmem_shared>> -> memref<128x128xf32, #tpu.memory_space<vmem_shared>>
    %dma_start3A_51 = arith.constant 0 : i32
    %dma_start3A_52 = tpu.memref_slice %arg14[%add3A_48, %dma_start3A_51] : memref<10000x128xf32, #tpu.memory_space<vmem_shared>> -> memref<128x128xf32, #tpu.memory_space<vmem_shared>>
    tpu.enqueue_dma source(%arg10 : memref<128x128xf32, #tpu.memory_space<vmem>>) target(%dma_start3A_52 : memref<128x128xf32, #tpu.memory_space<vmem_shared>>) target_semaphore(%arg16 : memref<!tpu.dma_semaphore, #tpu.memory_space<semaphore_mem>>)
    %mul3A_53 = arith.constant 624 : i32
    %mul3A_54 = arith.muli %arg1, %mul3A_53 : i32
    %add3A_55 = arith.constant 512 : i32
    %add3A_56 = arith.addi %mul3A_54, %add3A_55 : i32
    %dma_start3A_57 = arith.constant 0 : i32
    %dma_start3A_58 = tpu.memref_slice %arg14[%add3A_56, %dma_start3A_57] : memref<10000x128xf32, #tpu.memory_space<vmem_shared>> -> memref<128x128xf32, #tpu.memory_space<vmem_shared>>
    %dma_start3A_59 = arith.constant 0 : i32
    %dma_start3A_60 = tpu.memref_slice %arg14[%add3A_56, %dma_start3A_59] : memref<10000x128xf32, #tpu.memory_space<vmem_shared>> -> memref<128x128xf32, #tpu.memory_space<vmem_shared>>
    tpu.enqueue_dma source(%arg10 : memref<128x128xf32, #tpu.memory_space<vmem>>) target(%dma_start3A_60 : memref<128x128xf32, #tpu.memory_space<vmem_shared>>) target_semaphore(%arg15 : memref<!tpu.dma_semaphore, #tpu.memory_space<semaphore_mem>>)
    %dma_wait3A = arith.constant 0 : i32
    %dma_wait3A_61 = tpu.memref_slice %arg14[%add3A_24, %dma_wait3A] : memref<10000x128xf32, #tpu.memory_space<vmem_shared>> -> memref<128x128xf32, #tpu.memory_space<vmem_shared>>
    %dma_wait3A_62 = arith.constant 0 : i32
    %dma_wait3A_63 = tpu.memref_slice %arg14[%add3A_24, %dma_wait3A_62] : memref<10000x128xf32, #tpu.memory_space<vmem_shared>> -> memref<128x128xf32, #tpu.memory_space<vmem_shared>>
    tpu.wait_dma2 semaphore(%arg15 : memref<!tpu.dma_semaphore, #tpu.memory_space<semaphore_mem>>) src(%arg10 : memref<128x128xf32, #tpu.memory_space<vmem>>) dst(%dma_wait3A_63 : memref<128x128xf32, #tpu.memory_space<vmem_shared>>)
    %dma_wait3A_64 = arith.constant 0 : i32
    %dma_wait3A_65 = tpu.memref_slice %arg14[%add3A_32, %dma_wait3A_64] : memref<10000x128xf32, #tpu.memory_space<vmem_shared>> -> memref<128x128xf32, #tpu.memory_space<vmem_shared>>
    %dma_wait3A_66 = arith.constant 0 : i32
    %dma_wait3A_67 = tpu.memref_slice %arg14[%add3A_32, %dma_wait3A_66] : memref<10000x128xf32, #tpu.memory_space<vmem_shared>> -> memref<128x128xf32, #tpu.memory_space<vmem_shared>>
    tpu.wait_dma2 semaphore(%arg16 : memref<!tpu.dma_semaphore, #tpu.memory_space<semaphore_mem>>) src(%arg10 : memref<128x128xf32, #tpu.memory_space<vmem>>) dst(%dma_wait3A_67 : memref<128x128xf32, #tpu.memory_space<vmem_shared>>)
    %dma_wait3A_68 = arith.constant 0 : i32
    %dma_wait3A_69 = tpu.memref_slice %arg14[%add3A_40, %dma_wait3A_68] : memref<10000x128xf32, #tpu.memory_space<vmem_shared>> -> memref<128x128xf32, #tpu.memory_space<vmem_shared>>
    %dma_wait3A_70 = arith.constant 0 : i32
    %dma_wait3A_71 = tpu.memref_slice %arg14[%add3A_40, %dma_wait3A_70] : memref<10000x128xf32, #tpu.memory_space<vmem_shared>> -> memref<128x128xf32, #tpu.memory_space<vmem_shared>>
    tpu.wait_dma2 semaphore(%arg15 : memref<!tpu.dma_semaphore, #tpu.memory_space<semaphore_mem>>) src(%arg10 : memref<128x128xf32, #tpu.memory_space<vmem>>) dst(%dma_wait3A_71 : memref<128x128xf32, #tpu.memory_space<vmem_shared>>)
    %dma_wait3A_72 = arith.constant 0 : i32
    %dma_wait3A_73 = tpu.memref_slice %arg14[%add3A_48, %dma_wait3A_72] : memref<10000x128xf32, #tpu.memory_space<vmem_shared>> -> memref<128x128xf32, #tpu.memory_space<vmem_shared>>
    %dma_wait3A_74 = arith.constant 0 : i32
    %dma_wait3A_75 = tpu.memref_slice %arg14[%add3A_48, %dma_wait3A_74] : memref<10000x128xf32, #tpu.memory_space<vmem_shared>> -> memref<128x128xf32, #tpu.memory_space<vmem_shared>>
    tpu.wait_dma2 semaphore(%arg16 : memref<!tpu.dma_semaphore, #tpu.memory_space<semaphore_mem>>) src(%arg10 : memref<128x128xf32, #tpu.memory_space<vmem>>) dst(%dma_wait3A_75 : memref<128x128xf32, #tpu.memory_space<vmem_shared>>)
    %dma_wait3A_76 = arith.constant 0 : i32
    %dma_wait3A_77 = tpu.memref_slice %arg14[%add3A_56, %dma_wait3A_76] : memref<10000x128xf32, #tpu.memory_space<vmem_shared>> -> memref<128x128xf32, #tpu.memory_space<vmem_shared>>
    %dma_wait3A_78 = arith.constant 0 : i32
    %dma_wait3A_79 = tpu.memref_slice %arg14[%add3A_56, %dma_wait3A_78] : memref<10000x128xf32, #tpu.memory_space<vmem_shared>> -> memref<128x128xf32, #tpu.memory_space<vmem_shared>>
    tpu.wait_dma2 semaphore(%arg15 : memref<!tpu.dma_semaphore, #tpu.memory_space<semaphore_mem>>) src(%arg10 : memref<128x128xf32, #tpu.memory_space<vmem>>) dst(%dma_wait3A_79 : memref<128x128xf32, #tpu.memory_space<vmem_shared>>)
    %barrier3A = arith.constant 0 : index
    tpu.barrier barrier_id(%barrier3A)
    %dma_wait3A_80 = arith.constant 0 : i32
    %dma_wait3A_81 = arith.constant 0 : i32
    %dma_wait3A_82 = tpu.memref_slice %arg3[%add3A, %dma_wait3A_80, %dma_wait3A_81] : memref<32x78x128xi32, #tpu.memory_space<hbm>> -> memref<1x40x128xi32, #tpu.memory_space<hbm>>
    %dma_wait3A_83 = tpu.memref_squeeze %dma_wait3A_82 : memref<1x40x128xi32, #tpu.memory_space<hbm>> -> memref<40x128xi32, #tpu.memory_space<hbm>>
    %dma_wait3A_84 = arith.constant 0 : i32
    %dma_wait3A_85 = arith.constant 0 : i32
    %dma_wait3A_86 = tpu.memref_slice %arg3[%add3A, %dma_wait3A_84, %dma_wait3A_85] : memref<32x78x128xi32, #tpu.memory_space<hbm>> -> memref<1x40x128xi32, #tpu.memory_space<hbm>>
    %dma_wait3A_87 = tpu.memref_squeeze %dma_wait3A_86 : memref<1x40x128xi32, #tpu.memory_space<hbm>> -> memref<40x128xi32, #tpu.memory_space<hbm>>
    tpu.wait_dma2 semaphore(%arg21 : memref<!tpu.dma_semaphore, #tpu.memory_space<semaphore_mem>>) src(%dma_wait3A_87 : memref<40x128xi32, #tpu.memory_space<hbm>>) dst(%arg8 : memref<40x128xi32, #tpu.memory_space<vmem>>)
    %dma_wait3A_88 = arith.constant 0 : i32
    %dma_wait3A_89 = arith.constant 0 : i32
    %dma_wait3A_90 = tpu.memref_slice %arg4[%add3A, %dma_wait3A_88, %dma_wait3A_89] : memref<32x78x128xi32, #tpu.memory_space<hbm>> -> memref<1x40x128xi32, #tpu.memory_space<hbm>>
    %dma_wait3A_91 = tpu.memref_squeeze %dma_wait3A_90 : memref<1x40x128xi32, #tpu.memory_space<hbm>> -> memref<40x128xi32, #tpu.memory_space<hbm>>
    %dma_wait3A_92 = arith.constant 0 : i32
    %dma_wait3A_93 = arith.constant 0 : i32
    %dma_wait3A_94 = tpu.memref_slice %arg4[%add3A, %dma_wait3A_92, %dma_wait3A_93] : memref<32x78x128xi32, #tpu.memory_space<hbm>> -> memref<1x40x128xi32, #tpu.memory_space<hbm>>
    %dma_wait3A_95 = tpu.memref_squeeze %dma_wait3A_94 : memref<1x40x128xi32, #tpu.memory_space<hbm>> -> memref<40x128xi32, #tpu.memory_space<hbm>>
    tpu.wait_dma2 semaphore(%arg21 : memref<!tpu.dma_semaphore, #tpu.memory_space<semaphore_mem>>) src(%dma_wait3A_95 : memref<40x128xi32, #tpu.memory_space<hbm>>) dst(%arg9 : memref<40x128xi32, #tpu.memory_space<vmem>>)
    %dma_start3A_96 = arith.constant 0 : i32
    %dma_start3A_97 = arith.constant 0 : i32
    %dma_start3A_98 = arith.constant 0 : i32
    %dma_start3A_99 = tpu.memref_slice %arg10[%dma_start3A_97, %dma_start3A_98] : memref<128x128xf32, #tpu.memory_space<vmem>> -> memref<64x128xf32, #tpu.memory_space<vmem>>
    %dma_start3A_100 = arith.constant 0 : i32
    %dma_start3A_101 = tpu.memref_slice %arg8[%dma_start3A_96, %dma_start3A_100] : memref<40x128xi32, #tpu.memory_space<vmem>> -> memref<1x64xi32, #tpu.memory_space<vmem>>
    %dma_start3A_102 = tpu.memref_squeeze %dma_start3A_101 : memref<1x64xi32, #tpu.memory_space<vmem>> -> memref<64xi32, #tpu.memory_space<vmem>>
    %dma_start3A_103 = arith.constant 0 : i32
    %dma_start3A_104 = arith.constant 0 : i32
    %dma_start3A_105 = tpu.memref_slice %arg2[%dma_start3A_103, %dma_start3A_104] : memref<10000x128xf32, #tpu.memory_space<hbm>> -> memref<10000x128xf32, #tpu.memory_space<hbm>>
    tpu.enqueue_indirect_dma source(%dma_start3A_105 : memref<10000x128xf32, #tpu.memory_space<hbm>>) target(%dma_start3A_99 : memref<64x128xf32, #tpu.memory_space<vmem>>) offsets(%dma_start3A_102 : memref<64xi32, #tpu.memory_space<vmem>>) semaphore(%arg15 : memref<!tpu.dma_semaphore, #tpu.memory_space<semaphore_mem>>)
    %dma_start3A_106 = arith.constant 0 : i32
    %dma_start3A_107 = arith.constant 64 : i32
    %dma_start3A_108 = arith.constant 0 : i32
    %dma_start3A_109 = tpu.memref_slice %arg10[%dma_start3A_107, %dma_start3A_108] : memref<128x128xf32, #tpu.memory_space<vmem>> -> memref<64x128xf32, #tpu.memory_space<vmem>>
    %dma_start3A_110 = arith.constant 64 : i32
    %dma_start3A_111 = tpu.memref_slice %arg8[%dma_start3A_106, %dma_start3A_110] : memref<40x128xi32, #tpu.memory_space<vmem>> -> memref<1x64xi32, #tpu.memory_space<vmem>>
    %dma_start3A_112 = tpu.memref_squeeze %dma_start3A_111 : memref<1x64xi32, #tpu.memory_space<vmem>> -> memref<64xi32, #tpu.memory_space<vmem>>
    %dma_start3A_113 = arith.constant 0 : i32
    %dma_start3A_114 = arith.constant 0 : i32
    %dma_start3A_115 = tpu.memref_slice %arg2[%dma_start3A_113, %dma_start3A_114] : memref<10000x128xf32, #tpu.memory_space<hbm>> -> memref<10000x128xf32, #tpu.memory_space<hbm>>
    tpu.enqueue_indirect_dma source(%dma_start3A_115 : memref<10000x128xf32, #tpu.memory_space<hbm>>) target(%dma_start3A_109 : memref<64x128xf32, #tpu.memory_space<vmem>>) offsets(%dma_start3A_112 : memref<64xi32, #tpu.memory_space<vmem>>) semaphore(%arg17 : memref<!tpu.dma_semaphore, #tpu.memory_space<semaphore_mem>>)
    %dma_wait3A_116 = arith.constant 0 : i32
    %dma_wait3A_117 = arith.constant 0 : i32
    %dma_wait3A_118 = arith.constant 0 : i32
    %dma_wait3A_119 = tpu.memref_slice %arg10[%dma_wait3A_117, %dma_wait3A_118] : memref<128x128xf32, #tpu.memory_space<vmem>> -> memref<64x128xf32, #tpu.memory_space<vmem>>
    %dma_wait3A_120 = arith.constant 0 : i32
    %dma_wait3A_121 = tpu.memref_slice %arg8[%dma_wait3A_116, %dma_wait3A_120] : memref<40x128xi32, #tpu.memory_space<vmem>> -> memref<1x64xi32, #tpu.memory_space<vmem>>
    %dma_wait3A_122 = tpu.memref_squeeze %dma_wait3A_121 : memref<1x64xi32, #tpu.memory_space<vmem>> -> memref<64xi32, #tpu.memory_space<vmem>>
    %dma_wait3A_123 = arith.constant 0 : i32
    %dma_wait3A_124 = arith.constant 0 : i32
    %dma_wait3A_125 = tpu.memref_slice %arg2[%dma_wait3A_123, %dma_wait3A_124] : memref<10000x128xf32, #tpu.memory_space<hbm>> -> memref<10000x128xf32, #tpu.memory_space<hbm>>
    tpu.wait_indirect_dma semaphore(%arg15 : memref<!tpu.dma_semaphore, #tpu.memory_space<semaphore_mem>>) src(%dma_wait3A_125 : memref<10000x128xf32, #tpu.memory_space<hbm>>) dst(%dma_wait3A_119 : memref<64x128xf32, #tpu.memory_space<vmem>>)
    %dma_wait3A_126 = arith.constant 0 : i32
    %dma_wait3A_127 = arith.constant 64 : i32
    %dma_wait3A_128 = arith.constant 0 : i32
    %dma_wait3A_129 = tpu.memref_slice %arg10[%dma_wait3A_127, %dma_wait3A_128] : memref<128x128xf32, #tpu.memory_space<vmem>> -> memref<64x128xf32, #tpu.memory_space<vmem>>
    %dma_wait3A_130 = arith.constant 64 : i32
    %dma_wait3A_131 = tpu.memref_slice %arg8[%dma_wait3A_126, %dma_wait3A_130] : memref<40x128xi32, #tpu.memory_space<vmem>> -> memref<1x64xi32, #tpu.memory_space<vmem>>
    %dma_wait3A_132 = tpu.memref_squeeze %dma_wait3A_131 : memref<1x64xi32, #tpu.memory_space<vmem>> -> memref<64xi32, #tpu.memory_space<vmem>>
    %dma_wait3A_133 = arith.constant 0 : i32
    %dma_wait3A_134 = arith.constant 0 : i32
    %dma_wait3A_135 = tpu.memref_slice %arg2[%dma_wait3A_133, %dma_wait3A_134] : memref<10000x128xf32, #tpu.memory_space<hbm>> -> memref<10000x128xf32, #tpu.memory_space<hbm>>
    tpu.wait_indirect_dma semaphore(%arg17 : memref<!tpu.dma_semaphore, #tpu.memory_space<semaphore_mem>>) src(%dma_wait3A_135 : memref<10000x128xf32, #tpu.memory_space<hbm>>) dst(%dma_wait3A_129 : memref<64x128xf32, #tpu.memory_space<vmem>>)
    %dma_start3A_136 = arith.constant 0 : i32
    %dma_start3A_137 = arith.constant 0 : i32
    %dma_start3A_138 = tpu.memref_slice %arg9[%dma_start3A_136, %dma_start3A_137] : memref<40x128xi32, #tpu.memory_space<vmem>> -> memref<1x128xi32, #tpu.memory_space<vmem>>
    %dma_start3A_139 = tpu.memref_squeeze %dma_start3A_138 : memref<1x128xi32, #tpu.memory_space<vmem>> -> memref<128xi32, #tpu.memory_space<vmem>>
    %dma_start3A_140 = arith.constant 0 : i32
    %dma_start3A_141 = arith.constant 0 : i32
    %dma_start3A_142 = tpu.memref_slice %arg14[%dma_start3A_140, %dma_start3A_141] : memref<10000x128xf32, #tpu.memory_space<vmem_shared>> -> memref<10000x128xf32, #tpu.memory_space<vmem_shared>>
    tpu.enqueue_indirect_dma source(%arg10 : memref<128x128xf32, #tpu.memory_space<vmem>>) target(%dma_start3A_142 : memref<10000x128xf32, #tpu.memory_space<vmem_shared>>) offsets(%dma_start3A_139 : memref<128xi32, #tpu.memory_space<vmem>>) semaphore(%arg19 : memref<!tpu.dma_semaphore, #tpu.memory_space<semaphore_mem>>) {add = true}
    %dma_start3A_143 = arith.constant 1 : i32
    %dma_start3A_144 = arith.constant 0 : i32
    %dma_start3A_145 = arith.constant 0 : i32
    %dma_start3A_146 = tpu.memref_slice %arg11[%dma_start3A_144, %dma_start3A_145] : memref<128x128xf32, #tpu.memory_space<vmem>> -> memref<64x128xf32, #tpu.memory_space<vmem>>
    %dma_start3A_147 = arith.constant 0 : i32
    %dma_start3A_148 = tpu.memref_slice %arg8[%dma_start3A_143, %dma_start3A_147] : memref<40x128xi32, #tpu.memory_space<vmem>> -> memref<1x64xi32, #tpu.memory_space<vmem>>
    %dma_start3A_149 = tpu.memref_squeeze %dma_start3A_148 : memref<1x64xi32, #tpu.memory_space<vmem>> -> memref<64xi32, #tpu.memory_space<vmem>>
    %dma_start3A_150 = arith.constant 0 : i32
    %dma_start3A_151 = arith.constant 0 : i32
    %dma_start3A_152 = tpu.memref_slice %arg2[%dma_start3A_150, %dma_start3A_151] : memref<10000x128xf32, #tpu.memory_space<hbm>> -> memref<10000x128xf32, #tpu.memory_space<hbm>>
    tpu.enqueue_indirect_dma source(%dma_start3A_152 : memref<10000x128xf32, #tpu.memory_space<hbm>>) target(%dma_start3A_146 : memref<64x128xf32, #tpu.memory_space<vmem>>) offsets(%dma_start3A_149 : memref<64xi32, #tpu.memory_space<vmem>>) semaphore(%arg16 : memref<!tpu.dma_semaphore, #tpu.memory_space<semaphore_mem>>)
    %dma_start3A_153 = arith.constant 1 : i32
    %dma_start3A_154 = arith.constant 64 : i32
    %dma_start3A_155 = arith.constant 0 : i32
    %dma_start3A_156 = tpu.memref_slice %arg11[%dma_start3A_154, %dma_start3A_155] : memref<128x128xf32, #tpu.memory_space<vmem>> -> memref<64x128xf32, #tpu.memory_space<vmem>>
    %dma_start3A_157 = arith.constant 64 : i32
    %dma_start3A_158 = tpu.memref_slice %arg8[%dma_start3A_153, %dma_start3A_157] : memref<40x128xi32, #tpu.memory_space<vmem>> -> memref<1x64xi32, #tpu.memory_space<vmem>>
    %dma_start3A_159 = tpu.memref_squeeze %dma_start3A_158 : memref<1x64xi32, #tpu.memory_space<vmem>> -> memref<64xi32, #tpu.memory_space<vmem>>
    %dma_start3A_160 = arith.constant 0 : i32
    %dma_start3A_161 = arith.constant 0 : i32
    %dma_start3A_162 = tpu.memref_slice %arg2[%dma_start3A_160, %dma_start3A_161] : memref<10000x128xf32, #tpu.memory_space<hbm>> -> memref<10000x128xf32, #tpu.memory_space<hbm>>
    tpu.enqueue_indirect_dma source(%dma_start3A_162 : memref<10000x128xf32, #tpu.memory_space<hbm>>) target(%dma_start3A_156 : memref<64x128xf32, #tpu.memory_space<vmem>>) offsets(%dma_start3A_159 : memref<64xi32, #tpu.memory_space<vmem>>) semaphore(%arg18 : memref<!tpu.dma_semaphore, #tpu.memory_space<semaphore_mem>>)
    %scan3A_163 = arith.constant 0 : i32
    %scan3A_164 = arith.constant 0 : i32
    %scan3A_165 = arith.constant 19 : i32
    %scan3A_166 = arith.addi %scan3A_164, %scan3A_165 : i32
    %scan3A_167 = arith.constant 1 : i32
    scf.for %scan3A_331 = %scan3A_164 to %scan3A_166 step %scan3A_167  : i32 {
      %mul3A_332 = arith.constant 2 : i32
      %mul3A_333 = arith.muli %mul3A_332, %scan3A_331 : i32
      %add3A_334 = arith.constant 1 : i32
      %add3A_335 = arith.addi %mul3A_333, %add3A_334 : i32
      %dma_wait3A_336 = arith.constant 0 : i32
      %dma_wait3A_337 = arith.constant 0 : i32
      %dma_wait3A_338 = arith.constant 0 : i32
      %dma_wait3A_339 = tpu.memref_slice %arg11[%dma_wait3A_337, %dma_wait3A_338] : memref<128x128xf32, #tpu.memory_space<vmem>> -> memref<64x128xf32, #tpu.memory_space<vmem>>
      %dma_wait3A_340 = arith.constant 0 : i32
      %dma_wait3A_341 = tpu.memref_slice %arg8[%dma_wait3A_336, %dma_wait3A_340] : memref<40x128xi32, #tpu.memory_space<vmem>> -> memref<1x64xi32, #tpu.memory_space<vmem>>
      %dma_wait3A_342 = tpu.memref_squeeze %dma_wait3A_341 : memref<1x64xi32, #tpu.memory_space<vmem>> -> memref<64xi32, #tpu.memory_space<vmem>>
      %dma_wait3A_343 = arith.constant 0 : i32
      %dma_wait3A_344 = arith.constant 0 : i32
      %dma_wait3A_345 = tpu.memref_slice %arg2[%dma_wait3A_343, %dma_wait3A_344] : memref<10000x128xf32, #tpu.memory_space<hbm>> -> memref<10000x128xf32, #tpu.memory_space<hbm>>
      tpu.wait_indirect_dma semaphore(%arg16 : memref<!tpu.dma_semaphore, #tpu.memory_space<semaphore_mem>>) src(%dma_wait3A_345 : memref<10000x128xf32, #tpu.memory_space<hbm>>) dst(%dma_wait3A_339 : memref<64x128xf32, #tpu.memory_space<vmem>>)
      %dma_wait3A_346 = arith.constant 0 : i32
      %dma_wait3A_347 = arith.constant 64 : i32
      %dma_wait3A_348 = arith.constant 0 : i32
      %dma_wait3A_349 = tpu.memref_slice %arg11[%dma_wait3A_347, %dma_wait3A_348] : memref<128x128xf32, #tpu.memory_space<vmem>> -> memref<64x128xf32, #tpu.memory_space<vmem>>
      %dma_wait3A_350 = arith.constant 64 : i32
      %dma_wait3A_351 = tpu.memref_slice %arg8[%dma_wait3A_346, %dma_wait3A_350] : memref<40x128xi32, #tpu.memory_space<vmem>> -> memref<1x64xi32, #tpu.memory_space<vmem>>
      %dma_wait3A_352 = tpu.memref_squeeze %dma_wait3A_351 : memref<1x64xi32, #tpu.memory_space<vmem>> -> memref<64xi32, #tpu.memory_space<vmem>>
      %dma_wait3A_353 = arith.constant 0 : i32
      %dma_wait3A_354 = arith.constant 0 : i32
      %dma_wait3A_355 = tpu.memref_slice %arg2[%dma_wait3A_353, %dma_wait3A_354] : memref<10000x128xf32, #tpu.memory_space<hbm>> -> memref<10000x128xf32, #tpu.memory_space<hbm>>
      tpu.wait_indirect_dma semaphore(%arg18 : memref<!tpu.dma_semaphore, #tpu.memory_space<semaphore_mem>>) src(%dma_wait3A_355 : memref<10000x128xf32, #tpu.memory_space<hbm>>) dst(%dma_wait3A_349 : memref<64x128xf32, #tpu.memory_space<vmem>>)
      %dma_start3A_356 = arith.constant 0 : i32
      %dma_start3A_357 = tpu.memref_slice %arg9[%add3A_335, %dma_start3A_356] : memref<40x128xi32, #tpu.memory_space<vmem>> -> memref<1x128xi32, #tpu.memory_space<vmem>>
      %dma_start3A_358 = tpu.memref_squeeze %dma_start3A_357 : memref<1x128xi32, #tpu.memory_space<vmem>> -> memref<128xi32, #tpu.memory_space<vmem>>
      %dma_start3A_359 = arith.constant 0 : i32
      %dma_start3A_360 = arith.constant 0 : i32
      %dma_start3A_361 = tpu.memref_slice %arg14[%dma_start3A_359, %dma_start3A_360] : memref<10000x128xf32, #tpu.memory_space<vmem_shared>> -> memref<10000x128xf32, #tpu.memory_space<vmem_shared>>
      tpu.enqueue_indirect_dma source(%arg11 : memref<128x128xf32, #tpu.memory_space<vmem>>) target(%dma_start3A_361 : memref<10000x128xf32, #tpu.memory_space<vmem_shared>>) offsets(%dma_start3A_358 : memref<128xi32, #tpu.memory_space<vmem>>) semaphore(%arg20 : memref<!tpu.dma_semaphore, #tpu.memory_space<semaphore_mem>>) {add = true}
      %dma_wait3A_362 = arith.constant 0 : i32
      %dma_wait3A_363 = arith.constant 0 : i32
      %dma_wait3A_364 = tpu.memref_slice %arg9[%dma_wait3A_362, %dma_wait3A_363] : memref<40x128xi32, #tpu.memory_space<vmem>> -> memref<1x128xi32, #tpu.memory_space<vmem>>
      %dma_wait3A_365 = tpu.memref_squeeze %dma_wait3A_364 : memref<1x128xi32, #tpu.memory_space<vmem>> -> memref<128xi32, #tpu.memory_space<vmem>>
      %dma_wait3A_366 = arith.constant 0 : i32
      %dma_wait3A_367 = arith.constant 0 : i32
      %dma_wait3A_368 = tpu.memref_slice %arg14[%dma_wait3A_366, %dma_wait3A_367] : memref<10000x128xf32, #tpu.memory_space<vmem_shared>> -> memref<10000x128xf32, #tpu.memory_space<vmem_shared>>
      tpu.wait_indirect_dma semaphore(%arg19 : memref<!tpu.dma_semaphore, #tpu.memory_space<semaphore_mem>>) src(%arg10 : memref<128x128xf32, #tpu.memory_space<vmem>>) dst(%dma_wait3A_368 : memref<10000x128xf32, #tpu.memory_space<vmem_shared>>)
      %add3A_369 = arith.constant 1 : i32
      %add3A_370 = arith.addi %add3A_335, %add3A_369 : i32
      %dma_start3A_371 = arith.constant 0 : i32
      %dma_start3A_372 = arith.constant 0 : i32
      %dma_start3A_373 = tpu.memref_slice %arg10[%dma_start3A_371, %dma_start3A_372] : memref<128x128xf32, #tpu.memory_space<vmem>> -> memref<64x128xf32, #tpu.memory_space<vmem>>
      %dma_start3A_374 = arith.constant 0 : i32
      %dma_start3A_375 = tpu.memref_slice %arg8[%add3A_370, %dma_start3A_374] : memref<40x128xi32, #tpu.memory_space<vmem>> -> memref<1x64xi32, #tpu.memory_space<vmem>>
      %dma_start3A_376 = tpu.memref_squeeze %dma_start3A_375 : memref<1x64xi32, #tpu.memory_space<vmem>> -> memref<64xi32, #tpu.memory_space<vmem>>
      %dma_start3A_377 = arith.constant 0 : i32
      %dma_start3A_378 = arith.constant 0 : i32
      %dma_start3A_379 = tpu.memref_slice %arg2[%dma_start3A_377, %dma_start3A_378] : memref<10000x128xf32, #tpu.memory_space<hbm>> -> memref<10000x128xf32, #tpu.memory_space<hbm>>
      tpu.enqueue_indirect_dma source(%dma_start3A_379 : memref<10000x128xf32, #tpu.memory_space<hbm>>) target(%dma_start3A_373 : memref<64x128xf32, #tpu.memory_space<vmem>>) offsets(%dma_start3A_376 : memref<64xi32, #tpu.memory_space<vmem>>) semaphore(%arg15 : memref<!tpu.dma_semaphore, #tpu.memory_space<semaphore_mem>>)
      %dma_start3A_380 = arith.constant 64 : i32
      %dma_start3A_381 = arith.constant 0 : i32
      %dma_start3A_382 = tpu.memref_slice %arg10[%dma_start3A_380, %dma_start3A_381] : memref<128x128xf32, #tpu.memory_space<vmem>> -> memref<64x128xf32, #tpu.memory_space<vmem>>
      %dma_start3A_383 = arith.constant 64 : i32
      %dma_start3A_384 = tpu.memref_slice %arg8[%add3A_370, %dma_start3A_383] : memref<40x128xi32, #tpu.memory_space<vmem>> -> memref<1x64xi32, #tpu.memory_space<vmem>>
      %dma_start3A_385 = tpu.memref_squeeze %dma_start3A_384 : memref<1x64xi32, #tpu.memory_space<vmem>> -> memref<64xi32, #tpu.memory_space<vmem>>
      %dma_start3A_386 = arith.constant 0 : i32
      %dma_start3A_387 = arith.constant 0 : i32
      %dma_start3A_388 = tpu.memref_slice %arg2[%dma_start3A_386, %dma_start3A_387] : memref<10000x128xf32, #tpu.memory_space<hbm>> -> memref<10000x128xf32, #tpu.memory_space<hbm>>
      tpu.enqueue_indirect_dma source(%dma_start3A_388 : memref<10000x128xf32, #tpu.memory_space<hbm>>) target(%dma_start3A_382 : memref<64x128xf32, #tpu.memory_space<vmem>>) offsets(%dma_start3A_385 : memref<64xi32, #tpu.memory_space<vmem>>) semaphore(%arg17 : memref<!tpu.dma_semaphore, #tpu.memory_space<semaphore_mem>>)
      %mul3A_389 = arith.constant 2 : i32
      %mul3A_390 = arith.muli %mul3A_389, %scan3A_331 : i32
      %add3A_391 = arith.constant 2 : i32
      %add3A_392 = arith.addi %mul3A_390, %add3A_391 : i32
      %dma_wait3A_393 = arith.constant 0 : i32
      %dma_wait3A_394 = arith.constant 0 : i32
      %dma_wait3A_395 = arith.constant 0 : i32
      %dma_wait3A_396 = tpu.memref_slice %arg10[%dma_wait3A_394, %dma_wait3A_395] : memref<128x128xf32, #tpu.memory_space<vmem>> -> memref<64x128xf32, #tpu.memory_space<vmem>>
      %dma_wait3A_397 = arith.constant 0 : i32
      %dma_wait3A_398 = tpu.memref_slice %arg8[%dma_wait3A_393, %dma_wait3A_397] : memref<40x128xi32, #tpu.memory_space<vmem>> -> memref<1x64xi32, #tpu.memory_space<vmem>>
      %dma_wait3A_399 = tpu.memref_squeeze %dma_wait3A_398 : memref<1x64xi32, #tpu.memory_space<vmem>> -> memref<64xi32, #tpu.memory_space<vmem>>
      %dma_wait3A_400 = arith.constant 0 : i32
      %dma_wait3A_401 = arith.constant 0 : i32
      %dma_wait3A_402 = tpu.memref_slice %arg2[%dma_wait3A_400, %dma_wait3A_401] : memref<10000x128xf32, #tpu.memory_space<hbm>> -> memref<10000x128xf32, #tpu.memory_space<hbm>>
      tpu.wait_indirect_dma semaphore(%arg15 : memref<!tpu.dma_semaphore, #tpu.memory_space<semaphore_mem>>) src(%dma_wait3A_402 : memref<10000x128xf32, #tpu.memory_space<hbm>>) dst(%dma_wait3A_396 : memref<64x128xf32, #tpu.memory_space<vmem>>)
      %dma_wait3A_403 = arith.constant 0 : i32
      %dma_wait3A_404 = arith.constant 64 : i32
      %dma_wait3A_405 = arith.constant 0 : i32
      %dma_wait3A_406 = tpu.memref_slice %arg10[%dma_wait3A_404, %dma_wait3A_405] : memref<128x128xf32, #tpu.memory_space<vmem>> -> memref<64x128xf32, #tpu.memory_space<vmem>>
      %dma_wait3A_407 = arith.constant 64 : i32
      %dma_wait3A_408 = tpu.memref_slice %arg8[%dma_wait3A_403, %dma_wait3A_407] : memref<40x128xi32, #tpu.memory_space<vmem>> -> memref<1x64xi32, #tpu.memory_space<vmem>>
      %dma_wait3A_409 = tpu.memref_squeeze %dma_wait3A_408 : memref<1x64xi32, #tpu.memory_space<vmem>> -> memref<64xi32, #tpu.memory_space<vmem>>
      %dma_wait3A_410 = arith.constant 0 : i32
      %dma_wait3A_411 = arith.constant 0 : i32
      %dma_wait3A_412 = tpu.memref_slice %arg2[%dma_wait3A_410, %dma_wait3A_411] : memref<10000x128xf32, #tpu.memory_space<hbm>> -> memref<10000x128xf32, #tpu.memory_space<hbm>>
      tpu.wait_indirect_dma semaphore(%arg17 : memref<!tpu.dma_semaphore, #tpu.memory_space<semaphore_mem>>) src(%dma_wait3A_412 : memref<10000x128xf32, #tpu.memory_space<hbm>>) dst(%dma_wait3A_406 : memref<64x128xf32, #tpu.memory_space<vmem>>)
      %dma_start3A_413 = arith.constant 0 : i32
      %dma_start3A_414 = tpu.memref_slice %arg9[%add3A_392, %dma_start3A_413] : memref<40x128xi32, #tpu.memory_space<vmem>> -> memref<1x128xi32, #tpu.memory_space<vmem>>
      %dma_start3A_415 = tpu.memref_squeeze %dma_start3A_414 : memref<1x128xi32, #tpu.memory_space<vmem>> -> memref<128xi32, #tpu.memory_space<vmem>>
      %dma_start3A_416 = arith.constant 0 : i32
      %dma_start3A_417 = arith.constant 0 : i32
      %dma_start3A_418 = tpu.memref_slice %arg14[%dma_start3A_416, %dma_start3A_417] : memref<10000x128xf32, #tpu.memory_space<vmem_shared>> -> memref<10000x128xf32, #tpu.memory_space<vmem_shared>>
      tpu.enqueue_indirect_dma source(%arg10 : memref<128x128xf32, #tpu.memory_space<vmem>>) target(%dma_start3A_418 : memref<10000x128xf32, #tpu.memory_space<vmem_shared>>) offsets(%dma_start3A_415 : memref<128xi32, #tpu.memory_space<vmem>>) semaphore(%arg19 : memref<!tpu.dma_semaphore, #tpu.memory_space<semaphore_mem>>) {add = true}
      %dma_wait3A_419 = arith.constant 0 : i32
      %dma_wait3A_420 = arith.constant 0 : i32
      %dma_wait3A_421 = tpu.memref_slice %arg9[%dma_wait3A_419, %dma_wait3A_420] : memref<40x128xi32, #tpu.memory_space<vmem>> -> memref<1x128xi32, #tpu.memory_space<vmem>>
      %dma_wait3A_422 = tpu.memref_squeeze %dma_wait3A_421 : memref<1x128xi32, #tpu.memory_space<vmem>> -> memref<128xi32, #tpu.memory_space<vmem>>
      %dma_wait3A_423 = arith.constant 0 : i32
      %dma_wait3A_424 = arith.constant 0 : i32
      %dma_wait3A_425 = tpu.memref_slice %arg14[%dma_wait3A_423, %dma_wait3A_424] : memref<10000x128xf32, #tpu.memory_space<vmem_shared>> -> memref<10000x128xf32, #tpu.memory_space<vmem_shared>>
      tpu.wait_indirect_dma semaphore(%arg20 : memref<!tpu.dma_semaphore, #tpu.memory_space<semaphore_mem>>) src(%arg11 : memref<128x128xf32, #tpu.memory_space<vmem>>) dst(%dma_wait3A_425 : memref<10000x128xf32, #tpu.memory_space<vmem_shared>>)
      %add3A_426 = arith.constant 1 : i32
      %add3A_427 = arith.addi %add3A_392, %add3A_426 : i32
      %dma_start3A_428 = arith.constant 0 : i32
      %dma_start3A_429 = arith.constant 0 : i32
      %dma_start3A_430 = tpu.memref_slice %arg11[%dma_start3A_428, %dma_start3A_429] : memref<128x128xf32, #tpu.memory_space<vmem>> -> memref<64x128xf32, #tpu.memory_space<vmem>>
      %dma_start3A_431 = arith.constant 0 : i32
      %dma_start3A_432 = tpu.memref_slice %arg8[%add3A_427, %dma_start3A_431] : memref<40x128xi32, #tpu.memory_space<vmem>> -> memref<1x64xi32, #tpu.memory_space<vmem>>
      %dma_start3A_433 = tpu.memref_squeeze %dma_start3A_432 : memref<1x64xi32, #tpu.memory_space<vmem>> -> memref<64xi32, #tpu.memory_space<vmem>>
      %dma_start3A_434 = arith.constant 0 : i32
      %dma_start3A_435 = arith.constant 0 : i32
      %dma_start3A_436 = tpu.memref_slice %arg2[%dma_start3A_434, %dma_start3A_435] : memref<10000x128xf32, #tpu.memory_space<hbm>> -> memref<10000x128xf32, #tpu.memory_space<hbm>>
      tpu.enqueue_indirect_dma source(%dma_start3A_436 : memref<10000x128xf32, #tpu.memory_space<hbm>>) target(%dma_start3A_430 : memref<64x128xf32, #tpu.memory_space<vmem>>) offsets(%dma_start3A_433 : memref<64xi32, #tpu.memory_space<vmem>>) semaphore(%arg16 : memref<!tpu.dma_semaphore, #tpu.memory_space<semaphore_mem>>)
      %dma_start3A_437 = arith.constant 64 : i32
      %dma_start3A_438 = arith.constant 0 : i32
      %dma_start3A_439 = tpu.memref_slice %arg11[%dma_start3A_437, %dma_start3A_438] : memref<128x128xf32, #tpu.memory_space<vmem>> -> memref<64x128xf32, #tpu.memory_space<vmem>>
      %dma_start3A_440 = arith.constant 64 : i32
      %dma_start3A_441 = tpu.memref_slice %arg8[%add3A_427, %dma_start3A_440] : memref<40x128xi32, #tpu.memory_space<vmem>> -> memref<1x64xi32, #tpu.memory_space<vmem>>
      %dma_start3A_442 = tpu.memref_squeeze %dma_start3A_441 : memref<1x64xi32, #tpu.memory_space<vmem>> -> memref<64xi32, #tpu.memory_space<vmem>>
      %dma_start3A_443 = arith.constant 0 : i32
      %dma_start3A_444 = arith.constant 0 : i32
      %dma_start3A_445 = tpu.memref_slice %arg2[%dma_start3A_443, %dma_start3A_444] : memref<10000x128xf32, #tpu.memory_space<hbm>> -> memref<10000x128xf32, #tpu.memory_space<hbm>>
      tpu.enqueue_indirect_dma source(%dma_start3A_445 : memref<10000x128xf32, #tpu.memory_space<hbm>>) target(%dma_start3A_439 : memref<64x128xf32, #tpu.memory_space<vmem>>) offsets(%dma_start3A_442 : memref<64xi32, #tpu.memory_space<vmem>>) semaphore(%arg18 : memref<!tpu.dma_semaphore, #tpu.memory_space<semaphore_mem>>)
    }
    %scan3A_168 = arith.constant 19 : i32
    %dma_wait3A_169 = arith.constant 0 : i32
    %dma_wait3A_170 = arith.constant 0 : i32
    %dma_wait3A_171 = arith.constant 0 : i32
    %dma_wait3A_172 = tpu.memref_slice %arg11[%dma_wait3A_170, %dma_wait3A_171] : memref<128x128xf32, #tpu.memory_space<vmem>> -> memref<64x128xf32, #tpu.memory_space<vmem>>
    %dma_wait3A_173 = arith.constant 0 : i32
    %dma_wait3A_174 = tpu.memref_slice %arg8[%dma_wait3A_169, %dma_wait3A_173] : memref<40x128xi32, #tpu.memory_space<vmem>> -> memref<1x64xi32, #tpu.memory_space<vmem>>
    %dma_wait3A_175 = tpu.memref_squeeze %dma_wait3A_174 : memref<1x64xi32, #tpu.memory_space<vmem>> -> memref<64xi32, #tpu.memory_space<vmem>>
    %dma_wait3A_176 = arith.constant 0 : i32
    %dma_wait3A_177 = arith.constant 0 : i32
    %dma_wait3A_178 = tpu.memref_slice %arg2[%dma_wait3A_176, %dma_wait3A_177] : memref<10000x128xf32, #tpu.memory_space<hbm>> -> memref<10000x128xf32, #tpu.memory_space<hbm>>
    tpu.wait_indirect_dma semaphore(%arg16 : memref<!tpu.dma_semaphore, #tpu.memory_space<semaphore_mem>>) src(%dma_wait3A_178 : memref<10000x128xf32, #tpu.memory_space<hbm>>) dst(%dma_wait3A_172 : memref<64x128xf32, #tpu.memory_space<vmem>>)
    %dma_wait3A_179 = arith.constant 0 : i32
    %dma_wait3A_180 = arith.constant 64 : i32
    %dma_wait3A_181 = arith.constant 0 : i32
    %dma_wait3A_182 = tpu.memref_slice %arg11[%dma_wait3A_180, %dma_wait3A_181] : memref<128x128xf32, #tpu.memory_space<vmem>> -> memref<64x128xf32, #tpu.memory_space<vmem>>
    %dma_wait3A_183 = arith.constant 64 : i32
    %dma_wait3A_184 = tpu.memref_slice %arg8[%dma_wait3A_179, %dma_wait3A_183] : memref<40x128xi32, #tpu.memory_space<vmem>> -> memref<1x64xi32, #tpu.memory_space<vmem>>
    %dma_wait3A_185 = tpu.memref_squeeze %dma_wait3A_184 : memref<1x64xi32, #tpu.memory_space<vmem>> -> memref<64xi32, #tpu.memory_space<vmem>>
    %dma_wait3A_186 = arith.constant 0 : i32
    %dma_wait3A_187 = arith.constant 0 : i32
    %dma_wait3A_188 = tpu.memref_slice %arg2[%dma_wait3A_186, %dma_wait3A_187] : memref<10000x128xf32, #tpu.memory_space<hbm>> -> memref<10000x128xf32, #tpu.memory_space<hbm>>
    tpu.wait_indirect_dma semaphore(%arg18 : memref<!tpu.dma_semaphore, #tpu.memory_space<semaphore_mem>>) src(%dma_wait3A_188 : memref<10000x128xf32, #tpu.memory_space<hbm>>) dst(%dma_wait3A_182 : memref<64x128xf32, #tpu.memory_space<vmem>>)
    %dma_start3A_189 = arith.constant 39 : i32
    %dma_start3A_190 = arith.constant 0 : i32
    %dma_start3A_191 = tpu.memref_slice %arg9[%dma_start3A_189, %dma_start3A_190] : memref<40x128xi32, #tpu.memory_space<vmem>> -> memref<1x128xi32, #tpu.memory_space<vmem>>
    %dma_start3A_192 = tpu.memref_squeeze %dma_start3A_191 : memref<1x128xi32, #tpu.memory_space<vmem>> -> memref<128xi32, #tpu.memory_space<vmem>>
    %dma_start3A_193 = arith.constant 0 : i32
    %dma_start3A_194 = arith.constant 0 : i32
    %dma_start3A_195 = tpu.memref_slice %arg14[%dma_start3A_193, %dma_start3A_194] : memref<10000x128xf32, #tpu.memory_space<vmem_shared>> -> memref<10000x128xf32, #tpu.memory_space<vmem_shared>>
    tpu.enqueue_indirect_dma source(%arg11 : memref<128x128xf32, #tpu.memory_space<vmem>>) target(%dma_start3A_195 : memref<10000x128xf32, #tpu.memory_space<vmem_shared>>) offsets(%dma_start3A_192 : memref<128xi32, #tpu.memory_space<vmem>>) semaphore(%arg20 : memref<!tpu.dma_semaphore, #tpu.memory_space<semaphore_mem>>) {add = true}
    %dma_wait3A_196 = arith.constant 0 : i32
    %dma_wait3A_197 = arith.constant 0 : i32
    %dma_wait3A_198 = tpu.memref_slice %arg9[%dma_wait3A_196, %dma_wait3A_197] : memref<40x128xi32, #tpu.memory_space<vmem>> -> memref<1x128xi32, #tpu.memory_space<vmem>>
    %dma_wait3A_199 = tpu.memref_squeeze %dma_wait3A_198 : memref<1x128xi32, #tpu.memory_space<vmem>> -> memref<128xi32, #tpu.memory_space<vmem>>
    %dma_wait3A_200 = arith.constant 0 : i32
    %dma_wait3A_201 = arith.constant 0 : i32
    %dma_wait3A_202 = tpu.memref_slice %arg14[%dma_wait3A_200, %dma_wait3A_201] : memref<10000x128xf32, #tpu.memory_space<vmem_shared>> -> memref<10000x128xf32, #tpu.memory_space<vmem_shared>>
    tpu.wait_indirect_dma semaphore(%arg19 : memref<!tpu.dma_semaphore, #tpu.memory_space<semaphore_mem>>) src(%arg10 : memref<128x128xf32, #tpu.memory_space<vmem>>) dst(%dma_wait3A_202 : memref<10000x128xf32, #tpu.memory_space<vmem_shared>>)
    %dma_wait3A_203 = arith.constant 0 : i32
    %dma_wait3A_204 = arith.constant 0 : i32
    %dma_wait3A_205 = tpu.memref_slice %arg9[%dma_wait3A_203, %dma_wait3A_204] : memref<40x128xi32, #tpu.memory_space<vmem>> -> memref<1x128xi32, #tpu.memory_space<vmem>>
    %dma_wait3A_206 = tpu.memref_squeeze %dma_wait3A_205 : memref<1x128xi32, #tpu.memory_space<vmem>> -> memref<128xi32, #tpu.memory_space<vmem>>
    %dma_wait3A_207 = arith.constant 0 : i32
    %dma_wait3A_208 = arith.constant 0 : i32
    %dma_wait3A_209 = tpu.memref_slice %arg14[%dma_wait3A_207, %dma_wait3A_208] : memref<10000x128xf32, #tpu.memory_space<vmem_shared>> -> memref<10000x128xf32, #tpu.memory_space<vmem_shared>>
    tpu.wait_indirect_dma semaphore(%arg20 : memref<!tpu.dma_semaphore, #tpu.memory_space<semaphore_mem>>) src(%arg11 : memref<128x128xf32, #tpu.memory_space<vmem>>) dst(%dma_wait3A_209 : memref<10000x128xf32, #tpu.memory_space<vmem_shared>>)
    "tpu.region"() ({
      %run_scoped3A = tpu.sem_alloc : memref<!tpu.dma_semaphore, #tpu.memory_space<semaphore_mem>>
      %dma_start3A_331 = arith.constant 0 : i32
      %dma_start3A_332 = arith.constant 0 : i32
      %dma_start3A_333 = tpu.memref_slice %arg8[%dma_start3A_331, %dma_start3A_332] : memref<40x128xi32, #tpu.memory_space<vmem>> -> memref<38x128xi32, #tpu.memory_space<vmem>>
      %dma_start3A_334 = arith.constant 40 : i32
      %dma_start3A_335 = arith.constant 0 : i32
      %dma_start3A_336 = tpu.memref_slice %arg3[%add3A, %dma_start3A_334, %dma_start3A_335] : memref<32x78x128xi32, #tpu.memory_space<hbm>> -> memref<1x38x128xi32, #tpu.memory_space<hbm>>
      %dma_start3A_337 = tpu.memref_squeeze %dma_start3A_336 : memref<1x38x128xi32, #tpu.memory_space<hbm>> -> memref<38x128xi32, #tpu.memory_space<hbm>>
      %dma_start3A_338 = arith.constant 0 : i32
      %dma_start3A_339 = arith.constant 0 : i32
      %dma_start3A_340 = tpu.memref_slice %arg8[%dma_start3A_338, %dma_start3A_339] : memref<40x128xi32, #tpu.memory_space<vmem>> -> memref<38x128xi32, #tpu.memory_space<vmem>>
      %dma_start3A_341 = arith.constant 40 : i32
      %dma_start3A_342 = arith.constant 0 : i32
      %dma_start3A_343 = tpu.memref_slice %arg3[%add3A, %dma_start3A_341, %dma_start3A_342] : memref<32x78x128xi32, #tpu.memory_space<hbm>> -> memref<1x38x128xi32, #tpu.memory_space<hbm>>
      %dma_start3A_344 = tpu.memref_squeeze %dma_start3A_343 : memref<1x38x128xi32, #tpu.memory_space<hbm>> -> memref<38x128xi32, #tpu.memory_space<hbm>>
      tpu.enqueue_dma source(%dma_start3A_344 : memref<38x128xi32, #tpu.memory_space<hbm>>) target(%dma_start3A_340 : memref<38x128xi32, #tpu.memory_space<vmem>>) target_semaphore(%run_scoped3A : memref<!tpu.dma_semaphore, #tpu.memory_space<semaphore_mem>>)
      %dma_wait3A_345 = arith.constant 0 : i32
      %dma_wait3A_346 = arith.constant 0 : i32
      %dma_wait3A_347 = tpu.memref_slice %arg8[%dma_wait3A_345, %dma_wait3A_346] : memref<40x128xi32, #tpu.memory_space<vmem>> -> memref<38x128xi32, #tpu.memory_space<vmem>>
      %dma_wait3A_348 = arith.constant 40 : i32
      %dma_wait3A_349 = arith.constant 0 : i32
      %dma_wait3A_350 = tpu.memref_slice %arg3[%add3A, %dma_wait3A_348, %dma_wait3A_349] : memref<32x78x128xi32, #tpu.memory_space<hbm>> -> memref<1x38x128xi32, #tpu.memory_space<hbm>>
      %dma_wait3A_351 = tpu.memref_squeeze %dma_wait3A_350 : memref<1x38x128xi32, #tpu.memory_space<hbm>> -> memref<38x128xi32, #tpu.memory_space<hbm>>
      %dma_wait3A_352 = arith.constant 0 : i32
      %dma_wait3A_353 = arith.constant 0 : i32
      %dma_wait3A_354 = tpu.memref_slice %arg8[%dma_wait3A_352, %dma_wait3A_353] : memref<40x128xi32, #tpu.memory_space<vmem>> -> memref<38x128xi32, #tpu.memory_space<vmem>>
      %dma_wait3A_355 = arith.constant 40 : i32
      %dma_wait3A_356 = arith.constant 0 : i32
      %dma_wait3A_357 = tpu.memref_slice %arg3[%add3A, %dma_wait3A_355, %dma_wait3A_356] : memref<32x78x128xi32, #tpu.memory_space<hbm>> -> memref<1x38x128xi32, #tpu.memory_space<hbm>>
      %dma_wait3A_358 = tpu.memref_squeeze %dma_wait3A_357 : memref<1x38x128xi32, #tpu.memory_space<hbm>> -> memref<38x128xi32, #tpu.memory_space<hbm>>
      tpu.wait_dma2 semaphore(%run_scoped3A : memref<!tpu.dma_semaphore, #tpu.memory_space<semaphore_mem>>) src(%dma_wait3A_358 : memref<38x128xi32, #tpu.memory_space<hbm>>) dst(%dma_wait3A_354 : memref<38x128xi32, #tpu.memory_space<vmem>>)
      tpu.yield
    }) : () -> ()
    "tpu.region"() ({
      %run_scoped3A = tpu.sem_alloc : memref<!tpu.dma_semaphore, #tpu.memory_space<semaphore_mem>>
      %dma_start3A_331 = arith.constant 0 : i32
      %dma_start3A_332 = arith.constant 0 : i32
      %dma_start3A_333 = tpu.memref_slice %arg9[%dma_start3A_331, %dma_start3A_332] : memref<40x128xi32, #tpu.memory_space<vmem>> -> memref<38x128xi32, #tpu.memory_space<vmem>>
      %dma_start3A_334 = arith.constant 40 : i32
      %dma_start3A_335 = arith.constant 0 : i32
      %dma_start3A_336 = tpu.memref_slice %arg4[%add3A, %dma_start3A_334, %dma_start3A_335] : memref<32x78x128xi32, #tpu.memory_space<hbm>> -> memref<1x38x128xi32, #tpu.memory_space<hbm>>
      %dma_start3A_337 = tpu.memref_squeeze %dma_start3A_336 : memref<1x38x128xi32, #tpu.memory_space<hbm>> -> memref<38x128xi32, #tpu.memory_space<hbm>>
      %dma_start3A_338 = arith.constant 0 : i32
      %dma_start3A_339 = arith.constant 0 : i32
      %dma_start3A_340 = tpu.memref_slice %arg9[%dma_start3A_338, %dma_start3A_339] : memref<40x128xi32, #tpu.memory_space<vmem>> -> memref<38x128xi32, #tpu.memory_space<vmem>>
      %dma_start3A_341 = arith.constant 40 : i32
      %dma_start3A_342 = arith.constant 0 : i32
      %dma_start3A_343 = tpu.memref_slice %arg4[%add3A, %dma_start3A_341, %dma_start3A_342] : memref<32x78x128xi32, #tpu.memory_space<hbm>> -> memref<1x38x128xi32, #tpu.memory_space<hbm>>
      %dma_start3A_344 = tpu.memref_squeeze %dma_start3A_343 : memref<1x38x128xi32, #tpu.memory_space<hbm>> -> memref<38x128xi32, #tpu.memory_space<hbm>>
      tpu.enqueue_dma source(%dma_start3A_344 : memref<38x128xi32, #tpu.memory_space<hbm>>) target(%dma_start3A_340 : memref<38x128xi32, #tpu.memory_space<vmem>>) target_semaphore(%run_scoped3A : memref<!tpu.dma_semaphore, #tpu.memory_space<semaphore_mem>>)
      %dma_wait3A_345 = arith.constant 0 : i32
      %dma_wait3A_346 = arith.constant 0 : i32
      %dma_wait3A_347 = tpu.memref_slice %arg9[%dma_wait3A_345, %dma_wait3A_346] : memref<40x128xi32, #tpu.memory_space<vmem>> -> memref<38x128xi32, #tpu.memory_space<vmem>>
      %dma_wait3A_348 = arith.constant 40 : i32
      %dma_wait3A_349 = arith.constant 0 : i32
      %dma_wait3A_350 = tpu.memref_slice %arg4[%add3A, %dma_wait3A_348, %dma_wait3A_349] : memref<32x78x128xi32, #tpu.memory_space<hbm>> -> memref<1x38x128xi32, #tpu.memory_space<hbm>>
      %dma_wait3A_351 = tpu.memref_squeeze %dma_wait3A_350 : memref<1x38x128xi32, #tpu.memory_space<hbm>> -> memref<38x128xi32, #tpu.memory_space<hbm>>
      %dma_wait3A_352 = arith.constant 0 : i32
      %dma_wait3A_353 = arith.constant 0 : i32
      %dma_wait3A_354 = tpu.memref_slice %arg9[%dma_wait3A_352, %dma_wait3A_353] : memref<40x128xi32, #tpu.memory_space<vmem>> -> memref<38x128xi32, #tpu.memory_space<vmem>>
      %dma_wait3A_355 = arith.constant 40 : i32
      %dma_wait3A_356 = arith.constant 0 : i32
      %dma_wait3A_357 = tpu.memref_slice %arg4[%add3A, %dma_wait3A_355, %dma_wait3A_356] : memref<32x78x128xi32, #tpu.memory_space<hbm>> -> memref<1x38x128xi32, #tpu.memory_space<hbm>>
      %dma_wait3A_358 = tpu.memref_squeeze %dma_wait3A_357 : memref<1x38x128xi32, #tpu.memory_space<hbm>> -> memref<38x128xi32, #tpu.memory_space<hbm>>
      tpu.wait_dma2 semaphore(%run_scoped3A : memref<!tpu.dma_semaphore, #tpu.memory_space<semaphore_mem>>) src(%dma_wait3A_358 : memref<38x128xi32, #tpu.memory_space<hbm>>) dst(%dma_wait3A_354 : memref<38x128xi32, #tpu.memory_space<vmem>>)
      tpu.yield
    }) : () -> ()
    %dma_start3A_210 = arith.constant 0 : i32
    %dma_start3A_211 = arith.constant 0 : i32
    %dma_start3A_212 = arith.constant 0 : i32
    %dma_start3A_213 = tpu.memref_slice %arg10[%dma_start3A_211, %dma_start3A_212] : memref<128x128xf32, #tpu.memory_space<vmem>> -> memref<64x128xf32, #tpu.memory_space<vmem>>
    %dma_start3A_214 = arith.constant 0 : i32
    %dma_start3A_215 = tpu.memref_slice %arg8[%dma_start3A_210, %dma_start3A_214] : memref<40x128xi32, #tpu.memory_space<vmem>> -> memref<1x64xi32, #tpu.memory_space<vmem>>
    %dma_start3A_216 = tpu.memref_squeeze %dma_start3A_215 : memref<1x64xi32, #tpu.memory_space<vmem>> -> memref<64xi32, #tpu.memory_space<vmem>>
    %dma_start3A_217 = arith.constant 0 : i32
    %dma_start3A_218 = arith.constant 0 : i32
    %dma_start3A_219 = tpu.memref_slice %arg2[%dma_start3A_217, %dma_start3A_218] : memref<10000x128xf32, #tpu.memory_space<hbm>> -> memref<10000x128xf32, #tpu.memory_space<hbm>>
    tpu.enqueue_indirect_dma source(%dma_start3A_219 : memref<10000x128xf32, #tpu.memory_space<hbm>>) target(%dma_start3A_213 : memref<64x128xf32, #tpu.memory_space<vmem>>) offsets(%dma_start3A_216 : memref<64xi32, #tpu.memory_space<vmem>>) semaphore(%arg15 : memref<!tpu.dma_semaphore, #tpu.memory_space<semaphore_mem>>)
    %dma_start3A_220 = arith.constant 0 : i32
    %dma_start3A_221 = arith.constant 64 : i32
    %dma_start3A_222 = arith.constant 0 : i32
    %dma_start3A_223 = tpu.memref_slice %arg10[%dma_start3A_221, %dma_start3A_222] : memref<128x128xf32, #tpu.memory_space<vmem>> -> memref<64x128xf32, #tpu.memory_space<vmem>>
    %dma_start3A_224 = arith.constant 64 : i32
    %dma_start3A_225 = tpu.memref_slice %arg8[%dma_start3A_220, %dma_start3A_224] : memref<40x128xi32, #tpu.memory_space<vmem>> -> memref<1x64xi32, #tpu.memory_space<vmem>>
    %dma_start3A_226 = tpu.memref_squeeze %dma_start3A_225 : memref<1x64xi32, #tpu.memory_space<vmem>> -> memref<64xi32, #tpu.memory_space<vmem>>
    %dma_start3A_227 = arith.constant 0 : i32
    %dma_start3A_228 = arith.constant 0 : i32
    %dma_start3A_229 = tpu.memref_slice %arg2[%dma_start3A_227, %dma_start3A_228] : memref<10000x128xf32, #tpu.memory_space<hbm>> -> memref<10000x128xf32, #tpu.memory_space<hbm>>
    tpu.enqueue_indirect_dma source(%dma_start3A_229 : memref<10000x128xf32, #tpu.memory_space<hbm>>) target(%dma_start3A_223 : memref<64x128xf32, #tpu.memory_space<vmem>>) offsets(%dma_start3A_226 : memref<64xi32, #tpu.memory_space<vmem>>) semaphore(%arg17 : memref<!tpu.dma_semaphore, #tpu.memory_space<semaphore_mem>>)
    %dma_wait3A_230 = arith.constant 0 : i32
    %dma_wait3A_231 = arith.constant 0 : i32
    %dma_wait3A_232 = arith.constant 0 : i32
    %dma_wait3A_233 = tpu.memref_slice %arg10[%dma_wait3A_231, %dma_wait3A_232] : memref<128x128xf32, #tpu.memory_space<vmem>> -> memref<64x128xf32, #tpu.memory_space<vmem>>
    %dma_wait3A_234 = arith.constant 0 : i32
    %dma_wait3A_235 = tpu.memref_slice %arg8[%dma_wait3A_230, %dma_wait3A_234] : memref<40x128xi32, #tpu.memory_space<vmem>> -> memref<1x64xi32, #tpu.memory_space<vmem>>
    %dma_wait3A_236 = tpu.memref_squeeze %dma_wait3A_235 : memref<1x64xi32, #tpu.memory_space<vmem>> -> memref<64xi32, #tpu.memory_space<vmem>>
    %dma_wait3A_237 = arith.constant 0 : i32
    %dma_wait3A_238 = arith.constant 0 : i32
    %dma_wait3A_239 = tpu.memref_slice %arg2[%dma_wait3A_237, %dma_wait3A_238] : memref<10000x128xf32, #tpu.memory_space<hbm>> -> memref<10000x128xf32, #tpu.memory_space<hbm>>
    tpu.wait_indirect_dma semaphore(%arg15 : memref<!tpu.dma_semaphore, #tpu.memory_space<semaphore_mem>>) src(%dma_wait3A_239 : memref<10000x128xf32, #tpu.memory_space<hbm>>) dst(%dma_wait3A_233 : memref<64x128xf32, #tpu.memory_space<vmem>>)
    %dma_wait3A_240 = arith.constant 0 : i32
    %dma_wait3A_241 = arith.constant 64 : i32
    %dma_wait3A_242 = arith.constant 0 : i32
    %dma_wait3A_243 = tpu.memref_slice %arg10[%dma_wait3A_241, %dma_wait3A_242] : memref<128x128xf32, #tpu.memory_space<vmem>> -> memref<64x128xf32, #tpu.memory_space<vmem>>
    %dma_wait3A_244 = arith.constant 64 : i32
    %dma_wait3A_245 = tpu.memref_slice %arg8[%dma_wait3A_240, %dma_wait3A_244] : memref<40x128xi32, #tpu.memory_space<vmem>> -> memref<1x64xi32, #tpu.memory_space<vmem>>
    %dma_wait3A_246 = tpu.memref_squeeze %dma_wait3A_245 : memref<1x64xi32, #tpu.memory_space<vmem>> -> memref<64xi32, #tpu.memory_space<vmem>>
    %dma_wait3A_247 = arith.constant 0 : i32
    %dma_wait3A_248 = arith.constant 0 : i32
    %dma_wait3A_249 = tpu.memref_slice %arg2[%dma_wait3A_247, %dma_wait3A_248] : memref<10000x128xf32, #tpu.memory_space<hbm>> -> memref<10000x128xf32, #tpu.memory_space<hbm>>
    tpu.wait_indirect_dma semaphore(%arg17 : memref<!tpu.dma_semaphore, #tpu.memory_space<semaphore_mem>>) src(%dma_wait3A_249 : memref<10000x128xf32, #tpu.memory_space<hbm>>) dst(%dma_wait3A_243 : memref<64x128xf32, #tpu.memory_space<vmem>>)
    %dma_start3A_250 = arith.constant 0 : i32
    %dma_start3A_251 = arith.constant 0 : i32
    %dma_start3A_252 = tpu.memref_slice %arg9[%dma_start3A_250, %dma_start3A_251] : memref<40x128xi32, #tpu.memory_space<vmem>> -> memref<1x128xi32, #tpu.memory_space<vmem>>
    %dma_start3A_253 = tpu.memref_squeeze %dma_start3A_252 : memref<1x128xi32, #tpu.memory_space<vmem>> -> memref<128xi32, #tpu.memory_space<vmem>>
    %dma_start3A_254 = arith.constant 0 : i32
    %dma_start3A_255 = arith.constant 0 : i32
    %dma_start3A_256 = tpu.memref_slice %arg14[%dma_start3A_254, %dma_start3A_255] : memref<10000x128xf32, #tpu.memory_space<vmem_shared>> -> memref<10000x128xf32, #tpu.memory_space<vmem_shared>>
    tpu.enqueue_indirect_dma source(%arg10 : memref<128x128xf32, #tpu.memory_space<vmem>>) target(%dma_start3A_256 : memref<10000x128xf32, #tpu.memory_space<vmem_shared>>) offsets(%dma_start3A_253 : memref<128xi32, #tpu.memory_space<vmem>>) semaphore(%arg19 : memref<!tpu.dma_semaphore, #tpu.memory_space<semaphore_mem>>) {add = true}
    %dma_start3A_257 = arith.constant 1 : i32
    %dma_start3A_258 = arith.constant 0 : i32
    %dma_start3A_259 = arith.constant 0 : i32
    %dma_start3A_260 = tpu.memref_slice %arg11[%dma_start3A_258, %dma_start3A_259] : memref<128x128xf32, #tpu.memory_space<vmem>> -> memref<64x128xf32, #tpu.memory_space<vmem>>
    %dma_start3A_261 = arith.constant 0 : i32
    %dma_start3A_262 = tpu.memref_slice %arg8[%dma_start3A_257, %dma_start3A_261] : memref<40x128xi32, #tpu.memory_space<vmem>> -> memref<1x64xi32, #tpu.memory_space<vmem>>
    %dma_start3A_263 = tpu.memref_squeeze %dma_start3A_262 : memref<1x64xi32, #tpu.memory_space<vmem>> -> memref<64xi32, #tpu.memory_space<vmem>>
    %dma_start3A_264 = arith.constant 0 : i32
    %dma_start3A_265 = arith.constant 0 : i32
    %dma_start3A_266 = tpu.memref_slice %arg2[%dma_start3A_264, %dma_start3A_265] : memref<10000x128xf32, #tpu.memory_space<hbm>> -> memref<10000x128xf32, #tpu.memory_space<hbm>>
    tpu.enqueue_indirect_dma source(%dma_start3A_266 : memref<10000x128xf32, #tpu.memory_space<hbm>>) target(%dma_start3A_260 : memref<64x128xf32, #tpu.memory_space<vmem>>) offsets(%dma_start3A_263 : memref<64xi32, #tpu.memory_space<vmem>>) semaphore(%arg16 : memref<!tpu.dma_semaphore, #tpu.memory_space<semaphore_mem>>)
    %dma_start3A_267 = arith.constant 1 : i32
    %dma_start3A_268 = arith.constant 64 : i32
    %dma_start3A_269 = arith.constant 0 : i32
    %dma_start3A_270 = tpu.memref_slice %arg11[%dma_start3A_268, %dma_start3A_269] : memref<128x128xf32, #tpu.memory_space<vmem>> -> memref<64x128xf32, #tpu.memory_space<vmem>>
    %dma_start3A_271 = arith.constant 64 : i32
    %dma_start3A_272 = tpu.memref_slice %arg8[%dma_start3A_267, %dma_start3A_271] : memref<40x128xi32, #tpu.memory_space<vmem>> -> memref<1x64xi32, #tpu.memory_space<vmem>>
    %dma_start3A_273 = tpu.memref_squeeze %dma_start3A_272 : memref<1x64xi32, #tpu.memory_space<vmem>> -> memref<64xi32, #tpu.memory_space<vmem>>
    %dma_start3A_274 = arith.constant 0 : i32
    %dma_start3A_275 = arith.constant 0 : i32
    %dma_start3A_276 = tpu.memref_slice %arg2[%dma_start3A_274, %dma_start3A_275] : memref<10000x128xf32, #tpu.memory_space<hbm>> -> memref<10000x128xf32, #tpu.memory_space<hbm>>
    tpu.enqueue_indirect_dma source(%dma_start3A_276 : memref<10000x128xf32, #tpu.memory_space<hbm>>) target(%dma_start3A_270 : memref<64x128xf32, #tpu.memory_space<vmem>>) offsets(%dma_start3A_273 : memref<64xi32, #tpu.memory_space<vmem>>) semaphore(%arg18 : memref<!tpu.dma_semaphore, #tpu.memory_space<semaphore_mem>>)
    %scan3A_277 = arith.constant 0 : i32
    %scan3A_278 = arith.constant 0 : i32
    %scan3A_279 = arith.constant 18 : i32
    %scan3A_280 = arith.addi %scan3A_278, %scan3A_279 : i32
    %scan3A_281 = arith.constant 1 : i32
    scf.for %scan3A_331 = %scan3A_278 to %scan3A_280 step %scan3A_281  : i32 {
      %mul3A_332 = arith.constant 2 : i32
      %mul3A_333 = arith.muli %mul3A_332, %scan3A_331 : i32
      %add3A_334 = arith.constant 1 : i32
      %add3A_335 = arith.addi %mul3A_333, %add3A_334 : i32
      %dma_wait3A_336 = arith.constant 0 : i32
      %dma_wait3A_337 = arith.constant 0 : i32
      %dma_wait3A_338 = arith.constant 0 : i32
      %dma_wait3A_339 = tpu.memref_slice %arg11[%dma_wait3A_337, %dma_wait3A_338] : memref<128x128xf32, #tpu.memory_space<vmem>> -> memref<64x128xf32, #tpu.memory_space<vmem>>
      %dma_wait3A_340 = arith.constant 0 : i32
      %dma_wait3A_341 = tpu.memref_slice %arg8[%dma_wait3A_336, %dma_wait3A_340] : memref<40x128xi32, #tpu.memory_space<vmem>> -> memref<1x64xi32, #tpu.memory_space<vmem>>
      %dma_wait3A_342 = tpu.memref_squeeze %dma_wait3A_341 : memref<1x64xi32, #tpu.memory_space<vmem>> -> memref<64xi32, #tpu.memory_space<vmem>>
      %dma_wait3A_343 = arith.constant 0 : i32
      %dma_wait3A_344 = arith.constant 0 : i32
      %dma_wait3A_345 = tpu.memref_slice %arg2[%dma_wait3A_343, %dma_wait3A_344] : memref<10000x128xf32, #tpu.memory_space<hbm>> -> memref<10000x128xf32, #tpu.memory_space<hbm>>
      tpu.wait_indirect_dma semaphore(%arg16 : memref<!tpu.dma_semaphore, #tpu.memory_space<semaphore_mem>>) src(%dma_wait3A_345 : memref<10000x128xf32, #tpu.memory_space<hbm>>) dst(%dma_wait3A_339 : memref<64x128xf32, #tpu.memory_space<vmem>>)
      %dma_wait3A_346 = arith.constant 0 : i32
      %dma_wait3A_347 = arith.constant 64 : i32
      %dma_wait3A_348 = arith.constant 0 : i32
      %dma_wait3A_349 = tpu.memref_slice %arg11[%dma_wait3A_347, %dma_wait3A_348] : memref<128x128xf32, #tpu.memory_space<vmem>> -> memref<64x128xf32, #tpu.memory_space<vmem>>
      %dma_wait3A_350 = arith.constant 64 : i32
      %dma_wait3A_351 = tpu.memref_slice %arg8[%dma_wait3A_346, %dma_wait3A_350] : memref<40x128xi32, #tpu.memory_space<vmem>> -> memref<1x64xi32, #tpu.memory_space<vmem>>
      %dma_wait3A_352 = tpu.memref_squeeze %dma_wait3A_351 : memref<1x64xi32, #tpu.memory_space<vmem>> -> memref<64xi32, #tpu.memory_space<vmem>>
      %dma_wait3A_353 = arith.constant 0 : i32
      %dma_wait3A_354 = arith.constant 0 : i32
      %dma_wait3A_355 = tpu.memref_slice %arg2[%dma_wait3A_353, %dma_wait3A_354] : memref<10000x128xf32, #tpu.memory_space<hbm>> -> memref<10000x128xf32, #tpu.memory_space<hbm>>
      tpu.wait_indirect_dma semaphore(%arg18 : memref<!tpu.dma_semaphore, #tpu.memory_space<semaphore_mem>>) src(%dma_wait3A_355 : memref<10000x128xf32, #tpu.memory_space<hbm>>) dst(%dma_wait3A_349 : memref<64x128xf32, #tpu.memory_space<vmem>>)
      %dma_start3A_356 = arith.constant 0 : i32
      %dma_start3A_357 = tpu.memref_slice %arg9[%add3A_335, %dma_start3A_356] : memref<40x128xi32, #tpu.memory_space<vmem>> -> memref<1x128xi32, #tpu.memory_space<vmem>>
      %dma_start3A_358 = tpu.memref_squeeze %dma_start3A_357 : memref<1x128xi32, #tpu.memory_space<vmem>> -> memref<128xi32, #tpu.memory_space<vmem>>
      %dma_start3A_359 = arith.constant 0 : i32
      %dma_start3A_360 = arith.constant 0 : i32
      %dma_start3A_361 = tpu.memref_slice %arg14[%dma_start3A_359, %dma_start3A_360] : memref<10000x128xf32, #tpu.memory_space<vmem_shared>> -> memref<10000x128xf32, #tpu.memory_space<vmem_shared>>
      tpu.enqueue_indirect_dma source(%arg11 : memref<128x128xf32, #tpu.memory_space<vmem>>) target(%dma_start3A_361 : memref<10000x128xf32, #tpu.memory_space<vmem_shared>>) offsets(%dma_start3A_358 : memref<128xi32, #tpu.memory_space<vmem>>) semaphore(%arg20 : memref<!tpu.dma_semaphore, #tpu.memory_space<semaphore_mem>>) {add = true}
      %dma_wait3A_362 = arith.constant 0 : i32
      %dma_wait3A_363 = arith.constant 0 : i32
      %dma_wait3A_364 = tpu.memref_slice %arg9[%dma_wait3A_362, %dma_wait3A_363] : memref<40x128xi32, #tpu.memory_space<vmem>> -> memref<1x128xi32, #tpu.memory_space<vmem>>
      %dma_wait3A_365 = tpu.memref_squeeze %dma_wait3A_364 : memref<1x128xi32, #tpu.memory_space<vmem>> -> memref<128xi32, #tpu.memory_space<vmem>>
      %dma_wait3A_366 = arith.constant 0 : i32
      %dma_wait3A_367 = arith.constant 0 : i32
      %dma_wait3A_368 = tpu.memref_slice %arg14[%dma_wait3A_366, %dma_wait3A_367] : memref<10000x128xf32, #tpu.memory_space<vmem_shared>> -> memref<10000x128xf32, #tpu.memory_space<vmem_shared>>
      tpu.wait_indirect_dma semaphore(%arg19 : memref<!tpu.dma_semaphore, #tpu.memory_space<semaphore_mem>>) src(%arg10 : memref<128x128xf32, #tpu.memory_space<vmem>>) dst(%dma_wait3A_368 : memref<10000x128xf32, #tpu.memory_space<vmem_shared>>)
      %add3A_369 = arith.constant 1 : i32
      %add3A_370 = arith.addi %add3A_335, %add3A_369 : i32
      %dma_start3A_371 = arith.constant 0 : i32
      %dma_start3A_372 = arith.constant 0 : i32
      %dma_start3A_373 = tpu.memref_slice %arg10[%dma_start3A_371, %dma_start3A_372] : memref<128x128xf32, #tpu.memory_space<vmem>> -> memref<64x128xf32, #tpu.memory_space<vmem>>
      %dma_start3A_374 = arith.constant 0 : i32
      %dma_start3A_375 = tpu.memref_slice %arg8[%add3A_370, %dma_start3A_374] : memref<40x128xi32, #tpu.memory_space<vmem>> -> memref<1x64xi32, #tpu.memory_space<vmem>>
      %dma_start3A_376 = tpu.memref_squeeze %dma_start3A_375 : memref<1x64xi32, #tpu.memory_space<vmem>> -> memref<64xi32, #tpu.memory_space<vmem>>
      %dma_start3A_377 = arith.constant 0 : i32
      %dma_start3A_378 = arith.constant 0 : i32
      %dma_start3A_379 = tpu.memref_slice %arg2[%dma_start3A_377, %dma_start3A_378] : memref<10000x128xf32, #tpu.memory_space<hbm>> -> memref<10000x128xf32, #tpu.memory_space<hbm>>
      tpu.enqueue_indirect_dma source(%dma_start3A_379 : memref<10000x128xf32, #tpu.memory_space<hbm>>) target(%dma_start3A_373 : memref<64x128xf32, #tpu.memory_space<vmem>>) offsets(%dma_start3A_376 : memref<64xi32, #tpu.memory_space<vmem>>) semaphore(%arg15 : memref<!tpu.dma_semaphore, #tpu.memory_space<semaphore_mem>>)
      %dma_start3A_380 = arith.constant 64 : i32
      %dma_start3A_381 = arith.constant 0 : i32
      %dma_start3A_382 = tpu.memref_slice %arg10[%dma_start3A_380, %dma_start3A_381] : memref<128x128xf32, #tpu.memory_space<vmem>> -> memref<64x128xf32, #tpu.memory_space<vmem>>
      %dma_start3A_383 = arith.constant 64 : i32
      %dma_start3A_384 = tpu.memref_slice %arg8[%add3A_370, %dma_start3A_383] : memref<40x128xi32, #tpu.memory_space<vmem>> -> memref<1x64xi32, #tpu.memory_space<vmem>>
      %dma_start3A_385 = tpu.memref_squeeze %dma_start3A_384 : memref<1x64xi32, #tpu.memory_space<vmem>> -> memref<64xi32, #tpu.memory_space<vmem>>
      %dma_start3A_386 = arith.constant 0 : i32
      %dma_start3A_387 = arith.constant 0 : i32
      %dma_start3A_388 = tpu.memref_slice %arg2[%dma_start3A_386, %dma_start3A_387] : memref<10000x128xf32, #tpu.memory_space<hbm>> -> memref<10000x128xf32, #tpu.memory_space<hbm>>
      tpu.enqueue_indirect_dma source(%dma_start3A_388 : memref<10000x128xf32, #tpu.memory_space<hbm>>) target(%dma_start3A_382 : memref<64x128xf32, #tpu.memory_space<vmem>>) offsets(%dma_start3A_385 : memref<64xi32, #tpu.memory_space<vmem>>) semaphore(%arg17 : memref<!tpu.dma_semaphore, #tpu.memory_space<semaphore_mem>>)
      %mul3A_389 = arith.constant 2 : i32
      %mul3A_390 = arith.muli %mul3A_389, %scan3A_331 : i32
      %add3A_391 = arith.constant 2 : i32
      %add3A_392 = arith.addi %mul3A_390, %add3A_391 : i32
      %dma_wait3A_393 = arith.constant 0 : i32
      %dma_wait3A_394 = arith.constant 0 : i32
      %dma_wait3A_395 = arith.constant 0 : i32
      %dma_wait3A_396 = tpu.memref_slice %arg10[%dma_wait3A_394, %dma_wait3A_395] : memref<128x128xf32, #tpu.memory_space<vmem>> -> memref<64x128xf32, #tpu.memory_space<vmem>>
      %dma_wait3A_397 = arith.constant 0 : i32
      %dma_wait3A_398 = tpu.memref_slice %arg8[%dma_wait3A_393, %dma_wait3A_397] : memref<40x128xi32, #tpu.memory_space<vmem>> -> memref<1x64xi32, #tpu.memory_space<vmem>>
      %dma_wait3A_399 = tpu.memref_squeeze %dma_wait3A_398 : memref<1x64xi32, #tpu.memory_space<vmem>> -> memref<64xi32, #tpu.memory_space<vmem>>
      %dma_wait3A_400 = arith.constant 0 : i32
      %dma_wait3A_401 = arith.constant 0 : i32
      %dma_wait3A_402 = tpu.memref_slice %arg2[%dma_wait3A_400, %dma_wait3A_401] : memref<10000x128xf32, #tpu.memory_space<hbm>> -> memref<10000x128xf32, #tpu.memory_space<hbm>>
      tpu.wait_indirect_dma semaphore(%arg15 : memref<!tpu.dma_semaphore, #tpu.memory_space<semaphore_mem>>) src(%dma_wait3A_402 : memref<10000x128xf32, #tpu.memory_space<hbm>>) dst(%dma_wait3A_396 : memref<64x128xf32, #tpu.memory_space<vmem>>)
      %dma_wait3A_403 = arith.constant 0 : i32
      %dma_wait3A_404 = arith.constant 64 : i32
      %dma_wait3A_405 = arith.constant 0 : i32
      %dma_wait3A_406 = tpu.memref_slice %arg10[%dma_wait3A_404, %dma_wait3A_405] : memref<128x128xf32, #tpu.memory_space<vmem>> -> memref<64x128xf32, #tpu.memory_space<vmem>>
      %dma_wait3A_407 = arith.constant 64 : i32
      %dma_wait3A_408 = tpu.memref_slice %arg8[%dma_wait3A_403, %dma_wait3A_407] : memref<40x128xi32, #tpu.memory_space<vmem>> -> memref<1x64xi32, #tpu.memory_space<vmem>>
      %dma_wait3A_409 = tpu.memref_squeeze %dma_wait3A_408 : memref<1x64xi32, #tpu.memory_space<vmem>> -> memref<64xi32, #tpu.memory_space<vmem>>
      %dma_wait3A_410 = arith.constant 0 : i32
      %dma_wait3A_411 = arith.constant 0 : i32
      %dma_wait3A_412 = tpu.memref_slice %arg2[%dma_wait3A_410, %dma_wait3A_411] : memref<10000x128xf32, #tpu.memory_space<hbm>> -> memref<10000x128xf32, #tpu.memory_space<hbm>>
      tpu.wait_indirect_dma semaphore(%arg17 : memref<!tpu.dma_semaphore, #tpu.memory_space<semaphore_mem>>) src(%dma_wait3A_412 : memref<10000x128xf32, #tpu.memory_space<hbm>>) dst(%dma_wait3A_406 : memref<64x128xf32, #tpu.memory_space<vmem>>)
      %dma_start3A_413 = arith.constant 0 : i32
      %dma_start3A_414 = tpu.memref_slice %arg9[%add3A_392, %dma_start3A_413] : memref<40x128xi32, #tpu.memory_space<vmem>> -> memref<1x128xi32, #tpu.memory_space<vmem>>
      %dma_start3A_415 = tpu.memref_squeeze %dma_start3A_414 : memref<1x128xi32, #tpu.memory_space<vmem>> -> memref<128xi32, #tpu.memory_space<vmem>>
      %dma_start3A_416 = arith.constant 0 : i32
      %dma_start3A_417 = arith.constant 0 : i32
      %dma_start3A_418 = tpu.memref_slice %arg14[%dma_start3A_416, %dma_start3A_417] : memref<10000x128xf32, #tpu.memory_space<vmem_shared>> -> memref<10000x128xf32, #tpu.memory_space<vmem_shared>>
      tpu.enqueue_indirect_dma source(%arg10 : memref<128x128xf32, #tpu.memory_space<vmem>>) target(%dma_start3A_418 : memref<10000x128xf32, #tpu.memory_space<vmem_shared>>) offsets(%dma_start3A_415 : memref<128xi32, #tpu.memory_space<vmem>>) semaphore(%arg19 : memref<!tpu.dma_semaphore, #tpu.memory_space<semaphore_mem>>) {add = true}
      %dma_wait3A_419 = arith.constant 0 : i32
      %dma_wait3A_420 = arith.constant 0 : i32
      %dma_wait3A_421 = tpu.memref_slice %arg9[%dma_wait3A_419, %dma_wait3A_420] : memref<40x128xi32, #tpu.memory_space<vmem>> -> memref<1x128xi32, #tpu.memory_space<vmem>>
      %dma_wait3A_422 = tpu.memref_squeeze %dma_wait3A_421 : memref<1x128xi32, #tpu.memory_space<vmem>> -> memref<128xi32, #tpu.memory_space<vmem>>
      %dma_wait3A_423 = arith.constant 0 : i32
      %dma_wait3A_424 = arith.constant 0 : i32
      %dma_wait3A_425 = tpu.memref_slice %arg14[%dma_wait3A_423, %dma_wait3A_424] : memref<10000x128xf32, #tpu.memory_space<vmem_shared>> -> memref<10000x128xf32, #tpu.memory_space<vmem_shared>>
      tpu.wait_indirect_dma semaphore(%arg20 : memref<!tpu.dma_semaphore, #tpu.memory_space<semaphore_mem>>) src(%arg11 : memref<128x128xf32, #tpu.memory_space<vmem>>) dst(%dma_wait3A_425 : memref<10000x128xf32, #tpu.memory_space<vmem_shared>>)
      %add3A_426 = arith.constant 1 : i32
      %add3A_427 = arith.addi %add3A_392, %add3A_426 : i32
      %dma_start3A_428 = arith.constant 0 : i32
      %dma_start3A_429 = arith.constant 0 : i32
      %dma_start3A_430 = tpu.memref_slice %arg11[%dma_start3A_428, %dma_start3A_429] : memref<128x128xf32, #tpu.memory_space<vmem>> -> memref<64x128xf32, #tpu.memory_space<vmem>>
      %dma_start3A_431 = arith.constant 0 : i32
      %dma_start3A_432 = tpu.memref_slice %arg8[%add3A_427, %dma_start3A_431] : memref<40x128xi32, #tpu.memory_space<vmem>> -> memref<1x64xi32, #tpu.memory_space<vmem>>
      %dma_start3A_433 = tpu.memref_squeeze %dma_start3A_432 : memref<1x64xi32, #tpu.memory_space<vmem>> -> memref<64xi32, #tpu.memory_space<vmem>>
      %dma_start3A_434 = arith.constant 0 : i32
      %dma_start3A_435 = arith.constant 0 : i32
      %dma_start3A_436 = tpu.memref_slice %arg2[%dma_start3A_434, %dma_start3A_435] : memref<10000x128xf32, #tpu.memory_space<hbm>> -> memref<10000x128xf32, #tpu.memory_space<hbm>>
      tpu.enqueue_indirect_dma source(%dma_start3A_436 : memref<10000x128xf32, #tpu.memory_space<hbm>>) target(%dma_start3A_430 : memref<64x128xf32, #tpu.memory_space<vmem>>) offsets(%dma_start3A_433 : memref<64xi32, #tpu.memory_space<vmem>>) semaphore(%arg16 : memref<!tpu.dma_semaphore, #tpu.memory_space<semaphore_mem>>)
      %dma_start3A_437 = arith.constant 64 : i32
      %dma_start3A_438 = arith.constant 0 : i32
      %dma_start3A_439 = tpu.memref_slice %arg11[%dma_start3A_437, %dma_start3A_438] : memref<128x128xf32, #tpu.memory_space<vmem>> -> memref<64x128xf32, #tpu.memory_space<vmem>>
      %dma_start3A_440 = arith.constant 64 : i32
      %dma_start3A_441 = tpu.memref_slice %arg8[%add3A_427, %dma_start3A_440] : memref<40x128xi32, #tpu.memory_space<vmem>> -> memref<1x64xi32, #tpu.memory_space<vmem>>
      %dma_start3A_442 = tpu.memref_squeeze %dma_start3A_441 : memref<1x64xi32, #tpu.memory_space<vmem>> -> memref<64xi32, #tpu.memory_space<vmem>>
      %dma_start3A_443 = arith.constant 0 : i32
      %dma_start3A_444 = arith.constant 0 : i32
      %dma_start3A_445 = tpu.memref_slice %arg2[%dma_start3A_443, %dma_start3A_444] : memref<10000x128xf32, #tpu.memory_space<hbm>> -> memref<10000x128xf32, #tpu.memory_space<hbm>>
      tpu.enqueue_indirect_dma source(%dma_start3A_445 : memref<10000x128xf32, #tpu.memory_space<hbm>>) target(%dma_start3A_439 : memref<64x128xf32, #tpu.memory_space<vmem>>) offsets(%dma_start3A_442 : memref<64xi32, #tpu.memory_space<vmem>>) semaphore(%arg18 : memref<!tpu.dma_semaphore, #tpu.memory_space<semaphore_mem>>)
    }
    %scan3A_282 = arith.constant 18 : i32
    %dma_wait3A_283 = arith.constant 0 : i32
    %dma_wait3A_284 = arith.constant 0 : i32
    %dma_wait3A_285 = arith.constant 0 : i32
    %dma_wait3A_286 = tpu.memref_slice %arg11[%dma_wait3A_284, %dma_wait3A_285] : memref<128x128xf32, #tpu.memory_space<vmem>> -> memref<64x128xf32, #tpu.memory_space<vmem>>
    %dma_wait3A_287 = arith.constant 0 : i32
    %dma_wait3A_288 = tpu.memref_slice %arg8[%dma_wait3A_283, %dma_wait3A_287] : memref<40x128xi32, #tpu.memory_space<vmem>> -> memref<1x64xi32, #tpu.memory_space<vmem>>
    %dma_wait3A_289 = tpu.memref_squeeze %dma_wait3A_288 : memref<1x64xi32, #tpu.memory_space<vmem>> -> memref<64xi32, #tpu.memory_space<vmem>>
    %dma_wait3A_290 = arith.constant 0 : i32
    %dma_wait3A_291 = arith.constant 0 : i32
    %dma_wait3A_292 = tpu.memref_slice %arg2[%dma_wait3A_290, %dma_wait3A_291] : memref<10000x128xf32, #tpu.memory_space<hbm>> -> memref<10000x128xf32, #tpu.memory_space<hbm>>
    tpu.wait_indirect_dma semaphore(%arg16 : memref<!tpu.dma_semaphore, #tpu.memory_space<semaphore_mem>>) src(%dma_wait3A_292 : memref<10000x128xf32, #tpu.memory_space<hbm>>) dst(%dma_wait3A_286 : memref<64x128xf32, #tpu.memory_space<vmem>>)
    %dma_wait3A_293 = arith.constant 0 : i32
    %dma_wait3A_294 = arith.constant 64 : i32
    %dma_wait3A_295 = arith.constant 0 : i32
    %dma_wait3A_296 = tpu.memref_slice %arg11[%dma_wait3A_294, %dma_wait3A_295] : memref<128x128xf32, #tpu.memory_space<vmem>> -> memref<64x128xf32, #tpu.memory_space<vmem>>
    %dma_wait3A_297 = arith.constant 64 : i32
    %dma_wait3A_298 = tpu.memref_slice %arg8[%dma_wait3A_293, %dma_wait3A_297] : memref<40x128xi32, #tpu.memory_space<vmem>> -> memref<1x64xi32, #tpu.memory_space<vmem>>
    %dma_wait3A_299 = tpu.memref_squeeze %dma_wait3A_298 : memref<1x64xi32, #tpu.memory_space<vmem>> -> memref<64xi32, #tpu.memory_space<vmem>>
    %dma_wait3A_300 = arith.constant 0 : i32
    %dma_wait3A_301 = arith.constant 0 : i32
    %dma_wait3A_302 = tpu.memref_slice %arg2[%dma_wait3A_300, %dma_wait3A_301] : memref<10000x128xf32, #tpu.memory_space<hbm>> -> memref<10000x128xf32, #tpu.memory_space<hbm>>
    tpu.wait_indirect_dma semaphore(%arg18 : memref<!tpu.dma_semaphore, #tpu.memory_space<semaphore_mem>>) src(%dma_wait3A_302 : memref<10000x128xf32, #tpu.memory_space<hbm>>) dst(%dma_wait3A_296 : memref<64x128xf32, #tpu.memory_space<vmem>>)
    %dma_start3A_303 = arith.constant 37 : i32
    %dma_start3A_304 = arith.constant 0 : i32
    %dma_start3A_305 = tpu.memref_slice %arg9[%dma_start3A_303, %dma_start3A_304] : memref<40x128xi32, #tpu.memory_space<vmem>> -> memref<1x128xi32, #tpu.memory_space<vmem>>
    %dma_start3A_306 = tpu.memref_squeeze %dma_start3A_305 : memref<1x128xi32, #tpu.memory_space<vmem>> -> memref<128xi32, #tpu.memory_space<vmem>>
    %dma_start3A_307 = arith.constant 0 : i32
    %dma_start3A_308 = arith.constant 0 : i32
    %dma_start3A_309 = tpu.memref_slice %arg14[%dma_start3A_307, %dma_start3A_308] : memref<10000x128xf32, #tpu.memory_space<vmem_shared>> -> memref<10000x128xf32, #tpu.memory_space<vmem_shared>>
    tpu.enqueue_indirect_dma source(%arg11 : memref<128x128xf32, #tpu.memory_space<vmem>>) target(%dma_start3A_309 : memref<10000x128xf32, #tpu.memory_space<vmem_shared>>) offsets(%dma_start3A_306 : memref<128xi32, #tpu.memory_space<vmem>>) semaphore(%arg20 : memref<!tpu.dma_semaphore, #tpu.memory_space<semaphore_mem>>) {add = true}
    %dma_wait3A_310 = arith.constant 0 : i32
    %dma_wait3A_311 = arith.constant 0 : i32
    %dma_wait3A_312 = tpu.memref_slice %arg9[%dma_wait3A_310, %dma_wait3A_311] : memref<40x128xi32, #tpu.memory_space<vmem>> -> memref<1x128xi32, #tpu.memory_space<vmem>>
    %dma_wait3A_313 = tpu.memref_squeeze %dma_wait3A_312 : memref<1x128xi32, #tpu.memory_space<vmem>> -> memref<128xi32, #tpu.memory_space<vmem>>
    %dma_wait3A_314 = arith.constant 0 : i32
    %dma_wait3A_315 = arith.constant 0 : i32
    %dma_wait3A_316 = tpu.memref_slice %arg14[%dma_wait3A_314, %dma_wait3A_315] : memref<10000x128xf32, #tpu.memory_space<vmem_shared>> -> memref<10000x128xf32, #tpu.memory_space<vmem_shared>>
    tpu.wait_indirect_dma semaphore(%arg19 : memref<!tpu.dma_semaphore, #tpu.memory_space<semaphore_mem>>) src(%arg10 : memref<128x128xf32, #tpu.memory_space<vmem>>) dst(%dma_wait3A_316 : memref<10000x128xf32, #tpu.memory_space<vmem_shared>>)
    %dma_wait3A_317 = arith.constant 0 : i32
    %dma_wait3A_318 = arith.constant 0 : i32
    %dma_wait3A_319 = tpu.memref_slice %arg9[%dma_wait3A_317, %dma_wait3A_318] : memref<40x128xi32, #tpu.memory_space<vmem>> -> memref<1x128xi32, #tpu.memory_space<vmem>>
    %dma_wait3A_320 = tpu.memref_squeeze %dma_wait3A_319 : memref<1x128xi32, #tpu.memory_space<vmem>> -> memref<128xi32, #tpu.memory_space<vmem>>
    %dma_wait3A_321 = arith.constant 0 : i32
    %dma_wait3A_322 = arith.constant 0 : i32
    %dma_wait3A_323 = tpu.memref_slice %arg14[%dma_wait3A_321, %dma_wait3A_322] : memref<10000x128xf32, #tpu.memory_space<vmem_shared>> -> memref<10000x128xf32, #tpu.memory_space<vmem_shared>>
    tpu.wait_indirect_dma semaphore(%arg20 : memref<!tpu.dma_semaphore, #tpu.memory_space<semaphore_mem>>) src(%arg11 : memref<128x128xf32, #tpu.memory_space<vmem>>) dst(%dma_wait3A_323 : memref<10000x128xf32, #tpu.memory_space<vmem_shared>>)
    %lt3A = arith.constant 4 : i32
    %lt3A_324 = arith.cmpi slt, %add3A, %lt3A : i32
    %convert_element_type3A = arith.extui %lt3A_324 : i1 to i32
    %cond3A = arith.constant 0 : i32
    %cond3A_325 = arith.cmpi ne, %convert_element_type3A, %cond3A : i32
    scf.if %cond3A_325 {
      %mul3A_331 = arith.constant 128 : i32
      %mul3A_332 = arith.muli %add3A, %mul3A_331 : i32
      %add3A_333 = arith.constant 319488 : i32
      %add3A_334 = arith.addi %add3A_333, %mul3A_332 : i32
      "tpu.region"() ({
        %run_scoped3A = tpu.sem_alloc : memref<!tpu.dma_semaphore, #tpu.memory_space<semaphore_mem>>
        %dma_start3A_341 = tpu.memref_slice %arg5[%add3A_334] : memref<320000xi32, #tpu.memory_space<hbm>> -> memref<128xi32, #tpu.memory_space<hbm>>
        %dma_start3A_342 = tpu.memref_slice %arg5[%add3A_334] : memref<320000xi32, #tpu.memory_space<hbm>> -> memref<128xi32, #tpu.memory_space<hbm>>
        tpu.enqueue_dma source(%dma_start3A_342 : memref<128xi32, #tpu.memory_space<hbm>>) target(%arg12 : memref<128xi32, #tpu.memory_space<vmem>>) target_semaphore(%run_scoped3A : memref<!tpu.dma_semaphore, #tpu.memory_space<semaphore_mem>>)
        %dma_wait3A_343 = tpu.memref_slice %arg5[%add3A_334] : memref<320000xi32, #tpu.memory_space<hbm>> -> memref<128xi32, #tpu.memory_space<hbm>>
        %dma_wait3A_344 = tpu.memref_slice %arg5[%add3A_334] : memref<320000xi32, #tpu.memory_space<hbm>> -> memref<128xi32, #tpu.memory_space<hbm>>
        tpu.wait_dma2 semaphore(%run_scoped3A : memref<!tpu.dma_semaphore, #tpu.memory_space<semaphore_mem>>) src(%dma_wait3A_344 : memref<128xi32, #tpu.memory_space<hbm>>) dst(%arg12 : memref<128xi32, #tpu.memory_space<vmem>>)
        tpu.yield
      }) : () -> ()
      "tpu.region"() ({
        %run_scoped3A = tpu.sem_alloc : memref<!tpu.dma_semaphore, #tpu.memory_space<semaphore_mem>>
        %dma_start3A_341 = tpu.memref_slice %arg6[%add3A_334] : memref<320000xi32, #tpu.memory_space<hbm>> -> memref<128xi32, #tpu.memory_space<hbm>>
        %dma_start3A_342 = tpu.memref_slice %arg6[%add3A_334] : memref<320000xi32, #tpu.memory_space<hbm>> -> memref<128xi32, #tpu.memory_space<hbm>>
        tpu.enqueue_dma source(%dma_start3A_342 : memref<128xi32, #tpu.memory_space<hbm>>) target(%arg13 : memref<128xi32, #tpu.memory_space<vmem>>) target_semaphore(%run_scoped3A : memref<!tpu.dma_semaphore, #tpu.memory_space<semaphore_mem>>)
        %dma_wait3A_343 = tpu.memref_slice %arg6[%add3A_334] : memref<320000xi32, #tpu.memory_space<hbm>> -> memref<128xi32, #tpu.memory_space<hbm>>
        %dma_wait3A_344 = tpu.memref_slice %arg6[%add3A_334] : memref<320000xi32, #tpu.memory_space<hbm>> -> memref<128xi32, #tpu.memory_space<hbm>>
        tpu.wait_dma2 semaphore(%run_scoped3A : memref<!tpu.dma_semaphore, #tpu.memory_space<semaphore_mem>>) src(%dma_wait3A_344 : memref<128xi32, #tpu.memory_space<hbm>>) dst(%arg13 : memref<128xi32, #tpu.memory_space<vmem>>)
        tpu.yield
      }) : () -> ()
      %dma_start3A_335 = arith.constant 0 : i32
      %dma_start3A_336 = arith.constant 0 : i32
      %dma_start3A_337 = tpu.memref_slice %arg2[%dma_start3A_335, %dma_start3A_336] : memref<10000x128xf32, #tpu.memory_space<hbm>> -> memref<10000x128xf32, #tpu.memory_space<hbm>>
      tpu.enqueue_indirect_dma source(%dma_start3A_337 : memref<10000x128xf32, #tpu.memory_space<hbm>>) target(%arg10 : memref<128x128xf32, #tpu.memory_space<vmem>>) offsets(%arg12 : memref<128xi32, #tpu.memory_space<vmem>>) semaphore(%arg15 : memref<!tpu.dma_semaphore, #tpu.memory_space<semaphore_mem>>)
      %dma_wait3A_338 = arith.constant 0 : i32
      %dma_wait3A_339 = arith.constant 0 : i32
      %dma_wait3A_340 = tpu.memref_slice %arg2[%dma_wait3A_338, %dma_wait3A_339] : memref<10000x128xf32, #tpu.memory_space<hbm>> -> memref<10000x128xf32, #tpu.memory_space<hbm>>
      tpu.wait_indirect_dma semaphore(%arg15 : memref<!tpu.dma_semaphore, #tpu.memory_space<semaphore_mem>>) src(%dma_wait3A_340 : memref<10000x128xf32, #tpu.memory_space<hbm>>) dst(%arg10 : memref<128x128xf32, #tpu.memory_space<vmem>>)
      "tpu.region"() ({
        %run_scoped3A = tpu.sem_alloc : memref<!tpu.dma_semaphore, #tpu.memory_space<semaphore_mem>>
        %dma_start3A_341 = arith.constant 0 : i32
        %dma_start3A_342 = arith.constant 0 : i32
        %dma_start3A_343 = tpu.memref_slice %arg14[%dma_start3A_341, %dma_start3A_342] : memref<10000x128xf32, #tpu.memory_space<vmem_shared>> -> memref<10000x128xf32, #tpu.memory_space<vmem_shared>>
        tpu.enqueue_indirect_dma source(%arg10 : memref<128x128xf32, #tpu.memory_space<vmem>>) target(%dma_start3A_343 : memref<10000x128xf32, #tpu.memory_space<vmem_shared>>) offsets(%arg13 : memref<128xi32, #tpu.memory_space<vmem>>) semaphore(%run_scoped3A : memref<!tpu.dma_semaphore, #tpu.memory_space<semaphore_mem>>) {add = true}
        %dma_wait3A_344 = arith.constant 0 : i32
        %dma_wait3A_345 = arith.constant 0 : i32
        %dma_wait3A_346 = tpu.memref_slice %arg14[%dma_wait3A_344, %dma_wait3A_345] : memref<10000x128xf32, #tpu.memory_space<vmem_shared>> -> memref<10000x128xf32, #tpu.memory_space<vmem_shared>>
        tpu.wait_indirect_dma semaphore(%run_scoped3A : memref<!tpu.dma_semaphore, #tpu.memory_space<semaphore_mem>>) src(%arg10 : memref<128x128xf32, #tpu.memory_space<vmem>>) dst(%dma_wait3A_346 : memref<10000x128xf32, #tpu.memory_space<vmem_shared>>)
        tpu.yield
      }) : () -> ()
    } else {
    }
    %barrier3A_326 = arith.constant 0 : index
    tpu.barrier barrier_id(%barrier3A_326)
    %mul3A_327 = arith.constant 624 : i32
    %mul3A_328 = arith.muli %arg1, %mul3A_327 : i32
    %mul3A_329 = arith.constant 624 : i32
    %mul3A_330 = arith.muli %arg1, %mul3A_329 : i32
    "tpu.region"() ({
      %run_scoped3A = tpu.sem_alloc : memref<!tpu.dma_semaphore, #tpu.memory_space<semaphore_mem>>
      %dma_start3A_331 = arith.constant 0 : i32
      %dma_start3A_332 = tpu.memref_slice %arg7[%arg0, %mul3A_330, %dma_start3A_331] : memref<2x10000x128xf32, #tpu.memory_space<hbm>> -> memref<1x640x128xf32, #tpu.memory_space<hbm>>
      %dma_start3A_333 = tpu.memref_squeeze %dma_start3A_332 : memref<1x640x128xf32, #tpu.memory_space<hbm>> -> memref<640x128xf32, #tpu.memory_space<hbm>>
      %dma_start3A_334 = arith.constant 0 : i32
      %dma_start3A_335 = tpu.memref_slice %arg14[%mul3A_328, %dma_start3A_334] : memref<10000x128xf32, #tpu.memory_space<vmem_shared>> -> memref<640x128xf32, #tpu.memory_space<vmem_shared>>
      tpu.enqueue_dma source(%dma_start3A_335 : memref<640x128xf32, #tpu.memory_space<vmem_shared>>) target(%dma_start3A_333 : memref<640x128xf32, #tpu.memory_space<hbm>>) target_semaphore(%run_scoped3A : memref<!tpu.dma_semaphore, #tpu.memory_space<semaphore_mem>>)
      %dma_wait3A_336 = arith.constant 0 : i32
      %dma_wait3A_337 = tpu.memref_slice %arg7[%arg0, %mul3A_330, %dma_wait3A_336] : memref<2x10000x128xf32, #tpu.memory_space<hbm>> -> memref<1x640x128xf32, #tpu.memory_space<hbm>>
      %dma_wait3A_338 = tpu.memref_squeeze %dma_wait3A_337 : memref<1x640x128xf32, #tpu.memory_space<hbm>> -> memref<640x128xf32, #tpu.memory_space<hbm>>
      %dma_wait3A_339 = arith.constant 0 : i32
      %dma_wait3A_340 = tpu.memref_slice %arg14[%mul3A_328, %dma_wait3A_339] : memref<10000x128xf32, #tpu.memory_space<vmem_shared>> -> memref<640x128xf32, #tpu.memory_space<vmem_shared>>
      tpu.wait_dma2 semaphore(%run_scoped3A : memref<!tpu.dma_semaphore, #tpu.memory_space<semaphore_mem>>) src(%dma_wait3A_340 : memref<640x128xf32, #tpu.memory_space<vmem_shared>>) dst(%dma_wait3A_338 : memref<640x128xf32, #tpu.memory_space<hbm>>)
      tpu.yield
    }) : () -> ()
    return
  }
}

#map = affine_map<(d0, d1) -> (0, 0)>
#map1 = affine_map<(d0, d1) -> (0, 0, 0)>
#map2 = affine_map<(d0, d1) -> (0)>
module attributes {stable_mosaic.version = 14 : i64} {
  func.func @_segsum_body(%arg0: i32, %arg1: i32, %arg2: memref<10000x128xf32, #tpu.memory_space<hbm>>, %arg3: memref<32x78x128xi32, #tpu.memory_space<hbm>>, %arg4: memref<32x78x128xi32, #tpu.memory_space<hbm>>, %arg5: memref<320000xi32, #tpu.memory_space<hbm>>, %arg6: memref<320000xi32, #tpu.memory_space<hbm>>, %arg7: memref<2x10000x128xf32, #tpu.memory_space<hbm>>, %arg8: memref<40x128xi32, #tpu.memory_space<vmem>>, %arg9: memref<40x128xi32, #tpu.memory_space<vmem>>, %arg10: memref<128x128xf32, #tpu.memory_space<vmem>>, %arg11: memref<128x128xf32, #tpu.memory_space<vmem>>, %arg12: memref<128xi32, #tpu.memory_space<vmem>>, %arg13: memref<128xi32, #tpu.memory_space<vmem>>, %arg14: memref<10000x128xf32, #tpu.memory_space<vmem_shared>>, %arg15: memref<!tpu.dma_semaphore, #tpu.memory_space<semaphore_mem>>, %arg16: memref<!tpu.dma_semaphore, #tpu.memory_space<semaphore_mem>>, %arg17: memref<!tpu.dma_semaphore, #tpu.memory_space<semaphore_mem>>, %arg18: memref<!tpu.dma_semaphore, #tpu.memory_space<semaphore_mem>>, %arg19: memref<!tpu.dma_semaphore, #tpu.memory_space<semaphore_mem>>, %arg20: memref<!tpu.dma_semaphore, #tpu.memory_space<semaphore_mem>>, %arg21: memref<!tpu.dma_semaphore, #tpu.memory_space<semaphore_mem>>) attributes {dimension_semantics = [#tpu.dimension_semantics<core_parallel>, #tpu.dimension_semantics<subcore_parallel>], iteration_bounds = array<i64: 2, 16>, scalar_prefetch = 0 : i64, scratch_operands = 14 : i64, tpu.core_type = #tpu.core_type<sc_vector_subcore>, window_params = [{transform_indices = #map}, {transform_indices = #map1}, {transform_indices = #map1}, {transform_indices = #map2}, {transform_indices = #map2}, {transform_indices = #map1}]} {
    %mul3A = arith.constant 2 : i32
    %mul3A_0 = arith.muli %arg1, %mul3A : i32
    %add3A = arith.addi %mul3A_0, %arg0 : i32
    %dma_start3A = arith.constant 0 : i32
    %dma_start3A_1 = arith.constant 0 : i32
    %dma_start3A_2 = tpu.memref_slice %arg3[%add3A, %dma_start3A, %dma_start3A_1] : memref<32x78x128xi32, #tpu.memory_space<hbm>> -> memref<1x40x128xi32, #tpu.memory_space<hbm>>
    %dma_start3A_3 = tpu.memref_squeeze %dma_start3A_2 : memref<1x40x128xi32, #tpu.memory_space<hbm>> -> memref<40x128xi32, #tpu.memory_space<hbm>>
    %dma_start3A_4 = arith.constant 0 : i32
    %dma_start3A_5 = arith.constant 0 : i32
    %dma_start3A_6 = tpu.memref_slice %arg3[%add3A, %dma_start3A_4, %dma_start3A_5] : memref<32x78x128xi32, #tpu.memory_space<hbm>> -> memref<1x40x128xi32, #tpu.memory_space<hbm>>
    %dma_start3A_7 = tpu.memref_squeeze %dma_start3A_6 : memref<1x40x128xi32, #tpu.memory_space<hbm>> -> memref<40x128xi32, #tpu.memory_space<hbm>>
    tpu.enqueue_dma source(%dma_start3A_7 : memref<40x128xi32, #tpu.memory_space<hbm>>) target(%arg8 : memref<40x128xi32, #tpu.memory_space<vmem>>) target_semaphore(%arg21 : memref<!tpu.dma_semaphore, #tpu.memory_space<semaphore_mem>>)
    %dma_start3A_8 = arith.constant 0 : i32
    %dma_start3A_9 = arith.constant 0 : i32
    %dma_start3A_10 = tpu.memref_slice %arg4[%add3A, %dma_start3A_8, %dma_start3A_9] : memref<32x78x128xi32, #tpu.memory_space<hbm>> -> memref<1x40x128xi32, #tpu.memory_space<hbm>>
    %dma_start3A_11 = tpu.memref_squeeze %dma_start3A_10 : memref<1x40x128xi32, #tpu.memory_space<hbm>> -> memref<40x128xi32, #tpu.memory_space<hbm>>
    %dma_start3A_12 = arith.constant 0 : i32
    %dma_start3A_13 = arith.constant 0 : i32
    %dma_start3A_14 = tpu.memref_slice %arg4[%add3A, %dma_start3A_12, %dma_start3A_13] : memref<32x78x128xi32, #tpu.memory_space<hbm>> -> memref<1x40x128xi32, #tpu.memory_space<hbm>>
    %dma_start3A_15 = tpu.memref_squeeze %dma_start3A_14 : memref<1x40x128xi32, #tpu.memory_space<hbm>> -> memref<40x128xi32, #tpu.memory_space<hbm>>
    tpu.enqueue_dma source(%dma_start3A_15 : memref<40x128xi32, #tpu.memory_space<hbm>>) target(%arg9 : memref<40x128xi32, #tpu.memory_space<vmem>>) target_semaphore(%arg21 : memref<!tpu.dma_semaphore, #tpu.memory_space<semaphore_mem>>)
    %scan3A = arith.constant 0 : i32
    %scan3A_16 = arith.constant 0 : i32
    %scan3A_17 = arith.constant 128 : i32
    %scan3A_18 = arith.addi %scan3A_16, %scan3A_17 : i32
    %scan3A_19 = arith.constant 1 : i32
    scf.for %scan3A_331 = %scan3A_16 to %scan3A_18 step %scan3A_19  : i32 {
      %broadcast_in_dim3A = arith.constant 0.000000e+00 : f32
      %broadcast_in_dim3A_332 = vector.broadcast %broadcast_in_dim3A : f32 to vector<16xf32>
      %swap3A = arith.index_cast %scan3A_331 : i32 to index
      %swap3A_333 = arith.constant 0 : index
      %swap3A_334 = tpu.vector_load %arg10[%swap3A, %swap3A_333] {strides = array<i32>} : memref<128x128xf32, #tpu.memory_space<vmem>>, vector<1x16xf32>,
      %swap3A_335 = vector.shape_cast %swap3A_334 : vector<1x16xf32> to vector<16xf32>
      %swap3A_336 = vector.shape_cast %broadcast_in_dim3A_332 : vector<16xf32> to vector<1x16xf32>
      tpu.vector_store %arg10[%swap3A, %swap3A_333], %swap3A_336 {strides = array<i32>} : memref<128x128xf32, #tpu.memory_space<vmem>>, vector<1x16xf32>,
      %broadcast_in_dim3A_337 = arith.constant 0.000000e+00 : f32
      %broadcast_in_dim3A_338 = vector.broadcast %broadcast_in_dim3A_337 : f32 to vector<16xf32>
      %swap3A_339 = arith.index_cast %scan3A_331 : i32 to index
      %swap3A_340 = arith.constant 16 : index
      %swap3A_341 = tpu.vector_load %arg10[%swap3A_339, %swap3A_340] {strides = array<i32>} : memref<128x128xf32, #tpu.memory_space<vmem>>, vector<1x16xf32>,
      %swap3A_342 = vector.shape_cast %swap3A_341 : vector<1x16xf32> to vector<16xf32>
      %swap3A_343 = vector.shape_cast %broadcast_in_dim3A_338 : vector<16xf32> to vector<1x16xf32>
      tpu.vector_store %arg10[%swap3A_339, %swap3A_340], %swap3A_343 {strides = array<i32>} : memref<128x128xf32, #tpu.memory_space<vmem>>, vector<1x16xf32>,
      %broadcast_in_dim3A_344 = arith.constant 0.000000e+00 : f32
      %broadcast_in_dim3A_345 = vector.broadcast %broadcast_in_dim3A_344 : f32 to vector<16xf32>
      %swap3A_346 = arith.index_cast %scan3A_331 : i32 to index
      %swap3A_347 = arith.constant 32 : index
      %swap3A_348 = tpu.vector_load %arg10[%swap3A_346, %swap3A_347] {strides = array<i32>} : memref<128x128xf32, #tpu.memory_space<vmem>>, vector<1x16xf32>,
      %swap3A_349 = vector.shape_cast %swap3A_348 : vector<1x16xf32> to vector<16xf32>
      %swap3A_350 = vector.shape_cast %broadcast_in_dim3A_345 : vector<16xf32> to vector<1x16xf32>
      tpu.vector_store %arg10[%swap3A_346, %swap3A_347], %swap3A_350 {strides = array<i32>} : memref<128x128xf32, #tpu.memory_space<vmem>>, vector<1x16xf32>,
      %broadcast_in_dim3A_351 = arith.constant 0.000000e+00 : f32
      %broadcast_in_dim3A_352 = vector.broadcast %broadcast_in_dim3A_351 : f32 to vector<16xf32>
      %swap3A_353 = arith.index_cast %scan3A_331 : i32 to index
      %swap3A_354 = arith.constant 48 : index
      %swap3A_355 = tpu.vector_load %arg10[%swap3A_353, %swap3A_354] {strides = array<i32>} : memref<128x128xf32, #tpu.memory_space<vmem>>, vector<1x16xf32>,
      %swap3A_356 = vector.shape_cast %swap3A_355 : vector<1x16xf32> to vector<16xf32>
      %swap3A_357 = vector.shape_cast %broadcast_in_dim3A_352 : vector<16xf32> to vector<1x16xf32>
      tpu.vector_store %arg10[%swap3A_353, %swap3A_354], %swap3A_357 {strides = array<i32>} : memref<128x128xf32, #tpu.memory_space<vmem>>, vector<1x16xf32>,
      %broadcast_in_dim3A_358 = arith.constant 0.000000e+00 : f32
      %broadcast_in_dim3A_359 = vector.broadcast %broadcast_in_dim3A_358 : f32 to vector<16xf32>
      %swap3A_360 = arith.index_cast %scan3A_331 : i32 to index
      %swap3A_361 = arith.constant 64 : index
      %swap3A_362 = tpu.vector_load %arg10[%swap3A_360, %swap3A_361] {strides = array<i32>} : memref<128x128xf32, #tpu.memory_space<vmem>>, vector<1x16xf32>,
      %swap3A_363 = vector.shape_cast %swap3A_362 : vector<1x16xf32> to vector<16xf32>
      %swap3A_364 = vector.shape_cast %broadcast_in_dim3A_359 : vector<16xf32> to vector<1x16xf32>
      tpu.vector_store %arg10[%swap3A_360, %swap3A_361], %swap3A_364 {strides = array<i32>} : memref<128x128xf32, #tpu.memory_space<vmem>>, vector<1x16xf32>,
      %broadcast_in_dim3A_365 = arith.constant 0.000000e+00 : f32
      %broadcast_in_dim3A_366 = vector.broadcast %broadcast_in_dim3A_365 : f32 to vector<16xf32>
      %swap3A_367 = arith.index_cast %scan3A_331 : i32 to index
      %swap3A_368 = arith.constant 80 : index
      %swap3A_369 = tpu.vector_load %arg10[%swap3A_367, %swap3A_368] {strides = array<i32>} : memref<128x128xf32, #tpu.memory_space<vmem>>, vector<1x16xf32>,
      %swap3A_370 = vector.shape_cast %swap3A_369 : vector<1x16xf32> to vector<16xf32>
      %swap3A_371 = vector.shape_cast %broadcast_in_dim3A_366 : vector<16xf32> to vector<1x16xf32>
      tpu.vector_store %arg10[%swap3A_367, %swap3A_368], %swap3A_371 {strides = array<i32>} : memref<128x128xf32, #tpu.memory_space<vmem>>, vector<1x16xf32>,
      %broadcast_in_dim3A_372 = arith.constant 0.000000e+00 : f32
      %broadcast_in_dim3A_373 = vector.broadcast %broadcast_in_dim3A_372 : f32 to vector<16xf32>
      %swap3A_374 = arith.index_cast %scan3A_331 : i32 to index
      %swap3A_375 = arith.constant 96 : index
      %swap3A_376 = tpu.vector_load %arg10[%swap3A_374, %swap3A_375] {strides = array<i32>} : memref<128x128xf32, #tpu.memory_space<vmem>>, vector<1x16xf32>,
      %swap3A_377 = vector.shape_cast %swap3A_376 : vector<1x16xf32> to vector<16xf32>
      %swap3A_378 = vector.shape_cast %broadcast_in_dim3A_373 : vector<16xf32> to vector<1x16xf32>
      tpu.vector_store %arg10[%swap3A_374, %swap3A_375], %swap3A_378 {strides = array<i32>} : memref<128x128xf32, #tpu.memory_space<vmem>>, vector<1x16xf32>,
      %broadcast_in_dim3A_379 = arith.constant 0.000000e+00 : f32
      %broadcast_in_dim3A_380 = vector.broadcast %broadcast_in_dim3A_379 : f32 to vector<16xf32>
      %swap3A_381 = arith.index_cast %scan3A_331 : i32 to index
      %swap3A_382 = arith.constant 112 : index
      %swap3A_383 = tpu.vector_load %arg10[%swap3A_381, %swap3A_382] {strides = array<i32>} : memref<128x128xf32, #tpu.memory_space<vmem>>, vector<1x16xf32>,
      %swap3A_384 = vector.shape_cast %swap3A_383 : vector<1x16xf32> to vector<16xf32>
      %swap3A_385 = vector.shape_cast %broadcast_in_dim3A_380 : vector<16xf32> to vector<1x16xf32>
      tpu.vector_store %arg10[%swap3A_381, %swap3A_382], %swap3A_385 {strides = array<i32>} : memref<128x128xf32, #tpu.memory_space<vmem>>, vector<1x16xf32>,
    }
    %scan3A_20 = arith.constant 128 : i32
    %mul3A_21 = arith.constant 624 : i32
    %mul3A_22 = arith.muli %arg1, %mul3A_21 : i32
    %add3A_23 = arith.constant 0 : i32
    %add3A_24 = arith.addi %mul3A_22, %add3A_23 : i32
    %dma_start3A_25 = arith.constant 0 : i32
    %dma_start3A_26 = tpu.memref_slice %arg14[%add3A_24, %dma_start3A_25] : memref<10000x128xf32, #tpu.memory_space<vmem_shared>> -> memref<128x128xf32, #tpu.memory_space<vmem_shared>>
    %dma_start3A_27 = arith.constant 0 : i32
    %dma_start3A_28 = tpu.memref_slice %arg14[%add3A_24, %dma_start3A_27] : memref<10000x128xf32, #tpu.memory_space<vmem_shared>> -> memref<128x128xf32, #tpu.memory_space<vmem_shared>>
    tpu.enqueue_dma source(%arg10 : memref<128x128xf32, #tpu.memory_space<vmem>>) target(%dma_start3A_28 : memref<128x128xf32, #tpu.memory_space<vmem_shared>>) target_semaphore(%arg15 : memref<!tpu.dma_semaphore, #tpu.memory_space<semaphore_mem>>)
    %mul3A_29 = arith.constant 624 : i32
    %mul3A_30 = arith.muli %arg1, %mul3A_29 : i32
    %add3A_31 = arith.constant 128 : i32
    %add3A_32 = arith.addi %mul3A_30, %add3A_31 : i32
    %dma_start3A_33 = arith.constant 0 : i32
    %dma_start3A_34 = tpu.memref_slice %arg14[%add3A_32, %dma_start3A_33] : memref<10000x128xf32, #tpu.memory_space<vmem_shared>> -> memref<128x128xf32, #tpu.memory_space<vmem_shared>>
    %dma_start3A_35 = arith.constant 0 : i32
    %dma_start3A_36 = tpu.memref_slice %arg14[%add3A_32, %dma_start3A_35] : memref<10000x128xf32, #tpu.memory_space<vmem_shared>> -> memref<128x128xf32, #tpu.memory_space<vmem_shared>>
    tpu.enqueue_dma source(%arg10 : memref<128x128xf32, #tpu.memory_space<vmem>>) target(%dma_start3A_36 : memref<128x128xf32, #tpu.memory_space<vmem_shared>>) target_semaphore(%arg16 : memref<!tpu.dma_semaphore, #tpu.memory_space<semaphore_mem>>)
    %mul3A_37 = arith.constant 624 : i32
    %mul3A_38 = arith.muli %arg1, %mul3A_37 : i32
    %add3A_39 = arith.constant 256 : i32
    %add3A_40 = arith.addi %mul3A_38, %add3A_39 : i32
    %dma_start3A_41 = arith.constant 0 : i32
    %dma_start3A_42 = tpu.memref_slice %arg14[%add3A_40, %dma_start3A_41] : memref<10000x128xf32, #tpu.memory_space<vmem_shared>> -> memref<128x128xf32, #tpu.memory_space<vmem_shared>>
    %dma_start3A_43 = arith.constant 0 : i32
    %dma_start3A_44 = tpu.memref_slice %arg14[%add3A_40, %dma_start3A_43] : memref<10000x128xf32, #tpu.memory_space<vmem_shared>> -> memref<128x128xf32, #tpu.memory_space<vmem_shared>>
    tpu.enqueue_dma source(%arg10 : memref<128x128xf32, #tpu.memory_space<vmem>>) target(%dma_start3A_44 : memref<128x128xf32, #tpu.memory_space<vmem_shared>>) target_semaphore(%arg15 : memref<!tpu.dma_semaphore, #tpu.memory_space<semaphore_mem>>)
    %mul3A_45 = arith.constant 624 : i32
    %mul3A_46 = arith.muli %arg1, %mul3A_45 : i32
    %add3A_47 = arith.constant 384 : i32
    %add3A_48 = arith.addi %mul3A_46, %add3A_47 : i32
    %dma_start3A_49 = arith.constant 0 : i32
    %dma_start3A_50 = tpu.memref_slice %arg14[%add3A_48, %dma_start3A_49] : memref<10000x128xf32, #tpu.memory_space<vmem_shared>> -> memref<128x128xf32, #tpu.memory_space<vmem_shared>>
    %dma_start3A_51 = arith.constant 0 : i32
    %dma_start3A_52 = tpu.memref_slice %arg14[%add3A_48, %dma_start3A_51] : memref<10000x128xf32, #tpu.memory_space<vmem_shared>> -> memref<128x128xf32, #tpu.memory_space<vmem_shared>>
    tpu.enqueue_dma source(%arg10 : memref<128x128xf32, #tpu.memory_space<vmem>>) target(%dma_start3A_52 : memref<128x128xf32, #tpu.memory_space<vmem_shared>>) target_semaphore(%arg16 : memref<!tpu.dma_semaphore, #tpu.memory_space<semaphore_mem>>)
    %mul3A_53 = arith.constant 624 : i32
    %mul3A_54 = arith.muli %arg1, %mul3A_53 : i32
    %add3A_55 = arith.constant 512 : i32
    %add3A_56 = arith.addi %mul3A_54, %add3A_55 : i32
    %dma_start3A_57 = arith.constant 0 : i32
    %dma_start3A_58 = tpu.memref_slice %arg14[%add3A_56, %dma_start3A_57] : memref<10000x128xf32, #tpu.memory_space<vmem_shared>> -> memref<128x128xf32, #tpu.memory_space<vmem_shared>>
    %dma_start3A_59 = arith.constant 0 : i32
    %dma_start3A_60 = tpu.memref_slice %arg14[%add3A_56, %dma_start3A_59] : memref<10000x128xf32, #tpu.memory_space<vmem_shared>> -> memref<128x128xf32, #tpu.memory_space<vmem_shared>>
    tpu.enqueue_dma source(%arg10 : memref<128x128xf32, #tpu.memory_space<vmem>>) target(%dma_start3A_60 : memref<128x128xf32, #tpu.memory_space<vmem_shared>>) target_semaphore(%arg15 : memref<!tpu.dma_semaphore, #tpu.memory_space<semaphore_mem>>)
    %dma_wait3A = arith.constant 0 : i32
    %dma_wait3A_61 = tpu.memref_slice %arg14[%add3A_24, %dma_wait3A] : memref<10000x128xf32, #tpu.memory_space<vmem_shared>> -> memref<128x128xf32, #tpu.memory_space<vmem_shared>>
    %dma_wait3A_62 = arith.constant 0 : i32
    %dma_wait3A_63 = tpu.memref_slice %arg14[%add3A_24, %dma_wait3A_62] : memref<10000x128xf32, #tpu.memory_space<vmem_shared>> -> memref<128x128xf32, #tpu.memory_space<vmem_shared>>
    tpu.wait_dma2 semaphore(%arg15 : memref<!tpu.dma_semaphore, #tpu.memory_space<semaphore_mem>>) src(%arg10 : memref<128x128xf32, #tpu.memory_space<vmem>>) dst(%dma_wait3A_63 : memref<128x128xf32, #tpu.memory_space<vmem_shared>>)
    %dma_wait3A_64 = arith.constant 0 : i32
    %dma_wait3A_65 = tpu.memref_slice %arg14[%add3A_32, %dma_wait3A_64] : memref<10000x128xf32, #tpu.memory_space<vmem_shared>> -> memref<128x128xf32, #tpu.memory_space<vmem_shared>>
    %dma_wait3A_66 = arith.constant 0 : i32
    %dma_wait3A_67 = tpu.memref_slice %arg14[%add3A_32, %dma_wait3A_66] : memref<10000x128xf32, #tpu.memory_space<vmem_shared>> -> memref<128x128xf32, #tpu.memory_space<vmem_shared>>
    tpu.wait_dma2 semaphore(%arg16 : memref<!tpu.dma_semaphore, #tpu.memory_space<semaphore_mem>>) src(%arg10 : memref<128x128xf32, #tpu.memory_space<vmem>>) dst(%dma_wait3A_67 : memref<128x128xf32, #tpu.memory_space<vmem_shared>>)
    %dma_wait3A_68 = arith.constant 0 : i32
    %dma_wait3A_69 = tpu.memref_slice %arg14[%add3A_40, %dma_wait3A_68] : memref<10000x128xf32, #tpu.memory_space<vmem_shared>> -> memref<128x128xf32, #tpu.memory_space<vmem_shared>>
    %dma_wait3A_70 = arith.constant 0 : i32
    %dma_wait3A_71 = tpu.memref_slice %arg14[%add3A_40, %dma_wait3A_70] : memref<10000x128xf32, #tpu.memory_space<vmem_shared>> -> memref<128x128xf32, #tpu.memory_space<vmem_shared>>
    tpu.wait_dma2 semaphore(%arg15 : memref<!tpu.dma_semaphore, #tpu.memory_space<semaphore_mem>>) src(%arg10 : memref<128x128xf32, #tpu.memory_space<vmem>>) dst(%dma_wait3A_71 : memref<128x128xf32, #tpu.memory_space<vmem_shared>>)
    %dma_wait3A_72 = arith.constant 0 : i32
    %dma_wait3A_73 = tpu.memref_slice %arg14[%add3A_48, %dma_wait3A_72] : memref<10000x128xf32, #tpu.memory_space<vmem_shared>> -> memref<128x128xf32, #tpu.memory_space<vmem_shared>>
    %dma_wait3A_74 = arith.constant 0 : i32
    %dma_wait3A_75 = tpu.memref_slice %arg14[%add3A_48, %dma_wait3A_74] : memref<10000x128xf32, #tpu.memory_space<vmem_shared>> -> memref<128x128xf32, #tpu.memory_space<vmem_shared>>
    tpu.wait_dma2 semaphore(%arg16 : memref<!tpu.dma_semaphore, #tpu.memory_space<semaphore_mem>>) src(%arg10 : memref<128x128xf32, #tpu.memory_space<vmem>>) dst(%dma_wait3A_75 : memref<128x128xf32, #tpu.memory_space<vmem_shared>>)
    %dma_wait3A_76 = arith.constant 0 : i32
    %dma_wait3A_77 = tpu.memref_slice %arg14[%add3A_56, %dma_wait3A_76] : memref<10000x128xf32, #tpu.memory_space<vmem_shared>> -> memref<128x128xf32, #tpu.memory_space<vmem_shared>>
    %dma_wait3A_78 = arith.constant 0 : i32
    %dma_wait3A_79 = tpu.memref_slice %arg14[%add3A_56, %dma_wait3A_78] : memref<10000x128xf32, #tpu.memory_space<vmem_shared>> -> memref<128x128xf32, #tpu.memory_space<vmem_shared>>
    tpu.wait_dma2 semaphore(%arg15 : memref<!tpu.dma_semaphore, #tpu.memory_space<semaphore_mem>>) src(%arg10 : memref<128x128xf32, #tpu.memory_space<vmem>>) dst(%dma_wait3A_79 : memref<128x128xf32, #tpu.memory_space<vmem_shared>>)
    %barrier3A = arith.constant 0 : index
    tpu.barrier barrier_id(%barrier3A)
    %dma_wait3A_80 = arith.constant 0 : i32
    %dma_wait3A_81 = arith.constant 0 : i32
    %dma_wait3A_82 = tpu.memref_slice %arg3[%add3A, %dma_wait3A_80, %dma_wait3A_81] : memref<32x78x128xi32, #tpu.memory_space<hbm>> -> memref<1x40x128xi32, #tpu.memory_space<hbm>>
    %dma_wait3A_83 = tpu.memref_squeeze %dma_wait3A_82 : memref<1x40x128xi32, #tpu.memory_space<hbm>> -> memref<40x128xi32, #tpu.memory_space<hbm>>
    %dma_wait3A_84 = arith.constant 0 : i32
    %dma_wait3A_85 = arith.constant 0 : i32
    %dma_wait3A_86 = tpu.memref_slice %arg3[%add3A, %dma_wait3A_84, %dma_wait3A_85] : memref<32x78x128xi32, #tpu.memory_space<hbm>> -> memref<1x40x128xi32, #tpu.memory_space<hbm>>
    %dma_wait3A_87 = tpu.memref_squeeze %dma_wait3A_86 : memref<1x40x128xi32, #tpu.memory_space<hbm>> -> memref<40x128xi32, #tpu.memory_space<hbm>>
    tpu.wait_dma2 semaphore(%arg21 : memref<!tpu.dma_semaphore, #tpu.memory_space<semaphore_mem>>) src(%dma_wait3A_87 : memref<40x128xi32, #tpu.memory_space<hbm>>) dst(%arg8 : memref<40x128xi32, #tpu.memory_space<vmem>>)
    %dma_wait3A_88 = arith.constant 0 : i32
    %dma_wait3A_89 = arith.constant 0 : i32
    %dma_wait3A_90 = tpu.memref_slice %arg4[%add3A, %dma_wait3A_88, %dma_wait3A_89] : memref<32x78x128xi32, #tpu.memory_space<hbm>> -> memref<1x40x128xi32, #tpu.memory_space<hbm>>
    %dma_wait3A_91 = tpu.memref_squeeze %dma_wait3A_90 : memref<1x40x128xi32, #tpu.memory_space<hbm>> -> memref<40x128xi32, #tpu.memory_space<hbm>>
    %dma_wait3A_92 = arith.constant 0 : i32
    %dma_wait3A_93 = arith.constant 0 : i32
    %dma_wait3A_94 = tpu.memref_slice %arg4[%add3A, %dma_wait3A_92, %dma_wait3A_93] : memref<32x78x128xi32, #tpu.memory_space<hbm>> -> memref<1x40x128xi32, #tpu.memory_space<hbm>>
    %dma_wait3A_95 = tpu.memref_squeeze %dma_wait3A_94 : memref<1x40x128xi32, #tpu.memory_space<hbm>> -> memref<40x128xi32, #tpu.memory_space<hbm>>
    tpu.wait_dma2 semaphore(%arg21 : memref<!tpu.dma_semaphore, #tpu.memory_space<semaphore_mem>>) src(%dma_wait3A_95 : memref<40x128xi32, #tpu.memory_space<hbm>>) dst(%arg9 : memref<40x128xi32, #tpu.memory_space<vmem>>)
    %dma_start3A_96 = arith.constant 0 : i32
    %dma_start3A_97 = arith.constant 0 : i32
    %dma_start3A_98 = arith.constant 0 : i32
    %dma_start3A_99 = tpu.memref_slice %arg10[%dma_start3A_97, %dma_start3A_98] : memref<128x128xf32, #tpu.memory_space<vmem>> -> memref<64x128xf32, #tpu.memory_space<vmem>>
    %dma_start3A_100 = arith.constant 0 : i32
    %dma_start3A_101 = tpu.memref_slice %arg8[%dma_start3A_96, %dma_start3A_100] : memref<40x128xi32, #tpu.memory_space<vmem>> -> memref<1x64xi32, #tpu.memory_space<vmem>>
    %dma_start3A_102 = tpu.memref_squeeze %dma_start3A_101 : memref<1x64xi32, #tpu.memory_space<vmem>> -> memref<64xi32, #tpu.memory_space<vmem>>
    %dma_start3A_103 = arith.constant 0 : i32
    %dma_start3A_104 = arith.constant 0 : i32
    %dma_start3A_105 = tpu.memref_slice %arg2[%dma_start3A_103, %dma_start3A_104] : memref<10000x128xf32, #tpu.memory_space<hbm>> -> memref<10000x128xf32, #tpu.memory_space<hbm>>
    tpu.enqueue_indirect_dma source(%dma_start3A_105 : memref<10000x128xf32, #tpu.memory_space<hbm>>) target(%dma_start3A_99 : memref<64x128xf32, #tpu.memory_space<vmem>>) offsets(%dma_start3A_102 : memref<64xi32, #tpu.memory_space<vmem>>) semaphore(%arg15 : memref<!tpu.dma_semaphore, #tpu.memory_space<semaphore_mem>>)
    %dma_start3A_106 = arith.constant 0 : i32
    %dma_start3A_107 = arith.constant 64 : i32
    %dma_start3A_108 = arith.constant 0 : i32
    %dma_start3A_109 = tpu.memref_slice %arg10[%dma_start3A_107, %dma_start3A_108] : memref<128x128xf32, #tpu.memory_space<vmem>> -> memref<64x128xf32, #tpu.memory_space<vmem>>
    %dma_start3A_110 = arith.constant 64 : i32
    %dma_start3A_111 = tpu.memref_slice %arg8[%dma_start3A_106, %dma_start3A_110] : memref<40x128xi32, #tpu.memory_space<vmem>> -> memref<1x64xi32, #tpu.memory_space<vmem>>
    %dma_start3A_112 = tpu.memref_squeeze %dma_start3A_111 : memref<1x64xi32, #tpu.memory_space<vmem>> -> memref<64xi32, #tpu.memory_space<vmem>>
    %dma_start3A_113 = arith.constant 0 : i32
    %dma_start3A_114 = arith.constant 0 : i32
    %dma_start3A_115 = tpu.memref_slice %arg2[%dma_start3A_113, %dma_start3A_114] : memref<10000x128xf32, #tpu.memory_space<hbm>> -> memref<10000x128xf32, #tpu.memory_space<hbm>>
    tpu.enqueue_indirect_dma source(%dma_start3A_115 : memref<10000x128xf32, #tpu.memory_space<hbm>>) target(%dma_start3A_109 : memref<64x128xf32, #tpu.memory_space<vmem>>) offsets(%dma_start3A_112 : memref<64xi32, #tpu.memory_space<vmem>>) semaphore(%arg17 : memref<!tpu.dma_semaphore, #tpu.memory_space<semaphore_mem>>)
    %dma_wait3A_116 = arith.constant 0 : i32
    %dma_wait3A_117 = arith.constant 0 : i32
    %dma_wait3A_118 = arith.constant 0 : i32
    %dma_wait3A_119 = tpu.memref_slice %arg10[%dma_wait3A_117, %dma_wait3A_118] : memref<128x128xf32, #tpu.memory_space<vmem>> -> memref<64x128xf32, #tpu.memory_space<vmem>>
    %dma_wait3A_120 = arith.constant 0 : i32
    %dma_wait3A_121 = tpu.memref_slice %arg8[%dma_wait3A_116, %dma_wait3A_120] : memref<40x128xi32, #tpu.memory_space<vmem>> -> memref<1x64xi32, #tpu.memory_space<vmem>>
    %dma_wait3A_122 = tpu.memref_squeeze %dma_wait3A_121 : memref<1x64xi32, #tpu.memory_space<vmem>> -> memref<64xi32, #tpu.memory_space<vmem>>
    %dma_wait3A_123 = arith.constant 0 : i32
    %dma_wait3A_124 = arith.constant 0 : i32
    %dma_wait3A_125 = tpu.memref_slice %arg2[%dma_wait3A_123, %dma_wait3A_124] : memref<10000x128xf32, #tpu.memory_space<hbm>> -> memref<10000x128xf32, #tpu.memory_space<hbm>>
    tpu.wait_indirect_dma semaphore(%arg15 : memref<!tpu.dma_semaphore, #tpu.memory_space<semaphore_mem>>) src(%dma_wait3A_125 : memref<10000x128xf32, #tpu.memory_space<hbm>>) dst(%dma_wait3A_119 : memref<64x128xf32, #tpu.memory_space<vmem>>)
    %dma_wait3A_126 = arith.constant 0 : i32
    %dma_wait3A_127 = arith.constant 64 : i32
    %dma_wait3A_128 = arith.constant 0 : i32
    %dma_wait3A_129 = tpu.memref_slice %arg10[%dma_wait3A_127, %dma_wait3A_128] : memref<128x128xf32, #tpu.memory_space<vmem>> -> memref<64x128xf32, #tpu.memory_space<vmem>>
    %dma_wait3A_130 = arith.constant 64 : i32
    %dma_wait3A_131 = tpu.memref_slice %arg8[%dma_wait3A_126, %dma_wait3A_130] : memref<40x128xi32, #tpu.memory_space<vmem>> -> memref<1x64xi32, #tpu.memory_space<vmem>>
    %dma_wait3A_132 = tpu.memref_squeeze %dma_wait3A_131 : memref<1x64xi32, #tpu.memory_space<vmem>> -> memref<64xi32, #tpu.memory_space<vmem>>
    %dma_wait3A_133 = arith.constant 0 : i32
    %dma_wait3A_134 = arith.constant 0 : i32
    %dma_wait3A_135 = tpu.memref_slice %arg2[%dma_wait3A_133, %dma_wait3A_134] : memref<10000x128xf32, #tpu.memory_space<hbm>> -> memref<10000x128xf32, #tpu.memory_space<hbm>>
    tpu.wait_indirect_dma semaphore(%arg17 : memref<!tpu.dma_semaphore, #tpu.memory_space<semaphore_mem>>) src(%dma_wait3A_135 : memref<10000x128xf32, #tpu.memory_space<hbm>>) dst(%dma_wait3A_129 : memref<64x128xf32, #tpu.memory_space<vmem>>)
    %dma_start3A_136 = arith.constant 0 : i32
    %dma_start3A_137 = arith.constant 0 : i32
    %dma_start3A_138 = tpu.memref_slice %arg9[%dma_start3A_136, %dma_start3A_137] : memref<40x128xi32, #tpu.memory_space<vmem>> -> memref<1x128xi32, #tpu.memory_space<vmem>>
    %dma_start3A_139 = tpu.memref_squeeze %dma_start3A_138 : memref<1x128xi32, #tpu.memory_space<vmem>> -> memref<128xi32, #tpu.memory_space<vmem>>
    %dma_start3A_140 = arith.constant 0 : i32
    %dma_start3A_141 = arith.constant 0 : i32
    %dma_start3A_142 = tpu.memref_slice %arg14[%dma_start3A_140, %dma_start3A_141] : memref<10000x128xf32, #tpu.memory_space<vmem_shared>> -> memref<10000x128xf32, #tpu.memory_space<vmem_shared>>
    tpu.enqueue_indirect_dma source(%arg10 : memref<128x128xf32, #tpu.memory_space<vmem>>) target(%dma_start3A_142 : memref<10000x128xf32, #tpu.memory_space<vmem_shared>>) offsets(%dma_start3A_139 : memref<128xi32, #tpu.memory_space<vmem>>) semaphore(%arg19 : memref<!tpu.dma_semaphore, #tpu.memory_space<semaphore_mem>>) {add = true}
    %dma_start3A_143 = arith.constant 1 : i32
    %dma_start3A_144 = arith.constant 0 : i32
    %dma_start3A_145 = arith.constant 0 : i32
    %dma_start3A_146 = tpu.memref_slice %arg11[%dma_start3A_144, %dma_start3A_145] : memref<128x128xf32, #tpu.memory_space<vmem>> -> memref<64x128xf32, #tpu.memory_space<vmem>>
    %dma_start3A_147 = arith.constant 0 : i32
    %dma_start3A_148 = tpu.memref_slice %arg8[%dma_start3A_143, %dma_start3A_147] : memref<40x128xi32, #tpu.memory_space<vmem>> -> memref<1x64xi32, #tpu.memory_space<vmem>>
    %dma_start3A_149 = tpu.memref_squeeze %dma_start3A_148 : memref<1x64xi32, #tpu.memory_space<vmem>> -> memref<64xi32, #tpu.memory_space<vmem>>
    %dma_start3A_150 = arith.constant 0 : i32
    %dma_start3A_151 = arith.constant 0 : i32
    %dma_start3A_152 = tpu.memref_slice %arg2[%dma_start3A_150, %dma_start3A_151] : memref<10000x128xf32, #tpu.memory_space<hbm>> -> memref<10000x128xf32, #tpu.memory_space<hbm>>
    tpu.enqueue_indirect_dma source(%dma_start3A_152 : memref<10000x128xf32, #tpu.memory_space<hbm>>) target(%dma_start3A_146 : memref<64x128xf32, #tpu.memory_space<vmem>>) offsets(%dma_start3A_149 : memref<64xi32, #tpu.memory_space<vmem>>) semaphore(%arg16 : memref<!tpu.dma_semaphore, #tpu.memory_space<semaphore_mem>>)
    %dma_start3A_153 = arith.constant 1 : i32
    %dma_start3A_154 = arith.constant 64 : i32
    %dma_start3A_155 = arith.constant 0 : i32
    %dma_start3A_156 = tpu.memref_slice %arg11[%dma_start3A_154, %dma_start3A_155] : memref<128x128xf32, #tpu.memory_space<vmem>> -> memref<64x128xf32, #tpu.memory_space<vmem>>
    %dma_start3A_157 = arith.constant 64 : i32
    %dma_start3A_158 = tpu.memref_slice %arg8[%dma_start3A_153, %dma_start3A_157] : memref<40x128xi32, #tpu.memory_space<vmem>> -> memref<1x64xi32, #tpu.memory_space<vmem>>
    %dma_start3A_159 = tpu.memref_squeeze %dma_start3A_158 : memref<1x64xi32, #tpu.memory_space<vmem>> -> memref<64xi32, #tpu.memory_space<vmem>>
    %dma_start3A_160 = arith.constant 0 : i32
    %dma_start3A_161 = arith.constant 0 : i32
    %dma_start3A_162 = tpu.memref_slice %arg2[%dma_start3A_160, %dma_start3A_161] : memref<10000x128xf32, #tpu.memory_space<hbm>> -> memref<10000x128xf32, #tpu.memory_space<hbm>>
    tpu.enqueue_indirect_dma source(%dma_start3A_162 : memref<10000x128xf32, #tpu.memory_space<hbm>>) target(%dma_start3A_156 : memref<64x128xf32, #tpu.memory_space<vmem>>) offsets(%dma_start3A_159 : memref<64xi32, #tpu.memory_space<vmem>>) semaphore(%arg18 : memref<!tpu.dma_semaphore, #tpu.memory_space<semaphore_mem>>)
    %scan3A_163 = arith.constant 0 : i32
    %scan3A_164 = arith.constant 0 : i32
    %scan3A_165 = arith.constant 19 : i32
    %scan3A_166 = arith.addi %scan3A_164, %scan3A_165 : i32
    %scan3A_167 = arith.constant 1 : i32
    scf.for %scan3A_331 = %scan3A_164 to %scan3A_166 step %scan3A_167  : i32 {
      %mul3A_332 = arith.constant 2 : i32
      %mul3A_333 = arith.muli %mul3A_332, %scan3A_331 : i32
      %add3A_334 = arith.constant 1 : i32
      %add3A_335 = arith.addi %mul3A_333, %add3A_334 : i32
      %dma_wait3A_336 = arith.constant 0 : i32
      %dma_wait3A_337 = arith.constant 0 : i32
      %dma_wait3A_338 = arith.constant 0 : i32
      %dma_wait3A_339 = tpu.memref_slice %arg11[%dma_wait3A_337, %dma_wait3A_338] : memref<128x128xf32, #tpu.memory_space<vmem>> -> memref<64x128xf32, #tpu.memory_space<vmem>>
      %dma_wait3A_340 = arith.constant 0 : i32
      %dma_wait3A_341 = tpu.memref_slice %arg8[%dma_wait3A_336, %dma_wait3A_340] : memref<40x128xi32, #tpu.memory_space<vmem>> -> memref<1x64xi32, #tpu.memory_space<vmem>>
      %dma_wait3A_342 = tpu.memref_squeeze %dma_wait3A_341 : memref<1x64xi32, #tpu.memory_space<vmem>> -> memref<64xi32, #tpu.memory_space<vmem>>
      %dma_wait3A_343 = arith.constant 0 : i32
      %dma_wait3A_344 = arith.constant 0 : i32
      %dma_wait3A_345 = tpu.memref_slice %arg2[%dma_wait3A_343, %dma_wait3A_344] : memref<10000x128xf32, #tpu.memory_space<hbm>> -> memref<10000x128xf32, #tpu.memory_space<hbm>>
      tpu.wait_indirect_dma semaphore(%arg16 : memref<!tpu.dma_semaphore, #tpu.memory_space<semaphore_mem>>) src(%dma_wait3A_345 : memref<10000x128xf32, #tpu.memory_space<hbm>>) dst(%dma_wait3A_339 : memref<64x128xf32, #tpu.memory_space<vmem>>)
      %dma_wait3A_346 = arith.constant 0 : i32
      %dma_wait3A_347 = arith.constant 64 : i32
      %dma_wait3A_348 = arith.constant 0 : i32
      %dma_wait3A_349 = tpu.memref_slice %arg11[%dma_wait3A_347, %dma_wait3A_348] : memref<128x128xf32, #tpu.memory_space<vmem>> -> memref<64x128xf32, #tpu.memory_space<vmem>>
      %dma_wait3A_350 = arith.constant 64 : i32
      %dma_wait3A_351 = tpu.memref_slice %arg8[%dma_wait3A_346, %dma_wait3A_350] : memref<40x128xi32, #tpu.memory_space<vmem>> -> memref<1x64xi32, #tpu.memory_space<vmem>>
      %dma_wait3A_352 = tpu.memref_squeeze %dma_wait3A_351 : memref<1x64xi32, #tpu.memory_space<vmem>> -> memref<64xi32, #tpu.memory_space<vmem>>
      %dma_wait3A_353 = arith.constant 0 : i32
      %dma_wait3A_354 = arith.constant 0 : i32
      %dma_wait3A_355 = tpu.memref_slice %arg2[%dma_wait3A_353, %dma_wait3A_354] : memref<10000x128xf32, #tpu.memory_space<hbm>> -> memref<10000x128xf32, #tpu.memory_space<hbm>>
      tpu.wait_indirect_dma semaphore(%arg18 : memref<!tpu.dma_semaphore, #tpu.memory_space<semaphore_mem>>) src(%dma_wait3A_355 : memref<10000x128xf32, #tpu.memory_space<hbm>>) dst(%dma_wait3A_349 : memref<64x128xf32, #tpu.memory_space<vmem>>)
      %dma_start3A_356 = arith.constant 0 : i32
      %dma_start3A_357 = tpu.memref_slice %arg9[%add3A_335, %dma_start3A_356] : memref<40x128xi32, #tpu.memory_space<vmem>> -> memref<1x128xi32, #tpu.memory_space<vmem>>
      %dma_start3A_358 = tpu.memref_squeeze %dma_start3A_357 : memref<1x128xi32, #tpu.memory_space<vmem>> -> memref<128xi32, #tpu.memory_space<vmem>>
      %dma_start3A_359 = arith.constant 0 : i32
      %dma_start3A_360 = arith.constant 0 : i32
      %dma_start3A_361 = tpu.memref_slice %arg14[%dma_start3A_359, %dma_start3A_360] : memref<10000x128xf32, #tpu.memory_space<vmem_shared>> -> memref<10000x128xf32, #tpu.memory_space<vmem_shared>>
      tpu.enqueue_indirect_dma source(%arg11 : memref<128x128xf32, #tpu.memory_space<vmem>>) target(%dma_start3A_361 : memref<10000x128xf32, #tpu.memory_space<vmem_shared>>) offsets(%dma_start3A_358 : memref<128xi32, #tpu.memory_space<vmem>>) semaphore(%arg20 : memref<!tpu.dma_semaphore, #tpu.memory_space<semaphore_mem>>) {add = true}
      %dma_wait3A_362 = arith.constant 0 : i32
      %dma_wait3A_363 = arith.constant 0 : i32
      %dma_wait3A_364 = tpu.memref_slice %arg9[%dma_wait3A_362, %dma_wait3A_363] : memref<40x128xi32, #tpu.memory_space<vmem>> -> memref<1x128xi32, #tpu.memory_space<vmem>>
      %dma_wait3A_365 = tpu.memref_squeeze %dma_wait3A_364 : memref<1x128xi32, #tpu.memory_space<vmem>> -> memref<128xi32, #tpu.memory_space<vmem>>
      %dma_wait3A_366 = arith.constant 0 : i32
      %dma_wait3A_367 = arith.constant 0 : i32
      %dma_wait3A_368 = tpu.memref_slice %arg14[%dma_wait3A_366, %dma_wait3A_367] : memref<10000x128xf32, #tpu.memory_space<vmem_shared>> -> memref<10000x128xf32, #tpu.memory_space<vmem_shared>>
      tpu.wait_indirect_dma semaphore(%arg19 : memref<!tpu.dma_semaphore, #tpu.memory_space<semaphore_mem>>) src(%arg10 : memref<128x128xf32, #tpu.memory_space<vmem>>) dst(%dma_wait3A_368 : memref<10000x128xf32, #tpu.memory_space<vmem_shared>>)
      %add3A_369 = arith.constant 1 : i32
      %add3A_370 = arith.addi %add3A_335, %add3A_369 : i32
      %dma_start3A_371 = arith.constant 0 : i32
      %dma_start3A_372 = arith.constant 0 : i32
      %dma_start3A_373 = tpu.memref_slice %arg10[%dma_start3A_371, %dma_start3A_372] : memref<128x128xf32, #tpu.memory_space<vmem>> -> memref<64x128xf32, #tpu.memory_space<vmem>>
      %dma_start3A_374 = arith.constant 0 : i32
      %dma_start3A_375 = tpu.memref_slice %arg8[%add3A_370, %dma_start3A_374] : memref<40x128xi32, #tpu.memory_space<vmem>> -> memref<1x64xi32, #tpu.memory_space<vmem>>
      %dma_start3A_376 = tpu.memref_squeeze %dma_start3A_375 : memref<1x64xi32, #tpu.memory_space<vmem>> -> memref<64xi32, #tpu.memory_space<vmem>>
      %dma_start3A_377 = arith.constant 0 : i32
      %dma_start3A_378 = arith.constant 0 : i32
      %dma_start3A_379 = tpu.memref_slice %arg2[%dma_start3A_377, %dma_start3A_378] : memref<10000x128xf32, #tpu.memory_space<hbm>> -> memref<10000x128xf32, #tpu.memory_space<hbm>>
      tpu.enqueue_indirect_dma source(%dma_start3A_379 : memref<10000x128xf32, #tpu.memory_space<hbm>>) target(%dma_start3A_373 : memref<64x128xf32, #tpu.memory_space<vmem>>) offsets(%dma_start3A_376 : memref<64xi32, #tpu.memory_space<vmem>>) semaphore(%arg15 : memref<!tpu.dma_semaphore, #tpu.memory_space<semaphore_mem>>)
      %dma_start3A_380 = arith.constant 64 : i32
      %dma_start3A_381 = arith.constant 0 : i32
      %dma_start3A_382 = tpu.memref_slice %arg10[%dma_start3A_380, %dma_start3A_381] : memref<128x128xf32, #tpu.memory_space<vmem>> -> memref<64x128xf32, #tpu.memory_space<vmem>>
      %dma_start3A_383 = arith.constant 64 : i32
      %dma_start3A_384 = tpu.memref_slice %arg8[%add3A_370, %dma_start3A_383] : memref<40x128xi32, #tpu.memory_space<vmem>> -> memref<1x64xi32, #tpu.memory_space<vmem>>
      %dma_start3A_385 = tpu.memref_squeeze %dma_start3A_384 : memref<1x64xi32, #tpu.memory_space<vmem>> -> memref<64xi32, #tpu.memory_space<vmem>>
      %dma_start3A_386 = arith.constant 0 : i32
      %dma_start3A_387 = arith.constant 0 : i32
      %dma_start3A_388 = tpu.memref_slice %arg2[%dma_start3A_386, %dma_start3A_387] : memref<10000x128xf32, #tpu.memory_space<hbm>> -> memref<10000x128xf32, #tpu.memory_space<hbm>>
      tpu.enqueue_indirect_dma source(%dma_start3A_388 : memref<10000x128xf32, #tpu.memory_space<hbm>>) target(%dma_start3A_382 : memref<64x128xf32, #tpu.memory_space<vmem>>) offsets(%dma_start3A_385 : memref<64xi32, #tpu.memory_space<vmem>>) semaphore(%arg17 : memref<!tpu.dma_semaphore, #tpu.memory_space<semaphore_mem>>)
      %mul3A_389 = arith.constant 2 : i32
      %mul3A_390 = arith.muli %mul3A_389, %scan3A_331 : i32
      %add3A_391 = arith.constant 2 : i32
      %add3A_392 = arith.addi %mul3A_390, %add3A_391 : i32
      %dma_wait3A_393 = arith.constant 0 : i32
      %dma_wait3A_394 = arith.constant 0 : i32
      %dma_wait3A_395 = arith.constant 0 : i32
      %dma_wait3A_396 = tpu.memref_slice %arg10[%dma_wait3A_394, %dma_wait3A_395] : memref<128x128xf32, #tpu.memory_space<vmem>> -> memref<64x128xf32, #tpu.memory_space<vmem>>
      %dma_wait3A_397 = arith.constant 0 : i32
      %dma_wait3A_398 = tpu.memref_slice %arg8[%dma_wait3A_393, %dma_wait3A_397] : memref<40x128xi32, #tpu.memory_space<vmem>> -> memref<1x64xi32, #tpu.memory_space<vmem>>
      %dma_wait3A_399 = tpu.memref_squeeze %dma_wait3A_398 : memref<1x64xi32, #tpu.memory_space<vmem>> -> memref<64xi32, #tpu.memory_space<vmem>>
      %dma_wait3A_400 = arith.constant 0 : i32
      %dma_wait3A_401 = arith.constant 0 : i32
      %dma_wait3A_402 = tpu.memref_slice %arg2[%dma_wait3A_400, %dma_wait3A_401] : memref<10000x128xf32, #tpu.memory_space<hbm>> -> memref<10000x128xf32, #tpu.memory_space<hbm>>
      tpu.wait_indirect_dma semaphore(%arg15 : memref<!tpu.dma_semaphore, #tpu.memory_space<semaphore_mem>>) src(%dma_wait3A_402 : memref<10000x128xf32, #tpu.memory_space<hbm>>) dst(%dma_wait3A_396 : memref<64x128xf32, #tpu.memory_space<vmem>>)
      %dma_wait3A_403 = arith.constant 0 : i32
      %dma_wait3A_404 = arith.constant 64 : i32
      %dma_wait3A_405 = arith.constant 0 : i32
      %dma_wait3A_406 = tpu.memref_slice %arg10[%dma_wait3A_404, %dma_wait3A_405] : memref<128x128xf32, #tpu.memory_space<vmem>> -> memref<64x128xf32, #tpu.memory_space<vmem>>
      %dma_wait3A_407 = arith.constant 64 : i32
      %dma_wait3A_408 = tpu.memref_slice %arg8[%dma_wait3A_403, %dma_wait3A_407] : memref<40x128xi32, #tpu.memory_space<vmem>> -> memref<1x64xi32, #tpu.memory_space<vmem>>
      %dma_wait3A_409 = tpu.memref_squeeze %dma_wait3A_408 : memref<1x64xi32, #tpu.memory_space<vmem>> -> memref<64xi32, #tpu.memory_space<vmem>>
      %dma_wait3A_410 = arith.constant 0 : i32
      %dma_wait3A_411 = arith.constant 0 : i32
      %dma_wait3A_412 = tpu.memref_slice %arg2[%dma_wait3A_410, %dma_wait3A_411] : memref<10000x128xf32, #tpu.memory_space<hbm>> -> memref<10000x128xf32, #tpu.memory_space<hbm>>
      tpu.wait_indirect_dma semaphore(%arg17 : memref<!tpu.dma_semaphore, #tpu.memory_space<semaphore_mem>>) src(%dma_wait3A_412 : memref<10000x128xf32, #tpu.memory_space<hbm>>) dst(%dma_wait3A_406 : memref<64x128xf32, #tpu.memory_space<vmem>>)
      %dma_start3A_413 = arith.constant 0 : i32
      %dma_start3A_414 = tpu.memref_slice %arg9[%add3A_392, %dma_start3A_413] : memref<40x128xi32, #tpu.memory_space<vmem>> -> memref<1x128xi32, #tpu.memory_space<vmem>>
      %dma_start3A_415 = tpu.memref_squeeze %dma_start3A_414 : memref<1x128xi32, #tpu.memory_space<vmem>> -> memref<128xi32, #tpu.memory_space<vmem>>
      %dma_start3A_416 = arith.constant 0 : i32
      %dma_start3A_417 = arith.constant 0 : i32
      %dma_start3A_418 = tpu.memref_slice %arg14[%dma_start3A_416, %dma_start3A_417] : memref<10000x128xf32, #tpu.memory_space<vmem_shared>> -> memref<10000x128xf32, #tpu.memory_space<vmem_shared>>
      tpu.enqueue_indirect_dma source(%arg10 : memref<128x128xf32, #tpu.memory_space<vmem>>) target(%dma_start3A_418 : memref<10000x128xf32, #tpu.memory_space<vmem_shared>>) offsets(%dma_start3A_415 : memref<128xi32, #tpu.memory_space<vmem>>) semaphore(%arg19 : memref<!tpu.dma_semaphore, #tpu.memory_space<semaphore_mem>>) {add = true}
      %dma_wait3A_419 = arith.constant 0 : i32
      %dma_wait3A_420 = arith.constant 0 : i32
      %dma_wait3A_421 = tpu.memref_slice %arg9[%dma_wait3A_419, %dma_wait3A_420] : memref<40x128xi32, #tpu.memory_space<vmem>> -> memref<1x128xi32, #tpu.memory_space<vmem>>
      %dma_wait3A_422 = tpu.memref_squeeze %dma_wait3A_421 : memref<1x128xi32, #tpu.memory_space<vmem>> -> memref<128xi32, #tpu.memory_space<vmem>>
      %dma_wait3A_423 = arith.constant 0 : i32
      %dma_wait3A_424 = arith.constant 0 : i32
      %dma_wait3A_425 = tpu.memref_slice %arg14[%dma_wait3A_423, %dma_wait3A_424] : memref<10000x128xf32, #tpu.memory_space<vmem_shared>> -> memref<10000x128xf32, #tpu.memory_space<vmem_shared>>
      tpu.wait_indirect_dma semaphore(%arg20 : memref<!tpu.dma_semaphore, #tpu.memory_space<semaphore_mem>>) src(%arg11 : memref<128x128xf32, #tpu.memory_space<vmem>>) dst(%dma_wait3A_425 : memref<10000x128xf32, #tpu.memory_space<vmem_shared>>)
      %add3A_426 = arith.constant 1 : i32
      %add3A_427 = arith.addi %add3A_392, %add3A_426 : i32
      %dma_start3A_428 = arith.constant 0 : i32
      %dma_start3A_429 = arith.constant 0 : i32
      %dma_start3A_430 = tpu.memref_slice %arg11[%dma_start3A_428, %dma_start3A_429] : memref<128x128xf32, #tpu.memory_space<vmem>> -> memref<64x128xf32, #tpu.memory_space<vmem>>
      %dma_start3A_431 = arith.constant 0 : i32
      %dma_start3A_432 = tpu.memref_slice %arg8[%add3A_427, %dma_start3A_431] : memref<40x128xi32, #tpu.memory_space<vmem>> -> memref<1x64xi32, #tpu.memory_space<vmem>>
      %dma_start3A_433 = tpu.memref_squeeze %dma_start3A_432 : memref<1x64xi32, #tpu.memory_space<vmem>> -> memref<64xi32, #tpu.memory_space<vmem>>
      %dma_start3A_434 = arith.constant 0 : i32
      %dma_start3A_435 = arith.constant 0 : i32
      %dma_start3A_436 = tpu.memref_slice %arg2[%dma_start3A_434, %dma_start3A_435] : memref<10000x128xf32, #tpu.memory_space<hbm>> -> memref<10000x128xf32, #tpu.memory_space<hbm>>
      tpu.enqueue_indirect_dma source(%dma_start3A_436 : memref<10000x128xf32, #tpu.memory_space<hbm>>) target(%dma_start3A_430 : memref<64x128xf32, #tpu.memory_space<vmem>>) offsets(%dma_start3A_433 : memref<64xi32, #tpu.memory_space<vmem>>) semaphore(%arg16 : memref<!tpu.dma_semaphore, #tpu.memory_space<semaphore_mem>>)
      %dma_start3A_437 = arith.constant 64 : i32
      %dma_start3A_438 = arith.constant 0 : i32
      %dma_start3A_439 = tpu.memref_slice %arg11[%dma_start3A_437, %dma_start3A_438] : memref<128x128xf32, #tpu.memory_space<vmem>> -> memref<64x128xf32, #tpu.memory_space<vmem>>
      %dma_start3A_440 = arith.constant 64 : i32
      %dma_start3A_441 = tpu.memref_slice %arg8[%add3A_427, %dma_start3A_440] : memref<40x128xi32, #tpu.memory_space<vmem>> -> memref<1x64xi32, #tpu.memory_space<vmem>>
      %dma_start3A_442 = tpu.memref_squeeze %dma_start3A_441 : memref<1x64xi32, #tpu.memory_space<vmem>> -> memref<64xi32, #tpu.memory_space<vmem>>
      %dma_start3A_443 = arith.constant 0 : i32
      %dma_start3A_444 = arith.constant 0 : i32
      %dma_start3A_445 = tpu.memref_slice %arg2[%dma_start3A_443, %dma_start3A_444] : memref<10000x128xf32, #tpu.memory_space<hbm>> -> memref<10000x128xf32, #tpu.memory_space<hbm>>
      tpu.enqueue_indirect_dma source(%dma_start3A_445 : memref<10000x128xf32, #tpu.memory_space<hbm>>) target(%dma_start3A_439 : memref<64x128xf32, #tpu.memory_space<vmem>>) offsets(%dma_start3A_442 : memref<64xi32, #tpu.memory_space<vmem>>) semaphore(%arg18 : memref<!tpu.dma_semaphore, #tpu.memory_space<semaphore_mem>>)
    }
    %scan3A_168 = arith.constant 19 : i32
    %dma_wait3A_169 = arith.constant 0 : i32
    %dma_wait3A_170 = arith.constant 0 : i32
    %dma_wait3A_171 = arith.constant 0 : i32
    %dma_wait3A_172 = tpu.memref_slice %arg11[%dma_wait3A_170, %dma_wait3A_171] : memref<128x128xf32, #tpu.memory_space<vmem>> -> memref<64x128xf32, #tpu.memory_space<vmem>>
    %dma_wait3A_173 = arith.constant 0 : i32
    %dma_wait3A_174 = tpu.memref_slice %arg8[%dma_wait3A_169, %dma_wait3A_173] : memref<40x128xi32, #tpu.memory_space<vmem>> -> memref<1x64xi32, #tpu.memory_space<vmem>>
    %dma_wait3A_175 = tpu.memref_squeeze %dma_wait3A_174 : memref<1x64xi32, #tpu.memory_space<vmem>> -> memref<64xi32, #tpu.memory_space<vmem>>
    %dma_wait3A_176 = arith.constant 0 : i32
    %dma_wait3A_177 = arith.constant 0 : i32
    %dma_wait3A_178 = tpu.memref_slice %arg2[%dma_wait3A_176, %dma_wait3A_177] : memref<10000x128xf32, #tpu.memory_space<hbm>> -> memref<10000x128xf32, #tpu.memory_space<hbm>>
    tpu.wait_indirect_dma semaphore(%arg16 : memref<!tpu.dma_semaphore, #tpu.memory_space<semaphore_mem>>) src(%dma_wait3A_178 : memref<10000x128xf32, #tpu.memory_space<hbm>>) dst(%dma_wait3A_172 : memref<64x128xf32, #tpu.memory_space<vmem>>)
    %dma_wait3A_179 = arith.constant 0 : i32
    %dma_wait3A_180 = arith.constant 64 : i32
    %dma_wait3A_181 = arith.constant 0 : i32
    %dma_wait3A_182 = tpu.memref_slice %arg11[%dma_wait3A_180, %dma_wait3A_181] : memref<128x128xf32, #tpu.memory_space<vmem>> -> memref<64x128xf32, #tpu.memory_space<vmem>>
    %dma_wait3A_183 = arith.constant 64 : i32
    %dma_wait3A_184 = tpu.memref_slice %arg8[%dma_wait3A_179, %dma_wait3A_183] : memref<40x128xi32, #tpu.memory_space<vmem>> -> memref<1x64xi32, #tpu.memory_space<vmem>>
    %dma_wait3A_185 = tpu.memref_squeeze %dma_wait3A_184 : memref<1x64xi32, #tpu.memory_space<vmem>> -> memref<64xi32, #tpu.memory_space<vmem>>
    %dma_wait3A_186 = arith.constant 0 : i32
    %dma_wait3A_187 = arith.constant 0 : i32
    %dma_wait3A_188 = tpu.memref_slice %arg2[%dma_wait3A_186, %dma_wait3A_187] : memref<10000x128xf32, #tpu.memory_space<hbm>> -> memref<10000x128xf32, #tpu.memory_space<hbm>>
    tpu.wait_indirect_dma semaphore(%arg18 : memref<!tpu.dma_semaphore, #tpu.memory_space<semaphore_mem>>) src(%dma_wait3A_188 : memref<10000x128xf32, #tpu.memory_space<hbm>>) dst(%dma_wait3A_182 : memref<64x128xf32, #tpu.memory_space<vmem>>)
    %dma_start3A_189 = arith.constant 39 : i32
    %dma_start3A_190 = arith.constant 0 : i32
    %dma_start3A_191 = tpu.memref_slice %arg9[%dma_start3A_189, %dma_start3A_190] : memref<40x128xi32, #tpu.memory_space<vmem>> -> memref<1x128xi32, #tpu.memory_space<vmem>>
    %dma_start3A_192 = tpu.memref_squeeze %dma_start3A_191 : memref<1x128xi32, #tpu.memory_space<vmem>> -> memref<128xi32, #tpu.memory_space<vmem>>
    %dma_start3A_193 = arith.constant 0 : i32
    %dma_start3A_194 = arith.constant 0 : i32
    %dma_start3A_195 = tpu.memref_slice %arg14[%dma_start3A_193, %dma_start3A_194] : memref<10000x128xf32, #tpu.memory_space<vmem_shared>> -> memref<10000x128xf32, #tpu.memory_space<vmem_shared>>
    tpu.enqueue_indirect_dma source(%arg11 : memref<128x128xf32, #tpu.memory_space<vmem>>) target(%dma_start3A_195 : memref<10000x128xf32, #tpu.memory_space<vmem_shared>>) offsets(%dma_start3A_192 : memref<128xi32, #tpu.memory_space<vmem>>) semaphore(%arg20 : memref<!tpu.dma_semaphore, #tpu.memory_space<semaphore_mem>>) {add = true}
    %dma_wait3A_196 = arith.constant 0 : i32
    %dma_wait3A_197 = arith.constant 0 : i32
    %dma_wait3A_198 = tpu.memref_slice %arg9[%dma_wait3A_196, %dma_wait3A_197] : memref<40x128xi32, #tpu.memory_space<vmem>> -> memref<1x128xi32, #tpu.memory_space<vmem>>
    %dma_wait3A_199 = tpu.memref_squeeze %dma_wait3A_198 : memref<1x128xi32, #tpu.memory_space<vmem>> -> memref<128xi32, #tpu.memory_space<vmem>>
    %dma_wait3A_200 = arith.constant 0 : i32
    %dma_wait3A_201 = arith.constant 0 : i32
    %dma_wait3A_202 = tpu.memref_slice %arg14[%dma_wait3A_200, %dma_wait3A_201] : memref<10000x128xf32, #tpu.memory_space<vmem_shared>> -> memref<10000x128xf32, #tpu.memory_space<vmem_shared>>
    tpu.wait_indirect_dma semaphore(%arg19 : memref<!tpu.dma_semaphore, #tpu.memory_space<semaphore_mem>>) src(%arg10 : memref<128x128xf32, #tpu.memory_space<vmem>>) dst(%dma_wait3A_202 : memref<10000x128xf32, #tpu.memory_space<vmem_shared>>)
    %dma_wait3A_203 = arith.constant 0 : i32
    %dma_wait3A_204 = arith.constant 0 : i32
    %dma_wait3A_205 = tpu.memref_slice %arg9[%dma_wait3A_203, %dma_wait3A_204] : memref<40x128xi32, #tpu.memory_space<vmem>> -> memref<1x128xi32, #tpu.memory_space<vmem>>
    %dma_wait3A_206 = tpu.memref_squeeze %dma_wait3A_205 : memref<1x128xi32, #tpu.memory_space<vmem>> -> memref<128xi32, #tpu.memory_space<vmem>>
    %dma_wait3A_207 = arith.constant 0 : i32
    %dma_wait3A_208 = arith.constant 0 : i32
    %dma_wait3A_209 = tpu.memref_slice %arg14[%dma_wait3A_207, %dma_wait3A_208] : memref<10000x128xf32, #tpu.memory_space<vmem_shared>> -> memref<10000x128xf32, #tpu.memory_space<vmem_shared>>
    tpu.wait_indirect_dma semaphore(%arg20 : memref<!tpu.dma_semaphore, #tpu.memory_space<semaphore_mem>>) src(%arg11 : memref<128x128xf32, #tpu.memory_space<vmem>>) dst(%dma_wait3A_209 : memref<10000x128xf32, #tpu.memory_space<vmem_shared>>)
    "tpu.region"() ({
      %run_scoped3A = tpu.sem_alloc : memref<!tpu.dma_semaphore, #tpu.memory_space<semaphore_mem>>
      %dma_start3A_331 = arith.constant 0 : i32
      %dma_start3A_332 = arith.constant 0 : i32
      %dma_start3A_333 = tpu.memref_slice %arg8[%dma_start3A_331, %dma_start3A_332] : memref<40x128xi32, #tpu.memory_space<vmem>> -> memref<38x128xi32, #tpu.memory_space<vmem>>
      %dma_start3A_334 = arith.constant 40 : i32
      %dma_start3A_335 = arith.constant 0 : i32
      %dma_start3A_336 = tpu.memref_slice %arg3[%add3A, %dma_start3A_334, %dma_start3A_335] : memref<32x78x128xi32, #tpu.memory_space<hbm>> -> memref<1x38x128xi32, #tpu.memory_space<hbm>>
      %dma_start3A_337 = tpu.memref_squeeze %dma_start3A_336 : memref<1x38x128xi32, #tpu.memory_space<hbm>> -> memref<38x128xi32, #tpu.memory_space<hbm>>
      %dma_start3A_338 = arith.constant 0 : i32
      %dma_start3A_339 = arith.constant 0 : i32
      %dma_start3A_340 = tpu.memref_slice %arg8[%dma_start3A_338, %dma_start3A_339] : memref<40x128xi32, #tpu.memory_space<vmem>> -> memref<38x128xi32, #tpu.memory_space<vmem>>
      %dma_start3A_341 = arith.constant 40 : i32
      %dma_start3A_342 = arith.constant 0 : i32
      %dma_start3A_343 = tpu.memref_slice %arg3[%add3A, %dma_start3A_341, %dma_start3A_342] : memref<32x78x128xi32, #tpu.memory_space<hbm>> -> memref<1x38x128xi32, #tpu.memory_space<hbm>>
      %dma_start3A_344 = tpu.memref_squeeze %dma_start3A_343 : memref<1x38x128xi32, #tpu.memory_space<hbm>> -> memref<38x128xi32, #tpu.memory_space<hbm>>
      tpu.enqueue_dma source(%dma_start3A_344 : memref<38x128xi32, #tpu.memory_space<hbm>>) target(%dma_start3A_340 : memref<38x128xi32, #tpu.memory_space<vmem>>) target_semaphore(%run_scoped3A : memref<!tpu.dma_semaphore, #tpu.memory_space<semaphore_mem>>)
      %dma_wait3A_345 = arith.constant 0 : i32
      %dma_wait3A_346 = arith.constant 0 : i32
      %dma_wait3A_347 = tpu.memref_slice %arg8[%dma_wait3A_345, %dma_wait3A_346] : memref<40x128xi32, #tpu.memory_space<vmem>> -> memref<38x128xi32, #tpu.memory_space<vmem>>
      %dma_wait3A_348 = arith.constant 40 : i32
      %dma_wait3A_349 = arith.constant 0 : i32
      %dma_wait3A_350 = tpu.memref_slice %arg3[%add3A, %dma_wait3A_348, %dma_wait3A_349] : memref<32x78x128xi32, #tpu.memory_space<hbm>> -> memref<1x38x128xi32, #tpu.memory_space<hbm>>
      %dma_wait3A_351 = tpu.memref_squeeze %dma_wait3A_350 : memref<1x38x128xi32, #tpu.memory_space<hbm>> -> memref<38x128xi32, #tpu.memory_space<hbm>>
      %dma_wait3A_352 = arith.constant 0 : i32
      %dma_wait3A_353 = arith.constant 0 : i32
      %dma_wait3A_354 = tpu.memref_slice %arg8[%dma_wait3A_352, %dma_wait3A_353] : memref<40x128xi32, #tpu.memory_space<vmem>> -> memref<38x128xi32, #tpu.memory_space<vmem>>
      %dma_wait3A_355 = arith.constant 40 : i32
      %dma_wait3A_356 = arith.constant 0 : i32
      %dma_wait3A_357 = tpu.memref_slice %arg3[%add3A, %dma_wait3A_355, %dma_wait3A_356] : memref<32x78x128xi32, #tpu.memory_space<hbm>> -> memref<1x38x128xi32, #tpu.memory_space<hbm>>
      %dma_wait3A_358 = tpu.memref_squeeze %dma_wait3A_357 : memref<1x38x128xi32, #tpu.memory_space<hbm>> -> memref<38x128xi32, #tpu.memory_space<hbm>>
      tpu.wait_dma2 semaphore(%run_scoped3A : memref<!tpu.dma_semaphore, #tpu.memory_space<semaphore_mem>>) src(%dma_wait3A_358 : memref<38x128xi32, #tpu.memory_space<hbm>>) dst(%dma_wait3A_354 : memref<38x128xi32, #tpu.memory_space<vmem>>)
      tpu.yield
    }) : () -> ()
    "tpu.region"() ({
      %run_scoped3A = tpu.sem_alloc : memref<!tpu.dma_semaphore, #tpu.memory_space<semaphore_mem>>
      %dma_start3A_331 = arith.constant 0 : i32
      %dma_start3A_332 = arith.constant 0 : i32
      %dma_start3A_333 = tpu.memref_slice %arg9[%dma_start3A_331, %dma_start3A_332] : memref<40x128xi32, #tpu.memory_space<vmem>> -> memref<38x128xi32, #tpu.memory_space<vmem>>
      %dma_start3A_334 = arith.constant 40 : i32
      %dma_start3A_335 = arith.constant 0 : i32
      %dma_start3A_336 = tpu.memref_slice %arg4[%add3A, %dma_start3A_334, %dma_start3A_335] : memref<32x78x128xi32, #tpu.memory_space<hbm>> -> memref<1x38x128xi32, #tpu.memory_space<hbm>>
      %dma_start3A_337 = tpu.memref_squeeze %dma_start3A_336 : memref<1x38x128xi32, #tpu.memory_space<hbm>> -> memref<38x128xi32, #tpu.memory_space<hbm>>
      %dma_start3A_338 = arith.constant 0 : i32
      %dma_start3A_339 = arith.constant 0 : i32
      %dma_start3A_340 = tpu.memref_slice %arg9[%dma_start3A_338, %dma_start3A_339] : memref<40x128xi32, #tpu.memory_space<vmem>> -> memref<38x128xi32, #tpu.memory_space<vmem>>
      %dma_start3A_341 = arith.constant 40 : i32
      %dma_start3A_342 = arith.constant 0 : i32
      %dma_start3A_343 = tpu.memref_slice %arg4[%add3A, %dma_start3A_341, %dma_start3A_342] : memref<32x78x128xi32, #tpu.memory_space<hbm>> -> memref<1x38x128xi32, #tpu.memory_space<hbm>>
      %dma_start3A_344 = tpu.memref_squeeze %dma_start3A_343 : memref<1x38x128xi32, #tpu.memory_space<hbm>> -> memref<38x128xi32, #tpu.memory_space<hbm>>
      tpu.enqueue_dma source(%dma_start3A_344 : memref<38x128xi32, #tpu.memory_space<hbm>>) target(%dma_start3A_340 : memref<38x128xi32, #tpu.memory_space<vmem>>) target_semaphore(%run_scoped3A : memref<!tpu.dma_semaphore, #tpu.memory_space<semaphore_mem>>)
      %dma_wait3A_345 = arith.constant 0 : i32
      %dma_wait3A_346 = arith.constant 0 : i32
      %dma_wait3A_347 = tpu.memref_slice %arg9[%dma_wait3A_345, %dma_wait3A_346] : memref<40x128xi32, #tpu.memory_space<vmem>> -> memref<38x128xi32, #tpu.memory_space<vmem>>
      %dma_wait3A_348 = arith.constant 40 : i32
      %dma_wait3A_349 = arith.constant 0 : i32
      %dma_wait3A_350 = tpu.memref_slice %arg4[%add3A, %dma_wait3A_348, %dma_wait3A_349] : memref<32x78x128xi32, #tpu.memory_space<hbm>> -> memref<1x38x128xi32, #tpu.memory_space<hbm>>
      %dma_wait3A_351 = tpu.memref_squeeze %dma_wait3A_350 : memref<1x38x128xi32, #tpu.memory_space<hbm>> -> memref<38x128xi32, #tpu.memory_space<hbm>>
      %dma_wait3A_352 = arith.constant 0 : i32
      %dma_wait3A_353 = arith.constant 0 : i32
      %dma_wait3A_354 = tpu.memref_slice %arg9[%dma_wait3A_352, %dma_wait3A_353] : memref<40x128xi32, #tpu.memory_space<vmem>> -> memref<38x128xi32, #tpu.memory_space<vmem>>
      %dma_wait3A_355 = arith.constant 40 : i32
      %dma_wait3A_356 = arith.constant 0 : i32
      %dma_wait3A_357 = tpu.memref_slice %arg4[%add3A, %dma_wait3A_355, %dma_wait3A_356] : memref<32x78x128xi32, #tpu.memory_space<hbm>> -> memref<1x38x128xi32, #tpu.memory_space<hbm>>
      %dma_wait3A_358 = tpu.memref_squeeze %dma_wait3A_357 : memref<1x38x128xi32, #tpu.memory_space<hbm>> -> memref<38x128xi32, #tpu.memory_space<hbm>>
      tpu.wait_dma2 semaphore(%run_scoped3A : memref<!tpu.dma_semaphore, #tpu.memory_space<semaphore_mem>>) src(%dma_wait3A_358 : memref<38x128xi32, #tpu.memory_space<hbm>>) dst(%dma_wait3A_354 : memref<38x128xi32, #tpu.memory_space<vmem>>)
      tpu.yield
    }) : () -> ()
    %dma_start3A_210 = arith.constant 0 : i32
    %dma_start3A_211 = arith.constant 0 : i32
    %dma_start3A_212 = arith.constant 0 : i32
    %dma_start3A_213 = tpu.memref_slice %arg10[%dma_start3A_211, %dma_start3A_212] : memref<128x128xf32, #tpu.memory_space<vmem>> -> memref<64x128xf32, #tpu.memory_space<vmem>>
    %dma_start3A_214 = arith.constant 0 : i32
    %dma_start3A_215 = tpu.memref_slice %arg8[%dma_start3A_210, %dma_start3A_214] : memref<40x128xi32, #tpu.memory_space<vmem>> -> memref<1x64xi32, #tpu.memory_space<vmem>>
    %dma_start3A_216 = tpu.memref_squeeze %dma_start3A_215 : memref<1x64xi32, #tpu.memory_space<vmem>> -> memref<64xi32, #tpu.memory_space<vmem>>
    %dma_start3A_217 = arith.constant 0 : i32
    %dma_start3A_218 = arith.constant 0 : i32
    %dma_start3A_219 = tpu.memref_slice %arg2[%dma_start3A_217, %dma_start3A_218] : memref<10000x128xf32, #tpu.memory_space<hbm>> -> memref<10000x128xf32, #tpu.memory_space<hbm>>
    tpu.enqueue_indirect_dma source(%dma_start3A_219 : memref<10000x128xf32, #tpu.memory_space<hbm>>) target(%dma_start3A_213 : memref<64x128xf32, #tpu.memory_space<vmem>>) offsets(%dma_start3A_216 : memref<64xi32, #tpu.memory_space<vmem>>) semaphore(%arg15 : memref<!tpu.dma_semaphore, #tpu.memory_space<semaphore_mem>>)
    %dma_start3A_220 = arith.constant 0 : i32
    %dma_start3A_221 = arith.constant 64 : i32
    %dma_start3A_222 = arith.constant 0 : i32
    %dma_start3A_223 = tpu.memref_slice %arg10[%dma_start3A_221, %dma_start3A_222] : memref<128x128xf32, #tpu.memory_space<vmem>> -> memref<64x128xf32, #tpu.memory_space<vmem>>
    %dma_start3A_224 = arith.constant 64 : i32
    %dma_start3A_225 = tpu.memref_slice %arg8[%dma_start3A_220, %dma_start3A_224] : memref<40x128xi32, #tpu.memory_space<vmem>> -> memref<1x64xi32, #tpu.memory_space<vmem>>
    %dma_start3A_226 = tpu.memref_squeeze %dma_start3A_225 : memref<1x64xi32, #tpu.memory_space<vmem>> -> memref<64xi32, #tpu.memory_space<vmem>>
    %dma_start3A_227 = arith.constant 0 : i32
    %dma_start3A_228 = arith.constant 0 : i32
    %dma_start3A_229 = tpu.memref_slice %arg2[%dma_start3A_227, %dma_start3A_228] : memref<10000x128xf32, #tpu.memory_space<hbm>> -> memref<10000x128xf32, #tpu.memory_space<hbm>>
    tpu.enqueue_indirect_dma source(%dma_start3A_229 : memref<10000x128xf32, #tpu.memory_space<hbm>>) target(%dma_start3A_223 : memref<64x128xf32, #tpu.memory_space<vmem>>) offsets(%dma_start3A_226 : memref<64xi32, #tpu.memory_space<vmem>>) semaphore(%arg17 : memref<!tpu.dma_semaphore, #tpu.memory_space<semaphore_mem>>)
    %dma_wait3A_230 = arith.constant 0 : i32
    %dma_wait3A_231 = arith.constant 0 : i32
    %dma_wait3A_232 = arith.constant 0 : i32
    %dma_wait3A_233 = tpu.memref_slice %arg10[%dma_wait3A_231, %dma_wait3A_232] : memref<128x128xf32, #tpu.memory_space<vmem>> -> memref<64x128xf32, #tpu.memory_space<vmem>>
    %dma_wait3A_234 = arith.constant 0 : i32
    %dma_wait3A_235 = tpu.memref_slice %arg8[%dma_wait3A_230, %dma_wait3A_234] : memref<40x128xi32, #tpu.memory_space<vmem>> -> memref<1x64xi32, #tpu.memory_space<vmem>>
    %dma_wait3A_236 = tpu.memref_squeeze %dma_wait3A_235 : memref<1x64xi32, #tpu.memory_space<vmem>> -> memref<64xi32, #tpu.memory_space<vmem>>
    %dma_wait3A_237 = arith.constant 0 : i32
    %dma_wait3A_238 = arith.constant 0 : i32
    %dma_wait3A_239 = tpu.memref_slice %arg2[%dma_wait3A_237, %dma_wait3A_238] : memref<10000x128xf32, #tpu.memory_space<hbm>> -> memref<10000x128xf32, #tpu.memory_space<hbm>>
    tpu.wait_indirect_dma semaphore(%arg15 : memref<!tpu.dma_semaphore, #tpu.memory_space<semaphore_mem>>) src(%dma_wait3A_239 : memref<10000x128xf32, #tpu.memory_space<hbm>>) dst(%dma_wait3A_233 : memref<64x128xf32, #tpu.memory_space<vmem>>)
    %dma_wait3A_240 = arith.constant 0 : i32
    %dma_wait3A_241 = arith.constant 64 : i32
    %dma_wait3A_242 = arith.constant 0 : i32
    %dma_wait3A_243 = tpu.memref_slice %arg10[%dma_wait3A_241, %dma_wait3A_242] : memref<128x128xf32, #tpu.memory_space<vmem>> -> memref<64x128xf32, #tpu.memory_space<vmem>>
    %dma_wait3A_244 = arith.constant 64 : i32
    %dma_wait3A_245 = tpu.memref_slice %arg8[%dma_wait3A_240, %dma_wait3A_244] : memref<40x128xi32, #tpu.memory_space<vmem>> -> memref<1x64xi32, #tpu.memory_space<vmem>>
    %dma_wait3A_246 = tpu.memref_squeeze %dma_wait3A_245 : memref<1x64xi32, #tpu.memory_space<vmem>> -> memref<64xi32, #tpu.memory_space<vmem>>
    %dma_wait3A_247 = arith.constant 0 : i32
    %dma_wait3A_248 = arith.constant 0 : i32
    %dma_wait3A_249 = tpu.memref_slice %arg2[%dma_wait3A_247, %dma_wait3A_248] : memref<10000x128xf32, #tpu.memory_space<hbm>> -> memref<10000x128xf32, #tpu.memory_space<hbm>>
    tpu.wait_indirect_dma semaphore(%arg17 : memref<!tpu.dma_semaphore, #tpu.memory_space<semaphore_mem>>) src(%dma_wait3A_249 : memref<10000x128xf32, #tpu.memory_space<hbm>>) dst(%dma_wait3A_243 : memref<64x128xf32, #tpu.memory_space<vmem>>)
    %dma_start3A_250 = arith.constant 0 : i32
    %dma_start3A_251 = arith.constant 0 : i32
    %dma_start3A_252 = tpu.memref_slice %arg9[%dma_start3A_250, %dma_start3A_251] : memref<40x128xi32, #tpu.memory_space<vmem>> -> memref<1x128xi32, #tpu.memory_space<vmem>>
    %dma_start3A_253 = tpu.memref_squeeze %dma_start3A_252 : memref<1x128xi32, #tpu.memory_space<vmem>> -> memref<128xi32, #tpu.memory_space<vmem>>
    %dma_start3A_254 = arith.constant 0 : i32
    %dma_start3A_255 = arith.constant 0 : i32
    %dma_start3A_256 = tpu.memref_slice %arg14[%dma_start3A_254, %dma_start3A_255] : memref<10000x128xf32, #tpu.memory_space<vmem_shared>> -> memref<10000x128xf32, #tpu.memory_space<vmem_shared>>
    tpu.enqueue_indirect_dma source(%arg10 : memref<128x128xf32, #tpu.memory_space<vmem>>) target(%dma_start3A_256 : memref<10000x128xf32, #tpu.memory_space<vmem_shared>>) offsets(%dma_start3A_253 : memref<128xi32, #tpu.memory_space<vmem>>) semaphore(%arg19 : memref<!tpu.dma_semaphore, #tpu.memory_space<semaphore_mem>>) {add = true}
    %dma_start3A_257 = arith.constant 1 : i32
    %dma_start3A_258 = arith.constant 0 : i32
    %dma_start3A_259 = arith.constant 0 : i32
    %dma_start3A_260 = tpu.memref_slice %arg11[%dma_start3A_258, %dma_start3A_259] : memref<128x128xf32, #tpu.memory_space<vmem>> -> memref<64x128xf32, #tpu.memory_space<vmem>>
    %dma_start3A_261 = arith.constant 0 : i32
    %dma_start3A_262 = tpu.memref_slice %arg8[%dma_start3A_257, %dma_start3A_261] : memref<40x128xi32, #tpu.memory_space<vmem>> -> memref<1x64xi32, #tpu.memory_space<vmem>>
    %dma_start3A_263 = tpu.memref_squeeze %dma_start3A_262 : memref<1x64xi32, #tpu.memory_space<vmem>> -> memref<64xi32, #tpu.memory_space<vmem>>
    %dma_start3A_264 = arith.constant 0 : i32
    %dma_start3A_265 = arith.constant 0 : i32
    %dma_start3A_266 = tpu.memref_slice %arg2[%dma_start3A_264, %dma_start3A_265] : memref<10000x128xf32, #tpu.memory_space<hbm>> -> memref<10000x128xf32, #tpu.memory_space<hbm>>
    tpu.enqueue_indirect_dma source(%dma_start3A_266 : memref<10000x128xf32, #tpu.memory_space<hbm>>) target(%dma_start3A_260 : memref<64x128xf32, #tpu.memory_space<vmem>>) offsets(%dma_start3A_263 : memref<64xi32, #tpu.memory_space<vmem>>) semaphore(%arg16 : memref<!tpu.dma_semaphore, #tpu.memory_space<semaphore_mem>>)
    %dma_start3A_267 = arith.constant 1 : i32
    %dma_start3A_268 = arith.constant 64 : i32
    %dma_start3A_269 = arith.constant 0 : i32
    %dma_start3A_270 = tpu.memref_slice %arg11[%dma_start3A_268, %dma_start3A_269] : memref<128x128xf32, #tpu.memory_space<vmem>> -> memref<64x128xf32, #tpu.memory_space<vmem>>
    %dma_start3A_271 = arith.constant 64 : i32
    %dma_start3A_272 = tpu.memref_slice %arg8[%dma_start3A_267, %dma_start3A_271] : memref<40x128xi32, #tpu.memory_space<vmem>> -> memref<1x64xi32, #tpu.memory_space<vmem>>
    %dma_start3A_273 = tpu.memref_squeeze %dma_start3A_272 : memref<1x64xi32, #tpu.memory_space<vmem>> -> memref<64xi32, #tpu.memory_space<vmem>>
    %dma_start3A_274 = arith.constant 0 : i32
    %dma_start3A_275 = arith.constant 0 : i32
    %dma_start3A_276 = tpu.memref_slice %arg2[%dma_start3A_274, %dma_start3A_275] : memref<10000x128xf32, #tpu.memory_space<hbm>> -> memref<10000x128xf32, #tpu.memory_space<hbm>>
    tpu.enqueue_indirect_dma source(%dma_start3A_276 : memref<10000x128xf32, #tpu.memory_space<hbm>>) target(%dma_start3A_270 : memref<64x128xf32, #tpu.memory_space<vmem>>) offsets(%dma_start3A_273 : memref<64xi32, #tpu.memory_space<vmem>>) semaphore(%arg18 : memref<!tpu.dma_semaphore, #tpu.memory_space<semaphore_mem>>)
    %scan3A_277 = arith.constant 0 : i32
    %scan3A_278 = arith.constant 0 : i32
    %scan3A_279 = arith.constant 18 : i32
    %scan3A_280 = arith.addi %scan3A_278, %scan3A_279 : i32
    %scan3A_281 = arith.constant 1 : i32
    scf.for %scan3A_331 = %scan3A_278 to %scan3A_280 step %scan3A_281  : i32 {
      %mul3A_332 = arith.constant 2 : i32
      %mul3A_333 = arith.muli %mul3A_332, %scan3A_331 : i32
      %add3A_334 = arith.constant 1 : i32
      %add3A_335 = arith.addi %mul3A_333, %add3A_334 : i32
      %dma_wait3A_336 = arith.constant 0 : i32
      %dma_wait3A_337 = arith.constant 0 : i32
      %dma_wait3A_338 = arith.constant 0 : i32
      %dma_wait3A_339 = tpu.memref_slice %arg11[%dma_wait3A_337, %dma_wait3A_338] : memref<128x128xf32, #tpu.memory_space<vmem>> -> memref<64x128xf32, #tpu.memory_space<vmem>>
      %dma_wait3A_340 = arith.constant 0 : i32
      %dma_wait3A_341 = tpu.memref_slice %arg8[%dma_wait3A_336, %dma_wait3A_340] : memref<40x128xi32, #tpu.memory_space<vmem>> -> memref<1x64xi32, #tpu.memory_space<vmem>>
      %dma_wait3A_342 = tpu.memref_squeeze %dma_wait3A_341 : memref<1x64xi32, #tpu.memory_space<vmem>> -> memref<64xi32, #tpu.memory_space<vmem>>
      %dma_wait3A_343 = arith.constant 0 : i32
      %dma_wait3A_344 = arith.constant 0 : i32
      %dma_wait3A_345 = tpu.memref_slice %arg2[%dma_wait3A_343, %dma_wait3A_344] : memref<10000x128xf32, #tpu.memory_space<hbm>> -> memref<10000x128xf32, #tpu.memory_space<hbm>>
      tpu.wait_indirect_dma semaphore(%arg16 : memref<!tpu.dma_semaphore, #tpu.memory_space<semaphore_mem>>) src(%dma_wait3A_345 : memref<10000x128xf32, #tpu.memory_space<hbm>>) dst(%dma_wait3A_339 : memref<64x128xf32, #tpu.memory_space<vmem>>)
      %dma_wait3A_346 = arith.constant 0 : i32
      %dma_wait3A_347 = arith.constant 64 : i32
      %dma_wait3A_348 = arith.constant 0 : i32
      %dma_wait3A_349 = tpu.memref_slice %arg11[%dma_wait3A_347, %dma_wait3A_348] : memref<128x128xf32, #tpu.memory_space<vmem>> -> memref<64x128xf32, #tpu.memory_space<vmem>>
      %dma_wait3A_350 = arith.constant 64 : i32
      %dma_wait3A_351 = tpu.memref_slice %arg8[%dma_wait3A_346, %dma_wait3A_350] : memref<40x128xi32, #tpu.memory_space<vmem>> -> memref<1x64xi32, #tpu.memory_space<vmem>>
      %dma_wait3A_352 = tpu.memref_squeeze %dma_wait3A_351 : memref<1x64xi32, #tpu.memory_space<vmem>> -> memref<64xi32, #tpu.memory_space<vmem>>
      %dma_wait3A_353 = arith.constant 0 : i32
      %dma_wait3A_354 = arith.constant 0 : i32
      %dma_wait3A_355 = tpu.memref_slice %arg2[%dma_wait3A_353, %dma_wait3A_354] : memref<10000x128xf32, #tpu.memory_space<hbm>> -> memref<10000x128xf32, #tpu.memory_space<hbm>>
      tpu.wait_indirect_dma semaphore(%arg18 : memref<!tpu.dma_semaphore, #tpu.memory_space<semaphore_mem>>) src(%dma_wait3A_355 : memref<10000x128xf32, #tpu.memory_space<hbm>>) dst(%dma_wait3A_349 : memref<64x128xf32, #tpu.memory_space<vmem>>)
      %dma_start3A_356 = arith.constant 0 : i32
      %dma_start3A_357 = tpu.memref_slice %arg9[%add3A_335, %dma_start3A_356] : memref<40x128xi32, #tpu.memory_space<vmem>> -> memref<1x128xi32, #tpu.memory_space<vmem>>
      %dma_start3A_358 = tpu.memref_squeeze %dma_start3A_357 : memref<1x128xi32, #tpu.memory_space<vmem>> -> memref<128xi32, #tpu.memory_space<vmem>>
      %dma_start3A_359 = arith.constant 0 : i32
      %dma_start3A_360 = arith.constant 0 : i32
      %dma_start3A_361 = tpu.memref_slice %arg14[%dma_start3A_359, %dma_start3A_360] : memref<10000x128xf32, #tpu.memory_space<vmem_shared>> -> memref<10000x128xf32, #tpu.memory_space<vmem_shared>>
      tpu.enqueue_indirect_dma source(%arg11 : memref<128x128xf32, #tpu.memory_space<vmem>>) target(%dma_start3A_361 : memref<10000x128xf32, #tpu.memory_space<vmem_shared>>) offsets(%dma_start3A_358 : memref<128xi32, #tpu.memory_space<vmem>>) semaphore(%arg20 : memref<!tpu.dma_semaphore, #tpu.memory_space<semaphore_mem>>) {add = true}
      %dma_wait3A_362 = arith.constant 0 : i32
      %dma_wait3A_363 = arith.constant 0 : i32
      %dma_wait3A_364 = tpu.memref_slice %arg9[%dma_wait3A_362, %dma_wait3A_363] : memref<40x128xi32, #tpu.memory_space<vmem>> -> memref<1x128xi32, #tpu.memory_space<vmem>>
      %dma_wait3A_365 = tpu.memref_squeeze %dma_wait3A_364 : memref<1x128xi32, #tpu.memory_space<vmem>> -> memref<128xi32, #tpu.memory_space<vmem>>
      %dma_wait3A_366 = arith.constant 0 : i32
      %dma_wait3A_367 = arith.constant 0 : i32
      %dma_wait3A_368 = tpu.memref_slice %arg14[%dma_wait3A_366, %dma_wait3A_367] : memref<10000x128xf32, #tpu.memory_space<vmem_shared>> -> memref<10000x128xf32, #tpu.memory_space<vmem_shared>>
      tpu.wait_indirect_dma semaphore(%arg19 : memref<!tpu.dma_semaphore, #tpu.memory_space<semaphore_mem>>) src(%arg10 : memref<128x128xf32, #tpu.memory_space<vmem>>) dst(%dma_wait3A_368 : memref<10000x128xf32, #tpu.memory_space<vmem_shared>>)
      %add3A_369 = arith.constant 1 : i32
      %add3A_370 = arith.addi %add3A_335, %add3A_369 : i32
      %dma_start3A_371 = arith.constant 0 : i32
      %dma_start3A_372 = arith.constant 0 : i32
      %dma_start3A_373 = tpu.memref_slice %arg10[%dma_start3A_371, %dma_start3A_372] : memref<128x128xf32, #tpu.memory_space<vmem>> -> memref<64x128xf32, #tpu.memory_space<vmem>>
      %dma_start3A_374 = arith.constant 0 : i32
      %dma_start3A_375 = tpu.memref_slice %arg8[%add3A_370, %dma_start3A_374] : memref<40x128xi32, #tpu.memory_space<vmem>> -> memref<1x64xi32, #tpu.memory_space<vmem>>
      %dma_start3A_376 = tpu.memref_squeeze %dma_start3A_375 : memref<1x64xi32, #tpu.memory_space<vmem>> -> memref<64xi32, #tpu.memory_space<vmem>>
      %dma_start3A_377 = arith.constant 0 : i32
      %dma_start3A_378 = arith.constant 0 : i32
      %dma_start3A_379 = tpu.memref_slice %arg2[%dma_start3A_377, %dma_start3A_378] : memref<10000x128xf32, #tpu.memory_space<hbm>> -> memref<10000x128xf32, #tpu.memory_space<hbm>>
      tpu.enqueue_indirect_dma source(%dma_start3A_379 : memref<10000x128xf32, #tpu.memory_space<hbm>>) target(%dma_start3A_373 : memref<64x128xf32, #tpu.memory_space<vmem>>) offsets(%dma_start3A_376 : memref<64xi32, #tpu.memory_space<vmem>>) semaphore(%arg15 : memref<!tpu.dma_semaphore, #tpu.memory_space<semaphore_mem>>)
      %dma_start3A_380 = arith.constant 64 : i32
      %dma_start3A_381 = arith.constant 0 : i32
      %dma_start3A_382 = tpu.memref_slice %arg10[%dma_start3A_380, %dma_start3A_381] : memref<128x128xf32, #tpu.memory_space<vmem>> -> memref<64x128xf32, #tpu.memory_space<vmem>>
      %dma_start3A_383 = arith.constant 64 : i32
      %dma_start3A_384 = tpu.memref_slice %arg8[%add3A_370, %dma_start3A_383] : memref<40x128xi32, #tpu.memory_space<vmem>> -> memref<1x64xi32, #tpu.memory_space<vmem>>
      %dma_start3A_385 = tpu.memref_squeeze %dma_start3A_384 : memref<1x64xi32, #tpu.memory_space<vmem>> -> memref<64xi32, #tpu.memory_space<vmem>>
      %dma_start3A_386 = arith.constant 0 : i32
      %dma_start3A_387 = arith.constant 0 : i32
      %dma_start3A_388 = tpu.memref_slice %arg2[%dma_start3A_386, %dma_start3A_387] : memref<10000x128xf32, #tpu.memory_space<hbm>> -> memref<10000x128xf32, #tpu.memory_space<hbm>>
      tpu.enqueue_indirect_dma source(%dma_start3A_388 : memref<10000x128xf32, #tpu.memory_space<hbm>>) target(%dma_start3A_382 : memref<64x128xf32, #tpu.memory_space<vmem>>) offsets(%dma_start3A_385 : memref<64xi32, #tpu.memory_space<vmem>>) semaphore(%arg17 : memref<!tpu.dma_semaphore, #tpu.memory_space<semaphore_mem>>)
      %mul3A_389 = arith.constant 2 : i32
      %mul3A_390 = arith.muli %mul3A_389, %scan3A_331 : i32
      %add3A_391 = arith.constant 2 : i32
      %add3A_392 = arith.addi %mul3A_390, %add3A_391 : i32
      %dma_wait3A_393 = arith.constant 0 : i32
      %dma_wait3A_394 = arith.constant 0 : i32
      %dma_wait3A_395 = arith.constant 0 : i32
      %dma_wait3A_396 = tpu.memref_slice %arg10[%dma_wait3A_394, %dma_wait3A_395] : memref<128x128xf32, #tpu.memory_space<vmem>> -> memref<64x128xf32, #tpu.memory_space<vmem>>
      %dma_wait3A_397 = arith.constant 0 : i32
      %dma_wait3A_398 = tpu.memref_slice %arg8[%dma_wait3A_393, %dma_wait3A_397] : memref<40x128xi32, #tpu.memory_space<vmem>> -> memref<1x64xi32, #tpu.memory_space<vmem>>
      %dma_wait3A_399 = tpu.memref_squeeze %dma_wait3A_398 : memref<1x64xi32, #tpu.memory_space<vmem>> -> memref<64xi32, #tpu.memory_space<vmem>>
      %dma_wait3A_400 = arith.constant 0 : i32
      %dma_wait3A_401 = arith.constant 0 : i32
      %dma_wait3A_402 = tpu.memref_slice %arg2[%dma_wait3A_400, %dma_wait3A_401] : memref<10000x128xf32, #tpu.memory_space<hbm>> -> memref<10000x128xf32, #tpu.memory_space<hbm>>
      tpu.wait_indirect_dma semaphore(%arg15 : memref<!tpu.dma_semaphore, #tpu.memory_space<semaphore_mem>>) src(%dma_wait3A_402 : memref<10000x128xf32, #tpu.memory_space<hbm>>) dst(%dma_wait3A_396 : memref<64x128xf32, #tpu.memory_space<vmem>>)
      %dma_wait3A_403 = arith.constant 0 : i32
      %dma_wait3A_404 = arith.constant 64 : i32
      %dma_wait3A_405 = arith.constant 0 : i32
      %dma_wait3A_406 = tpu.memref_slice %arg10[%dma_wait3A_404, %dma_wait3A_405] : memref<128x128xf32, #tpu.memory_space<vmem>> -> memref<64x128xf32, #tpu.memory_space<vmem>>
      %dma_wait3A_407 = arith.constant 64 : i32
      %dma_wait3A_408 = tpu.memref_slice %arg8[%dma_wait3A_403, %dma_wait3A_407] : memref<40x128xi32, #tpu.memory_space<vmem>> -> memref<1x64xi32, #tpu.memory_space<vmem>>
      %dma_wait3A_409 = tpu.memref_squeeze %dma_wait3A_408 : memref<1x64xi32, #tpu.memory_space<vmem>> -> memref<64xi32, #tpu.memory_space<vmem>>
      %dma_wait3A_410 = arith.constant 0 : i32
      %dma_wait3A_411 = arith.constant 0 : i32
      %dma_wait3A_412 = tpu.memref_slice %arg2[%dma_wait3A_410, %dma_wait3A_411] : memref<10000x128xf32, #tpu.memory_space<hbm>> -> memref<10000x128xf32, #tpu.memory_space<hbm>>
      tpu.wait_indirect_dma semaphore(%arg17 : memref<!tpu.dma_semaphore, #tpu.memory_space<semaphore_mem>>) src(%dma_wait3A_412 : memref<10000x128xf32, #tpu.memory_space<hbm>>) dst(%dma_wait3A_406 : memref<64x128xf32, #tpu.memory_space<vmem>>)
      %dma_start3A_413 = arith.constant 0 : i32
      %dma_start3A_414 = tpu.memref_slice %arg9[%add3A_392, %dma_start3A_413] : memref<40x128xi32, #tpu.memory_space<vmem>> -> memref<1x128xi32, #tpu.memory_space<vmem>>
      %dma_start3A_415 = tpu.memref_squeeze %dma_start3A_414 : memref<1x128xi32, #tpu.memory_space<vmem>> -> memref<128xi32, #tpu.memory_space<vmem>>
      %dma_start3A_416 = arith.constant 0 : i32
      %dma_start3A_417 = arith.constant 0 : i32
      %dma_start3A_418 = tpu.memref_slice %arg14[%dma_start3A_416, %dma_start3A_417] : memref<10000x128xf32, #tpu.memory_space<vmem_shared>> -> memref<10000x128xf32, #tpu.memory_space<vmem_shared>>
      tpu.enqueue_indirect_dma source(%arg10 : memref<128x128xf32, #tpu.memory_space<vmem>>) target(%dma_start3A_418 : memref<10000x128xf32, #tpu.memory_space<vmem_shared>>) offsets(%dma_start3A_415 : memref<128xi32, #tpu.memory_space<vmem>>) semaphore(%arg19 : memref<!tpu.dma_semaphore, #tpu.memory_space<semaphore_mem>>) {add = true}
      %dma_wait3A_419 = arith.constant 0 : i32
      %dma_wait3A_420 = arith.constant 0 : i32
      %dma_wait3A_421 = tpu.memref_slice %arg9[%dma_wait3A_419, %dma_wait3A_420] : memref<40x128xi32, #tpu.memory_space<vmem>> -> memref<1x128xi32, #tpu.memory_space<vmem>>
      %dma_wait3A_422 = tpu.memref_squeeze %dma_wait3A_421 : memref<1x128xi32, #tpu.memory_space<vmem>> -> memref<128xi32, #tpu.memory_space<vmem>>
      %dma_wait3A_423 = arith.constant 0 : i32
      %dma_wait3A_424 = arith.constant 0 : i32
      %dma_wait3A_425 = tpu.memref_slice %arg14[%dma_wait3A_423, %dma_wait3A_424] : memref<10000x128xf32, #tpu.memory_space<vmem_shared>> -> memref<10000x128xf32, #tpu.memory_space<vmem_shared>>
      tpu.wait_indirect_dma semaphore(%arg20 : memref<!tpu.dma_semaphore, #tpu.memory_space<semaphore_mem>>) src(%arg11 : memref<128x128xf32, #tpu.memory_space<vmem>>) dst(%dma_wait3A_425 : memref<10000x128xf32, #tpu.memory_space<vmem_shared>>)
      %add3A_426 = arith.constant 1 : i32
      %add3A_427 = arith.addi %add3A_392, %add3A_426 : i32
      %dma_start3A_428 = arith.constant 0 : i32
      %dma_start3A_429 = arith.constant 0 : i32
      %dma_start3A_430 = tpu.memref_slice %arg11[%dma_start3A_428, %dma_start3A_429] : memref<128x128xf32, #tpu.memory_space<vmem>> -> memref<64x128xf32, #tpu.memory_space<vmem>>
      %dma_start3A_431 = arith.constant 0 : i32
      %dma_start3A_432 = tpu.memref_slice %arg8[%add3A_427, %dma_start3A_431] : memref<40x128xi32, #tpu.memory_space<vmem>> -> memref<1x64xi32, #tpu.memory_space<vmem>>
      %dma_start3A_433 = tpu.memref_squeeze %dma_start3A_432 : memref<1x64xi32, #tpu.memory_space<vmem>> -> memref<64xi32, #tpu.memory_space<vmem>>
      %dma_start3A_434 = arith.constant 0 : i32
      %dma_start3A_435 = arith.constant 0 : i32
      %dma_start3A_436 = tpu.memref_slice %arg2[%dma_start3A_434, %dma_start3A_435] : memref<10000x128xf32, #tpu.memory_space<hbm>> -> memref<10000x128xf32, #tpu.memory_space<hbm>>
      tpu.enqueue_indirect_dma source(%dma_start3A_436 : memref<10000x128xf32, #tpu.memory_space<hbm>>) target(%dma_start3A_430 : memref<64x128xf32, #tpu.memory_space<vmem>>) offsets(%dma_start3A_433 : memref<64xi32, #tpu.memory_space<vmem>>) semaphore(%arg16 : memref<!tpu.dma_semaphore, #tpu.memory_space<semaphore_mem>>)
      %dma_start3A_437 = arith.constant 64 : i32
      %dma_start3A_438 = arith.constant 0 : i32
      %dma_start3A_439 = tpu.memref_slice %arg11[%dma_start3A_437, %dma_start3A_438] : memref<128x128xf32, #tpu.memory_space<vmem>> -> memref<64x128xf32, #tpu.memory_space<vmem>>
      %dma_start3A_440 = arith.constant 64 : i32
      %dma_start3A_441 = tpu.memref_slice %arg8[%add3A_427, %dma_start3A_440] : memref<40x128xi32, #tpu.memory_space<vmem>> -> memref<1x64xi32, #tpu.memory_space<vmem>>
      %dma_start3A_442 = tpu.memref_squeeze %dma_start3A_441 : memref<1x64xi32, #tpu.memory_space<vmem>> -> memref<64xi32, #tpu.memory_space<vmem>>
      %dma_start3A_443 = arith.constant 0 : i32
      %dma_start3A_444 = arith.constant 0 : i32
      %dma_start3A_445 = tpu.memref_slice %arg2[%dma_start3A_443, %dma_start3A_444] : memref<10000x128xf32, #tpu.memory_space<hbm>> -> memref<10000x128xf32, #tpu.memory_space<hbm>>
      tpu.enqueue_indirect_dma source(%dma_start3A_445 : memref<10000x128xf32, #tpu.memory_space<hbm>>) target(%dma_start3A_439 : memref<64x128xf32, #tpu.memory_space<vmem>>) offsets(%dma_start3A_442 : memref<64xi32, #tpu.memory_space<vmem>>) semaphore(%arg18 : memref<!tpu.dma_semaphore, #tpu.memory_space<semaphore_mem>>)
    }
    %scan3A_282 = arith.constant 18 : i32
    %dma_wait3A_283 = arith.constant 0 : i32
    %dma_wait3A_284 = arith.constant 0 : i32
    %dma_wait3A_285 = arith.constant 0 : i32
    %dma_wait3A_286 = tpu.memref_slice %arg11[%dma_wait3A_284, %dma_wait3A_285] : memref<128x128xf32, #tpu.memory_space<vmem>> -> memref<64x128xf32, #tpu.memory_space<vmem>>
    %dma_wait3A_287 = arith.constant 0 : i32
    %dma_wait3A_288 = tpu.memref_slice %arg8[%dma_wait3A_283, %dma_wait3A_287] : memref<40x128xi32, #tpu.memory_space<vmem>> -> memref<1x64xi32, #tpu.memory_space<vmem>>
    %dma_wait3A_289 = tpu.memref_squeeze %dma_wait3A_288 : memref<1x64xi32, #tpu.memory_space<vmem>> -> memref<64xi32, #tpu.memory_space<vmem>>
    %dma_wait3A_290 = arith.constant 0 : i32
    %dma_wait3A_291 = arith.constant 0 : i32
    %dma_wait3A_292 = tpu.memref_slice %arg2[%dma_wait3A_290, %dma_wait3A_291] : memref<10000x128xf32, #tpu.memory_space<hbm>> -> memref<10000x128xf32, #tpu.memory_space<hbm>>
    tpu.wait_indirect_dma semaphore(%arg16 : memref<!tpu.dma_semaphore, #tpu.memory_space<semaphore_mem>>) src(%dma_wait3A_292 : memref<10000x128xf32, #tpu.memory_space<hbm>>) dst(%dma_wait3A_286 : memref<64x128xf32, #tpu.memory_space<vmem>>)
    %dma_wait3A_293 = arith.constant 0 : i32
    %dma_wait3A_294 = arith.constant 64 : i32
    %dma_wait3A_295 = arith.constant 0 : i32
    %dma_wait3A_296 = tpu.memref_slice %arg11[%dma_wait3A_294, %dma_wait3A_295] : memref<128x128xf32, #tpu.memory_space<vmem>> -> memref<64x128xf32, #tpu.memory_space<vmem>>
    %dma_wait3A_297 = arith.constant 64 : i32
    %dma_wait3A_298 = tpu.memref_slice %arg8[%dma_wait3A_293, %dma_wait3A_297] : memref<40x128xi32, #tpu.memory_space<vmem>> -> memref<1x64xi32, #tpu.memory_space<vmem>>
    %dma_wait3A_299 = tpu.memref_squeeze %dma_wait3A_298 : memref<1x64xi32, #tpu.memory_space<vmem>> -> memref<64xi32, #tpu.memory_space<vmem>>
    %dma_wait3A_300 = arith.constant 0 : i32
    %dma_wait3A_301 = arith.constant 0 : i32
    %dma_wait3A_302 = tpu.memref_slice %arg2[%dma_wait3A_300, %dma_wait3A_301] : memref<10000x128xf32, #tpu.memory_space<hbm>> -> memref<10000x128xf32, #tpu.memory_space<hbm>>
    tpu.wait_indirect_dma semaphore(%arg18 : memref<!tpu.dma_semaphore, #tpu.memory_space<semaphore_mem>>) src(%dma_wait3A_302 : memref<10000x128xf32, #tpu.memory_space<hbm>>) dst(%dma_wait3A_296 : memref<64x128xf32, #tpu.memory_space<vmem>>)
    %dma_start3A_303 = arith.constant 37 : i32
    %dma_start3A_304 = arith.constant 0 : i32
    %dma_start3A_305 = tpu.memref_slice %arg9[%dma_start3A_303, %dma_start3A_304] : memref<40x128xi32, #tpu.memory_space<vmem>> -> memref<1x128xi32, #tpu.memory_space<vmem>>
    %dma_start3A_306 = tpu.memref_squeeze %dma_start3A_305 : memref<1x128xi32, #tpu.memory_space<vmem>> -> memref<128xi32, #tpu.memory_space<vmem>>
    %dma_start3A_307 = arith.constant 0 : i32
    %dma_start3A_308 = arith.constant 0 : i32
    %dma_start3A_309 = tpu.memref_slice %arg14[%dma_start3A_307, %dma_start3A_308] : memref<10000x128xf32, #tpu.memory_space<vmem_shared>> -> memref<10000x128xf32, #tpu.memory_space<vmem_shared>>
    tpu.enqueue_indirect_dma source(%arg11 : memref<128x128xf32, #tpu.memory_space<vmem>>) target(%dma_start3A_309 : memref<10000x128xf32, #tpu.memory_space<vmem_shared>>) offsets(%dma_start3A_306 : memref<128xi32, #tpu.memory_space<vmem>>) semaphore(%arg20 : memref<!tpu.dma_semaphore, #tpu.memory_space<semaphore_mem>>) {add = true}
    %dma_wait3A_310 = arith.constant 0 : i32
    %dma_wait3A_311 = arith.constant 0 : i32
    %dma_wait3A_312 = tpu.memref_slice %arg9[%dma_wait3A_310, %dma_wait3A_311] : memref<40x128xi32, #tpu.memory_space<vmem>> -> memref<1x128xi32, #tpu.memory_space<vmem>>
    %dma_wait3A_313 = tpu.memref_squeeze %dma_wait3A_312 : memref<1x128xi32, #tpu.memory_space<vmem>> -> memref<128xi32, #tpu.memory_space<vmem>>
    %dma_wait3A_314 = arith.constant 0 : i32
    %dma_wait3A_315 = arith.constant 0 : i32
    %dma_wait3A_316 = tpu.memref_slice %arg14[%dma_wait3A_314, %dma_wait3A_315] : memref<10000x128xf32, #tpu.memory_space<vmem_shared>> -> memref<10000x128xf32, #tpu.memory_space<vmem_shared>>
    tpu.wait_indirect_dma semaphore(%arg19 : memref<!tpu.dma_semaphore, #tpu.memory_space<semaphore_mem>>) src(%arg10 : memref<128x128xf32, #tpu.memory_space<vmem>>) dst(%dma_wait3A_316 : memref<10000x128xf32, #tpu.memory_space<vmem_shared>>)
    %dma_wait3A_317 = arith.constant 0 : i32
    %dma_wait3A_318 = arith.constant 0 : i32
    %dma_wait3A_319 = tpu.memref_slice %arg9[%dma_wait3A_317, %dma_wait3A_318] : memref<40x128xi32, #tpu.memory_space<vmem>> -> memref<1x128xi32, #tpu.memory_space<vmem>>
    %dma_wait3A_320 = tpu.memref_squeeze %dma_wait3A_319 : memref<1x128xi32, #tpu.memory_space<vmem>> -> memref<128xi32, #tpu.memory_space<vmem>>
    %dma_wait3A_321 = arith.constant 0 : i32
    %dma_wait3A_322 = arith.constant 0 : i32
    %dma_wait3A_323 = tpu.memref_slice %arg14[%dma_wait3A_321, %dma_wait3A_322] : memref<10000x128xf32, #tpu.memory_space<vmem_shared>> -> memref<10000x128xf32, #tpu.memory_space<vmem_shared>>
    tpu.wait_indirect_dma semaphore(%arg20 : memref<!tpu.dma_semaphore, #tpu.memory_space<semaphore_mem>>) src(%arg11 : memref<128x128xf32, #tpu.memory_space<vmem>>) dst(%dma_wait3A_323 : memref<10000x128xf32, #tpu.memory_space<vmem_shared>>)
    %lt3A = arith.constant 4 : i32
    %lt3A_324 = arith.cmpi slt, %add3A, %lt3A : i32
    %convert_element_type3A = arith.extui %lt3A_324 : i1 to i32
    %cond3A = arith.constant 0 : i32
    %cond3A_325 = arith.cmpi ne, %convert_element_type3A, %cond3A : i32
    scf.if %cond3A_325 {
      %mul3A_331 = arith.constant 128 : i32
      %mul3A_332 = arith.muli %add3A, %mul3A_331 : i32
      %add3A_333 = arith.constant 319488 : i32
      %add3A_334 = arith.addi %add3A_333, %mul3A_332 : i32
      "tpu.region"() ({
        %run_scoped3A = tpu.sem_alloc : memref<!tpu.dma_semaphore, #tpu.memory_space<semaphore_mem>>
        %dma_start3A_341 = tpu.memref_slice %arg5[%add3A_334] : memref<320000xi32, #tpu.memory_space<hbm>> -> memref<128xi32, #tpu.memory_space<hbm>>
        %dma_start3A_342 = tpu.memref_slice %arg5[%add3A_334] : memref<320000xi32, #tpu.memory_space<hbm>> -> memref<128xi32, #tpu.memory_space<hbm>>
        tpu.enqueue_dma source(%dma_start3A_342 : memref<128xi32, #tpu.memory_space<hbm>>) target(%arg12 : memref<128xi32, #tpu.memory_space<vmem>>) target_semaphore(%run_scoped3A : memref<!tpu.dma_semaphore, #tpu.memory_space<semaphore_mem>>)
        %dma_wait3A_343 = tpu.memref_slice %arg5[%add3A_334] : memref<320000xi32, #tpu.memory_space<hbm>> -> memref<128xi32, #tpu.memory_space<hbm>>
        %dma_wait3A_344 = tpu.memref_slice %arg5[%add3A_334] : memref<320000xi32, #tpu.memory_space<hbm>> -> memref<128xi32, #tpu.memory_space<hbm>>
        tpu.wait_dma2 semaphore(%run_scoped3A : memref<!tpu.dma_semaphore, #tpu.memory_space<semaphore_mem>>) src(%dma_wait3A_344 : memref<128xi32, #tpu.memory_space<hbm>>) dst(%arg12 : memref<128xi32, #tpu.memory_space<vmem>>)
        tpu.yield
      }) : () -> ()
      "tpu.region"() ({
        %run_scoped3A = tpu.sem_alloc : memref<!tpu.dma_semaphore, #tpu.memory_space<semaphore_mem>>
        %dma_start3A_341 = tpu.memref_slice %arg6[%add3A_334] : memref<320000xi32, #tpu.memory_space<hbm>> -> memref<128xi32, #tpu.memory_space<hbm>>
        %dma_start3A_342 = tpu.memref_slice %arg6[%add3A_334] : memref<320000xi32, #tpu.memory_space<hbm>> -> memref<128xi32, #tpu.memory_space<hbm>>
        tpu.enqueue_dma source(%dma_start3A_342 : memref<128xi32, #tpu.memory_space<hbm>>) target(%arg13 : memref<128xi32, #tpu.memory_space<vmem>>) target_semaphore(%run_scoped3A : memref<!tpu.dma_semaphore, #tpu.memory_space<semaphore_mem>>)
        %dma_wait3A_343 = tpu.memref_slice %arg6[%add3A_334] : memref<320000xi32, #tpu.memory_space<hbm>> -> memref<128xi32, #tpu.memory_space<hbm>>
        %dma_wait3A_344 = tpu.memref_slice %arg6[%add3A_334] : memref<320000xi32, #tpu.memory_space<hbm>> -> memref<128xi32, #tpu.memory_space<hbm>>
        tpu.wait_dma2 semaphore(%run_scoped3A : memref<!tpu.dma_semaphore, #tpu.memory_space<semaphore_mem>>) src(%dma_wait3A_344 : memref<128xi32, #tpu.memory_space<hbm>>) dst(%arg13 : memref<128xi32, #tpu.memory_space<vmem>>)
        tpu.yield
      }) : () -> ()
      %dma_start3A_335 = arith.constant 0 : i32
      %dma_start3A_336 = arith.constant 0 : i32
      %dma_start3A_337 = tpu.memref_slice %arg2[%dma_start3A_335, %dma_start3A_336] : memref<10000x128xf32, #tpu.memory_space<hbm>> -> memref<10000x128xf32, #tpu.memory_space<hbm>>
      tpu.enqueue_indirect_dma source(%dma_start3A_337 : memref<10000x128xf32, #tpu.memory_space<hbm>>) target(%arg10 : memref<128x128xf32, #tpu.memory_space<vmem>>) offsets(%arg12 : memref<128xi32, #tpu.memory_space<vmem>>) semaphore(%arg15 : memref<!tpu.dma_semaphore, #tpu.memory_space<semaphore_mem>>)
      %dma_wait3A_338 = arith.constant 0 : i32
      %dma_wait3A_339 = arith.constant 0 : i32
      %dma_wait3A_340 = tpu.memref_slice %arg2[%dma_wait3A_338, %dma_wait3A_339] : memref<10000x128xf32, #tpu.memory_space<hbm>> -> memref<10000x128xf32, #tpu.memory_space<hbm>>
      tpu.wait_indirect_dma semaphore(%arg15 : memref<!tpu.dma_semaphore, #tpu.memory_space<semaphore_mem>>) src(%dma_wait3A_340 : memref<10000x128xf32, #tpu.memory_space<hbm>>) dst(%arg10 : memref<128x128xf32, #tpu.memory_space<vmem>>)
      "tpu.region"() ({
        %run_scoped3A = tpu.sem_alloc : memref<!tpu.dma_semaphore, #tpu.memory_space<semaphore_mem>>
        %dma_start3A_341 = arith.constant 0 : i32
        %dma_start3A_342 = arith.constant 0 : i32
        %dma_start3A_343 = tpu.memref_slice %arg14[%dma_start3A_341, %dma_start3A_342] : memref<10000x128xf32, #tpu.memory_space<vmem_shared>> -> memref<10000x128xf32, #tpu.memory_space<vmem_shared>>
        tpu.enqueue_indirect_dma source(%arg10 : memref<128x128xf32, #tpu.memory_space<vmem>>) target(%dma_start3A_343 : memref<10000x128xf32, #tpu.memory_space<vmem_shared>>) offsets(%arg13 : memref<128xi32, #tpu.memory_space<vmem>>) semaphore(%run_scoped3A : memref<!tpu.dma_semaphore, #tpu.memory_space<semaphore_mem>>) {add = true}
        %dma_wait3A_344 = arith.constant 0 : i32
        %dma_wait3A_345 = arith.constant 0 : i32
        %dma_wait3A_346 = tpu.memref_slice %arg14[%dma_wait3A_344, %dma_wait3A_345] : memref<10000x128xf32, #tpu.memory_space<vmem_shared>> -> memref<10000x128xf32, #tpu.memory_space<vmem_shared>>
        tpu.wait_indirect_dma semaphore(%run_scoped3A : memref<!tpu.dma_semaphore, #tpu.memory_space<semaphore_mem>>) src(%arg10 : memref<128x128xf32, #tpu.memory_space<vmem>>) dst(%dma_wait3A_346 : memref<10000x128xf32, #tpu.memory_space<vmem_shared>>)
        tpu.yield
      }) : () -> ()
    } else {
    }
    %barrier3A_326 = arith.constant 0 : index
    tpu.barrier barrier_id(%barrier3A_326)
    %mul3A_327 = arith.constant 624 : i32
    %mul3A_328 = arith.muli %arg1, %mul3A_327 : i32
    %mul3A_329 = arith.constant 624 : i32
    %mul3A_330 = arith.muli %arg1, %mul3A_329 : i32
    "tpu.region"() ({
      %run_scoped3A = tpu.sem_alloc : memref<!tpu.dma_semaphore, #tpu.memory_space<semaphore_mem>>
      %dma_start3A_331 = arith.constant 0 : i32
      %dma_start3A_332 = tpu.memref_slice %arg7[%arg0, %mul3A_330, %dma_start3A_331] : memref<2x10000x128xf32, #tpu.memory_space<hbm>> -> memref<1x640x128xf32, #tpu.memory_space<hbm>>
      %dma_start3A_333 = tpu.memref_squeeze %dma_start3A_332 : memref<1x640x128xf32, #tpu.memory_space<hbm>> -> memref<640x128xf32, #tpu.memory_space<hbm>>
      %dma_start3A_334 = arith.constant 0 : i32
      %dma_start3A_335 = tpu.memref_slice %arg14[%mul3A_328, %dma_start3A_334] : memref<10000x128xf32, #tpu.memory_space<vmem_shared>> -> memref<640x128xf32, #tpu.memory_space<vmem_shared>>
      tpu.enqueue_dma source(%dma_start3A_335 : memref<640x128xf32, #tpu.memory_space<vmem_shared>>) target(%dma_start3A_333 : memref<640x128xf32, #tpu.memory_space<hbm>>) target_semaphore(%run_scoped3A : memref<!tpu.dma_semaphore, #tpu.memory_space<semaphore_mem>>)
      %dma_wait3A_336 = arith.constant 0 : i32
      %dma_wait3A_337 = tpu.memref_slice %arg7[%arg0, %mul3A_330, %dma_wait3A_336] : memref<2x10000x128xf32, #tpu.memory_space<hbm>> -> memref<1x640x128xf32, #tpu.memory_space<hbm>>
      %dma_wait3A_338 = tpu.memref_squeeze %dma_wait3A_337 : memref<1x640x128xf32, #tpu.memory_space<hbm>> -> memref<640x128xf32, #tpu.memory_space<hbm>>
      %dma_wait3A_339 = arith.constant 0 : i32
      %dma_wait3A_340 = tpu.memref_slice %arg14[%mul3A_328, %dma_wait3A_339] : memref<10000x128xf32, #tpu.memory_space<vmem_shared>> -> memref<640x128xf32, #tpu.memory_space<vmem_shared>>
      tpu.wait_dma2 semaphore(%run_scoped3A : memref<!tpu.dma_semaphore, #tpu.memory_space<semaphore_mem>>) src(%dma_wait3A_340 : memref<640x128xf32, #tpu.memory_space<vmem_shared>>) dst(%dma_wait3A_338 : memref<640x128xf32, #tpu.memory_space<hbm>>)
      tpu.yield
    }) : () -> ()
    return
  }
}

#map = affine_map<(d0, d1) -> (0, 0, 0)>
#map1 = affine_map<(d0, d1) -> (0)>
#map2 = affine_map<(d0, d1) -> (0, 0)>
module attributes {stable_mosaic.version = 14 : i64} {
  func.func @_deg_body(%arg0: i32, %arg1: i32, %arg2: memref<32x78x128xi32, #tpu.memory_space<hbm>>, %arg3: memref<320000xi32, #tpu.memory_space<hbm>>, %arg4: memref<32x10000xf32, #tpu.memory_space<hbm>>, %arg5: memref<78x128xi32, #tpu.memory_space<vmem>>, %arg6: memref<10000xf32, #tpu.memory_space<vmem>>, %arg7: memref<128xi32, #tpu.memory_space<vmem>>, %arg8: memref<!tpu.dma_semaphore, #tpu.memory_space<semaphore_mem>>) attributes {dimension_semantics = [#tpu.dimension_semantics<core_parallel>, #tpu.dimension_semantics<subcore_parallel>], iteration_bounds = array<i64: 2, 16>, scalar_prefetch = 0 : i64, scratch_operands = 4 : i64, tpu.core_type = #tpu.core_type<sc_vector_subcore>, window_params = [{transform_indices = #map}, {transform_indices = #map1}, {transform_indices = #map2}]} {
    %mul3A = arith.constant 2 : i32
    %mul3A_0 = arith.muli %arg1, %mul3A : i32
    %add3A = arith.addi %mul3A_0, %arg0 : i32
    %dma_start3A = arith.constant 0 : i32
    %dma_start3A_1 = arith.constant 0 : i32
    %dma_start3A_2 = tpu.memref_slice %arg2[%add3A, %dma_start3A, %dma_start3A_1] : memref<32x78x128xi32, #tpu.memory_space<hbm>> -> memref<1x78x128xi32, #tpu.memory_space<hbm>>
    %dma_start3A_3 = tpu.memref_squeeze %dma_start3A_2 : memref<1x78x128xi32, #tpu.memory_space<hbm>> -> memref<78x128xi32, #tpu.memory_space<hbm>>
    %dma_start3A_4 = arith.constant 0 : i32
    %dma_start3A_5 = arith.constant 0 : i32
    %dma_start3A_6 = tpu.memref_slice %arg2[%add3A, %dma_start3A_4, %dma_start3A_5] : memref<32x78x128xi32, #tpu.memory_space<hbm>> -> memref<1x78x128xi32, #tpu.memory_space<hbm>>
    %dma_start3A_7 = tpu.memref_squeeze %dma_start3A_6 : memref<1x78x128xi32, #tpu.memory_space<hbm>> -> memref<78x128xi32, #tpu.memory_space<hbm>>
    tpu.enqueue_dma source(%dma_start3A_7 : memref<78x128xi32, #tpu.memory_space<hbm>>) target(%arg5 : memref<78x128xi32, #tpu.memory_space<vmem>>) target_semaphore(%arg8 : memref<!tpu.dma_semaphore, #tpu.memory_space<semaphore_mem>>)
    %scan3A = arith.constant 0 : i32
    %scan3A_8 = arith.constant 0 : i32
    %scan3A_9 = arith.constant 625 : i32
    %scan3A_10 = arith.addi %scan3A_8, %scan3A_9 : i32
    %scan3A_11 = arith.constant 1 : i32
    scf.for %scan3A_29 = %scan3A_8 to %scan3A_10 step %scan3A_11  : i32 {
      %broadcast_in_dim3A_30 = arith.constant 0.000000e+00 : f32
      %broadcast_in_dim3A_31 = vector.broadcast %broadcast_in_dim3A_30 : f32 to vector<16xf32>
      %mul3A_32 = arith.constant 16 : i32
      %mul3A_33 = arith.muli %scan3A_29, %mul3A_32 : i32
      %swap3A = arith.index_cast %mul3A_33 : i32 to index
      %swap3A_34 = tpu.vector_load %arg6[%swap3A] {strides = array<i32>} : memref<10000xf32, #tpu.memory_space<vmem>>, vector<16xf32>,
      tpu.vector_store %arg6[%swap3A], %broadcast_in_dim3A_31 {strides = array<i32>} : memref<10000xf32, #tpu.memory_space<vmem>>, vector<16xf32>,
    }
    %scan3A_12 = arith.constant 625 : i32
    %dma_wait3A = arith.constant 0 : i32
    %dma_wait3A_13 = arith.constant 0 : i32
    %dma_wait3A_14 = tpu.memref_slice %arg2[%add3A, %dma_wait3A, %dma_wait3A_13] : memref<32x78x128xi32, #tpu.memory_space<hbm>> -> memref<1x78x128xi32, #tpu.memory_space<hbm>>
    %dma_wait3A_15 = tpu.memref_squeeze %dma_wait3A_14 : memref<1x78x128xi32, #tpu.memory_space<hbm>> -> memref<78x128xi32, #tpu.memory_space<hbm>>
    %dma_wait3A_16 = arith.constant 0 : i32
    %dma_wait3A_17 = arith.constant 0 : i32
    %dma_wait3A_18 = tpu.memref_slice %arg2[%add3A, %dma_wait3A_16, %dma_wait3A_17] : memref<32x78x128xi32, #tpu.memory_space<hbm>> -> memref<1x78x128xi32, #tpu.memory_space<hbm>>
    %dma_wait3A_19 = tpu.memref_squeeze %dma_wait3A_18 : memref<1x78x128xi32, #tpu.memory_space<hbm>> -> memref<78x128xi32, #tpu.memory_space<hbm>>
    tpu.wait_dma2 semaphore(%arg8 : memref<!tpu.dma_semaphore, #tpu.memory_space<semaphore_mem>>) src(%dma_wait3A_19 : memref<78x128xi32, #tpu.memory_space<hbm>>) dst(%arg5 : memref<78x128xi32, #tpu.memory_space<vmem>>)
    %broadcast_in_dim3A = arith.constant 1.000000e+00 : f32
    %broadcast_in_dim3A_20 = vector.broadcast %broadcast_in_dim3A : f32 to vector<16xf32>
    %scan3A_21 = arith.constant 0 : i32
    %scan3A_22 = arith.constant 0 : i32
    %scan3A_23 = arith.constant 78 : i32
    %scan3A_24 = arith.addi %scan3A_22, %scan3A_23 : i32
    %scan3A_25 = arith.constant 1 : i32
    scf.for %scan3A_29 = %scan3A_22 to %scan3A_24 step %scan3A_25  : i32 {
      %get3A = arith.index_cast %scan3A_29 : i32 to index
      %get3A_30 = arith.constant 0 : index
      %get3A_31 = tpu.vector_load %arg5[%get3A, %get3A_30] {strides = array<i32>} : memref<78x128xi32, #tpu.memory_space<vmem>>, vector<16xi32>,
      tpu.vector_store_idx %arg6[%get3A_31], %broadcast_in_dim3A_20 {add = true} : memref<10000xf32, #tpu.memory_space<vmem>>[vector<16xi32>], vector<16xf32>,
      %get3A_32 = arith.index_cast %scan3A_29 : i32 to index
      %get3A_33 = arith.constant 16 : index
      %get3A_34 = tpu.vector_load %arg5[%get3A_32, %get3A_33] {strides = array<i32>} : memref<78x128xi32, #tpu.memory_space<vmem>>, vector<16xi32>,
      tpu.vector_store_idx %arg6[%get3A_34], %broadcast_in_dim3A_20 {add = true} : memref<10000xf32, #tpu.memory_space<vmem>>[vector<16xi32>], vector<16xf32>,
      %get3A_35 = arith.index_cast %scan3A_29 : i32 to index
      %get3A_36 = arith.constant 32 : index
      %get3A_37 = tpu.vector_load %arg5[%get3A_35, %get3A_36] {strides = array<i32>} : memref<78x128xi32, #tpu.memory_space<vmem>>, vector<16xi32>,
      tpu.vector_store_idx %arg6[%get3A_37], %broadcast_in_dim3A_20 {add = true} : memref<10000xf32, #tpu.memory_space<vmem>>[vector<16xi32>], vector<16xf32>,
      %get3A_38 = arith.index_cast %scan3A_29 : i32 to index
      %get3A_39 = arith.constant 48 : index
      %get3A_40 = tpu.vector_load %arg5[%get3A_38, %get3A_39] {strides = array<i32>} : memref<78x128xi32, #tpu.memory_space<vmem>>, vector<16xi32>,
      tpu.vector_store_idx %arg6[%get3A_40], %broadcast_in_dim3A_20 {add = true} : memref<10000xf32, #tpu.memory_space<vmem>>[vector<16xi32>], vector<16xf32>,
      %get3A_41 = arith.index_cast %scan3A_29 : i32 to index
      %get3A_42 = arith.constant 64 : index
      %get3A_43 = tpu.vector_load %arg5[%get3A_41, %get3A_42] {strides = array<i32>} : memref<78x128xi32, #tpu.memory_space<vmem>>, vector<16xi32>,
      tpu.vector_store_idx %arg6[%get3A_43], %broadcast_in_dim3A_20 {add = true} : memref<10000xf32, #tpu.memory_space<vmem>>[vector<16xi32>], vector<16xf32>,
      %get3A_44 = arith.index_cast %scan3A_29 : i32 to index
      %get3A_45 = arith.constant 80 : index
      %get3A_46 = tpu.vector_load %arg5[%get3A_44, %get3A_45] {strides = array<i32>} : memref<78x128xi32, #tpu.memory_space<vmem>>, vector<16xi32>,
      tpu.vector_store_idx %arg6[%get3A_46], %broadcast_in_dim3A_20 {add = true} : memref<10000xf32, #tpu.memory_space<vmem>>[vector<16xi32>], vector<16xf32>,
      %get3A_47 = arith.index_cast %scan3A_29 : i32 to index
      %get3A_48 = arith.constant 96 : index
      %get3A_49 = tpu.vector_load %arg5[%get3A_47, %get3A_48] {strides = array<i32>} : memref<78x128xi32, #tpu.memory_space<vmem>>, vector<16xi32>,
      tpu.vector_store_idx %arg6[%get3A_49], %broadcast_in_dim3A_20 {add = true} : memref<10000xf32, #tpu.memory_space<vmem>>[vector<16xi32>], vector<16xf32>,
      %get3A_50 = arith.index_cast %scan3A_29 : i32 to index
      %get3A_51 = arith.constant 112 : index
      %get3A_52 = tpu.vector_load %arg5[%get3A_50, %get3A_51] {strides = array<i32>} : memref<78x128xi32, #tpu.memory_space<vmem>>, vector<16xi32>,
      tpu.vector_store_idx %arg6[%get3A_52], %broadcast_in_dim3A_20 {add = true} : memref<10000xf32, #tpu.memory_space<vmem>>[vector<16xi32>], vector<16xf32>,
    }
    %scan3A_26 = arith.constant 78 : i32
    %lt3A = arith.constant 4 : i32
    %lt3A_27 = arith.cmpi slt, %add3A, %lt3A : i32
    %convert_element_type3A = arith.extui %lt3A_27 : i1 to i32
    %cond3A = arith.constant 0 : i32
    %cond3A_28 = arith.cmpi ne, %convert_element_type3A, %cond3A : i32
    scf.if %cond3A_28 {
      %mul3A_29 = arith.constant 128 : i32
      %mul3A_30 = arith.muli %add3A, %mul3A_29 : i32
      %add3A_31 = arith.constant 319488 : i32
      %add3A_32 = arith.addi %add3A_31, %mul3A_30 : i32
      "tpu.region"() ({
        %run_scoped3A = tpu.sem_alloc : memref<!tpu.dma_semaphore, #tpu.memory_space<semaphore_mem>>
        %dma_start3A_48 = tpu.memref_slice %arg3[%add3A_32] : memref<320000xi32, #tpu.memory_space<hbm>> -> memref<128xi32, #tpu.memory_space<hbm>>
        %dma_start3A_49 = tpu.memref_slice %arg3[%add3A_32] : memref<320000xi32, #tpu.memory_space<hbm>> -> memref<128xi32, #tpu.memory_space<hbm>>
        tpu.enqueue_dma source(%dma_start3A_49 : memref<128xi32, #tpu.memory_space<hbm>>) target(%arg7 : memref<128xi32, #tpu.memory_space<vmem>>) target_semaphore(%run_scoped3A : memref<!tpu.dma_semaphore, #tpu.memory_space<semaphore_mem>>)
        %dma_wait3A_50 = tpu.memref_slice %arg3[%add3A_32] : memref<320000xi32, #tpu.memory_space<hbm>> -> memref<128xi32, #tpu.memory_space<hbm>>
        %dma_wait3A_51 = tpu.memref_slice %arg3[%add3A_32] : memref<320000xi32, #tpu.memory_space<hbm>> -> memref<128xi32, #tpu.memory_space<hbm>>
        tpu.wait_dma2 semaphore(%run_scoped3A : memref<!tpu.dma_semaphore, #tpu.memory_space<semaphore_mem>>) src(%dma_wait3A_51 : memref<128xi32, #tpu.memory_space<hbm>>) dst(%arg7 : memref<128xi32, #tpu.memory_space<vmem>>)
        tpu.yield
      }) : () -> ()
      %get3A = arith.constant 0 : index
      %get3A_33 = tpu.vector_load %arg7[%get3A] {strides = array<i32>} : memref<128xi32, #tpu.memory_space<vmem>>, vector<16xi32>,
      tpu.vector_store_idx %arg6[%get3A_33], %broadcast_in_dim3A_20 {add = true} : memref<10000xf32, #tpu.memory_space<vmem>>[vector<16xi32>], vector<16xf32>,
      %get3A_34 = arith.constant 16 : index
      %get3A_35 = tpu.vector_load %arg7[%get3A_34] {strides = array<i32>} : memref<128xi32, #tpu.memory_space<vmem>>, vector<16xi32>,
      tpu.vector_store_idx %arg6[%get3A_35], %broadcast_in_dim3A_20 {add = true} : memref<10000xf32, #tpu.memory_space<vmem>>[vector<16xi32>], vector<16xf32>,
      %get3A_36 = arith.constant 32 : index
      %get3A_37 = tpu.vector_load %arg7[%get3A_36] {strides = array<i32>} : memref<128xi32, #tpu.memory_space<vmem>>, vector<16xi32>,
      tpu.vector_store_idx %arg6[%get3A_37], %broadcast_in_dim3A_20 {add = true} : memref<10000xf32, #tpu.memory_space<vmem>>[vector<16xi32>], vector<16xf32>,
      %get3A_38 = arith.constant 48 : index
      %get3A_39 = tpu.vector_load %arg7[%get3A_38] {strides = array<i32>} : memref<128xi32, #tpu.memory_space<vmem>>, vector<16xi32>,
      tpu.vector_store_idx %arg6[%get3A_39], %broadcast_in_dim3A_20 {add = true} : memref<10000xf32, #tpu.memory_space<vmem>>[vector<16xi32>], vector<16xf32>,
      %get3A_40 = arith.constant 64 : index
      %get3A_41 = tpu.vector_load %arg7[%get3A_40] {strides = array<i32>} : memref<128xi32, #tpu.memory_space<vmem>>, vector<16xi32>,
      tpu.vector_store_idx %arg6[%get3A_41], %broadcast_in_dim3A_20 {add = true} : memref<10000xf32, #tpu.memory_space<vmem>>[vector<16xi32>], vector<16xf32>,
      %get3A_42 = arith.constant 80 : index
      %get3A_43 = tpu.vector_load %arg7[%get3A_42] {strides = array<i32>} : memref<128xi32, #tpu.memory_space<vmem>>, vector<16xi32>,
      tpu.vector_store_idx %arg6[%get3A_43], %broadcast_in_dim3A_20 {add = true} : memref<10000xf32, #tpu.memory_space<vmem>>[vector<16xi32>], vector<16xf32>,
      %get3A_44 = arith.constant 96 : index
      %get3A_45 = tpu.vector_load %arg7[%get3A_44] {strides = array<i32>} : memref<128xi32, #tpu.memory_space<vmem>>, vector<16xi32>,
      tpu.vector_store_idx %arg6[%get3A_45], %broadcast_in_dim3A_20 {add = true} : memref<10000xf32, #tpu.memory_space<vmem>>[vector<16xi32>], vector<16xf32>,
      %get3A_46 = arith.constant 112 : index
      %get3A_47 = tpu.vector_load %arg7[%get3A_46] {strides = array<i32>} : memref<128xi32, #tpu.memory_space<vmem>>, vector<16xi32>,
      tpu.vector_store_idx %arg6[%get3A_47], %broadcast_in_dim3A_20 {add = true} : memref<10000xf32, #tpu.memory_space<vmem>>[vector<16xi32>], vector<16xf32>,
    } else {
    }
    "tpu.region"() ({
      %run_scoped3A = tpu.sem_alloc : memref<!tpu.dma_semaphore, #tpu.memory_space<semaphore_mem>>
      %dma_start3A_29 = arith.constant 0 : i32
      %dma_start3A_30 = tpu.memref_slice %arg4[%add3A, %dma_start3A_29] : memref<32x10000xf32, #tpu.memory_space<hbm>> -> memref<1x10000xf32, #tpu.memory_space<hbm>>
      %dma_start3A_31 = tpu.memref_squeeze %dma_start3A_30 : memref<1x10000xf32, #tpu.memory_space<hbm>> -> memref<10000xf32, #tpu.memory_space<hbm>>
      %dma_start3A_32 = arith.constant 0 : i32
      %dma_start3A_33 = tpu.memref_slice %arg4[%add3A, %dma_start3A_32] : memref<32x10000xf32, #tpu.memory_space<hbm>> -> memref<1x10000xf32, #tpu.memory_space<hbm>>
      %dma_start3A_34 = tpu.memref_squeeze %dma_start3A_33 : memref<1x10000xf32, #tpu.memory_space<hbm>> -> memref<10000xf32, #tpu.memory_space<hbm>>
      tpu.enqueue_dma source(%arg6 : memref<10000xf32, #tpu.memory_space<vmem>>) target(%dma_start3A_34 : memref<10000xf32, #tpu.memory_space<hbm>>) target_semaphore(%run_scoped3A : memref<!tpu.dma_semaphore, #tpu.memory_space<semaphore_mem>>)
      %dma_wait3A_35 = arith.constant 0 : i32
      %dma_wait3A_36 = tpu.memref_slice %arg4[%add3A, %dma_wait3A_35] : memref<32x10000xf32, #tpu.memory_space<hbm>> -> memref<1x10000xf32, #tpu.memory_space<hbm>>
      %dma_wait3A_37 = tpu.memref_squeeze %dma_wait3A_36 : memref<1x10000xf32, #tpu.memory_space<hbm>> -> memref<10000xf32, #tpu.memory_space<hbm>>
      %dma_wait3A_38 = arith.constant 0 : i32
      %dma_wait3A_39 = tpu.memref_slice %arg4[%add3A, %dma_wait3A_38] : memref<32x10000xf32, #tpu.memory_space<hbm>> -> memref<1x10000xf32, #tpu.memory_space<hbm>>
      %dma_wait3A_40 = tpu.memref_squeeze %dma_wait3A_39 : memref<1x10000xf32, #tpu.memory_space<hbm>> -> memref<10000xf32, #tpu.memory_space<hbm>>
      tpu.wait_dma2 semaphore(%run_scoped3A : memref<!tpu.dma_semaphore, #tpu.memory_space<semaphore_mem>>) src(%arg6 : memref<10000xf32, #tpu.memory_space<vmem>>) dst(%dma_wait3A_40 : memref<10000xf32, #tpu.memory_space<hbm>>)
      tpu.yield
    }) : () -> ()
    return
  }
}

#map = affine_map<(d0, d1) -> (0, 0)>
#map1 = affine_map<(d0, d1) -> (0, 0, 0)>
#map2 = affine_map<(d0, d1) -> (0)>
module attributes {stable_mosaic.version = 14 : i64} {
  func.func @_segsum_body(%arg0: i32, %arg1: i32, %arg2: memref<10000x128xf32, #tpu.memory_space<hbm>>, %arg3: memref<32x78x128xi32, #tpu.memory_space<hbm>>, %arg4: memref<32x78x128xi32, #tpu.memory_space<hbm>>, %arg5: memref<320000xi32, #tpu.memory_space<hbm>>, %arg6: memref<320000xi32, #tpu.memory_space<hbm>>, %arg7: memref<2x10000x128xf32, #tpu.memory_space<hbm>>, %arg8: memref<40x128xi32, #tpu.memory_space<vmem>>, %arg9: memref<40x128xi32, #tpu.memory_space<vmem>>, %arg10: memref<128x128xf32, #tpu.memory_space<vmem>>, %arg11: memref<128x128xf32, #tpu.memory_space<vmem>>, %arg12: memref<128xi32, #tpu.memory_space<vmem>>, %arg13: memref<128xi32, #tpu.memory_space<vmem>>, %arg14: memref<10000x128xf32, #tpu.memory_space<vmem_shared>>, %arg15: memref<!tpu.dma_semaphore, #tpu.memory_space<semaphore_mem>>, %arg16: memref<!tpu.dma_semaphore, #tpu.memory_space<semaphore_mem>>, %arg17: memref<!tpu.dma_semaphore, #tpu.memory_space<semaphore_mem>>, %arg18: memref<!tpu.dma_semaphore, #tpu.memory_space<semaphore_mem>>, %arg19: memref<!tpu.dma_semaphore, #tpu.memory_space<semaphore_mem>>, %arg20: memref<!tpu.dma_semaphore, #tpu.memory_space<semaphore_mem>>, %arg21: memref<!tpu.dma_semaphore, #tpu.memory_space<semaphore_mem>>) attributes {dimension_semantics = [#tpu.dimension_semantics<core_parallel>, #tpu.dimension_semantics<subcore_parallel>], iteration_bounds = array<i64: 2, 16>, scalar_prefetch = 0 : i64, scratch_operands = 14 : i64, tpu.core_type = #tpu.core_type<sc_vector_subcore>, window_params = [{transform_indices = #map}, {transform_indices = #map1}, {transform_indices = #map1}, {transform_indices = #map2}, {transform_indices = #map2}, {transform_indices = #map1}]} {
    %mul3A = arith.constant 2 : i32
    %mul3A_0 = arith.muli %arg1, %mul3A : i32
    %add3A = arith.addi %mul3A_0, %arg0 : i32
    %dma_start3A = arith.constant 0 : i32
    %dma_start3A_1 = arith.constant 0 : i32
    %dma_start3A_2 = tpu.memref_slice %arg3[%add3A, %dma_start3A, %dma_start3A_1] : memref<32x78x128xi32, #tpu.memory_space<hbm>> -> memref<1x40x128xi32, #tpu.memory_space<hbm>>
    %dma_start3A_3 = tpu.memref_squeeze %dma_start3A_2 : memref<1x40x128xi32, #tpu.memory_space<hbm>> -> memref<40x128xi32, #tpu.memory_space<hbm>>
    %dma_start3A_4 = arith.constant 0 : i32
    %dma_start3A_5 = arith.constant 0 : i32
    %dma_start3A_6 = tpu.memref_slice %arg3[%add3A, %dma_start3A_4, %dma_start3A_5] : memref<32x78x128xi32, #tpu.memory_space<hbm>> -> memref<1x40x128xi32, #tpu.memory_space<hbm>>
    %dma_start3A_7 = tpu.memref_squeeze %dma_start3A_6 : memref<1x40x128xi32, #tpu.memory_space<hbm>> -> memref<40x128xi32, #tpu.memory_space<hbm>>
    tpu.enqueue_dma source(%dma_start3A_7 : memref<40x128xi32, #tpu.memory_space<hbm>>) target(%arg8 : memref<40x128xi32, #tpu.memory_space<vmem>>) target_semaphore(%arg21 : memref<!tpu.dma_semaphore, #tpu.memory_space<semaphore_mem>>)
    %dma_start3A_8 = arith.constant 0 : i32
    %dma_start3A_9 = arith.constant 0 : i32
    %dma_start3A_10 = tpu.memref_slice %arg4[%add3A, %dma_start3A_8, %dma_start3A_9] : memref<32x78x128xi32, #tpu.memory_space<hbm>> -> memref<1x40x128xi32, #tpu.memory_space<hbm>>
    %dma_start3A_11 = tpu.memref_squeeze %dma_start3A_10 : memref<1x40x128xi32, #tpu.memory_space<hbm>> -> memref<40x128xi32, #tpu.memory_space<hbm>>
    %dma_start3A_12 = arith.constant 0 : i32
    %dma_start3A_13 = arith.constant 0 : i32
    %dma_start3A_14 = tpu.memref_slice %arg4[%add3A, %dma_start3A_12, %dma_start3A_13] : memref<32x78x128xi32, #tpu.memory_space<hbm>> -> memref<1x40x128xi32, #tpu.memory_space<hbm>>
    %dma_start3A_15 = tpu.memref_squeeze %dma_start3A_14 : memref<1x40x128xi32, #tpu.memory_space<hbm>> -> memref<40x128xi32, #tpu.memory_space<hbm>>
    tpu.enqueue_dma source(%dma_start3A_15 : memref<40x128xi32, #tpu.memory_space<hbm>>) target(%arg9 : memref<40x128xi32, #tpu.memory_space<vmem>>) target_semaphore(%arg21 : memref<!tpu.dma_semaphore, #tpu.memory_space<semaphore_mem>>)
    %scan3A = arith.constant 0 : i32
    %scan3A_16 = arith.constant 0 : i32
    %scan3A_17 = arith.constant 128 : i32
    %scan3A_18 = arith.addi %scan3A_16, %scan3A_17 : i32
    %scan3A_19 = arith.constant 1 : i32
    scf.for %scan3A_331 = %scan3A_16 to %scan3A_18 step %scan3A_19  : i32 {
      %broadcast_in_dim3A = arith.constant 0.000000e+00 : f32
      %broadcast_in_dim3A_332 = vector.broadcast %broadcast_in_dim3A : f32 to vector<16xf32>
      %swap3A = arith.index_cast %scan3A_331 : i32 to index
      %swap3A_333 = arith.constant 0 : index
      %swap3A_334 = tpu.vector_load %arg10[%swap3A, %swap3A_333] {strides = array<i32>} : memref<128x128xf32, #tpu.memory_space<vmem>>, vector<1x16xf32>,
      %swap3A_335 = vector.shape_cast %swap3A_334 : vector<1x16xf32> to vector<16xf32>
      %swap3A_336 = vector.shape_cast %broadcast_in_dim3A_332 : vector<16xf32> to vector<1x16xf32>
      tpu.vector_store %arg10[%swap3A, %swap3A_333], %swap3A_336 {strides = array<i32>} : memref<128x128xf32, #tpu.memory_space<vmem>>, vector<1x16xf32>,
      %broadcast_in_dim3A_337 = arith.constant 0.000000e+00 : f32
      %broadcast_in_dim3A_338 = vector.broadcast %broadcast_in_dim3A_337 : f32 to vector<16xf32>
      %swap3A_339 = arith.index_cast %scan3A_331 : i32 to index
      %swap3A_340 = arith.constant 16 : index
      %swap3A_341 = tpu.vector_load %arg10[%swap3A_339, %swap3A_340] {strides = array<i32>} : memref<128x128xf32, #tpu.memory_space<vmem>>, vector<1x16xf32>,
      %swap3A_342 = vector.shape_cast %swap3A_341 : vector<1x16xf32> to vector<16xf32>
      %swap3A_343 = vector.shape_cast %broadcast_in_dim3A_338 : vector<16xf32> to vector<1x16xf32>
      tpu.vector_store %arg10[%swap3A_339, %swap3A_340], %swap3A_343 {strides = array<i32>} : memref<128x128xf32, #tpu.memory_space<vmem>>, vector<1x16xf32>,
      %broadcast_in_dim3A_344 = arith.constant 0.000000e+00 : f32
      %broadcast_in_dim3A_345 = vector.broadcast %broadcast_in_dim3A_344 : f32 to vector<16xf32>
      %swap3A_346 = arith.index_cast %scan3A_331 : i32 to index
      %swap3A_347 = arith.constant 32 : index
      %swap3A_348 = tpu.vector_load %arg10[%swap3A_346, %swap3A_347] {strides = array<i32>} : memref<128x128xf32, #tpu.memory_space<vmem>>, vector<1x16xf32>,
      %swap3A_349 = vector.shape_cast %swap3A_348 : vector<1x16xf32> to vector<16xf32>
      %swap3A_350 = vector.shape_cast %broadcast_in_dim3A_345 : vector<16xf32> to vector<1x16xf32>
      tpu.vector_store %arg10[%swap3A_346, %swap3A_347], %swap3A_350 {strides = array<i32>} : memref<128x128xf32, #tpu.memory_space<vmem>>, vector<1x16xf32>,
      %broadcast_in_dim3A_351 = arith.constant 0.000000e+00 : f32
      %broadcast_in_dim3A_352 = vector.broadcast %broadcast_in_dim3A_351 : f32 to vector<16xf32>
      %swap3A_353 = arith.index_cast %scan3A_331 : i32 to index
      %swap3A_354 = arith.constant 48 : index
      %swap3A_355 = tpu.vector_load %arg10[%swap3A_353, %swap3A_354] {strides = array<i32>} : memref<128x128xf32, #tpu.memory_space<vmem>>, vector<1x16xf32>,
      %swap3A_356 = vector.shape_cast %swap3A_355 : vector<1x16xf32> to vector<16xf32>
      %swap3A_357 = vector.shape_cast %broadcast_in_dim3A_352 : vector<16xf32> to vector<1x16xf32>
      tpu.vector_store %arg10[%swap3A_353, %swap3A_354], %swap3A_357 {strides = array<i32>} : memref<128x128xf32, #tpu.memory_space<vmem>>, vector<1x16xf32>,
      %broadcast_in_dim3A_358 = arith.constant 0.000000e+00 : f32
      %broadcast_in_dim3A_359 = vector.broadcast %broadcast_in_dim3A_358 : f32 to vector<16xf32>
      %swap3A_360 = arith.index_cast %scan3A_331 : i32 to index
      %swap3A_361 = arith.constant 64 : index
      %swap3A_362 = tpu.vector_load %arg10[%swap3A_360, %swap3A_361] {strides = array<i32>} : memref<128x128xf32, #tpu.memory_space<vmem>>, vector<1x16xf32>,
      %swap3A_363 = vector.shape_cast %swap3A_362 : vector<1x16xf32> to vector<16xf32>
      %swap3A_364 = vector.shape_cast %broadcast_in_dim3A_359 : vector<16xf32> to vector<1x16xf32>
      tpu.vector_store %arg10[%swap3A_360, %swap3A_361], %swap3A_364 {strides = array<i32>} : memref<128x128xf32, #tpu.memory_space<vmem>>, vector<1x16xf32>,
      %broadcast_in_dim3A_365 = arith.constant 0.000000e+00 : f32
      %broadcast_in_dim3A_366 = vector.broadcast %broadcast_in_dim3A_365 : f32 to vector<16xf32>
      %swap3A_367 = arith.index_cast %scan3A_331 : i32 to index
      %swap3A_368 = arith.constant 80 : index
      %swap3A_369 = tpu.vector_load %arg10[%swap3A_367, %swap3A_368] {strides = array<i32>} : memref<128x128xf32, #tpu.memory_space<vmem>>, vector<1x16xf32>,
      %swap3A_370 = vector.shape_cast %swap3A_369 : vector<1x16xf32> to vector<16xf32>
      %swap3A_371 = vector.shape_cast %broadcast_in_dim3A_366 : vector<16xf32> to vector<1x16xf32>
      tpu.vector_store %arg10[%swap3A_367, %swap3A_368], %swap3A_371 {strides = array<i32>} : memref<128x128xf32, #tpu.memory_space<vmem>>, vector<1x16xf32>,
      %broadcast_in_dim3A_372 = arith.constant 0.000000e+00 : f32
      %broadcast_in_dim3A_373 = vector.broadcast %broadcast_in_dim3A_372 : f32 to vector<16xf32>
      %swap3A_374 = arith.index_cast %scan3A_331 : i32 to index
      %swap3A_375 = arith.constant 96 : index
      %swap3A_376 = tpu.vector_load %arg10[%swap3A_374, %swap3A_375] {strides = array<i32>} : memref<128x128xf32, #tpu.memory_space<vmem>>, vector<1x16xf32>,
      %swap3A_377 = vector.shape_cast %swap3A_376 : vector<1x16xf32> to vector<16xf32>
      %swap3A_378 = vector.shape_cast %broadcast_in_dim3A_373 : vector<16xf32> to vector<1x16xf32>
      tpu.vector_store %arg10[%swap3A_374, %swap3A_375], %swap3A_378 {strides = array<i32>} : memref<128x128xf32, #tpu.memory_space<vmem>>, vector<1x16xf32>,
      %broadcast_in_dim3A_379 = arith.constant 0.000000e+00 : f32
      %broadcast_in_dim3A_380 = vector.broadcast %broadcast_in_dim3A_379 : f32 to vector<16xf32>
      %swap3A_381 = arith.index_cast %scan3A_331 : i32 to index
      %swap3A_382 = arith.constant 112 : index
      %swap3A_383 = tpu.vector_load %arg10[%swap3A_381, %swap3A_382] {strides = array<i32>} : memref<128x128xf32, #tpu.memory_space<vmem>>, vector<1x16xf32>,
      %swap3A_384 = vector.shape_cast %swap3A_383 : vector<1x16xf32> to vector<16xf32>
      %swap3A_385 = vector.shape_cast %broadcast_in_dim3A_380 : vector<16xf32> to vector<1x16xf32>
      tpu.vector_store %arg10[%swap3A_381, %swap3A_382], %swap3A_385 {strides = array<i32>} : memref<128x128xf32, #tpu.memory_space<vmem>>, vector<1x16xf32>,
    }
    %scan3A_20 = arith.constant 128 : i32
    %mul3A_21 = arith.constant 624 : i32
    %mul3A_22 = arith.muli %arg1, %mul3A_21 : i32
    %add3A_23 = arith.constant 0 : i32
    %add3A_24 = arith.addi %mul3A_22, %add3A_23 : i32
    %dma_start3A_25 = arith.constant 0 : i32
    %dma_start3A_26 = tpu.memref_slice %arg14[%add3A_24, %dma_start3A_25] : memref<10000x128xf32, #tpu.memory_space<vmem_shared>> -> memref<128x128xf32, #tpu.memory_space<vmem_shared>>
    %dma_start3A_27 = arith.constant 0 : i32
    %dma_start3A_28 = tpu.memref_slice %arg14[%add3A_24, %dma_start3A_27] : memref<10000x128xf32, #tpu.memory_space<vmem_shared>> -> memref<128x128xf32, #tpu.memory_space<vmem_shared>>
    tpu.enqueue_dma source(%arg10 : memref<128x128xf32, #tpu.memory_space<vmem>>) target(%dma_start3A_28 : memref<128x128xf32, #tpu.memory_space<vmem_shared>>) target_semaphore(%arg15 : memref<!tpu.dma_semaphore, #tpu.memory_space<semaphore_mem>>)
    %mul3A_29 = arith.constant 624 : i32
    %mul3A_30 = arith.muli %arg1, %mul3A_29 : i32
    %add3A_31 = arith.constant 128 : i32
    %add3A_32 = arith.addi %mul3A_30, %add3A_31 : i32
    %dma_start3A_33 = arith.constant 0 : i32
    %dma_start3A_34 = tpu.memref_slice %arg14[%add3A_32, %dma_start3A_33] : memref<10000x128xf32, #tpu.memory_space<vmem_shared>> -> memref<128x128xf32, #tpu.memory_space<vmem_shared>>
    %dma_start3A_35 = arith.constant 0 : i32
    %dma_start3A_36 = tpu.memref_slice %arg14[%add3A_32, %dma_start3A_35] : memref<10000x128xf32, #tpu.memory_space<vmem_shared>> -> memref<128x128xf32, #tpu.memory_space<vmem_shared>>
    tpu.enqueue_dma source(%arg10 : memref<128x128xf32, #tpu.memory_space<vmem>>) target(%dma_start3A_36 : memref<128x128xf32, #tpu.memory_space<vmem_shared>>) target_semaphore(%arg16 : memref<!tpu.dma_semaphore, #tpu.memory_space<semaphore_mem>>)
    %mul3A_37 = arith.constant 624 : i32
    %mul3A_38 = arith.muli %arg1, %mul3A_37 : i32
    %add3A_39 = arith.constant 256 : i32
    %add3A_40 = arith.addi %mul3A_38, %add3A_39 : i32
    %dma_start3A_41 = arith.constant 0 : i32
    %dma_start3A_42 = tpu.memref_slice %arg14[%add3A_40, %dma_start3A_41] : memref<10000x128xf32, #tpu.memory_space<vmem_shared>> -> memref<128x128xf32, #tpu.memory_space<vmem_shared>>
    %dma_start3A_43 = arith.constant 0 : i32
    %dma_start3A_44 = tpu.memref_slice %arg14[%add3A_40, %dma_start3A_43] : memref<10000x128xf32, #tpu.memory_space<vmem_shared>> -> memref<128x128xf32, #tpu.memory_space<vmem_shared>>
    tpu.enqueue_dma source(%arg10 : memref<128x128xf32, #tpu.memory_space<vmem>>) target(%dma_start3A_44 : memref<128x128xf32, #tpu.memory_space<vmem_shared>>) target_semaphore(%arg15 : memref<!tpu.dma_semaphore, #tpu.memory_space<semaphore_mem>>)
    %mul3A_45 = arith.constant 624 : i32
    %mul3A_46 = arith.muli %arg1, %mul3A_45 : i32
    %add3A_47 = arith.constant 384 : i32
    %add3A_48 = arith.addi %mul3A_46, %add3A_47 : i32
    %dma_start3A_49 = arith.constant 0 : i32
    %dma_start3A_50 = tpu.memref_slice %arg14[%add3A_48, %dma_start3A_49] : memref<10000x128xf32, #tpu.memory_space<vmem_shared>> -> memref<128x128xf32, #tpu.memory_space<vmem_shared>>
    %dma_start3A_51 = arith.constant 0 : i32
    %dma_start3A_52 = tpu.memref_slice %arg14[%add3A_48, %dma_start3A_51] : memref<10000x128xf32, #tpu.memory_space<vmem_shared>> -> memref<128x128xf32, #tpu.memory_space<vmem_shared>>
    tpu.enqueue_dma source(%arg10 : memref<128x128xf32, #tpu.memory_space<vmem>>) target(%dma_start3A_52 : memref<128x128xf32, #tpu.memory_space<vmem_shared>>) target_semaphore(%arg16 : memref<!tpu.dma_semaphore, #tpu.memory_space<semaphore_mem>>)
    %mul3A_53 = arith.constant 624 : i32
    %mul3A_54 = arith.muli %arg1, %mul3A_53 : i32
    %add3A_55 = arith.constant 512 : i32
    %add3A_56 = arith.addi %mul3A_54, %add3A_55 : i32
    %dma_start3A_57 = arith.constant 0 : i32
    %dma_start3A_58 = tpu.memref_slice %arg14[%add3A_56, %dma_start3A_57] : memref<10000x128xf32, #tpu.memory_space<vmem_shared>> -> memref<128x128xf32, #tpu.memory_space<vmem_shared>>
    %dma_start3A_59 = arith.constant 0 : i32
    %dma_start3A_60 = tpu.memref_slice %arg14[%add3A_56, %dma_start3A_59] : memref<10000x128xf32, #tpu.memory_space<vmem_shared>> -> memref<128x128xf32, #tpu.memory_space<vmem_shared>>
    tpu.enqueue_dma source(%arg10 : memref<128x128xf32, #tpu.memory_space<vmem>>) target(%dma_start3A_60 : memref<128x128xf32, #tpu.memory_space<vmem_shared>>) target_semaphore(%arg15 : memref<!tpu.dma_semaphore, #tpu.memory_space<semaphore_mem>>)
    %dma_wait3A = arith.constant 0 : i32
    %dma_wait3A_61 = tpu.memref_slice %arg14[%add3A_24, %dma_wait3A] : memref<10000x128xf32, #tpu.memory_space<vmem_shared>> -> memref<128x128xf32, #tpu.memory_space<vmem_shared>>
    %dma_wait3A_62 = arith.constant 0 : i32
    %dma_wait3A_63 = tpu.memref_slice %arg14[%add3A_24, %dma_wait3A_62] : memref<10000x128xf32, #tpu.memory_space<vmem_shared>> -> memref<128x128xf32, #tpu.memory_space<vmem_shared>>
    tpu.wait_dma2 semaphore(%arg15 : memref<!tpu.dma_semaphore, #tpu.memory_space<semaphore_mem>>) src(%arg10 : memref<128x128xf32, #tpu.memory_space<vmem>>) dst(%dma_wait3A_63 : memref<128x128xf32, #tpu.memory_space<vmem_shared>>)
    %dma_wait3A_64 = arith.constant 0 : i32
    %dma_wait3A_65 = tpu.memref_slice %arg14[%add3A_32, %dma_wait3A_64] : memref<10000x128xf32, #tpu.memory_space<vmem_shared>> -> memref<128x128xf32, #tpu.memory_space<vmem_shared>>
    %dma_wait3A_66 = arith.constant 0 : i32
    %dma_wait3A_67 = tpu.memref_slice %arg14[%add3A_32, %dma_wait3A_66] : memref<10000x128xf32, #tpu.memory_space<vmem_shared>> -> memref<128x128xf32, #tpu.memory_space<vmem_shared>>
    tpu.wait_dma2 semaphore(%arg16 : memref<!tpu.dma_semaphore, #tpu.memory_space<semaphore_mem>>) src(%arg10 : memref<128x128xf32, #tpu.memory_space<vmem>>) dst(%dma_wait3A_67 : memref<128x128xf32, #tpu.memory_space<vmem_shared>>)
    %dma_wait3A_68 = arith.constant 0 : i32
    %dma_wait3A_69 = tpu.memref_slice %arg14[%add3A_40, %dma_wait3A_68] : memref<10000x128xf32, #tpu.memory_space<vmem_shared>> -> memref<128x128xf32, #tpu.memory_space<vmem_shared>>
    %dma_wait3A_70 = arith.constant 0 : i32
    %dma_wait3A_71 = tpu.memref_slice %arg14[%add3A_40, %dma_wait3A_70] : memref<10000x128xf32, #tpu.memory_space<vmem_shared>> -> memref<128x128xf32, #tpu.memory_space<vmem_shared>>
    tpu.wait_dma2 semaphore(%arg15 : memref<!tpu.dma_semaphore, #tpu.memory_space<semaphore_mem>>) src(%arg10 : memref<128x128xf32, #tpu.memory_space<vmem>>) dst(%dma_wait3A_71 : memref<128x128xf32, #tpu.memory_space<vmem_shared>>)
    %dma_wait3A_72 = arith.constant 0 : i32
    %dma_wait3A_73 = tpu.memref_slice %arg14[%add3A_48, %dma_wait3A_72] : memref<10000x128xf32, #tpu.memory_space<vmem_shared>> -> memref<128x128xf32, #tpu.memory_space<vmem_shared>>
    %dma_wait3A_74 = arith.constant 0 : i32
    %dma_wait3A_75 = tpu.memref_slice %arg14[%add3A_48, %dma_wait3A_74] : memref<10000x128xf32, #tpu.memory_space<vmem_shared>> -> memref<128x128xf32, #tpu.memory_space<vmem_shared>>
    tpu.wait_dma2 semaphore(%arg16 : memref<!tpu.dma_semaphore, #tpu.memory_space<semaphore_mem>>) src(%arg10 : memref<128x128xf32, #tpu.memory_space<vmem>>) dst(%dma_wait3A_75 : memref<128x128xf32, #tpu.memory_space<vmem_shared>>)
    %dma_wait3A_76 = arith.constant 0 : i32
    %dma_wait3A_77 = tpu.memref_slice %arg14[%add3A_56, %dma_wait3A_76] : memref<10000x128xf32, #tpu.memory_space<vmem_shared>> -> memref<128x128xf32, #tpu.memory_space<vmem_shared>>
    %dma_wait3A_78 = arith.constant 0 : i32
    %dma_wait3A_79 = tpu.memref_slice %arg14[%add3A_56, %dma_wait3A_78] : memref<10000x128xf32, #tpu.memory_space<vmem_shared>> -> memref<128x128xf32, #tpu.memory_space<vmem_shared>>
    tpu.wait_dma2 semaphore(%arg15 : memref<!tpu.dma_semaphore, #tpu.memory_space<semaphore_mem>>) src(%arg10 : memref<128x128xf32, #tpu.memory_space<vmem>>) dst(%dma_wait3A_79 : memref<128x128xf32, #tpu.memory_space<vmem_shared>>)
    %barrier3A = arith.constant 0 : index
    tpu.barrier barrier_id(%barrier3A)
    %dma_wait3A_80 = arith.constant 0 : i32
    %dma_wait3A_81 = arith.constant 0 : i32
    %dma_wait3A_82 = tpu.memref_slice %arg3[%add3A, %dma_wait3A_80, %dma_wait3A_81] : memref<32x78x128xi32, #tpu.memory_space<hbm>> -> memref<1x40x128xi32, #tpu.memory_space<hbm>>
    %dma_wait3A_83 = tpu.memref_squeeze %dma_wait3A_82 : memref<1x40x128xi32, #tpu.memory_space<hbm>> -> memref<40x128xi32, #tpu.memory_space<hbm>>
    %dma_wait3A_84 = arith.constant 0 : i32
    %dma_wait3A_85 = arith.constant 0 : i32
    %dma_wait3A_86 = tpu.memref_slice %arg3[%add3A, %dma_wait3A_84, %dma_wait3A_85] : memref<32x78x128xi32, #tpu.memory_space<hbm>> -> memref<1x40x128xi32, #tpu.memory_space<hbm>>
    %dma_wait3A_87 = tpu.memref_squeeze %dma_wait3A_86 : memref<1x40x128xi32, #tpu.memory_space<hbm>> -> memref<40x128xi32, #tpu.memory_space<hbm>>
    tpu.wait_dma2 semaphore(%arg21 : memref<!tpu.dma_semaphore, #tpu.memory_space<semaphore_mem>>) src(%dma_wait3A_87 : memref<40x128xi32, #tpu.memory_space<hbm>>) dst(%arg8 : memref<40x128xi32, #tpu.memory_space<vmem>>)
    %dma_wait3A_88 = arith.constant 0 : i32
    %dma_wait3A_89 = arith.constant 0 : i32
    %dma_wait3A_90 = tpu.memref_slice %arg4[%add3A, %dma_wait3A_88, %dma_wait3A_89] : memref<32x78x128xi32, #tpu.memory_space<hbm>> -> memref<1x40x128xi32, #tpu.memory_space<hbm>>
    %dma_wait3A_91 = tpu.memref_squeeze %dma_wait3A_90 : memref<1x40x128xi32, #tpu.memory_space<hbm>> -> memref<40x128xi32, #tpu.memory_space<hbm>>
    %dma_wait3A_92 = arith.constant 0 : i32
    %dma_wait3A_93 = arith.constant 0 : i32
    %dma_wait3A_94 = tpu.memref_slice %arg4[%add3A, %dma_wait3A_92, %dma_wait3A_93] : memref<32x78x128xi32, #tpu.memory_space<hbm>> -> memref<1x40x128xi32, #tpu.memory_space<hbm>>
    %dma_wait3A_95 = tpu.memref_squeeze %dma_wait3A_94 : memref<1x40x128xi32, #tpu.memory_space<hbm>> -> memref<40x128xi32, #tpu.memory_space<hbm>>
    tpu.wait_dma2 semaphore(%arg21 : memref<!tpu.dma_semaphore, #tpu.memory_space<semaphore_mem>>) src(%dma_wait3A_95 : memref<40x128xi32, #tpu.memory_space<hbm>>) dst(%arg9 : memref<40x128xi32, #tpu.memory_space<vmem>>)
    %dma_start3A_96 = arith.constant 0 : i32
    %dma_start3A_97 = arith.constant 0 : i32
    %dma_start3A_98 = arith.constant 0 : i32
    %dma_start3A_99 = tpu.memref_slice %arg10[%dma_start3A_97, %dma_start3A_98] : memref<128x128xf32, #tpu.memory_space<vmem>> -> memref<64x128xf32, #tpu.memory_space<vmem>>
    %dma_start3A_100 = arith.constant 0 : i32
    %dma_start3A_101 = tpu.memref_slice %arg8[%dma_start3A_96, %dma_start3A_100] : memref<40x128xi32, #tpu.memory_space<vmem>> -> memref<1x64xi32, #tpu.memory_space<vmem>>
    %dma_start3A_102 = tpu.memref_squeeze %dma_start3A_101 : memref<1x64xi32, #tpu.memory_space<vmem>> -> memref<64xi32, #tpu.memory_space<vmem>>
    %dma_start3A_103 = arith.constant 0 : i32
    %dma_start3A_104 = arith.constant 0 : i32
    %dma_start3A_105 = tpu.memref_slice %arg2[%dma_start3A_103, %dma_start3A_104] : memref<10000x128xf32, #tpu.memory_space<hbm>> -> memref<10000x128xf32, #tpu.memory_space<hbm>>
    tpu.enqueue_indirect_dma source(%dma_start3A_105 : memref<10000x128xf32, #tpu.memory_space<hbm>>) target(%dma_start3A_99 : memref<64x128xf32, #tpu.memory_space<vmem>>) offsets(%dma_start3A_102 : memref<64xi32, #tpu.memory_space<vmem>>) semaphore(%arg15 : memref<!tpu.dma_semaphore, #tpu.memory_space<semaphore_mem>>)
    %dma_start3A_106 = arith.constant 0 : i32
    %dma_start3A_107 = arith.constant 64 : i32
    %dma_start3A_108 = arith.constant 0 : i32
    %dma_start3A_109 = tpu.memref_slice %arg10[%dma_start3A_107, %dma_start3A_108] : memref<128x128xf32, #tpu.memory_space<vmem>> -> memref<64x128xf32, #tpu.memory_space<vmem>>
    %dma_start3A_110 = arith.constant 64 : i32
    %dma_start3A_111 = tpu.memref_slice %arg8[%dma_start3A_106, %dma_start3A_110] : memref<40x128xi32, #tpu.memory_space<vmem>> -> memref<1x64xi32, #tpu.memory_space<vmem>>
    %dma_start3A_112 = tpu.memref_squeeze %dma_start3A_111 : memref<1x64xi32, #tpu.memory_space<vmem>> -> memref<64xi32, #tpu.memory_space<vmem>>
    %dma_start3A_113 = arith.constant 0 : i32
    %dma_start3A_114 = arith.constant 0 : i32
    %dma_start3A_115 = tpu.memref_slice %arg2[%dma_start3A_113, %dma_start3A_114] : memref<10000x128xf32, #tpu.memory_space<hbm>> -> memref<10000x128xf32, #tpu.memory_space<hbm>>
    tpu.enqueue_indirect_dma source(%dma_start3A_115 : memref<10000x128xf32, #tpu.memory_space<hbm>>) target(%dma_start3A_109 : memref<64x128xf32, #tpu.memory_space<vmem>>) offsets(%dma_start3A_112 : memref<64xi32, #tpu.memory_space<vmem>>) semaphore(%arg17 : memref<!tpu.dma_semaphore, #tpu.memory_space<semaphore_mem>>)
    %dma_wait3A_116 = arith.constant 0 : i32
    %dma_wait3A_117 = arith.constant 0 : i32
    %dma_wait3A_118 = arith.constant 0 : i32
    %dma_wait3A_119 = tpu.memref_slice %arg10[%dma_wait3A_117, %dma_wait3A_118] : memref<128x128xf32, #tpu.memory_space<vmem>> -> memref<64x128xf32, #tpu.memory_space<vmem>>
    %dma_wait3A_120 = arith.constant 0 : i32
    %dma_wait3A_121 = tpu.memref_slice %arg8[%dma_wait3A_116, %dma_wait3A_120] : memref<40x128xi32, #tpu.memory_space<vmem>> -> memref<1x64xi32, #tpu.memory_space<vmem>>
    %dma_wait3A_122 = tpu.memref_squeeze %dma_wait3A_121 : memref<1x64xi32, #tpu.memory_space<vmem>> -> memref<64xi32, #tpu.memory_space<vmem>>
    %dma_wait3A_123 = arith.constant 0 : i32
    %dma_wait3A_124 = arith.constant 0 : i32
    %dma_wait3A_125 = tpu.memref_slice %arg2[%dma_wait3A_123, %dma_wait3A_124] : memref<10000x128xf32, #tpu.memory_space<hbm>> -> memref<10000x128xf32, #tpu.memory_space<hbm>>
    tpu.wait_indirect_dma semaphore(%arg15 : memref<!tpu.dma_semaphore, #tpu.memory_space<semaphore_mem>>) src(%dma_wait3A_125 : memref<10000x128xf32, #tpu.memory_space<hbm>>) dst(%dma_wait3A_119 : memref<64x128xf32, #tpu.memory_space<vmem>>)
    %dma_wait3A_126 = arith.constant 0 : i32
    %dma_wait3A_127 = arith.constant 64 : i32
    %dma_wait3A_128 = arith.constant 0 : i32
    %dma_wait3A_129 = tpu.memref_slice %arg10[%dma_wait3A_127, %dma_wait3A_128] : memref<128x128xf32, #tpu.memory_space<vmem>> -> memref<64x128xf32, #tpu.memory_space<vmem>>
    %dma_wait3A_130 = arith.constant 64 : i32
    %dma_wait3A_131 = tpu.memref_slice %arg8[%dma_wait3A_126, %dma_wait3A_130] : memref<40x128xi32, #tpu.memory_space<vmem>> -> memref<1x64xi32, #tpu.memory_space<vmem>>
    %dma_wait3A_132 = tpu.memref_squeeze %dma_wait3A_131 : memref<1x64xi32, #tpu.memory_space<vmem>> -> memref<64xi32, #tpu.memory_space<vmem>>
    %dma_wait3A_133 = arith.constant 0 : i32
    %dma_wait3A_134 = arith.constant 0 : i32
    %dma_wait3A_135 = tpu.memref_slice %arg2[%dma_wait3A_133, %dma_wait3A_134] : memref<10000x128xf32, #tpu.memory_space<hbm>> -> memref<10000x128xf32, #tpu.memory_space<hbm>>
    tpu.wait_indirect_dma semaphore(%arg17 : memref<!tpu.dma_semaphore, #tpu.memory_space<semaphore_mem>>) src(%dma_wait3A_135 : memref<10000x128xf32, #tpu.memory_space<hbm>>) dst(%dma_wait3A_129 : memref<64x128xf32, #tpu.memory_space<vmem>>)
    %dma_start3A_136 = arith.constant 0 : i32
    %dma_start3A_137 = arith.constant 0 : i32
    %dma_start3A_138 = tpu.memref_slice %arg9[%dma_start3A_136, %dma_start3A_137] : memref<40x128xi32, #tpu.memory_space<vmem>> -> memref<1x128xi32, #tpu.memory_space<vmem>>
    %dma_start3A_139 = tpu.memref_squeeze %dma_start3A_138 : memref<1x128xi32, #tpu.memory_space<vmem>> -> memref<128xi32, #tpu.memory_space<vmem>>
    %dma_start3A_140 = arith.constant 0 : i32
    %dma_start3A_141 = arith.constant 0 : i32
    %dma_start3A_142 = tpu.memref_slice %arg14[%dma_start3A_140, %dma_start3A_141] : memref<10000x128xf32, #tpu.memory_space<vmem_shared>> -> memref<10000x128xf32, #tpu.memory_space<vmem_shared>>
    tpu.enqueue_indirect_dma source(%arg10 : memref<128x128xf32, #tpu.memory_space<vmem>>) target(%dma_start3A_142 : memref<10000x128xf32, #tpu.memory_space<vmem_shared>>) offsets(%dma_start3A_139 : memref<128xi32, #tpu.memory_space<vmem>>) semaphore(%arg19 : memref<!tpu.dma_semaphore, #tpu.memory_space<semaphore_mem>>) {add = true}
    %dma_start3A_143 = arith.constant 1 : i32
    %dma_start3A_144 = arith.constant 0 : i32
    %dma_start3A_145 = arith.constant 0 : i32
    %dma_start3A_146 = tpu.memref_slice %arg11[%dma_start3A_144, %dma_start3A_145] : memref<128x128xf32, #tpu.memory_space<vmem>> -> memref<64x128xf32, #tpu.memory_space<vmem>>
    %dma_start3A_147 = arith.constant 0 : i32
    %dma_start3A_148 = tpu.memref_slice %arg8[%dma_start3A_143, %dma_start3A_147] : memref<40x128xi32, #tpu.memory_space<vmem>> -> memref<1x64xi32, #tpu.memory_space<vmem>>
    %dma_start3A_149 = tpu.memref_squeeze %dma_start3A_148 : memref<1x64xi32, #tpu.memory_space<vmem>> -> memref<64xi32, #tpu.memory_space<vmem>>
    %dma_start3A_150 = arith.constant 0 : i32
    %dma_start3A_151 = arith.constant 0 : i32
    %dma_start3A_152 = tpu.memref_slice %arg2[%dma_start3A_150, %dma_start3A_151] : memref<10000x128xf32, #tpu.memory_space<hbm>> -> memref<10000x128xf32, #tpu.memory_space<hbm>>
    tpu.enqueue_indirect_dma source(%dma_start3A_152 : memref<10000x128xf32, #tpu.memory_space<hbm>>) target(%dma_start3A_146 : memref<64x128xf32, #tpu.memory_space<vmem>>) offsets(%dma_start3A_149 : memref<64xi32, #tpu.memory_space<vmem>>) semaphore(%arg16 : memref<!tpu.dma_semaphore, #tpu.memory_space<semaphore_mem>>)
    %dma_start3A_153 = arith.constant 1 : i32
    %dma_start3A_154 = arith.constant 64 : i32
    %dma_start3A_155 = arith.constant 0 : i32
    %dma_start3A_156 = tpu.memref_slice %arg11[%dma_start3A_154, %dma_start3A_155] : memref<128x128xf32, #tpu.memory_space<vmem>> -> memref<64x128xf32, #tpu.memory_space<vmem>>
    %dma_start3A_157 = arith.constant 64 : i32
    %dma_start3A_158 = tpu.memref_slice %arg8[%dma_start3A_153, %dma_start3A_157] : memref<40x128xi32, #tpu.memory_space<vmem>> -> memref<1x64xi32, #tpu.memory_space<vmem>>
    %dma_start3A_159 = tpu.memref_squeeze %dma_start3A_158 : memref<1x64xi32, #tpu.memory_space<vmem>> -> memref<64xi32, #tpu.memory_space<vmem>>
    %dma_start3A_160 = arith.constant 0 : i32
    %dma_start3A_161 = arith.constant 0 : i32
    %dma_start3A_162 = tpu.memref_slice %arg2[%dma_start3A_160, %dma_start3A_161] : memref<10000x128xf32, #tpu.memory_space<hbm>> -> memref<10000x128xf32, #tpu.memory_space<hbm>>
    tpu.enqueue_indirect_dma source(%dma_start3A_162 : memref<10000x128xf32, #tpu.memory_space<hbm>>) target(%dma_start3A_156 : memref<64x128xf32, #tpu.memory_space<vmem>>) offsets(%dma_start3A_159 : memref<64xi32, #tpu.memory_space<vmem>>) semaphore(%arg18 : memref<!tpu.dma_semaphore, #tpu.memory_space<semaphore_mem>>)
    %scan3A_163 = arith.constant 0 : i32
    %scan3A_164 = arith.constant 0 : i32
    %scan3A_165 = arith.constant 19 : i32
    %scan3A_166 = arith.addi %scan3A_164, %scan3A_165 : i32
    %scan3A_167 = arith.constant 1 : i32
    scf.for %scan3A_331 = %scan3A_164 to %scan3A_166 step %scan3A_167  : i32 {
      %mul3A_332 = arith.constant 2 : i32
      %mul3A_333 = arith.muli %mul3A_332, %scan3A_331 : i32
      %add3A_334 = arith.constant 1 : i32
      %add3A_335 = arith.addi %mul3A_333, %add3A_334 : i32
      %dma_wait3A_336 = arith.constant 0 : i32
      %dma_wait3A_337 = arith.constant 0 : i32
      %dma_wait3A_338 = arith.constant 0 : i32
      %dma_wait3A_339 = tpu.memref_slice %arg11[%dma_wait3A_337, %dma_wait3A_338] : memref<128x128xf32, #tpu.memory_space<vmem>> -> memref<64x128xf32, #tpu.memory_space<vmem>>
      %dma_wait3A_340 = arith.constant 0 : i32
      %dma_wait3A_341 = tpu.memref_slice %arg8[%dma_wait3A_336, %dma_wait3A_340] : memref<40x128xi32, #tpu.memory_space<vmem>> -> memref<1x64xi32, #tpu.memory_space<vmem>>
      %dma_wait3A_342 = tpu.memref_squeeze %dma_wait3A_341 : memref<1x64xi32, #tpu.memory_space<vmem>> -> memref<64xi32, #tpu.memory_space<vmem>>
      %dma_wait3A_343 = arith.constant 0 : i32
      %dma_wait3A_344 = arith.constant 0 : i32
      %dma_wait3A_345 = tpu.memref_slice %arg2[%dma_wait3A_343, %dma_wait3A_344] : memref<10000x128xf32, #tpu.memory_space<hbm>> -> memref<10000x128xf32, #tpu.memory_space<hbm>>
      tpu.wait_indirect_dma semaphore(%arg16 : memref<!tpu.dma_semaphore, #tpu.memory_space<semaphore_mem>>) src(%dma_wait3A_345 : memref<10000x128xf32, #tpu.memory_space<hbm>>) dst(%dma_wait3A_339 : memref<64x128xf32, #tpu.memory_space<vmem>>)
      %dma_wait3A_346 = arith.constant 0 : i32
      %dma_wait3A_347 = arith.constant 64 : i32
      %dma_wait3A_348 = arith.constant 0 : i32
      %dma_wait3A_349 = tpu.memref_slice %arg11[%dma_wait3A_347, %dma_wait3A_348] : memref<128x128xf32, #tpu.memory_space<vmem>> -> memref<64x128xf32, #tpu.memory_space<vmem>>
      %dma_wait3A_350 = arith.constant 64 : i32
      %dma_wait3A_351 = tpu.memref_slice %arg8[%dma_wait3A_346, %dma_wait3A_350] : memref<40x128xi32, #tpu.memory_space<vmem>> -> memref<1x64xi32, #tpu.memory_space<vmem>>
      %dma_wait3A_352 = tpu.memref_squeeze %dma_wait3A_351 : memref<1x64xi32, #tpu.memory_space<vmem>> -> memref<64xi32, #tpu.memory_space<vmem>>
      %dma_wait3A_353 = arith.constant 0 : i32
      %dma_wait3A_354 = arith.constant 0 : i32
      %dma_wait3A_355 = tpu.memref_slice %arg2[%dma_wait3A_353, %dma_wait3A_354] : memref<10000x128xf32, #tpu.memory_space<hbm>> -> memref<10000x128xf32, #tpu.memory_space<hbm>>
      tpu.wait_indirect_dma semaphore(%arg18 : memref<!tpu.dma_semaphore, #tpu.memory_space<semaphore_mem>>) src(%dma_wait3A_355 : memref<10000x128xf32, #tpu.memory_space<hbm>>) dst(%dma_wait3A_349 : memref<64x128xf32, #tpu.memory_space<vmem>>)
      %dma_start3A_356 = arith.constant 0 : i32
      %dma_start3A_357 = tpu.memref_slice %arg9[%add3A_335, %dma_start3A_356] : memref<40x128xi32, #tpu.memory_space<vmem>> -> memref<1x128xi32, #tpu.memory_space<vmem>>
      %dma_start3A_358 = tpu.memref_squeeze %dma_start3A_357 : memref<1x128xi32, #tpu.memory_space<vmem>> -> memref<128xi32, #tpu.memory_space<vmem>>
      %dma_start3A_359 = arith.constant 0 : i32
      %dma_start3A_360 = arith.constant 0 : i32
      %dma_start3A_361 = tpu.memref_slice %arg14[%dma_start3A_359, %dma_start3A_360] : memref<10000x128xf32, #tpu.memory_space<vmem_shared>> -> memref<10000x128xf32, #tpu.memory_space<vmem_shared>>
      tpu.enqueue_indirect_dma source(%arg11 : memref<128x128xf32, #tpu.memory_space<vmem>>) target(%dma_start3A_361 : memref<10000x128xf32, #tpu.memory_space<vmem_shared>>) offsets(%dma_start3A_358 : memref<128xi32, #tpu.memory_space<vmem>>) semaphore(%arg20 : memref<!tpu.dma_semaphore, #tpu.memory_space<semaphore_mem>>) {add = true}
      %dma_wait3A_362 = arith.constant 0 : i32
      %dma_wait3A_363 = arith.constant 0 : i32
      %dma_wait3A_364 = tpu.memref_slice %arg9[%dma_wait3A_362, %dma_wait3A_363] : memref<40x128xi32, #tpu.memory_space<vmem>> -> memref<1x128xi32, #tpu.memory_space<vmem>>
      %dma_wait3A_365 = tpu.memref_squeeze %dma_wait3A_364 : memref<1x128xi32, #tpu.memory_space<vmem>> -> memref<128xi32, #tpu.memory_space<vmem>>
      %dma_wait3A_366 = arith.constant 0 : i32
      %dma_wait3A_367 = arith.constant 0 : i32
      %dma_wait3A_368 = tpu.memref_slice %arg14[%dma_wait3A_366, %dma_wait3A_367] : memref<10000x128xf32, #tpu.memory_space<vmem_shared>> -> memref<10000x128xf32, #tpu.memory_space<vmem_shared>>
      tpu.wait_indirect_dma semaphore(%arg19 : memref<!tpu.dma_semaphore, #tpu.memory_space<semaphore_mem>>) src(%arg10 : memref<128x128xf32, #tpu.memory_space<vmem>>) dst(%dma_wait3A_368 : memref<10000x128xf32, #tpu.memory_space<vmem_shared>>)
      %add3A_369 = arith.constant 1 : i32
      %add3A_370 = arith.addi %add3A_335, %add3A_369 : i32
      %dma_start3A_371 = arith.constant 0 : i32
      %dma_start3A_372 = arith.constant 0 : i32
      %dma_start3A_373 = tpu.memref_slice %arg10[%dma_start3A_371, %dma_start3A_372] : memref<128x128xf32, #tpu.memory_space<vmem>> -> memref<64x128xf32, #tpu.memory_space<vmem>>
      %dma_start3A_374 = arith.constant 0 : i32
      %dma_start3A_375 = tpu.memref_slice %arg8[%add3A_370, %dma_start3A_374] : memref<40x128xi32, #tpu.memory_space<vmem>> -> memref<1x64xi32, #tpu.memory_space<vmem>>
      %dma_start3A_376 = tpu.memref_squeeze %dma_start3A_375 : memref<1x64xi32, #tpu.memory_space<vmem>> -> memref<64xi32, #tpu.memory_space<vmem>>
      %dma_start3A_377 = arith.constant 0 : i32
      %dma_start3A_378 = arith.constant 0 : i32
      %dma_start3A_379 = tpu.memref_slice %arg2[%dma_start3A_377, %dma_start3A_378] : memref<10000x128xf32, #tpu.memory_space<hbm>> -> memref<10000x128xf32, #tpu.memory_space<hbm>>
      tpu.enqueue_indirect_dma source(%dma_start3A_379 : memref<10000x128xf32, #tpu.memory_space<hbm>>) target(%dma_start3A_373 : memref<64x128xf32, #tpu.memory_space<vmem>>) offsets(%dma_start3A_376 : memref<64xi32, #tpu.memory_space<vmem>>) semaphore(%arg15 : memref<!tpu.dma_semaphore, #tpu.memory_space<semaphore_mem>>)
      %dma_start3A_380 = arith.constant 64 : i32
      %dma_start3A_381 = arith.constant 0 : i32
      %dma_start3A_382 = tpu.memref_slice %arg10[%dma_start3A_380, %dma_start3A_381] : memref<128x128xf32, #tpu.memory_space<vmem>> -> memref<64x128xf32, #tpu.memory_space<vmem>>
      %dma_start3A_383 = arith.constant 64 : i32
      %dma_start3A_384 = tpu.memref_slice %arg8[%add3A_370, %dma_start3A_383] : memref<40x128xi32, #tpu.memory_space<vmem>> -> memref<1x64xi32, #tpu.memory_space<vmem>>
      %dma_start3A_385 = tpu.memref_squeeze %dma_start3A_384 : memref<1x64xi32, #tpu.memory_space<vmem>> -> memref<64xi32, #tpu.memory_space<vmem>>
      %dma_start3A_386 = arith.constant 0 : i32
      %dma_start3A_387 = arith.constant 0 : i32
      %dma_start3A_388 = tpu.memref_slice %arg2[%dma_start3A_386, %dma_start3A_387] : memref<10000x128xf32, #tpu.memory_space<hbm>> -> memref<10000x128xf32, #tpu.memory_space<hbm>>
      tpu.enqueue_indirect_dma source(%dma_start3A_388 : memref<10000x128xf32, #tpu.memory_space<hbm>>) target(%dma_start3A_382 : memref<64x128xf32, #tpu.memory_space<vmem>>) offsets(%dma_start3A_385 : memref<64xi32, #tpu.memory_space<vmem>>) semaphore(%arg17 : memref<!tpu.dma_semaphore, #tpu.memory_space<semaphore_mem>>)
      %mul3A_389 = arith.constant 2 : i32
      %mul3A_390 = arith.muli %mul3A_389, %scan3A_331 : i32
      %add3A_391 = arith.constant 2 : i32
      %add3A_392 = arith.addi %mul3A_390, %add3A_391 : i32
      %dma_wait3A_393 = arith.constant 0 : i32
      %dma_wait3A_394 = arith.constant 0 : i32
      %dma_wait3A_395 = arith.constant 0 : i32
      %dma_wait3A_396 = tpu.memref_slice %arg10[%dma_wait3A_394, %dma_wait3A_395] : memref<128x128xf32, #tpu.memory_space<vmem>> -> memref<64x128xf32, #tpu.memory_space<vmem>>
      %dma_wait3A_397 = arith.constant 0 : i32
      %dma_wait3A_398 = tpu.memref_slice %arg8[%dma_wait3A_393, %dma_wait3A_397] : memref<40x128xi32, #tpu.memory_space<vmem>> -> memref<1x64xi32, #tpu.memory_space<vmem>>
      %dma_wait3A_399 = tpu.memref_squeeze %dma_wait3A_398 : memref<1x64xi32, #tpu.memory_space<vmem>> -> memref<64xi32, #tpu.memory_space<vmem>>
      %dma_wait3A_400 = arith.constant 0 : i32
      %dma_wait3A_401 = arith.constant 0 : i32
      %dma_wait3A_402 = tpu.memref_slice %arg2[%dma_wait3A_400, %dma_wait3A_401] : memref<10000x128xf32, #tpu.memory_space<hbm>> -> memref<10000x128xf32, #tpu.memory_space<hbm>>
      tpu.wait_indirect_dma semaphore(%arg15 : memref<!tpu.dma_semaphore, #tpu.memory_space<semaphore_mem>>) src(%dma_wait3A_402 : memref<10000x128xf32, #tpu.memory_space<hbm>>) dst(%dma_wait3A_396 : memref<64x128xf32, #tpu.memory_space<vmem>>)
      %dma_wait3A_403 = arith.constant 0 : i32
      %dma_wait3A_404 = arith.constant 64 : i32
      %dma_wait3A_405 = arith.constant 0 : i32
      %dma_wait3A_406 = tpu.memref_slice %arg10[%dma_wait3A_404, %dma_wait3A_405] : memref<128x128xf32, #tpu.memory_space<vmem>> -> memref<64x128xf32, #tpu.memory_space<vmem>>
      %dma_wait3A_407 = arith.constant 64 : i32
      %dma_wait3A_408 = tpu.memref_slice %arg8[%dma_wait3A_403, %dma_wait3A_407] : memref<40x128xi32, #tpu.memory_space<vmem>> -> memref<1x64xi32, #tpu.memory_space<vmem>>
      %dma_wait3A_409 = tpu.memref_squeeze %dma_wait3A_408 : memref<1x64xi32, #tpu.memory_space<vmem>> -> memref<64xi32, #tpu.memory_space<vmem>>
      %dma_wait3A_410 = arith.constant 0 : i32
      %dma_wait3A_411 = arith.constant 0 : i32
      %dma_wait3A_412 = tpu.memref_slice %arg2[%dma_wait3A_410, %dma_wait3A_411] : memref<10000x128xf32, #tpu.memory_space<hbm>> -> memref<10000x128xf32, #tpu.memory_space<hbm>>
      tpu.wait_indirect_dma semaphore(%arg17 : memref<!tpu.dma_semaphore, #tpu.memory_space<semaphore_mem>>) src(%dma_wait3A_412 : memref<10000x128xf32, #tpu.memory_space<hbm>>) dst(%dma_wait3A_406 : memref<64x128xf32, #tpu.memory_space<vmem>>)
      %dma_start3A_413 = arith.constant 0 : i32
      %dma_start3A_414 = tpu.memref_slice %arg9[%add3A_392, %dma_start3A_413] : memref<40x128xi32, #tpu.memory_space<vmem>> -> memref<1x128xi32, #tpu.memory_space<vmem>>
      %dma_start3A_415 = tpu.memref_squeeze %dma_start3A_414 : memref<1x128xi32, #tpu.memory_space<vmem>> -> memref<128xi32, #tpu.memory_space<vmem>>
      %dma_start3A_416 = arith.constant 0 : i32
      %dma_start3A_417 = arith.constant 0 : i32
      %dma_start3A_418 = tpu.memref_slice %arg14[%dma_start3A_416, %dma_start3A_417] : memref<10000x128xf32, #tpu.memory_space<vmem_shared>> -> memref<10000x128xf32, #tpu.memory_space<vmem_shared>>
      tpu.enqueue_indirect_dma source(%arg10 : memref<128x128xf32, #tpu.memory_space<vmem>>) target(%dma_start3A_418 : memref<10000x128xf32, #tpu.memory_space<vmem_shared>>) offsets(%dma_start3A_415 : memref<128xi32, #tpu.memory_space<vmem>>) semaphore(%arg19 : memref<!tpu.dma_semaphore, #tpu.memory_space<semaphore_mem>>) {add = true}
      %dma_wait3A_419 = arith.constant 0 : i32
      %dma_wait3A_420 = arith.constant 0 : i32
      %dma_wait3A_421 = tpu.memref_slice %arg9[%dma_wait3A_419, %dma_wait3A_420] : memref<40x128xi32, #tpu.memory_space<vmem>> -> memref<1x128xi32, #tpu.memory_space<vmem>>
      %dma_wait3A_422 = tpu.memref_squeeze %dma_wait3A_421 : memref<1x128xi32, #tpu.memory_space<vmem>> -> memref<128xi32, #tpu.memory_space<vmem>>
      %dma_wait3A_423 = arith.constant 0 : i32
      %dma_wait3A_424 = arith.constant 0 : i32
      %dma_wait3A_425 = tpu.memref_slice %arg14[%dma_wait3A_423, %dma_wait3A_424] : memref<10000x128xf32, #tpu.memory_space<vmem_shared>> -> memref<10000x128xf32, #tpu.memory_space<vmem_shared>>
      tpu.wait_indirect_dma semaphore(%arg20 : memref<!tpu.dma_semaphore, #tpu.memory_space<semaphore_mem>>) src(%arg11 : memref<128x128xf32, #tpu.memory_space<vmem>>) dst(%dma_wait3A_425 : memref<10000x128xf32, #tpu.memory_space<vmem_shared>>)
      %add3A_426 = arith.constant 1 : i32
      %add3A_427 = arith.addi %add3A_392, %add3A_426 : i32
      %dma_start3A_428 = arith.constant 0 : i32
      %dma_start3A_429 = arith.constant 0 : i32
      %dma_start3A_430 = tpu.memref_slice %arg11[%dma_start3A_428, %dma_start3A_429] : memref<128x128xf32, #tpu.memory_space<vmem>> -> memref<64x128xf32, #tpu.memory_space<vmem>>
      %dma_start3A_431 = arith.constant 0 : i32
      %dma_start3A_432 = tpu.memref_slice %arg8[%add3A_427, %dma_start3A_431] : memref<40x128xi32, #tpu.memory_space<vmem>> -> memref<1x64xi32, #tpu.memory_space<vmem>>
      %dma_start3A_433 = tpu.memref_squeeze %dma_start3A_432 : memref<1x64xi32, #tpu.memory_space<vmem>> -> memref<64xi32, #tpu.memory_space<vmem>>
      %dma_start3A_434 = arith.constant 0 : i32
      %dma_start3A_435 = arith.constant 0 : i32
      %dma_start3A_436 = tpu.memref_slice %arg2[%dma_start3A_434, %dma_start3A_435] : memref<10000x128xf32, #tpu.memory_space<hbm>> -> memref<10000x128xf32, #tpu.memory_space<hbm>>
      tpu.enqueue_indirect_dma source(%dma_start3A_436 : memref<10000x128xf32, #tpu.memory_space<hbm>>) target(%dma_start3A_430 : memref<64x128xf32, #tpu.memory_space<vmem>>) offsets(%dma_start3A_433 : memref<64xi32, #tpu.memory_space<vmem>>) semaphore(%arg16 : memref<!tpu.dma_semaphore, #tpu.memory_space<semaphore_mem>>)
      %dma_start3A_437 = arith.constant 64 : i32
      %dma_start3A_438 = arith.constant 0 : i32
      %dma_start3A_439 = tpu.memref_slice %arg11[%dma_start3A_437, %dma_start3A_438] : memref<128x128xf32, #tpu.memory_space<vmem>> -> memref<64x128xf32, #tpu.memory_space<vmem>>
      %dma_start3A_440 = arith.constant 64 : i32
      %dma_start3A_441 = tpu.memref_slice %arg8[%add3A_427, %dma_start3A_440] : memref<40x128xi32, #tpu.memory_space<vmem>> -> memref<1x64xi32, #tpu.memory_space<vmem>>
      %dma_start3A_442 = tpu.memref_squeeze %dma_start3A_441 : memref<1x64xi32, #tpu.memory_space<vmem>> -> memref<64xi32, #tpu.memory_space<vmem>>
      %dma_start3A_443 = arith.constant 0 : i32
      %dma_start3A_444 = arith.constant 0 : i32
      %dma_start3A_445 = tpu.memref_slice %arg2[%dma_start3A_443, %dma_start3A_444] : memref<10000x128xf32, #tpu.memory_space<hbm>> -> memref<10000x128xf32, #tpu.memory_space<hbm>>
      tpu.enqueue_indirect_dma source(%dma_start3A_445 : memref<10000x128xf32, #tpu.memory_space<hbm>>) target(%dma_start3A_439 : memref<64x128xf32, #tpu.memory_space<vmem>>) offsets(%dma_start3A_442 : memref<64xi32, #tpu.memory_space<vmem>>) semaphore(%arg18 : memref<!tpu.dma_semaphore, #tpu.memory_space<semaphore_mem>>)
    }
    %scan3A_168 = arith.constant 19 : i32
    %dma_wait3A_169 = arith.constant 0 : i32
    %dma_wait3A_170 = arith.constant 0 : i32
    %dma_wait3A_171 = arith.constant 0 : i32
    %dma_wait3A_172 = tpu.memref_slice %arg11[%dma_wait3A_170, %dma_wait3A_171] : memref<128x128xf32, #tpu.memory_space<vmem>> -> memref<64x128xf32, #tpu.memory_space<vmem>>
    %dma_wait3A_173 = arith.constant 0 : i32
    %dma_wait3A_174 = tpu.memref_slice %arg8[%dma_wait3A_169, %dma_wait3A_173] : memref<40x128xi32, #tpu.memory_space<vmem>> -> memref<1x64xi32, #tpu.memory_space<vmem>>
    %dma_wait3A_175 = tpu.memref_squeeze %dma_wait3A_174 : memref<1x64xi32, #tpu.memory_space<vmem>> -> memref<64xi32, #tpu.memory_space<vmem>>
    %dma_wait3A_176 = arith.constant 0 : i32
    %dma_wait3A_177 = arith.constant 0 : i32
    %dma_wait3A_178 = tpu.memref_slice %arg2[%dma_wait3A_176, %dma_wait3A_177] : memref<10000x128xf32, #tpu.memory_space<hbm>> -> memref<10000x128xf32, #tpu.memory_space<hbm>>
    tpu.wait_indirect_dma semaphore(%arg16 : memref<!tpu.dma_semaphore, #tpu.memory_space<semaphore_mem>>) src(%dma_wait3A_178 : memref<10000x128xf32, #tpu.memory_space<hbm>>) dst(%dma_wait3A_172 : memref<64x128xf32, #tpu.memory_space<vmem>>)
    %dma_wait3A_179 = arith.constant 0 : i32
    %dma_wait3A_180 = arith.constant 64 : i32
    %dma_wait3A_181 = arith.constant 0 : i32
    %dma_wait3A_182 = tpu.memref_slice %arg11[%dma_wait3A_180, %dma_wait3A_181] : memref<128x128xf32, #tpu.memory_space<vmem>> -> memref<64x128xf32, #tpu.memory_space<vmem>>
    %dma_wait3A_183 = arith.constant 64 : i32
    %dma_wait3A_184 = tpu.memref_slice %arg8[%dma_wait3A_179, %dma_wait3A_183] : memref<40x128xi32, #tpu.memory_space<vmem>> -> memref<1x64xi32, #tpu.memory_space<vmem>>
    %dma_wait3A_185 = tpu.memref_squeeze %dma_wait3A_184 : memref<1x64xi32, #tpu.memory_space<vmem>> -> memref<64xi32, #tpu.memory_space<vmem>>
    %dma_wait3A_186 = arith.constant 0 : i32
    %dma_wait3A_187 = arith.constant 0 : i32
    %dma_wait3A_188 = tpu.memref_slice %arg2[%dma_wait3A_186, %dma_wait3A_187] : memref<10000x128xf32, #tpu.memory_space<hbm>> -> memref<10000x128xf32, #tpu.memory_space<hbm>>
    tpu.wait_indirect_dma semaphore(%arg18 : memref<!tpu.dma_semaphore, #tpu.memory_space<semaphore_mem>>) src(%dma_wait3A_188 : memref<10000x128xf32, #tpu.memory_space<hbm>>) dst(%dma_wait3A_182 : memref<64x128xf32, #tpu.memory_space<vmem>>)
    %dma_start3A_189 = arith.constant 39 : i32
    %dma_start3A_190 = arith.constant 0 : i32
    %dma_start3A_191 = tpu.memref_slice %arg9[%dma_start3A_189, %dma_start3A_190] : memref<40x128xi32, #tpu.memory_space<vmem>> -> memref<1x128xi32, #tpu.memory_space<vmem>>
    %dma_start3A_192 = tpu.memref_squeeze %dma_start3A_191 : memref<1x128xi32, #tpu.memory_space<vmem>> -> memref<128xi32, #tpu.memory_space<vmem>>
    %dma_start3A_193 = arith.constant 0 : i32
    %dma_start3A_194 = arith.constant 0 : i32
    %dma_start3A_195 = tpu.memref_slice %arg14[%dma_start3A_193, %dma_start3A_194] : memref<10000x128xf32, #tpu.memory_space<vmem_shared>> -> memref<10000x128xf32, #tpu.memory_space<vmem_shared>>
    tpu.enqueue_indirect_dma source(%arg11 : memref<128x128xf32, #tpu.memory_space<vmem>>) target(%dma_start3A_195 : memref<10000x128xf32, #tpu.memory_space<vmem_shared>>) offsets(%dma_start3A_192 : memref<128xi32, #tpu.memory_space<vmem>>) semaphore(%arg20 : memref<!tpu.dma_semaphore, #tpu.memory_space<semaphore_mem>>) {add = true}
    %dma_wait3A_196 = arith.constant 0 : i32
    %dma_wait3A_197 = arith.constant 0 : i32
    %dma_wait3A_198 = tpu.memref_slice %arg9[%dma_wait3A_196, %dma_wait3A_197] : memref<40x128xi32, #tpu.memory_space<vmem>> -> memref<1x128xi32, #tpu.memory_space<vmem>>
    %dma_wait3A_199 = tpu.memref_squeeze %dma_wait3A_198 : memref<1x128xi32, #tpu.memory_space<vmem>> -> memref<128xi32, #tpu.memory_space<vmem>>
    %dma_wait3A_200 = arith.constant 0 : i32
    %dma_wait3A_201 = arith.constant 0 : i32
    %dma_wait3A_202 = tpu.memref_slice %arg14[%dma_wait3A_200, %dma_wait3A_201] : memref<10000x128xf32, #tpu.memory_space<vmem_shared>> -> memref<10000x128xf32, #tpu.memory_space<vmem_shared>>
    tpu.wait_indirect_dma semaphore(%arg19 : memref<!tpu.dma_semaphore, #tpu.memory_space<semaphore_mem>>) src(%arg10 : memref<128x128xf32, #tpu.memory_space<vmem>>) dst(%dma_wait3A_202 : memref<10000x128xf32, #tpu.memory_space<vmem_shared>>)
    %dma_wait3A_203 = arith.constant 0 : i32
    %dma_wait3A_204 = arith.constant 0 : i32
    %dma_wait3A_205 = tpu.memref_slice %arg9[%dma_wait3A_203, %dma_wait3A_204] : memref<40x128xi32, #tpu.memory_space<vmem>> -> memref<1x128xi32, #tpu.memory_space<vmem>>
    %dma_wait3A_206 = tpu.memref_squeeze %dma_wait3A_205 : memref<1x128xi32, #tpu.memory_space<vmem>> -> memref<128xi32, #tpu.memory_space<vmem>>
    %dma_wait3A_207 = arith.constant 0 : i32
    %dma_wait3A_208 = arith.constant 0 : i32
    %dma_wait3A_209 = tpu.memref_slice %arg14[%dma_wait3A_207, %dma_wait3A_208] : memref<10000x128xf32, #tpu.memory_space<vmem_shared>> -> memref<10000x128xf32, #tpu.memory_space<vmem_shared>>
    tpu.wait_indirect_dma semaphore(%arg20 : memref<!tpu.dma_semaphore, #tpu.memory_space<semaphore_mem>>) src(%arg11 : memref<128x128xf32, #tpu.memory_space<vmem>>) dst(%dma_wait3A_209 : memref<10000x128xf32, #tpu.memory_space<vmem_shared>>)
    "tpu.region"() ({
      %run_scoped3A = tpu.sem_alloc : memref<!tpu.dma_semaphore, #tpu.memory_space<semaphore_mem>>
      %dma_start3A_331 = arith.constant 0 : i32
      %dma_start3A_332 = arith.constant 0 : i32
      %dma_start3A_333 = tpu.memref_slice %arg8[%dma_start3A_331, %dma_start3A_332] : memref<40x128xi32, #tpu.memory_space<vmem>> -> memref<38x128xi32, #tpu.memory_space<vmem>>
      %dma_start3A_334 = arith.constant 40 : i32
      %dma_start3A_335 = arith.constant 0 : i32
      %dma_start3A_336 = tpu.memref_slice %arg3[%add3A, %dma_start3A_334, %dma_start3A_335] : memref<32x78x128xi32, #tpu.memory_space<hbm>> -> memref<1x38x128xi32, #tpu.memory_space<hbm>>
      %dma_start3A_337 = tpu.memref_squeeze %dma_start3A_336 : memref<1x38x128xi32, #tpu.memory_space<hbm>> -> memref<38x128xi32, #tpu.memory_space<hbm>>
      %dma_start3A_338 = arith.constant 0 : i32
      %dma_start3A_339 = arith.constant 0 : i32
      %dma_start3A_340 = tpu.memref_slice %arg8[%dma_start3A_338, %dma_start3A_339] : memref<40x128xi32, #tpu.memory_space<vmem>> -> memref<38x128xi32, #tpu.memory_space<vmem>>
      %dma_start3A_341 = arith.constant 40 : i32
      %dma_start3A_342 = arith.constant 0 : i32
      %dma_start3A_343 = tpu.memref_slice %arg3[%add3A, %dma_start3A_341, %dma_start3A_342] : memref<32x78x128xi32, #tpu.memory_space<hbm>> -> memref<1x38x128xi32, #tpu.memory_space<hbm>>
      %dma_start3A_344 = tpu.memref_squeeze %dma_start3A_343 : memref<1x38x128xi32, #tpu.memory_space<hbm>> -> memref<38x128xi32, #tpu.memory_space<hbm>>
      tpu.enqueue_dma source(%dma_start3A_344 : memref<38x128xi32, #tpu.memory_space<hbm>>) target(%dma_start3A_340 : memref<38x128xi32, #tpu.memory_space<vmem>>) target_semaphore(%run_scoped3A : memref<!tpu.dma_semaphore, #tpu.memory_space<semaphore_mem>>)
      %dma_wait3A_345 = arith.constant 0 : i32
      %dma_wait3A_346 = arith.constant 0 : i32
      %dma_wait3A_347 = tpu.memref_slice %arg8[%dma_wait3A_345, %dma_wait3A_346] : memref<40x128xi32, #tpu.memory_space<vmem>> -> memref<38x128xi32, #tpu.memory_space<vmem>>
      %dma_wait3A_348 = arith.constant 40 : i32
      %dma_wait3A_349 = arith.constant 0 : i32
      %dma_wait3A_350 = tpu.memref_slice %arg3[%add3A, %dma_wait3A_348, %dma_wait3A_349] : memref<32x78x128xi32, #tpu.memory_space<hbm>> -> memref<1x38x128xi32, #tpu.memory_space<hbm>>
      %dma_wait3A_351 = tpu.memref_squeeze %dma_wait3A_350 : memref<1x38x128xi32, #tpu.memory_space<hbm>> -> memref<38x128xi32, #tpu.memory_space<hbm>>
      %dma_wait3A_352 = arith.constant 0 : i32
      %dma_wait3A_353 = arith.constant 0 : i32
      %dma_wait3A_354 = tpu.memref_slice %arg8[%dma_wait3A_352, %dma_wait3A_353] : memref<40x128xi32, #tpu.memory_space<vmem>> -> memref<38x128xi32, #tpu.memory_space<vmem>>
      %dma_wait3A_355 = arith.constant 40 : i32
      %dma_wait3A_356 = arith.constant 0 : i32
      %dma_wait3A_357 = tpu.memref_slice %arg3[%add3A, %dma_wait3A_355, %dma_wait3A_356] : memref<32x78x128xi32, #tpu.memory_space<hbm>> -> memref<1x38x128xi32, #tpu.memory_space<hbm>>
      %dma_wait3A_358 = tpu.memref_squeeze %dma_wait3A_357 : memref<1x38x128xi32, #tpu.memory_space<hbm>> -> memref<38x128xi32, #tpu.memory_space<hbm>>
      tpu.wait_dma2 semaphore(%run_scoped3A : memref<!tpu.dma_semaphore, #tpu.memory_space<semaphore_mem>>) src(%dma_wait3A_358 : memref<38x128xi32, #tpu.memory_space<hbm>>) dst(%dma_wait3A_354 : memref<38x128xi32, #tpu.memory_space<vmem>>)
      tpu.yield
    }) : () -> ()
    "tpu.region"() ({
      %run_scoped3A = tpu.sem_alloc : memref<!tpu.dma_semaphore, #tpu.memory_space<semaphore_mem>>
      %dma_start3A_331 = arith.constant 0 : i32
      %dma_start3A_332 = arith.constant 0 : i32
      %dma_start3A_333 = tpu.memref_slice %arg9[%dma_start3A_331, %dma_start3A_332] : memref<40x128xi32, #tpu.memory_space<vmem>> -> memref<38x128xi32, #tpu.memory_space<vmem>>
      %dma_start3A_334 = arith.constant 40 : i32
      %dma_start3A_335 = arith.constant 0 : i32
      %dma_start3A_336 = tpu.memref_slice %arg4[%add3A, %dma_start3A_334, %dma_start3A_335] : memref<32x78x128xi32, #tpu.memory_space<hbm>> -> memref<1x38x128xi32, #tpu.memory_space<hbm>>
      %dma_start3A_337 = tpu.memref_squeeze %dma_start3A_336 : memref<1x38x128xi32, #tpu.memory_space<hbm>> -> memref<38x128xi32, #tpu.memory_space<hbm>>
      %dma_start3A_338 = arith.constant 0 : i32
      %dma_start3A_339 = arith.constant 0 : i32
      %dma_start3A_340 = tpu.memref_slice %arg9[%dma_start3A_338, %dma_start3A_339] : memref<40x128xi32, #tpu.memory_space<vmem>> -> memref<38x128xi32, #tpu.memory_space<vmem>>
      %dma_start3A_341 = arith.constant 40 : i32
      %dma_start3A_342 = arith.constant 0 : i32
      %dma_start3A_343 = tpu.memref_slice %arg4[%add3A, %dma_start3A_341, %dma_start3A_342] : memref<32x78x128xi32, #tpu.memory_space<hbm>> -> memref<1x38x128xi32, #tpu.memory_space<hbm>>
      %dma_start3A_344 = tpu.memref_squeeze %dma_start3A_343 : memref<1x38x128xi32, #tpu.memory_space<hbm>> -> memref<38x128xi32, #tpu.memory_space<hbm>>
      tpu.enqueue_dma source(%dma_start3A_344 : memref<38x128xi32, #tpu.memory_space<hbm>>) target(%dma_start3A_340 : memref<38x128xi32, #tpu.memory_space<vmem>>) target_semaphore(%run_scoped3A : memref<!tpu.dma_semaphore, #tpu.memory_space<semaphore_mem>>)
      %dma_wait3A_345 = arith.constant 0 : i32
      %dma_wait3A_346 = arith.constant 0 : i32
      %dma_wait3A_347 = tpu.memref_slice %arg9[%dma_wait3A_345, %dma_wait3A_346] : memref<40x128xi32, #tpu.memory_space<vmem>> -> memref<38x128xi32, #tpu.memory_space<vmem>>
      %dma_wait3A_348 = arith.constant 40 : i32
      %dma_wait3A_349 = arith.constant 0 : i32
      %dma_wait3A_350 = tpu.memref_slice %arg4[%add3A, %dma_wait3A_348, %dma_wait3A_349] : memref<32x78x128xi32, #tpu.memory_space<hbm>> -> memref<1x38x128xi32, #tpu.memory_space<hbm>>
      %dma_wait3A_351 = tpu.memref_squeeze %dma_wait3A_350 : memref<1x38x128xi32, #tpu.memory_space<hbm>> -> memref<38x128xi32, #tpu.memory_space<hbm>>
      %dma_wait3A_352 = arith.constant 0 : i32
      %dma_wait3A_353 = arith.constant 0 : i32
      %dma_wait3A_354 = tpu.memref_slice %arg9[%dma_wait3A_352, %dma_wait3A_353] : memref<40x128xi32, #tpu.memory_space<vmem>> -> memref<38x128xi32, #tpu.memory_space<vmem>>
      %dma_wait3A_355 = arith.constant 40 : i32
      %dma_wait3A_356 = arith.constant 0 : i32
      %dma_wait3A_357 = tpu.memref_slice %arg4[%add3A, %dma_wait3A_355, %dma_wait3A_356] : memref<32x78x128xi32, #tpu.memory_space<hbm>> -> memref<1x38x128xi32, #tpu.memory_space<hbm>>
      %dma_wait3A_358 = tpu.memref_squeeze %dma_wait3A_357 : memref<1x38x128xi32, #tpu.memory_space<hbm>> -> memref<38x128xi32, #tpu.memory_space<hbm>>
      tpu.wait_dma2 semaphore(%run_scoped3A : memref<!tpu.dma_semaphore, #tpu.memory_space<semaphore_mem>>) src(%dma_wait3A_358 : memref<38x128xi32, #tpu.memory_space<hbm>>) dst(%dma_wait3A_354 : memref<38x128xi32, #tpu.memory_space<vmem>>)
      tpu.yield
    }) : () -> ()
    %dma_start3A_210 = arith.constant 0 : i32
    %dma_start3A_211 = arith.constant 0 : i32
    %dma_start3A_212 = arith.constant 0 : i32
    %dma_start3A_213 = tpu.memref_slice %arg10[%dma_start3A_211, %dma_start3A_212] : memref<128x128xf32, #tpu.memory_space<vmem>> -> memref<64x128xf32, #tpu.memory_space<vmem>>
    %dma_start3A_214 = arith.constant 0 : i32
    %dma_start3A_215 = tpu.memref_slice %arg8[%dma_start3A_210, %dma_start3A_214] : memref<40x128xi32, #tpu.memory_space<vmem>> -> memref<1x64xi32, #tpu.memory_space<vmem>>
    %dma_start3A_216 = tpu.memref_squeeze %dma_start3A_215 : memref<1x64xi32, #tpu.memory_space<vmem>> -> memref<64xi32, #tpu.memory_space<vmem>>
    %dma_start3A_217 = arith.constant 0 : i32
    %dma_start3A_218 = arith.constant 0 : i32
    %dma_start3A_219 = tpu.memref_slice %arg2[%dma_start3A_217, %dma_start3A_218] : memref<10000x128xf32, #tpu.memory_space<hbm>> -> memref<10000x128xf32, #tpu.memory_space<hbm>>
    tpu.enqueue_indirect_dma source(%dma_start3A_219 : memref<10000x128xf32, #tpu.memory_space<hbm>>) target(%dma_start3A_213 : memref<64x128xf32, #tpu.memory_space<vmem>>) offsets(%dma_start3A_216 : memref<64xi32, #tpu.memory_space<vmem>>) semaphore(%arg15 : memref<!tpu.dma_semaphore, #tpu.memory_space<semaphore_mem>>)
    %dma_start3A_220 = arith.constant 0 : i32
    %dma_start3A_221 = arith.constant 64 : i32
    %dma_start3A_222 = arith.constant 0 : i32
    %dma_start3A_223 = tpu.memref_slice %arg10[%dma_start3A_221, %dma_start3A_222] : memref<128x128xf32, #tpu.memory_space<vmem>> -> memref<64x128xf32, #tpu.memory_space<vmem>>
    %dma_start3A_224 = arith.constant 64 : i32
    %dma_start3A_225 = tpu.memref_slice %arg8[%dma_start3A_220, %dma_start3A_224] : memref<40x128xi32, #tpu.memory_space<vmem>> -> memref<1x64xi32, #tpu.memory_space<vmem>>
    %dma_start3A_226 = tpu.memref_squeeze %dma_start3A_225 : memref<1x64xi32, #tpu.memory_space<vmem>> -> memref<64xi32, #tpu.memory_space<vmem>>
    %dma_start3A_227 = arith.constant 0 : i32
    %dma_start3A_228 = arith.constant 0 : i32
    %dma_start3A_229 = tpu.memref_slice %arg2[%dma_start3A_227, %dma_start3A_228] : memref<10000x128xf32, #tpu.memory_space<hbm>> -> memref<10000x128xf32, #tpu.memory_space<hbm>>
    tpu.enqueue_indirect_dma source(%dma_start3A_229 : memref<10000x128xf32, #tpu.memory_space<hbm>>) target(%dma_start3A_223 : memref<64x128xf32, #tpu.memory_space<vmem>>) offsets(%dma_start3A_226 : memref<64xi32, #tpu.memory_space<vmem>>) semaphore(%arg17 : memref<!tpu.dma_semaphore, #tpu.memory_space<semaphore_mem>>)
    %dma_wait3A_230 = arith.constant 0 : i32
    %dma_wait3A_231 = arith.constant 0 : i32
    %dma_wait3A_232 = arith.constant 0 : i32
    %dma_wait3A_233 = tpu.memref_slice %arg10[%dma_wait3A_231, %dma_wait3A_232] : memref<128x128xf32, #tpu.memory_space<vmem>> -> memref<64x128xf32, #tpu.memory_space<vmem>>
    %dma_wait3A_234 = arith.constant 0 : i32
    %dma_wait3A_235 = tpu.memref_slice %arg8[%dma_wait3A_230, %dma_wait3A_234] : memref<40x128xi32, #tpu.memory_space<vmem>> -> memref<1x64xi32, #tpu.memory_space<vmem>>
    %dma_wait3A_236 = tpu.memref_squeeze %dma_wait3A_235 : memref<1x64xi32, #tpu.memory_space<vmem>> -> memref<64xi32, #tpu.memory_space<vmem>>
    %dma_wait3A_237 = arith.constant 0 : i32
    %dma_wait3A_238 = arith.constant 0 : i32
    %dma_wait3A_239 = tpu.memref_slice %arg2[%dma_wait3A_237, %dma_wait3A_238] : memref<10000x128xf32, #tpu.memory_space<hbm>> -> memref<10000x128xf32, #tpu.memory_space<hbm>>
    tpu.wait_indirect_dma semaphore(%arg15 : memref<!tpu.dma_semaphore, #tpu.memory_space<semaphore_mem>>) src(%dma_wait3A_239 : memref<10000x128xf32, #tpu.memory_space<hbm>>) dst(%dma_wait3A_233 : memref<64x128xf32, #tpu.memory_space<vmem>>)
    %dma_wait3A_240 = arith.constant 0 : i32
    %dma_wait3A_241 = arith.constant 64 : i32
    %dma_wait3A_242 = arith.constant 0 : i32
    %dma_wait3A_243 = tpu.memref_slice %arg10[%dma_wait3A_241, %dma_wait3A_242] : memref<128x128xf32, #tpu.memory_space<vmem>> -> memref<64x128xf32, #tpu.memory_space<vmem>>
    %dma_wait3A_244 = arith.constant 64 : i32
    %dma_wait3A_245 = tpu.memref_slice %arg8[%dma_wait3A_240, %dma_wait3A_244] : memref<40x128xi32, #tpu.memory_space<vmem>> -> memref<1x64xi32, #tpu.memory_space<vmem>>
    %dma_wait3A_246 = tpu.memref_squeeze %dma_wait3A_245 : memref<1x64xi32, #tpu.memory_space<vmem>> -> memref<64xi32, #tpu.memory_space<vmem>>
    %dma_wait3A_247 = arith.constant 0 : i32
    %dma_wait3A_248 = arith.constant 0 : i32
    %dma_wait3A_249 = tpu.memref_slice %arg2[%dma_wait3A_247, %dma_wait3A_248] : memref<10000x128xf32, #tpu.memory_space<hbm>> -> memref<10000x128xf32, #tpu.memory_space<hbm>>
    tpu.wait_indirect_dma semaphore(%arg17 : memref<!tpu.dma_semaphore, #tpu.memory_space<semaphore_mem>>) src(%dma_wait3A_249 : memref<10000x128xf32, #tpu.memory_space<hbm>>) dst(%dma_wait3A_243 : memref<64x128xf32, #tpu.memory_space<vmem>>)
    %dma_start3A_250 = arith.constant 0 : i32
    %dma_start3A_251 = arith.constant 0 : i32
    %dma_start3A_252 = tpu.memref_slice %arg9[%dma_start3A_250, %dma_start3A_251] : memref<40x128xi32, #tpu.memory_space<vmem>> -> memref<1x128xi32, #tpu.memory_space<vmem>>
    %dma_start3A_253 = tpu.memref_squeeze %dma_start3A_252 : memref<1x128xi32, #tpu.memory_space<vmem>> -> memref<128xi32, #tpu.memory_space<vmem>>
    %dma_start3A_254 = arith.constant 0 : i32
    %dma_start3A_255 = arith.constant 0 : i32
    %dma_start3A_256 = tpu.memref_slice %arg14[%dma_start3A_254, %dma_start3A_255] : memref<10000x128xf32, #tpu.memory_space<vmem_shared>> -> memref<10000x128xf32, #tpu.memory_space<vmem_shared>>
    tpu.enqueue_indirect_dma source(%arg10 : memref<128x128xf32, #tpu.memory_space<vmem>>) target(%dma_start3A_256 : memref<10000x128xf32, #tpu.memory_space<vmem_shared>>) offsets(%dma_start3A_253 : memref<128xi32, #tpu.memory_space<vmem>>) semaphore(%arg19 : memref<!tpu.dma_semaphore, #tpu.memory_space<semaphore_mem>>) {add = true}
    %dma_start3A_257 = arith.constant 1 : i32
    %dma_start3A_258 = arith.constant 0 : i32
    %dma_start3A_259 = arith.constant 0 : i32
    %dma_start3A_260 = tpu.memref_slice %arg11[%dma_start3A_258, %dma_start3A_259] : memref<128x128xf32, #tpu.memory_space<vmem>> -> memref<64x128xf32, #tpu.memory_space<vmem>>
    %dma_start3A_261 = arith.constant 0 : i32
    %dma_start3A_262 = tpu.memref_slice %arg8[%dma_start3A_257, %dma_start3A_261] : memref<40x128xi32, #tpu.memory_space<vmem>> -> memref<1x64xi32, #tpu.memory_space<vmem>>
    %dma_start3A_263 = tpu.memref_squeeze %dma_start3A_262 : memref<1x64xi32, #tpu.memory_space<vmem>> -> memref<64xi32, #tpu.memory_space<vmem>>
    %dma_start3A_264 = arith.constant 0 : i32
    %dma_start3A_265 = arith.constant 0 : i32
    %dma_start3A_266 = tpu.memref_slice %arg2[%dma_start3A_264, %dma_start3A_265] : memref<10000x128xf32, #tpu.memory_space<hbm>> -> memref<10000x128xf32, #tpu.memory_space<hbm>>
    tpu.enqueue_indirect_dma source(%dma_start3A_266 : memref<10000x128xf32, #tpu.memory_space<hbm>>) target(%dma_start3A_260 : memref<64x128xf32, #tpu.memory_space<vmem>>) offsets(%dma_start3A_263 : memref<64xi32, #tpu.memory_space<vmem>>) semaphore(%arg16 : memref<!tpu.dma_semaphore, #tpu.memory_space<semaphore_mem>>)
    %dma_start3A_267 = arith.constant 1 : i32
    %dma_start3A_268 = arith.constant 64 : i32
    %dma_start3A_269 = arith.constant 0 : i32
    %dma_start3A_270 = tpu.memref_slice %arg11[%dma_start3A_268, %dma_start3A_269] : memref<128x128xf32, #tpu.memory_space<vmem>> -> memref<64x128xf32, #tpu.memory_space<vmem>>
    %dma_start3A_271 = arith.constant 64 : i32
    %dma_start3A_272 = tpu.memref_slice %arg8[%dma_start3A_267, %dma_start3A_271] : memref<40x128xi32, #tpu.memory_space<vmem>> -> memref<1x64xi32, #tpu.memory_space<vmem>>
    %dma_start3A_273 = tpu.memref_squeeze %dma_start3A_272 : memref<1x64xi32, #tpu.memory_space<vmem>> -> memref<64xi32, #tpu.memory_space<vmem>>
    %dma_start3A_274 = arith.constant 0 : i32
    %dma_start3A_275 = arith.constant 0 : i32
    %dma_start3A_276 = tpu.memref_slice %arg2[%dma_start3A_274, %dma_start3A_275] : memref<10000x128xf32, #tpu.memory_space<hbm>> -> memref<10000x128xf32, #tpu.memory_space<hbm>>
    tpu.enqueue_indirect_dma source(%dma_start3A_276 : memref<10000x128xf32, #tpu.memory_space<hbm>>) target(%dma_start3A_270 : memref<64x128xf32, #tpu.memory_space<vmem>>) offsets(%dma_start3A_273 : memref<64xi32, #tpu.memory_space<vmem>>) semaphore(%arg18 : memref<!tpu.dma_semaphore, #tpu.memory_space<semaphore_mem>>)
    %scan3A_277 = arith.constant 0 : i32
    %scan3A_278 = arith.constant 0 : i32
    %scan3A_279 = arith.constant 18 : i32
    %scan3A_280 = arith.addi %scan3A_278, %scan3A_279 : i32
    %scan3A_281 = arith.constant 1 : i32
    scf.for %scan3A_331 = %scan3A_278 to %scan3A_280 step %scan3A_281  : i32 {
      %mul3A_332 = arith.constant 2 : i32
      %mul3A_333 = arith.muli %mul3A_332, %scan3A_331 : i32
      %add3A_334 = arith.constant 1 : i32
      %add3A_335 = arith.addi %mul3A_333, %add3A_334 : i32
      %dma_wait3A_336 = arith.constant 0 : i32
      %dma_wait3A_337 = arith.constant 0 : i32
      %dma_wait3A_338 = arith.constant 0 : i32
      %dma_wait3A_339 = tpu.memref_slice %arg11[%dma_wait3A_337, %dma_wait3A_338] : memref<128x128xf32, #tpu.memory_space<vmem>> -> memref<64x128xf32, #tpu.memory_space<vmem>>
      %dma_wait3A_340 = arith.constant 0 : i32
      %dma_wait3A_341 = tpu.memref_slice %arg8[%dma_wait3A_336, %dma_wait3A_340] : memref<40x128xi32, #tpu.memory_space<vmem>> -> memref<1x64xi32, #tpu.memory_space<vmem>>
      %dma_wait3A_342 = tpu.memref_squeeze %dma_wait3A_341 : memref<1x64xi32, #tpu.memory_space<vmem>> -> memref<64xi32, #tpu.memory_space<vmem>>
      %dma_wait3A_343 = arith.constant 0 : i32
      %dma_wait3A_344 = arith.constant 0 : i32
      %dma_wait3A_345 = tpu.memref_slice %arg2[%dma_wait3A_343, %dma_wait3A_344] : memref<10000x128xf32, #tpu.memory_space<hbm>> -> memref<10000x128xf32, #tpu.memory_space<hbm>>
      tpu.wait_indirect_dma semaphore(%arg16 : memref<!tpu.dma_semaphore, #tpu.memory_space<semaphore_mem>>) src(%dma_wait3A_345 : memref<10000x128xf32, #tpu.memory_space<hbm>>) dst(%dma_wait3A_339 : memref<64x128xf32, #tpu.memory_space<vmem>>)
      %dma_wait3A_346 = arith.constant 0 : i32
      %dma_wait3A_347 = arith.constant 64 : i32
      %dma_wait3A_348 = arith.constant 0 : i32
      %dma_wait3A_349 = tpu.memref_slice %arg11[%dma_wait3A_347, %dma_wait3A_348] : memref<128x128xf32, #tpu.memory_space<vmem>> -> memref<64x128xf32, #tpu.memory_space<vmem>>
      %dma_wait3A_350 = arith.constant 64 : i32
      %dma_wait3A_351 = tpu.memref_slice %arg8[%dma_wait3A_346, %dma_wait3A_350] : memref<40x128xi32, #tpu.memory_space<vmem>> -> memref<1x64xi32, #tpu.memory_space<vmem>>
      %dma_wait3A_352 = tpu.memref_squeeze %dma_wait3A_351 : memref<1x64xi32, #tpu.memory_space<vmem>> -> memref<64xi32, #tpu.memory_space<vmem>>
      %dma_wait3A_353 = arith.constant 0 : i32
      %dma_wait3A_354 = arith.constant 0 : i32
      %dma_wait3A_355 = tpu.memref_slice %arg2[%dma_wait3A_353, %dma_wait3A_354] : memref<10000x128xf32, #tpu.memory_space<hbm>> -> memref<10000x128xf32, #tpu.memory_space<hbm>>
      tpu.wait_indirect_dma semaphore(%arg18 : memref<!tpu.dma_semaphore, #tpu.memory_space<semaphore_mem>>) src(%dma_wait3A_355 : memref<10000x128xf32, #tpu.memory_space<hbm>>) dst(%dma_wait3A_349 : memref<64x128xf32, #tpu.memory_space<vmem>>)
      %dma_start3A_356 = arith.constant 0 : i32
      %dma_start3A_357 = tpu.memref_slice %arg9[%add3A_335, %dma_start3A_356] : memref<40x128xi32, #tpu.memory_space<vmem>> -> memref<1x128xi32, #tpu.memory_space<vmem>>
      %dma_start3A_358 = tpu.memref_squeeze %dma_start3A_357 : memref<1x128xi32, #tpu.memory_space<vmem>> -> memref<128xi32, #tpu.memory_space<vmem>>
      %dma_start3A_359 = arith.constant 0 : i32
      %dma_start3A_360 = arith.constant 0 : i32
      %dma_start3A_361 = tpu.memref_slice %arg14[%dma_start3A_359, %dma_start3A_360] : memref<10000x128xf32, #tpu.memory_space<vmem_shared>> -> memref<10000x128xf32, #tpu.memory_space<vmem_shared>>
      tpu.enqueue_indirect_dma source(%arg11 : memref<128x128xf32, #tpu.memory_space<vmem>>) target(%dma_start3A_361 : memref<10000x128xf32, #tpu.memory_space<vmem_shared>>) offsets(%dma_start3A_358 : memref<128xi32, #tpu.memory_space<vmem>>) semaphore(%arg20 : memref<!tpu.dma_semaphore, #tpu.memory_space<semaphore_mem>>) {add = true}
      %dma_wait3A_362 = arith.constant 0 : i32
      %dma_wait3A_363 = arith.constant 0 : i32
      %dma_wait3A_364 = tpu.memref_slice %arg9[%dma_wait3A_362, %dma_wait3A_363] : memref<40x128xi32, #tpu.memory_space<vmem>> -> memref<1x128xi32, #tpu.memory_space<vmem>>
      %dma_wait3A_365 = tpu.memref_squeeze %dma_wait3A_364 : memref<1x128xi32, #tpu.memory_space<vmem>> -> memref<128xi32, #tpu.memory_space<vmem>>
      %dma_wait3A_366 = arith.constant 0 : i32
      %dma_wait3A_367 = arith.constant 0 : i32
      %dma_wait3A_368 = tpu.memref_slice %arg14[%dma_wait3A_366, %dma_wait3A_367] : memref<10000x128xf32, #tpu.memory_space<vmem_shared>> -> memref<10000x128xf32, #tpu.memory_space<vmem_shared>>
      tpu.wait_indirect_dma semaphore(%arg19 : memref<!tpu.dma_semaphore, #tpu.memory_space<semaphore_mem>>) src(%arg10 : memref<128x128xf32, #tpu.memory_space<vmem>>) dst(%dma_wait3A_368 : memref<10000x128xf32, #tpu.memory_space<vmem_shared>>)
      %add3A_369 = arith.constant 1 : i32
      %add3A_370 = arith.addi %add3A_335, %add3A_369 : i32
      %dma_start3A_371 = arith.constant 0 : i32
      %dma_start3A_372 = arith.constant 0 : i32
      %dma_start3A_373 = tpu.memref_slice %arg10[%dma_start3A_371, %dma_start3A_372] : memref<128x128xf32, #tpu.memory_space<vmem>> -> memref<64x128xf32, #tpu.memory_space<vmem>>
      %dma_start3A_374 = arith.constant 0 : i32
      %dma_start3A_375 = tpu.memref_slice %arg8[%add3A_370, %dma_start3A_374] : memref<40x128xi32, #tpu.memory_space<vmem>> -> memref<1x64xi32, #tpu.memory_space<vmem>>
      %dma_start3A_376 = tpu.memref_squeeze %dma_start3A_375 : memref<1x64xi32, #tpu.memory_space<vmem>> -> memref<64xi32, #tpu.memory_space<vmem>>
      %dma_start3A_377 = arith.constant 0 : i32
      %dma_start3A_378 = arith.constant 0 : i32
      %dma_start3A_379 = tpu.memref_slice %arg2[%dma_start3A_377, %dma_start3A_378] : memref<10000x128xf32, #tpu.memory_space<hbm>> -> memref<10000x128xf32, #tpu.memory_space<hbm>>
      tpu.enqueue_indirect_dma source(%dma_start3A_379 : memref<10000x128xf32, #tpu.memory_space<hbm>>) target(%dma_start3A_373 : memref<64x128xf32, #tpu.memory_space<vmem>>) offsets(%dma_start3A_376 : memref<64xi32, #tpu.memory_space<vmem>>) semaphore(%arg15 : memref<!tpu.dma_semaphore, #tpu.memory_space<semaphore_mem>>)
      %dma_start3A_380 = arith.constant 64 : i32
      %dma_start3A_381 = arith.constant 0 : i32
      %dma_start3A_382 = tpu.memref_slice %arg10[%dma_start3A_380, %dma_start3A_381] : memref<128x128xf32, #tpu.memory_space<vmem>> -> memref<64x128xf32, #tpu.memory_space<vmem>>
      %dma_start3A_383 = arith.constant 64 : i32
      %dma_start3A_384 = tpu.memref_slice %arg8[%add3A_370, %dma_start3A_383] : memref<40x128xi32, #tpu.memory_space<vmem>> -> memref<1x64xi32, #tpu.memory_space<vmem>>
      %dma_start3A_385 = tpu.memref_squeeze %dma_start3A_384 : memref<1x64xi32, #tpu.memory_space<vmem>> -> memref<64xi32, #tpu.memory_space<vmem>>
      %dma_start3A_386 = arith.constant 0 : i32
      %dma_start3A_387 = arith.constant 0 : i32
      %dma_start3A_388 = tpu.memref_slice %arg2[%dma_start3A_386, %dma_start3A_387] : memref<10000x128xf32, #tpu.memory_space<hbm>> -> memref<10000x128xf32, #tpu.memory_space<hbm>>
      tpu.enqueue_indirect_dma source(%dma_start3A_388 : memref<10000x128xf32, #tpu.memory_space<hbm>>) target(%dma_start3A_382 : memref<64x128xf32, #tpu.memory_space<vmem>>) offsets(%dma_start3A_385 : memref<64xi32, #tpu.memory_space<vmem>>) semaphore(%arg17 : memref<!tpu.dma_semaphore, #tpu.memory_space<semaphore_mem>>)
      %mul3A_389 = arith.constant 2 : i32
      %mul3A_390 = arith.muli %mul3A_389, %scan3A_331 : i32
      %add3A_391 = arith.constant 2 : i32
      %add3A_392 = arith.addi %mul3A_390, %add3A_391 : i32
      %dma_wait3A_393 = arith.constant 0 : i32
      %dma_wait3A_394 = arith.constant 0 : i32
      %dma_wait3A_395 = arith.constant 0 : i32
      %dma_wait3A_396 = tpu.memref_slice %arg10[%dma_wait3A_394, %dma_wait3A_395] : memref<128x128xf32, #tpu.memory_space<vmem>> -> memref<64x128xf32, #tpu.memory_space<vmem>>
      %dma_wait3A_397 = arith.constant 0 : i32
      %dma_wait3A_398 = tpu.memref_slice %arg8[%dma_wait3A_393, %dma_wait3A_397] : memref<40x128xi32, #tpu.memory_space<vmem>> -> memref<1x64xi32, #tpu.memory_space<vmem>>
      %dma_wait3A_399 = tpu.memref_squeeze %dma_wait3A_398 : memref<1x64xi32, #tpu.memory_space<vmem>> -> memref<64xi32, #tpu.memory_space<vmem>>
      %dma_wait3A_400 = arith.constant 0 : i32
      %dma_wait3A_401 = arith.constant 0 : i32
      %dma_wait3A_402 = tpu.memref_slice %arg2[%dma_wait3A_400, %dma_wait3A_401] : memref<10000x128xf32, #tpu.memory_space<hbm>> -> memref<10000x128xf32, #tpu.memory_space<hbm>>
      tpu.wait_indirect_dma semaphore(%arg15 : memref<!tpu.dma_semaphore, #tpu.memory_space<semaphore_mem>>) src(%dma_wait3A_402 : memref<10000x128xf32, #tpu.memory_space<hbm>>) dst(%dma_wait3A_396 : memref<64x128xf32, #tpu.memory_space<vmem>>)
      %dma_wait3A_403 = arith.constant 0 : i32
      %dma_wait3A_404 = arith.constant 64 : i32
      %dma_wait3A_405 = arith.constant 0 : i32
      %dma_wait3A_406 = tpu.memref_slice %arg10[%dma_wait3A_404, %dma_wait3A_405] : memref<128x128xf32, #tpu.memory_space<vmem>> -> memref<64x128xf32, #tpu.memory_space<vmem>>
      %dma_wait3A_407 = arith.constant 64 : i32
      %dma_wait3A_408 = tpu.memref_slice %arg8[%dma_wait3A_403, %dma_wait3A_407] : memref<40x128xi32, #tpu.memory_space<vmem>> -> memref<1x64xi32, #tpu.memory_space<vmem>>
      %dma_wait3A_409 = tpu.memref_squeeze %dma_wait3A_408 : memref<1x64xi32, #tpu.memory_space<vmem>> -> memref<64xi32, #tpu.memory_space<vmem>>
      %dma_wait3A_410 = arith.constant 0 : i32
      %dma_wait3A_411 = arith.constant 0 : i32
      %dma_wait3A_412 = tpu.memref_slice %arg2[%dma_wait3A_410, %dma_wait3A_411] : memref<10000x128xf32, #tpu.memory_space<hbm>> -> memref<10000x128xf32, #tpu.memory_space<hbm>>
      tpu.wait_indirect_dma semaphore(%arg17 : memref<!tpu.dma_semaphore, #tpu.memory_space<semaphore_mem>>) src(%dma_wait3A_412 : memref<10000x128xf32, #tpu.memory_space<hbm>>) dst(%dma_wait3A_406 : memref<64x128xf32, #tpu.memory_space<vmem>>)
      %dma_start3A_413 = arith.constant 0 : i32
      %dma_start3A_414 = tpu.memref_slice %arg9[%add3A_392, %dma_start3A_413] : memref<40x128xi32, #tpu.memory_space<vmem>> -> memref<1x128xi32, #tpu.memory_space<vmem>>
      %dma_start3A_415 = tpu.memref_squeeze %dma_start3A_414 : memref<1x128xi32, #tpu.memory_space<vmem>> -> memref<128xi32, #tpu.memory_space<vmem>>
      %dma_start3A_416 = arith.constant 0 : i32
      %dma_start3A_417 = arith.constant 0 : i32
      %dma_start3A_418 = tpu.memref_slice %arg14[%dma_start3A_416, %dma_start3A_417] : memref<10000x128xf32, #tpu.memory_space<vmem_shared>> -> memref<10000x128xf32, #tpu.memory_space<vmem_shared>>
      tpu.enqueue_indirect_dma source(%arg10 : memref<128x128xf32, #tpu.memory_space<vmem>>) target(%dma_start3A_418 : memref<10000x128xf32, #tpu.memory_space<vmem_shared>>) offsets(%dma_start3A_415 : memref<128xi32, #tpu.memory_space<vmem>>) semaphore(%arg19 : memref<!tpu.dma_semaphore, #tpu.memory_space<semaphore_mem>>) {add = true}
      %dma_wait3A_419 = arith.constant 0 : i32
      %dma_wait3A_420 = arith.constant 0 : i32
      %dma_wait3A_421 = tpu.memref_slice %arg9[%dma_wait3A_419, %dma_wait3A_420] : memref<40x128xi32, #tpu.memory_space<vmem>> -> memref<1x128xi32, #tpu.memory_space<vmem>>
      %dma_wait3A_422 = tpu.memref_squeeze %dma_wait3A_421 : memref<1x128xi32, #tpu.memory_space<vmem>> -> memref<128xi32, #tpu.memory_space<vmem>>
      %dma_wait3A_423 = arith.constant 0 : i32
      %dma_wait3A_424 = arith.constant 0 : i32
      %dma_wait3A_425 = tpu.memref_slice %arg14[%dma_wait3A_423, %dma_wait3A_424] : memref<10000x128xf32, #tpu.memory_space<vmem_shared>> -> memref<10000x128xf32, #tpu.memory_space<vmem_shared>>
      tpu.wait_indirect_dma semaphore(%arg20 : memref<!tpu.dma_semaphore, #tpu.memory_space<semaphore_mem>>) src(%arg11 : memref<128x128xf32, #tpu.memory_space<vmem>>) dst(%dma_wait3A_425 : memref<10000x128xf32, #tpu.memory_space<vmem_shared>>)
      %add3A_426 = arith.constant 1 : i32
      %add3A_427 = arith.addi %add3A_392, %add3A_426 : i32
      %dma_start3A_428 = arith.constant 0 : i32
      %dma_start3A_429 = arith.constant 0 : i32
      %dma_start3A_430 = tpu.memref_slice %arg11[%dma_start3A_428, %dma_start3A_429] : memref<128x128xf32, #tpu.memory_space<vmem>> -> memref<64x128xf32, #tpu.memory_space<vmem>>
      %dma_start3A_431 = arith.constant 0 : i32
      %dma_start3A_432 = tpu.memref_slice %arg8[%add3A_427, %dma_start3A_431] : memref<40x128xi32, #tpu.memory_space<vmem>> -> memref<1x64xi32, #tpu.memory_space<vmem>>
      %dma_start3A_433 = tpu.memref_squeeze %dma_start3A_432 : memref<1x64xi32, #tpu.memory_space<vmem>> -> memref<64xi32, #tpu.memory_space<vmem>>
      %dma_start3A_434 = arith.constant 0 : i32
      %dma_start3A_435 = arith.constant 0 : i32
      %dma_start3A_436 = tpu.memref_slice %arg2[%dma_start3A_434, %dma_start3A_435] : memref<10000x128xf32, #tpu.memory_space<hbm>> -> memref<10000x128xf32, #tpu.memory_space<hbm>>
      tpu.enqueue_indirect_dma source(%dma_start3A_436 : memref<10000x128xf32, #tpu.memory_space<hbm>>) target(%dma_start3A_430 : memref<64x128xf32, #tpu.memory_space<vmem>>) offsets(%dma_start3A_433 : memref<64xi32, #tpu.memory_space<vmem>>) semaphore(%arg16 : memref<!tpu.dma_semaphore, #tpu.memory_space<semaphore_mem>>)
      %dma_start3A_437 = arith.constant 64 : i32
      %dma_start3A_438 = arith.constant 0 : i32
      %dma_start3A_439 = tpu.memref_slice %arg11[%dma_start3A_437, %dma_start3A_438] : memref<128x128xf32, #tpu.memory_space<vmem>> -> memref<64x128xf32, #tpu.memory_space<vmem>>
      %dma_start3A_440 = arith.constant 64 : i32
      %dma_start3A_441 = tpu.memref_slice %arg8[%add3A_427, %dma_start3A_440] : memref<40x128xi32, #tpu.memory_space<vmem>> -> memref<1x64xi32, #tpu.memory_space<vmem>>
      %dma_start3A_442 = tpu.memref_squeeze %dma_start3A_441 : memref<1x64xi32, #tpu.memory_space<vmem>> -> memref<64xi32, #tpu.memory_space<vmem>>
      %dma_start3A_443 = arith.constant 0 : i32
      %dma_start3A_444 = arith.constant 0 : i32
      %dma_start3A_445 = tpu.memref_slice %arg2[%dma_start3A_443, %dma_start3A_444] : memref<10000x128xf32, #tpu.memory_space<hbm>> -> memref<10000x128xf32, #tpu.memory_space<hbm>>
      tpu.enqueue_indirect_dma source(%dma_start3A_445 : memref<10000x128xf32, #tpu.memory_space<hbm>>) target(%dma_start3A_439 : memref<64x128xf32, #tpu.memory_space<vmem>>) offsets(%dma_start3A_442 : memref<64xi32, #tpu.memory_space<vmem>>) semaphore(%arg18 : memref<!tpu.dma_semaphore, #tpu.memory_space<semaphore_mem>>)
    }
    %scan3A_282 = arith.constant 18 : i32
    %dma_wait3A_283 = arith.constant 0 : i32
    %dma_wait3A_284 = arith.constant 0 : i32
    %dma_wait3A_285 = arith.constant 0 : i32
    %dma_wait3A_286 = tpu.memref_slice %arg11[%dma_wait3A_284, %dma_wait3A_285] : memref<128x128xf32, #tpu.memory_space<vmem>> -> memref<64x128xf32, #tpu.memory_space<vmem>>
    %dma_wait3A_287 = arith.constant 0 : i32
    %dma_wait3A_288 = tpu.memref_slice %arg8[%dma_wait3A_283, %dma_wait3A_287] : memref<40x128xi32, #tpu.memory_space<vmem>> -> memref<1x64xi32, #tpu.memory_space<vmem>>
    %dma_wait3A_289 = tpu.memref_squeeze %dma_wait3A_288 : memref<1x64xi32, #tpu.memory_space<vmem>> -> memref<64xi32, #tpu.memory_space<vmem>>
    %dma_wait3A_290 = arith.constant 0 : i32
    %dma_wait3A_291 = arith.constant 0 : i32
    %dma_wait3A_292 = tpu.memref_slice %arg2[%dma_wait3A_290, %dma_wait3A_291] : memref<10000x128xf32, #tpu.memory_space<hbm>> -> memref<10000x128xf32, #tpu.memory_space<hbm>>
    tpu.wait_indirect_dma semaphore(%arg16 : memref<!tpu.dma_semaphore, #tpu.memory_space<semaphore_mem>>) src(%dma_wait3A_292 : memref<10000x128xf32, #tpu.memory_space<hbm>>) dst(%dma_wait3A_286 : memref<64x128xf32, #tpu.memory_space<vmem>>)
    %dma_wait3A_293 = arith.constant 0 : i32
    %dma_wait3A_294 = arith.constant 64 : i32
    %dma_wait3A_295 = arith.constant 0 : i32
    %dma_wait3A_296 = tpu.memref_slice %arg11[%dma_wait3A_294, %dma_wait3A_295] : memref<128x128xf32, #tpu.memory_space<vmem>> -> memref<64x128xf32, #tpu.memory_space<vmem>>
    %dma_wait3A_297 = arith.constant 64 : i32
    %dma_wait3A_298 = tpu.memref_slice %arg8[%dma_wait3A_293, %dma_wait3A_297] : memref<40x128xi32, #tpu.memory_space<vmem>> -> memref<1x64xi32, #tpu.memory_space<vmem>>
    %dma_wait3A_299 = tpu.memref_squeeze %dma_wait3A_298 : memref<1x64xi32, #tpu.memory_space<vmem>> -> memref<64xi32, #tpu.memory_space<vmem>>
    %dma_wait3A_300 = arith.constant 0 : i32
    %dma_wait3A_301 = arith.constant 0 : i32
    %dma_wait3A_302 = tpu.memref_slice %arg2[%dma_wait3A_300, %dma_wait3A_301] : memref<10000x128xf32, #tpu.memory_space<hbm>> -> memref<10000x128xf32, #tpu.memory_space<hbm>>
    tpu.wait_indirect_dma semaphore(%arg18 : memref<!tpu.dma_semaphore, #tpu.memory_space<semaphore_mem>>) src(%dma_wait3A_302 : memref<10000x128xf32, #tpu.memory_space<hbm>>) dst(%dma_wait3A_296 : memref<64x128xf32, #tpu.memory_space<vmem>>)
    %dma_start3A_303 = arith.constant 37 : i32
    %dma_start3A_304 = arith.constant 0 : i32
    %dma_start3A_305 = tpu.memref_slice %arg9[%dma_start3A_303, %dma_start3A_304] : memref<40x128xi32, #tpu.memory_space<vmem>> -> memref<1x128xi32, #tpu.memory_space<vmem>>
    %dma_start3A_306 = tpu.memref_squeeze %dma_start3A_305 : memref<1x128xi32, #tpu.memory_space<vmem>> -> memref<128xi32, #tpu.memory_space<vmem>>
    %dma_start3A_307 = arith.constant 0 : i32
    %dma_start3A_308 = arith.constant 0 : i32
    %dma_start3A_309 = tpu.memref_slice %arg14[%dma_start3A_307, %dma_start3A_308] : memref<10000x128xf32, #tpu.memory_space<vmem_shared>> -> memref<10000x128xf32, #tpu.memory_space<vmem_shared>>
    tpu.enqueue_indirect_dma source(%arg11 : memref<128x128xf32, #tpu.memory_space<vmem>>) target(%dma_start3A_309 : memref<10000x128xf32, #tpu.memory_space<vmem_shared>>) offsets(%dma_start3A_306 : memref<128xi32, #tpu.memory_space<vmem>>) semaphore(%arg20 : memref<!tpu.dma_semaphore, #tpu.memory_space<semaphore_mem>>) {add = true}
    %dma_wait3A_310 = arith.constant 0 : i32
    %dma_wait3A_311 = arith.constant 0 : i32
    %dma_wait3A_312 = tpu.memref_slice %arg9[%dma_wait3A_310, %dma_wait3A_311] : memref<40x128xi32, #tpu.memory_space<vmem>> -> memref<1x128xi32, #tpu.memory_space<vmem>>
    %dma_wait3A_313 = tpu.memref_squeeze %dma_wait3A_312 : memref<1x128xi32, #tpu.memory_space<vmem>> -> memref<128xi32, #tpu.memory_space<vmem>>
    %dma_wait3A_314 = arith.constant 0 : i32
    %dma_wait3A_315 = arith.constant 0 : i32
    %dma_wait3A_316 = tpu.memref_slice %arg14[%dma_wait3A_314, %dma_wait3A_315] : memref<10000x128xf32, #tpu.memory_space<vmem_shared>> -> memref<10000x128xf32, #tpu.memory_space<vmem_shared>>
    tpu.wait_indirect_dma semaphore(%arg19 : memref<!tpu.dma_semaphore, #tpu.memory_space<semaphore_mem>>) src(%arg10 : memref<128x128xf32, #tpu.memory_space<vmem>>) dst(%dma_wait3A_316 : memref<10000x128xf32, #tpu.memory_space<vmem_shared>>)
    %dma_wait3A_317 = arith.constant 0 : i32
    %dma_wait3A_318 = arith.constant 0 : i32
    %dma_wait3A_319 = tpu.memref_slice %arg9[%dma_wait3A_317, %dma_wait3A_318] : memref<40x128xi32, #tpu.memory_space<vmem>> -> memref<1x128xi32, #tpu.memory_space<vmem>>
    %dma_wait3A_320 = tpu.memref_squeeze %dma_wait3A_319 : memref<1x128xi32, #tpu.memory_space<vmem>> -> memref<128xi32, #tpu.memory_space<vmem>>
    %dma_wait3A_321 = arith.constant 0 : i32
    %dma_wait3A_322 = arith.constant 0 : i32
    %dma_wait3A_323 = tpu.memref_slice %arg14[%dma_wait3A_321, %dma_wait3A_322] : memref<10000x128xf32, #tpu.memory_space<vmem_shared>> -> memref<10000x128xf32, #tpu.memory_space<vmem_shared>>
    tpu.wait_indirect_dma semaphore(%arg20 : memref<!tpu.dma_semaphore, #tpu.memory_space<semaphore_mem>>) src(%arg11 : memref<128x128xf32, #tpu.memory_space<vmem>>) dst(%dma_wait3A_323 : memref<10000x128xf32, #tpu.memory_space<vmem_shared>>)
    %lt3A = arith.constant 4 : i32
    %lt3A_324 = arith.cmpi slt, %add3A, %lt3A : i32
    %convert_element_type3A = arith.extui %lt3A_324 : i1 to i32
    %cond3A = arith.constant 0 : i32
    %cond3A_325 = arith.cmpi ne, %convert_element_type3A, %cond3A : i32
    scf.if %cond3A_325 {
      %mul3A_331 = arith.constant 128 : i32
      %mul3A_332 = arith.muli %add3A, %mul3A_331 : i32
      %add3A_333 = arith.constant 319488 : i32
      %add3A_334 = arith.addi %add3A_333, %mul3A_332 : i32
      "tpu.region"() ({
        %run_scoped3A = tpu.sem_alloc : memref<!tpu.dma_semaphore, #tpu.memory_space<semaphore_mem>>
        %dma_start3A_341 = tpu.memref_slice %arg5[%add3A_334] : memref<320000xi32, #tpu.memory_space<hbm>> -> memref<128xi32, #tpu.memory_space<hbm>>
        %dma_start3A_342 = tpu.memref_slice %arg5[%add3A_334] : memref<320000xi32, #tpu.memory_space<hbm>> -> memref<128xi32, #tpu.memory_space<hbm>>
        tpu.enqueue_dma source(%dma_start3A_342 : memref<128xi32, #tpu.memory_space<hbm>>) target(%arg12 : memref<128xi32, #tpu.memory_space<vmem>>) target_semaphore(%run_scoped3A : memref<!tpu.dma_semaphore, #tpu.memory_space<semaphore_mem>>)
        %dma_wait3A_343 = tpu.memref_slice %arg5[%add3A_334] : memref<320000xi32, #tpu.memory_space<hbm>> -> memref<128xi32, #tpu.memory_space<hbm>>
        %dma_wait3A_344 = tpu.memref_slice %arg5[%add3A_334] : memref<320000xi32, #tpu.memory_space<hbm>> -> memref<128xi32, #tpu.memory_space<hbm>>
        tpu.wait_dma2 semaphore(%run_scoped3A : memref<!tpu.dma_semaphore, #tpu.memory_space<semaphore_mem>>) src(%dma_wait3A_344 : memref<128xi32, #tpu.memory_space<hbm>>) dst(%arg12 : memref<128xi32, #tpu.memory_space<vmem>>)
        tpu.yield
      }) : () -> ()
      "tpu.region"() ({
        %run_scoped3A = tpu.sem_alloc : memref<!tpu.dma_semaphore, #tpu.memory_space<semaphore_mem>>
        %dma_start3A_341 = tpu.memref_slice %arg6[%add3A_334] : memref<320000xi32, #tpu.memory_space<hbm>> -> memref<128xi32, #tpu.memory_space<hbm>>
        %dma_start3A_342 = tpu.memref_slice %arg6[%add3A_334] : memref<320000xi32, #tpu.memory_space<hbm>> -> memref<128xi32, #tpu.memory_space<hbm>>
        tpu.enqueue_dma source(%dma_start3A_342 : memref<128xi32, #tpu.memory_space<hbm>>) target(%arg13 : memref<128xi32, #tpu.memory_space<vmem>>) target_semaphore(%run_scoped3A : memref<!tpu.dma_semaphore, #tpu.memory_space<semaphore_mem>>)
        %dma_wait3A_343 = tpu.memref_slice %arg6[%add3A_334] : memref<320000xi32, #tpu.memory_space<hbm>> -> memref<128xi32, #tpu.memory_space<hbm>>
        %dma_wait3A_344 = tpu.memref_slice %arg6[%add3A_334] : memref<320000xi32, #tpu.memory_space<hbm>> -> memref<128xi32, #tpu.memory_space<hbm>>
        tpu.wait_dma2 semaphore(%run_scoped3A : memref<!tpu.dma_semaphore, #tpu.memory_space<semaphore_mem>>) src(%dma_wait3A_344 : memref<128xi32, #tpu.memory_space<hbm>>) dst(%arg13 : memref<128xi32, #tpu.memory_space<vmem>>)
        tpu.yield
      }) : () -> ()
      %dma_start3A_335 = arith.constant 0 : i32
      %dma_start3A_336 = arith.constant 0 : i32
      %dma_start3A_337 = tpu.memref_slice %arg2[%dma_start3A_335, %dma_start3A_336] : memref<10000x128xf32, #tpu.memory_space<hbm>> -> memref<10000x128xf32, #tpu.memory_space<hbm>>
      tpu.enqueue_indirect_dma source(%dma_start3A_337 : memref<10000x128xf32, #tpu.memory_space<hbm>>) target(%arg10 : memref<128x128xf32, #tpu.memory_space<vmem>>) offsets(%arg12 : memref<128xi32, #tpu.memory_space<vmem>>) semaphore(%arg15 : memref<!tpu.dma_semaphore, #tpu.memory_space<semaphore_mem>>)
      %dma_wait3A_338 = arith.constant 0 : i32
      %dma_wait3A_339 = arith.constant 0 : i32
      %dma_wait3A_340 = tpu.memref_slice %arg2[%dma_wait3A_338, %dma_wait3A_339] : memref<10000x128xf32, #tpu.memory_space<hbm>> -> memref<10000x128xf32, #tpu.memory_space<hbm>>
      tpu.wait_indirect_dma semaphore(%arg15 : memref<!tpu.dma_semaphore, #tpu.memory_space<semaphore_mem>>) src(%dma_wait3A_340 : memref<10000x128xf32, #tpu.memory_space<hbm>>) dst(%arg10 : memref<128x128xf32, #tpu.memory_space<vmem>>)
      "tpu.region"() ({
        %run_scoped3A = tpu.sem_alloc : memref<!tpu.dma_semaphore, #tpu.memory_space<semaphore_mem>>
        %dma_start3A_341 = arith.constant 0 : i32
        %dma_start3A_342 = arith.constant 0 : i32
        %dma_start3A_343 = tpu.memref_slice %arg14[%dma_start3A_341, %dma_start3A_342] : memref<10000x128xf32, #tpu.memory_space<vmem_shared>> -> memref<10000x128xf32, #tpu.memory_space<vmem_shared>>
        tpu.enqueue_indirect_dma source(%arg10 : memref<128x128xf32, #tpu.memory_space<vmem>>) target(%dma_start3A_343 : memref<10000x128xf32, #tpu.memory_space<vmem_shared>>) offsets(%arg13 : memref<128xi32, #tpu.memory_space<vmem>>) semaphore(%run_scoped3A : memref<!tpu.dma_semaphore, #tpu.memory_space<semaphore_mem>>) {add = true}
        %dma_wait3A_344 = arith.constant 0 : i32
        %dma_wait3A_345 = arith.constant 0 : i32
        %dma_wait3A_346 = tpu.memref_slice %arg14[%dma_wait3A_344, %dma_wait3A_345] : memref<10000x128xf32, #tpu.memory_space<vmem_shared>> -> memref<10000x128xf32, #tpu.memory_space<vmem_shared>>
        tpu.wait_indirect_dma semaphore(%run_scoped3A : memref<!tpu.dma_semaphore, #tpu.memory_space<semaphore_mem>>) src(%arg10 : memref<128x128xf32, #tpu.memory_space<vmem>>) dst(%dma_wait3A_346 : memref<10000x128xf32, #tpu.memory_space<vmem_shared>>)
        tpu.yield
      }) : () -> ()
    } else {
    }
    %barrier3A_326 = arith.constant 0 : index
    tpu.barrier barrier_id(%barrier3A_326)
    %mul3A_327 = arith.constant 624 : i32
    %mul3A_328 = arith.muli %arg1, %mul3A_327 : i32
    %mul3A_329 = arith.constant 624 : i32
    %mul3A_330 = arith.muli %arg1, %mul3A_329 : i32
    "tpu.region"() ({
      %run_scoped3A = tpu.sem_alloc : memref<!tpu.dma_semaphore, #tpu.memory_space<semaphore_mem>>
      %dma_start3A_331 = arith.constant 0 : i32
      %dma_start3A_332 = tpu.memref_slice %arg7[%arg0, %mul3A_330, %dma_start3A_331] : memref<2x10000x128xf32, #tpu.memory_space<hbm>> -> memref<1x640x128xf32, #tpu.memory_space<hbm>>
      %dma_start3A_333 = tpu.memref_squeeze %dma_start3A_332 : memref<1x640x128xf32, #tpu.memory_space<hbm>> -> memref<640x128xf32, #tpu.memory_space<hbm>>
      %dma_start3A_334 = arith.constant 0 : i32
      %dma_start3A_335 = tpu.memref_slice %arg14[%mul3A_328, %dma_start3A_334] : memref<10000x128xf32, #tpu.memory_space<vmem_shared>> -> memref<640x128xf32, #tpu.memory_space<vmem_shared>>
      tpu.enqueue_dma source(%dma_start3A_335 : memref<640x128xf32, #tpu.memory_space<vmem_shared>>) target(%dma_start3A_333 : memref<640x128xf32, #tpu.memory_space<hbm>>) target_semaphore(%run_scoped3A : memref<!tpu.dma_semaphore, #tpu.memory_space<semaphore_mem>>)
      %dma_wait3A_336 = arith.constant 0 : i32
      %dma_wait3A_337 = tpu.memref_slice %arg7[%arg0, %mul3A_330, %dma_wait3A_336] : memref<2x10000x128xf32, #tpu.memory_space<hbm>> -> memref<1x640x128xf32, #tpu.memory_space<hbm>>
      %dma_wait3A_338 = tpu.memref_squeeze %dma_wait3A_337 : memref<1x640x128xf32, #tpu.memory_space<hbm>> -> memref<640x128xf32, #tpu.memory_space<hbm>>
      %dma_wait3A_339 = arith.constant 0 : i32
      %dma_wait3A_340 = tpu.memref_slice %arg14[%mul3A_328, %dma_wait3A_339] : memref<10000x128xf32, #tpu.memory_space<vmem_shared>> -> memref<640x128xf32, #tpu.memory_space<vmem_shared>>
      tpu.wait_dma2 semaphore(%run_scoped3A : memref<!tpu.dma_semaphore, #tpu.memory_space<semaphore_mem>>) src(%dma_wait3A_340 : memref<640x128xf32, #tpu.memory_space<vmem_shared>>) dst(%dma_wait3A_338 : memref<640x128xf32, #tpu.memory_space<hbm>>)
      tpu.yield
    }) : () -> ()
    return
  }
}

module attributes {stable_mosaic.version = 14 : i64} {
  func.func @_body(%arg0: i32, %arg1: memref<2000x128xf32, #tpu.memory_space<vmem>>, %arg2: memref<128x128xf32, #tpu.memory_space<vmem>>, %arg3: memref<1x128xf32, #tpu.memory_space<vmem>>, %arg4: memref<2000x128xf32, #tpu.memory_space<vmem>>) attributes {dimension_semantics = [#tpu.dimension_semantics<arbitrary>], iteration_bounds = array<i64: 5>, scalar_prefetch = 0 : i64, scratch_operands = 0 : i64, tpu.core_type = #tpu.core_type<tc>, window_params = [{transform_indices = @transform_0, window_bounds = array<i64: 2000, 128>}, {pipeline_mode = #tpu.pipeline_mode<synchronous>, transform_indices = @transform_1, window_bounds = array<i64: 128, 128>}, {pipeline_mode = #tpu.pipeline_mode<synchronous>, transform_indices = @transform_2, window_bounds = array<i64: 1, 128>}, {transform_indices = @transform_3, window_bounds = array<i64: 2000, 128>}]} {
    %get3A = arith.constant 0 : index
    %get3A_0 = arith.constant 0 : index
    %get3A_1 = vector.load %arg1[%get3A, %get3A_0] : memref<2000x128xf32, #tpu.memory_space<vmem>>, vector<2000x128xf32>
    %get3A_2 = arith.constant 0 : index
    %get3A_3 = arith.constant 0 : index
    %get3A_4 = vector.load %arg2[%get3A_2, %get3A_3] : memref<128x128xf32, #tpu.memory_space<vmem>>, vector<128x128xf32>
    %dot_general3A = arith.constant dense<0.000000e+00> : vector<2000x128xf32>
    %dot_general3A_5 = tpu.matmul %get3A_1, %get3A_4, %dot_general3A {dimension_numbers = #tpu.dot_dimension_numbers<[1], [0], [0], [1], [0, 0, 1, 1], [], []>, transpose_lhs_hint = false} : vector<2000x128xf32>, vector<128x128xf32>, vector<2000x128xf32> -> vector<2000x128xf32>
    %get3A_6 = arith.constant 0 : index
    %get3A_7 = arith.constant 0 : index
    %get3A_8 = vector.load %arg3[%get3A_6, %get3A_7] : memref<1x128xf32, #tpu.memory_space<vmem>>, vector<1x128xf32>
    %add3A = vector.broadcast %get3A_8 : vector<1x128xf32> to vector<2000x128xf32>
    %add3A_9 = arith.addf %dot_general3A_5, %add3A : vector<2000x128xf32>
    %swap3A = arith.constant 0 : index
    %swap3A_10 = arith.constant 0 : index
    %swap3A_11 = vector.load %arg4[%swap3A, %swap3A_10] : memref<2000x128xf32, #tpu.memory_space<vmem>>, vector<2000x128xf32>
    tpu.vector_store %arg4[%swap3A, %swap3A_10], %add3A_9 {strides = array<i32>} : memref<2000x128xf32, #tpu.memory_space<vmem>>, vector<2000x128xf32>,
    return
  }
  func.func @transform_0(%arg0: i32) -> (i32, i32) {
    %c0_i32 = arith.constant 0 : i32
    %c0_i32_0 = arith.constant 0 : i32
    return %arg0, %c0_i32 : i32, i32
  }
  func.func @transform_1(%arg0: i32) -> (i32, i32) {
    %c0_i32 = arith.constant 0 : i32
    %c0_i32_0 = arith.constant 0 : i32
    %c0_i32_1 = arith.constant 0 : i32
    return %c0_i32, %c0_i32_0 : i32, i32
  }
  func.func @transform_2(%arg0: i32) -> (i32, i32) {
    %c0_i32 = arith.constant 0 : i32
    %c0_i32_0 = arith.constant 0 : i32
    %c0_i32_1 = arith.constant 0 : i32
    return %c0_i32, %c0_i32_0 : i32, i32
  }
  func.func @transform_3(%arg0: i32) -> (i32, i32) {
    %c0_i32 = arith.constant 0 : i32
    %c0_i32_0 = arith.constant 0 : i32
    return %arg0, %c0_i32 : i32, i32
  }
}

module attributes {stable_mosaic.version = 14 : i64} {
  func.func @_body(%arg0: i32, %arg1: memref<2x2000x128xf32, #tpu.memory_space<vmem>>, %arg2: memref<2000x32xf32, #tpu.memory_space<vmem>>, %arg3: memref<2000x128xf32, #tpu.memory_space<vmem>>, %arg4: memref<128x128xf32, #tpu.memory_space<vmem>>, %arg5: memref<2000x128xf32, #tpu.memory_space<vmem>>) attributes {dimension_semantics = [#tpu.dimension_semantics<arbitrary>], iteration_bounds = array<i64: 5>, scalar_prefetch = 0 : i64, scratch_operands = 0 : i64, tpu.core_type = #tpu.core_type<tc>, window_params = [{transform_indices = @transform_0, window_bounds = array<i64: 2, 2000, 128>}, {transform_indices = @transform_1, window_bounds = array<i64: 2000, 32>}, {transform_indices = @transform_2, window_bounds = array<i64: 2000, 128>}, {pipeline_mode = #tpu.pipeline_mode<synchronous>, transform_indices = @transform_3, window_bounds = array<i64: 128, 128>}, {transform_indices = @transform_4, window_bounds = array<i64: 2000, 128>}]} {
    %get3A = arith.constant 0 : index
    %get3A_0 = arith.constant 0 : index
    %get3A_1 = vector.load %arg2[%get3A, %get3A_0] : memref<2000x32xf32, #tpu.memory_space<vmem>>, vector<2000x32xf32>
    %reduce_sum3A = arith.constant dense<0.000000e+00> : vector<2000xf32>
    %reduce_sum3A_2 = vector.multi_reduction <add>, %get3A_1, %reduce_sum3A [1] : vector<2000x32xf32> to vector<2000xf32>
    %broadcast_in_dim3A = vector.shape_cast %reduce_sum3A_2 : vector<2000xf32> to vector<2000x1xf32>
    %max3A = arith.constant 1.000000e+00 : f32
    %max3A_3 = vector.broadcast %max3A : f32 to vector<2000x1xf32>
    %max3A_4 = arith.maximumf %broadcast_in_dim3A, %max3A_3 : vector<2000x1xf32>
    %div3A = arith.constant 1.000000e+00 : f32
    %div3A_5 = vector.broadcast %div3A : f32 to vector<2000x1xf32>
    %div3A_6 = arith.divf %div3A_5, %max3A_4 : vector<2000x1xf32>
    %get3A_7 = arith.constant 0 : index
    %get3A_8 = arith.constant 0 : index
    %get3A_9 = arith.constant 0 : index
    %get3A_10 = vector.load %arg1[%get3A_7, %get3A_8, %get3A_9] : memref<2x2000x128xf32, #tpu.memory_space<vmem>>, vector<1x2000x128xf32>
    %get3A_11 = vector.shape_cast %get3A_10 : vector<1x2000x128xf32> to vector<2000x128xf32>
    %get3A_12 = arith.constant 1 : index
    %get3A_13 = arith.constant 0 : index
    %get3A_14 = arith.constant 0 : index
    %get3A_15 = vector.load %arg1[%get3A_12, %get3A_13, %get3A_14] : memref<2x2000x128xf32, #tpu.memory_space<vmem>>, vector<1x2000x128xf32>
    %get3A_16 = vector.shape_cast %get3A_15 : vector<1x2000x128xf32> to vector<2000x128xf32>
    %add3A = arith.addf %get3A_11, %get3A_16 : vector<2000x128xf32>
    %mul3A = vector.broadcast %div3A_6 : vector<2000x1xf32> to vector<2000x128xf32>
    %mul3A_17 = arith.mulf %add3A, %mul3A : vector<2000x128xf32>
    %get3A_18 = arith.constant 0 : index
    %get3A_19 = arith.constant 0 : index
    %get3A_20 = vector.load %arg4[%get3A_18, %get3A_19] : memref<128x128xf32, #tpu.memory_space<vmem>>, vector<128x128xf32>
    %dot_general3A = arith.constant dense<0.000000e+00> : vector<2000x128xf32>
    %dot_general3A_21 = tpu.matmul %mul3A_17, %get3A_20, %dot_general3A {dimension_numbers = #tpu.dot_dimension_numbers<[1], [0], [0], [1], [0, 0, 1, 1], [], []>, transpose_lhs_hint = false} : vector<2000x128xf32>, vector<128x128xf32>, vector<2000x128xf32> -> vector<2000x128xf32>
    %get3A_22 = arith.constant 0 : index
    %get3A_23 = arith.constant 0 : index
    %get3A_24 = vector.load %arg3[%get3A_22, %get3A_23] : memref<2000x128xf32, #tpu.memory_space<vmem>>, vector<2000x128xf32>
    %add3A_25 = arith.addf %dot_general3A_21, %get3A_24 : vector<2000x128xf32>
    %max3A_26 = arith.constant 0.000000e+00 : f32
    %max3A_27 = vector.broadcast %max3A_26 : f32 to vector<2000x128xf32>
    %max3A_28 = arith.maximumf %add3A_25, %max3A_27 : vector<2000x128xf32>
    %swap3A = arith.constant 0 : index
    %swap3A_29 = arith.constant 0 : index
    %swap3A_30 = vector.load %arg5[%swap3A, %swap3A_29] : memref<2000x128xf32, #tpu.memory_space<vmem>>, vector<2000x128xf32>
    tpu.vector_store %arg5[%swap3A, %swap3A_29], %max3A_28 {strides = array<i32>} : memref<2000x128xf32, #tpu.memory_space<vmem>>, vector<2000x128xf32>,
    return
  }
  func.func @transform_0(%arg0: i32) -> (i32, i32, i32) {
    %c0_i32 = arith.constant 0 : i32
    %c0_i32_0 = arith.constant 0 : i32
    %c0_i32_1 = arith.constant 0 : i32
    return %c0_i32, %arg0, %c0_i32_0 : i32, i32, i32
  }
  func.func @transform_1(%arg0: i32) -> (i32, i32) {
    %c0_i32 = arith.constant 0 : i32
    %c0_i32_0 = arith.constant 0 : i32
    return %arg0, %c0_i32 : i32, i32
  }
  func.func @transform_2(%arg0: i32) -> (i32, i32) {
    %c0_i32 = arith.constant 0 : i32
    %c0_i32_0 = arith.constant 0 : i32
    return %arg0, %c0_i32 : i32, i32
  }
  func.func @transform_3(%arg0: i32) -> (i32, i32) {
    %c0_i32 = arith.constant 0 : i32
    %c0_i32_0 = arith.constant 0 : i32
    %c0_i32_1 = arith.constant 0 : i32
    return %c0_i32, %c0_i32_0 : i32, i32
  }
  func.func @transform_4(%arg0: i32) -> (i32, i32) {
    %c0_i32 = arith.constant 0 : i32
    %c0_i32_0 = arith.constant 0 : i32
    return %arg0, %c0_i32 : i32, i32
  }
}

module attributes {stable_mosaic.version = 14 : i64} {
  func.func @_body(%arg0: i32, %arg1: memref<2000x128xf32, #tpu.memory_space<vmem>>, %arg2: memref<128x40xf32, #tpu.memory_space<vmem>>, %arg3: memref<1x40xf32, #tpu.memory_space<vmem>>, %arg4: memref<2000x40xf32, #tpu.memory_space<vmem>>) attributes {dimension_semantics = [#tpu.dimension_semantics<arbitrary>], iteration_bounds = array<i64: 5>, scalar_prefetch = 0 : i64, scratch_operands = 0 : i64, tpu.core_type = #tpu.core_type<tc>, window_params = [{transform_indices = @transform_0, window_bounds = array<i64: 2000, 128>}, {pipeline_mode = #tpu.pipeline_mode<synchronous>, transform_indices = @transform_1, window_bounds = array<i64: 128, 40>}, {pipeline_mode = #tpu.pipeline_mode<synchronous>, transform_indices = @transform_2, window_bounds = array<i64: 1, 40>}, {transform_indices = @transform_3, window_bounds = array<i64: 2000, 40>}]} {
    %get3A = arith.constant 0 : index
    %get3A_0 = arith.constant 0 : index
    %get3A_1 = vector.load %arg1[%get3A, %get3A_0] : memref<2000x128xf32, #tpu.memory_space<vmem>>, vector<2000x128xf32>
    %get3A_2 = arith.constant 0 : index
    %get3A_3 = arith.constant 0 : index
    %get3A_4 = vector.load %arg2[%get3A_2, %get3A_3] : memref<128x40xf32, #tpu.memory_space<vmem>>, vector<128x40xf32>
    %dot_general3A = arith.constant dense<0.000000e+00> : vector<2000x40xf32>
    %dot_general3A_5 = tpu.matmul %get3A_1, %get3A_4, %dot_general3A {dimension_numbers = #tpu.dot_dimension_numbers<[1], [0], [0], [1], [0, 0, 1, 1], [], []>, transpose_lhs_hint = false} : vector<2000x128xf32>, vector<128x40xf32>, vector<2000x40xf32> -> vector<2000x40xf32>
    %get3A_6 = arith.constant 0 : index
    %get3A_7 = arith.constant 0 : index
    %get3A_8 = vector.load %arg3[%get3A_6, %get3A_7] : memref<1x40xf32, #tpu.memory_space<vmem>>, vector<1x40xf32>
    %add3A = vector.broadcast %get3A_8 : vector<1x40xf32> to vector<2000x40xf32>
    %add3A_9 = arith.addf %dot_general3A_5, %add3A : vector<2000x40xf32>
    %swap3A = arith.constant 0 : index
    %swap3A_10 = arith.constant 0 : index
    %swap3A_11 = vector.load %arg4[%swap3A, %swap3A_10] : memref<2000x40xf32, #tpu.memory_space<vmem>>, vector<2000x40xf32>
    tpu.vector_store %arg4[%swap3A, %swap3A_10], %add3A_9 {strides = array<i32>} : memref<2000x40xf32, #tpu.memory_space<vmem>>, vector<2000x40xf32>,
    return
  }
  func.func @transform_0(%arg0: i32) -> (i32, i32) {
    %c0_i32 = arith.constant 0 : i32
    %c0_i32_0 = arith.constant 0 : i32
    return %arg0, %c0_i32 : i32, i32
  }
  func.func @transform_1(%arg0: i32) -> (i32, i32) {
    %c0_i32 = arith.constant 0 : i32
    %c0_i32_0 = arith.constant 0 : i32
    %c0_i32_1 = arith.constant 0 : i32
    return %c0_i32, %c0_i32_0 : i32, i32
  }
  func.func @transform_2(%arg0: i32) -> (i32, i32) {
    %c0_i32 = arith.constant 0 : i32
    %c0_i32_0 = arith.constant 0 : i32
    %c0_i32_1 = arith.constant 0 : i32
    return %c0_i32, %c0_i32_0 : i32, i32
  }
  func.func @transform_3(%arg0: i32) -> (i32, i32) {
    %c0_i32 = arith.constant 0 : i32
    %c0_i32_0 = arith.constant 0 : i32
    return %arg0, %c0_i32 : i32, i32
  }
}

module attributes {stable_mosaic.version = 14 : i64} {
  func.func @_body(%arg0: i32, %arg1: memref<2x2000x128xf32, #tpu.memory_space<vmem>>, %arg2: memref<2000x32xf32, #tpu.memory_space<vmem>>, %arg3: memref<2000x40xf32, #tpu.memory_space<vmem>>, %arg4: memref<128x40xf32, #tpu.memory_space<vmem>>, %arg5: memref<2000x40xf32, #tpu.memory_space<vmem>>) attributes {dimension_semantics = [#tpu.dimension_semantics<arbitrary>], iteration_bounds = array<i64: 5>, scalar_prefetch = 0 : i64, scratch_operands = 0 : i64, tpu.core_type = #tpu.core_type<tc>, window_params = [{transform_indices = @transform_0, window_bounds = array<i64: 2, 2000, 128>}, {transform_indices = @transform_1, window_bounds = array<i64: 2000, 32>}, {transform_indices = @transform_2, window_bounds = array<i64: 2000, 40>}, {pipeline_mode = #tpu.pipeline_mode<synchronous>, transform_indices = @transform_3, window_bounds = array<i64: 128, 40>}, {transform_indices = @transform_4, window_bounds = array<i64: 2000, 40>}]} {
    %get3A = arith.constant 0 : index
    %get3A_0 = arith.constant 0 : index
    %get3A_1 = vector.load %arg2[%get3A, %get3A_0] : memref<2000x32xf32, #tpu.memory_space<vmem>>, vector<2000x32xf32>
    %reduce_sum3A = arith.constant dense<0.000000e+00> : vector<2000xf32>
    %reduce_sum3A_2 = vector.multi_reduction <add>, %get3A_1, %reduce_sum3A [1] : vector<2000x32xf32> to vector<2000xf32>
    %broadcast_in_dim3A = vector.shape_cast %reduce_sum3A_2 : vector<2000xf32> to vector<2000x1xf32>
    %max3A = arith.constant 1.000000e+00 : f32
    %max3A_3 = vector.broadcast %max3A : f32 to vector<2000x1xf32>
    %max3A_4 = arith.maximumf %broadcast_in_dim3A, %max3A_3 : vector<2000x1xf32>
    %div3A = arith.constant 1.000000e+00 : f32
    %div3A_5 = vector.broadcast %div3A : f32 to vector<2000x1xf32>
    %div3A_6 = arith.divf %div3A_5, %max3A_4 : vector<2000x1xf32>
    %get3A_7 = arith.constant 0 : index
    %get3A_8 = arith.constant 0 : index
    %get3A_9 = arith.constant 0 : index
    %get3A_10 = vector.load %arg1[%get3A_7, %get3A_8, %get3A_9] : memref<2x2000x128xf32, #tpu.memory_space<vmem>>, vector<1x2000x128xf32>
    %get3A_11 = vector.shape_cast %get3A_10 : vector<1x2000x128xf32> to vector<2000x128xf32>
    %get3A_12 = arith.constant 1 : index
    %get3A_13 = arith.constant 0 : index
    %get3A_14 = arith.constant 0 : index
    %get3A_15 = vector.load %arg1[%get3A_12, %get3A_13, %get3A_14] : memref<2x2000x128xf32, #tpu.memory_space<vmem>>, vector<1x2000x128xf32>
    %get3A_16 = vector.shape_cast %get3A_15 : vector<1x2000x128xf32> to vector<2000x128xf32>
    %add3A = arith.addf %get3A_11, %get3A_16 : vector<2000x128xf32>
    %mul3A = vector.broadcast %div3A_6 : vector<2000x1xf32> to vector<2000x128xf32>
    %mul3A_17 = arith.mulf %add3A, %mul3A : vector<2000x128xf32>
    %get3A_18 = arith.constant 0 : index
    %get3A_19 = arith.constant 0 : index
    %get3A_20 = vector.load %arg4[%get3A_18, %get3A_19] : memref<128x40xf32, #tpu.memory_space<vmem>>, vector<128x40xf32>
    %dot_general3A = arith.constant dense<0.000000e+00> : vector<2000x40xf32>
    %dot_general3A_21 = tpu.matmul %mul3A_17, %get3A_20, %dot_general3A {dimension_numbers = #tpu.dot_dimension_numbers<[1], [0], [0], [1], [0, 0, 1, 1], [], []>, transpose_lhs_hint = false} : vector<2000x128xf32>, vector<128x40xf32>, vector<2000x40xf32> -> vector<2000x40xf32>
    %get3A_22 = arith.constant 0 : index
    %get3A_23 = arith.constant 0 : index
    %get3A_24 = vector.load %arg3[%get3A_22, %get3A_23] : memref<2000x40xf32, #tpu.memory_space<vmem>>, vector<2000x40xf32>
    %add3A_25 = arith.addf %dot_general3A_21, %get3A_24 : vector<2000x40xf32>
    %reduce_max3A = arith.constant dense<0xFF800000> : vector<2000xf32>
    %reduce_max3A_26 = vector.multi_reduction <maximumf>, %add3A_25, %reduce_max3A [1] : vector<2000x40xf32> to vector<2000xf32>
    %broadcast_in_dim3A_27 = vector.shape_cast %reduce_max3A_26 : vector<2000xf32> to vector<2000x1xf32>
    %sub3A = vector.broadcast %broadcast_in_dim3A_27 : vector<2000x1xf32> to vector<2000x40xf32>
    %sub3A_28 = arith.subf %add3A_25, %sub3A : vector<2000x40xf32>
    %exp3A = math.exp %sub3A_28 : vector<2000x40xf32>
    %reduce_sum3A_29 = arith.constant dense<0.000000e+00> : vector<2000xf32>
    %reduce_sum3A_30 = vector.multi_reduction <add>, %exp3A, %reduce_sum3A_29 [1] : vector<2000x40xf32> to vector<2000xf32>
    %broadcast_in_dim3A_31 = vector.shape_cast %reduce_sum3A_30 : vector<2000xf32> to vector<2000x1xf32>
    %log3A = math.log %broadcast_in_dim3A_31 : vector<2000x1xf32>
    %sub3A_32 = vector.broadcast %log3A : vector<2000x1xf32> to vector<2000x40xf32>
    %sub3A_33 = arith.subf %sub3A_28, %sub3A_32 : vector<2000x40xf32>
    %swap3A = arith.constant 0 : index
    %swap3A_34 = arith.constant 0 : index
    %swap3A_35 = vector.load %arg5[%swap3A, %swap3A_34] : memref<2000x40xf32, #tpu.memory_space<vmem>>, vector<2000x40xf32>
    tpu.vector_store %arg5[%swap3A, %swap3A_34], %sub3A_33 {strides = array<i32>} : memref<2000x40xf32, #tpu.memory_space<vmem>>, vector<2000x40xf32>,
    return
  }
  func.func @transform_0(%arg0: i32) -> (i32, i32, i32) {
    %c0_i32 = arith.constant 0 : i32
    %c0_i32_0 = arith.constant 0 : i32
    %c0_i32_1 = arith.constant 0 : i32
    return %c0_i32, %arg0, %c0_i32_0 : i32, i32, i32
  }
  func.func @transform_1(%arg0: i32) -> (i32, i32) {
    %c0_i32 = arith.constant 0 : i32
    %c0_i32_0 = arith.constant 0 : i32
    return %arg0, %c0_i32 : i32, i32
  }
  func.func @transform_2(%arg0: i32) -> (i32, i32) {
    %c0_i32 = arith.constant 0 : i32
    %c0_i32_0 = arith.constant 0 : i32
    return %arg0, %c0_i32 : i32, i32
  }
  func.func @transform_3(%arg0: i32) -> (i32, i32) {
    %c0_i32 = arith.constant 0 : i32
    %c0_i32_0 = arith.constant 0 : i32
    %c0_i32_1 = arith.constant 0 : i32
    return %c0_i32, %c0_i32_0 : i32, i32
  }
  func.func @transform_4(%arg0: i32) -> (i32, i32) {
    %c0_i32 = arith.constant 0 : i32
    %c0_i32_0 = arith.constant 0 : i32
    return %arg0, %c0_i32 : i32, i32
  }
}

</mosaic_0001>

<sc_bundles>
// kernel: kernel.12.cloned.1.call-start
scs
__scs_entry_jumppad:
0x0: {  	(pc) =	sbr.rel $0x88, $3  }
0x1: {  	(tag) =	ssettag $0x0;
	lr =	simm.s32 $0x1  }
0x2: {  	[smem:$0x3F96] =	sst lr;
	_ =	strace $0xD0000000  }
0x3: {  	_ = 	snop  }
0x4: {  	_ = 	snop  }
0x5: {  	_ = 	snop  }
0x6: {  	_ = 	snop  }
0x7: {  	_ = 	snop  }
__scs_overlays_trampoline_lowered:
0x8: {  	[smem:$0x3FA5] =	sst s0  }
0x9: {  	[smem:$0x3FA6] =	sst s1  }
0xa: {  	[smem:$0x3FA7] =	sst s2  }
0xb: {  	[smem:$0x3FA8] =	sst s3  }
0xc: {  	[smem:$0x3FA9] =	sst s4  }
0xd: {  	[smem:$0x3FAA] =	sst s5  }
0xe: {  	[smem:$0x3FAB] =	sst s6  }
0xf: {  	[smem:$0x3FAC] =	sst s7  }
0x10: {  	[smem:$0x3FAD] =	sst s8  }
0x11: {  	[smem:$0x3FAE] =	sst s9;
	s0 =	simm.s32 @!p0 $0x0  }
0x12: {  	s1 =	sld [smem:$0x3F94];
	s0 =	simm.s32 @p0 $0x1  }
0x13: {  	[smem:$0x3FAF] =	sst s0;
	s0 =	simm.s32 @!p1 $0x0  }
0x14: {  	s2 =	sld [smem:$0x3F93];
	s0 =	simm.s32 @p1 $0x1  }
0x15: {  	[smem:$0x3FB0] =	sst s0;
	s0 =	simm.s32 @!p2 $0x0  }
0x16: {  	s3 =	sld [smem:$0x3FDB];
	s0 =	simm.s32 @p2 $0x1  }
0x17: {  	s4 =	simm.s32 $0x1BF5;
	[smem:$0x3FB2] =	sst s0  }
0x18: {  	s0 =	sld [smem:$0x3F95];
	_ =	swait.ge [sflag:s4], $0x0  }
0x19: {  	s7 =	sld [smem:$0x3F96]  }
0x1a: {  	s8 =	sadd.s32 $0xFFFFE003, lr  }
0x1b: {  	s9 =	sadd.s32 $0xFFFFFEF7, lr;
	s5 =	simm.s32 $0xFFFFFFFF;
	p2 =	slt.u32 s8, $0xFFFFF086  }
0x1c: {  	p1 =	slt.u32 s9, $0xF7A;
	s5 =	simm.s32 @!p2 $0x0  }
0x1d: {  	s5 =	simm.s32 @p1 $0x1;
	p0 =	seq.s32 s7, s2  }
0x1e: {  	s7 =	smul.u32 @!p0 $0xF7A, s2;
	p2 =	seq.s32 @!p0 s5, $0x0  }
0x1f: {  	s9 =	smul.u32 $0xF7A, s1;
	s8 =	simm.s32 @!p0 $0x1BF5;
	p2 =	por !p2, p0  }
0x20: {  	[sflag:s8] =	ssyncset.s32 @!p0 $0xFFFFF086;
	s6 =	sadd.s32 @!p0 s3, s7;
	s7 =	simm.s32 @!p0 $0x108  }
0x21: {  	s3 =	sadd.s32 s3, s9;
	s6 =	sadd.s32 @!p0 $0x88, s6;
	s7 =	simm.s32 @p2 $0x1082  }
0x22: {  	[simem:s7], [sflag:s8] =	dma.local @!p0 [hbm:s6], $0xF7A  }
0x23: {  	s9 =	sor.u32 $0xD0000000, s2;
	s6 =	simm.s32 $0x108;
	_ =	swait.ge @!p0 [sflag:s8], $0x0  }
0x24: {  	s3 =	sadd.s32 $0x88, s3;
	s6 =	simm.s32 @!p1 $0x1082;
	[sflag:s4] =	ssyncset.s32 $0xFFFFF086  }
0x25: {  	[simem:s6], [sflag:s4] =	dma.local [hbm:s3], $0xF7A  }
0x26: {  	[smem:$0x3F96] =	sst s1;
	(tag) =	ssettag s2;
	_ =	strace s9  }
0x27: {  	s1 =	sld [smem:$0x3FA6]  }
0x28: {  	s2 =	sld [smem:$0x3FA7]  }
0x29: {  	s4 =	sld [smem:$0x3FA9]  }
0x2a: {  	p0 =	seq.s32 s5, $0x0;
	s5 =	sld [smem:$0x3FAA]  }
0x2b: {  	s6 =	sld [smem:$0x3FAB]  }
0x2c: {  	s7 =	sld [smem:$0x3FAC]  }
0x2d: {  	s3 =	simm.s32 $0x108;
	s8 =	sld [smem:$0x3FAD]  }
0x2e: {  	s3 =	simm.s32 @!p0 $0x1082;
	s9 =	sld [smem:$0x3FAE]  }
0x2f: {  	lr =	sadd.s32 s0, s3;
	s0 =	sld [smem:$0x3FA5]  }
0x30: {  	s3 =	sld [smem:$0x3FA8]  }
0x31: {  	[smem:$0x3FB1] =	sst s10  }
0x32: {  	s10 =	sld [smem:$0x3FAF];
	_ =	sdelay $0x3  }
0x33: {  	p0 =	seq.s32 s10, $0x1;
	s10 =	sld [smem:$0x3FB1];
	_ =	sdelay $0x3  }
0x34: {  	[smem:$0x3FB1] =	sst s10  }
0x35: {  	s10 =	sld [smem:$0x3FB0];
	_ =	sdelay $0x3  }
0x36: {  	p1 =	seq.s32 s10, $0x1;
	s10 =	sld [smem:$0x3FB1];
	_ =	sdelay $0x3  }
0x37: {  	[smem:$0x3FB1] =	sst s10  }
0x38: {  	s10 =	sld [smem:$0x3FB2]  }
0x39: {  	_ = 	snop;
	(pc) =	sbr.ind lr, $3  }
0x3a: {  	_ = 	snop  }
0x3b: {  	_ = 	snop  }
0x3c: {  	p2 =	seq.s32 s10, $0x1;
	s10 =	sld [smem:$0x3FB1]  }
0x3d: {  	_ =	shalt  }
0x3e: {  	_ =	shalt  }
0x3f: {  	_ =	shalt  }
0x40: {  	_ =	shalt  }
0x41: {  	_ =	shalt  }
0x42: {  	_ =	shalt  }
0x43: {  	_ =	shalt  }
0x44: {  	_ =	shalt  }
0x45: {  	_ =	shalt  }
0x46: {  	_ =	shalt  }
0x47: {  	_ =	shalt  }
0x48: {  	_ =	shalt  }
0x49: {  	_ =	shalt  }
0x4a: {  	_ =	shalt  }
0x4b: {  	_ =	shalt  }
0x4c: {  	_ =	shalt  }
0x4d: {  	_ =	shalt  }
0x4e: {  	_ =	shalt  }
0x4f: {  	_ =	shalt  }
0x50: {  	_ =	shalt  }
0x51: {  	_ =	shalt  }
0x52: {  	_ =	shalt  }
0x53: {  	_ =	shalt  }
0x54: {  	_ =	shalt  }
0x55: {  	_ =	shalt  }
0x56: {  	_ =	shalt  }
0x57: {  	_ =	shalt  }
0x58: {  	_ =	shalt  }
0x59: {  	_ =	shalt  }
0x5a: {  	_ =	shalt  }
0x5b: {  	_ =	shalt  }
0x5c: {  	_ =	shalt  }
0x5d: {  	_ =	shalt  }
0x5e: {  	_ =	shalt  }
0x5f: {  	_ =	shalt  }
0x60: {  	_ =	shalt  }
0x61: {  	_ =	shalt  }
0x62: {  	_ =	shalt  }
0x63: {  	_ =	shalt  }
0x64: {  	_ =	shalt  }
0x65: {  	_ =	shalt  }
0x66: {  	_ =	shalt  }
0x67: {  	_ =	shalt  }
0x68: {  	_ =	shalt  }
0x69: {  	_ =	shalt  }
0x6a: {  	_ =	shalt  }
0x6b: {  	_ =	shalt  }
0x6c: {  	_ =	shalt  }
0x6d: {  	_ =	shalt  }
0x6e: {  	_ =	shalt  }
0x6f: {  	_ =	shalt  }
0x70: {  	_ =	shalt  }
0x71: {  	_ =	shalt  }
0x72: {  	_ =	shalt  }
0x73: {  	_ =	shalt  }
0x74: {  	_ =	shalt  }
0x75: {  	_ =	shalt  }
0x76: {  	_ =	shalt  }
0x77: {  	_ =	shalt  }
0x78: {  	_ =	shalt  }
0x79: {  	_ =	shalt  }
0x7a: {  	_ =	shalt  }
0x7b: {  	_ =	shalt  }
0x7c: {  	_ =	shalt  }
0x7d: {  	_ =	shalt  }
0x7e: {  	_ =	shalt  }
0x7f: {  	_ =	shalt  }
0x80: {  	_ =	shalt  }
0x81: {  	_ =	shalt  }
0x82: {  	_ =	shalt  }
0x83: {  	_ =	shalt  }
0x84: {  	_ =	shalt  }
0x85: {  	_ =	shalt  }
0x86: {  	_ =	shalt  }
0x87: {  	_ =	shalt  }
.Lfunc_end0:
.L_simem_size_0:
called_computation_lowered:
.L_overlay_start_0:
0x88: {  	s2 =	sld [smem:$0x3FD9]  }
0x89: {  	s3 =	sld [smem:$0x3FFE];
	_ =	sdelay $0x1  }
0x8a: {  	s1 =	srdreg.scid  }
0x8b: {  	s0 =	sand.u32 $0x1, s1  }
0x8c: {  	s16 =	sshll.u32 s0, $0xA;
	s2 =	sadd.s32 s3, s2  }
0x8d: {  	s2 =	sadd.s32 s2, s16  }
0x8e: {  	[smem:$0x3FBD] =	sst s2  }
0x8f: {  	_ = 	snop  }
0x90: {  	(tm) =	ssettm $0x1  }
0x91: {  	s17 =	sld [smem:$0x3FFB];
	_ =	sdelay $0x3  }
0x92: {  	_ =	strace s17  }
0x93: {  	s2 =	sld [smem:$0x3FFC];
	_ =	sdelay $0x3  }
0x94: {  	_ =	strace s2  }
0x95: {  	s2 =	sld [smem:$0x3FFD];
	_ =	sdelay $0x3  }
0x96: {  	_ =	strace s2  }
0x97: {  	_ =	strace $0x8FFFFFFF  }
0x98: {  	s18 =	sld [smem:$0x3FDB];
	_ =	sdelay $0x1  }
0x99: {  	s19 =	simm.s32 $_scs_section_size  }
0x9a: {  	s4 =	simm.s32 $_size__tile_overlayer_lowered;
	s5 =	simm.s32 $_tile_overlayer_lowered  }
0x9b: {  	s22 =	simm.s32 $0x1BFF;
	s21 =	sshll.u32 s5, $0x1;
	s2 =	sadd.s32 s19, s18  }
0x9c: {  	s6 =	simm.s32 $0x0;
	s20 =	sshll.u32 s4, $0x1;
	s4 =	sadd.s32 s21, s2  }
0x9d: {  	[timem:s6], [sflag:s22] =	dma.local [hbm:s4], s20  }
0x9e: {  	_ =	swait.ge [sflag:s22], s20  }
0x9f: {  	s3 =	ssub.s32 $0x0, s20;
	[sflag:s22] =	ssyncset.done $0x0  }
0xa0: {  	[sflag:s22] =	ssyncadd.s32 s3;
	_ =	sdelay $0x1  }
0xa1: {  	s23 =	simm.s32 $0x1B8B  }
0xa2: {  	_ =	swait.ge [sflag:s23], $0x1  }
0xa3: {  	[sflag:s23] =	ssyncset.done $0x0  }
0xa4: {  	s25 =	simm.s32 $0x1B8E;
	s24 =	sld [smem:$0x3FFE];
	[sflag:s23] =	ssyncadd.s32 $0xFFFFFFFF  }
0xa5: {  	s26 =	simm.s32 $execute0_lowered;
	[smem:$0x3FD2] =	sst s25  }
0xa6: {  	s4 =	sshll.u32 s26, $0x1;
	_ =	strace $0x80000046;
	[dreg:$0x1] =	wrdreg $0xFFFFFFFF  }
0xa7: {  	s28 =	simm.s32 $_size_execute0_lowered;
	s2 =	sadd.s32 s2, s4;
	[dreg:$0x0] =	wrdreg $0x0  }
0xa8: {  	s4 =	sshll.u32 s28, $0x1;
	[dreg:$0x2] =	wrdreg s2  }
0xa9: {  	[dreg:$0x3] =	wrdreg s4  }
0xaa: {  	[dreg:$0x4] =	wrdreg $0xC0  }
0xab: {  	_ =	task [dreg:s6], $0x5FFFF  }
0xac: {  	[dreg:$0x1] =	wrdreg $0xFFFFFFFF  }
0xad: {  	[dreg:$0x0] =	wrdreg $0x60  }
0xae: {  	[dreg:$0x2] =	wrdreg s24  }
0xaf: {  	[dreg:$0x3] =	wrdreg $0x9  }
0xb0: {  	_ =	task.clear_ibuf [dreg:s6], $0x4FFFF;
	_ =	strace $0x90000046  }
0xb1: {  	s29 =	simm.s32 $0x9;
	_ =	strace $0x80000048  }
0xb2: {  	_ =	swait.ge [sflag:s29], $0x1  }
0xb3: {  	[sflag:s29] =	ssyncadd.s32 $0xFFFFFFFF  }
0xb4: {  	_ =	strace $0x90000048  }
0xb5: {  	_ =	sfence  }
0xb6: {  	s30 =	sld [smem:$0x0];
	_ =	sdelay $0x2  }
0xb7: {  	s31 =	sshll.u32 s1, $0xD;
	s1 =	sshrl.u32 s1, $0x2  }
0xb8: {  	s3 =	sand.u32 $0x4000, s31;
	s1 =	sadd.s32 s1, s30  }
0xb9: {  	s0 =	sor.u32 s3, s0;
	s1 =	sshll.u32 s1, $0x11  }
0xba: {  	s0 =	sor.u32 s1, s0  }
0xbb: {  	s0 =	sadd.s32 $0x8F2B, s0  }
0xbc: {  	[sflag:s0] =	ssyncadd.remote.s32 $0x1  }
0xbd: {  	_ =	sfence.sel $0xFFFF  }
0xbe: {  	[dreg:$0x0] =	wrdreg $0xFFFFFFFF;
	(pc) =	sbr.abs _section_cstart, $3  }
0xbf: {  	[dreg:$0x1] =	wrdreg $0xFFFFFFFF  }
0xc0: {  	_ =	task.clear_ibuf [dreg:s6], $0x2FFFF;
	_ =	strace $0x9FFFFFFF  }
0xc1: {  	(tm) =	ssettm $0x7FFFFFFF  }
tec
execute0_lowered:
.L_overlay_start_1:
0x0: {  	(tag) =	ssettag $0x1  }
0x1: {  	s1 =	srdreg.scid;
	s0 =	stileid.u32  }
0x2: {  	s4 =	rddreg [dreg:$0x0];
	s2 =	simm.s32 $0x0;
	s9 =	simm.s32 $0x80  }
0x3: {  	s10 =	simm.s32 $0x400;
	s11 =	simm.s32 $0x2;
	s12 =	simm.s32 $0x0  }
0x4: {  	s3 =	sand.u32 $0x1, s1;
	s29 =	sshll.u32 s0, $0x1;
	s1 =	rddreg [dreg:$0x1]  }
0x5: {  	s7 =	sshrl.u32 s0, $0x2;
	[smem:$0x7FF] =	sst s2;
	p0 =	sgt.u32 s0, $0x1  }
0x6: {  	s5 =	sor.u32 s3, s29;
	s7 =	smul.u32 $0x13C00, s7;
	_ =	strace $0x80000047  }
0x7: {  	s3 =	ssub.s32 $0x2, s3;
	s6 =	smul.u32 $0x500, s5;
	s8 =	sshll.u32 s5, $0x7  }
0x8: {  	s5 =	sshll.u32 s5, $0x4;
	s30 =	sshrl.u32 s3, $0x1;
	s8 =	sand.u32 $0x380, s8  }
0x9: {  	s5 =	sadd.s32 s5, s4;
	s31 =	ssub.s32 s3, s30;
	s7 =	sor.u32 s7, s8  }
0xa: {  	s6 =	sadd.s32 s6, s4;
	s8 =	simm.s32 $0x2800;
	s7 =	sshrl.u32 s7, $0x3  }
0xb: {  	s3 =	sadd.s32 $0x15E00, s6;
	s6 =	smax.u32 s31, $0x1;
	s7 =	sadd.s32 s7, s4  }
0xc: {  	v0 =	vimm.f32 $0.0e+00;
	v1 =	vimm.f32 $1.000000000e+00;
	s4 =	sadd.s32 $0xBE00, s5;
	s5 =	sadd.s32 $0x1FE00, s7;
	s7 =	simm.s32 $0x1  }
.LBB2_1:
0xd: {  	[tilespmem:s2], [sflag:$0x1] =	stream.linear.gather [hbm4b:s3+s2], $0x2700, $0x38;
	[tilespmem:$0x5000] =	vst v63  }
0xe: {  	s13 =	simm.s32 $0x40;
	s14 =	simm.s32 $0x0  }
.LBB2_2:
0xf: {  	p1 =	sne.s32 s13, $0x9C00;
	[tilespmem:s14+$0x2800] =	vst v0;
	s14 =	smov.u32 s13;
	s13 =	sadd.s32 $0x40, s13  }
.Ltmp0:
0x10: {  	(pc) =	sbr.rel @p1 .LBB2_2-.Ltmp0, $2  }
0x11: {  	_ =	sdelay $0x2  }
0x12: {  	s14 =	sshra.s32 s14, $0x2  }
0x13: {  	[tilespmem:s14+$0x2800] =	vst v0  }
0x14: {  	_ =	swait.ge [sflag:s7], $0x2700  }
0x15: {  	[sflag:s7] =	ssyncset.done $0x0  }
0x16: {  	s13 =	simm.s32 $0x0;
	[sflag:s7] =	ssyncadd.s32 $0xFFFFD900  }
.LBB2_4:
0x17: {  	s14 =	sshra.s32 s13, $0x2  }
0x18: {  	v2 =	vld [tilespmem:s14+$0x0];
	_ =	sdelay $0x7  }
0x19: {  	[tilespmem:v2+s8+$0x0] =	vst.idx.add.f32.msk $0xffff, v1  }
0x1a: {  	v2 =	vld [tilespmem:s14+$0x10];
	_ =	sdelay $0x7  }
0x1b: {  	[tilespmem:v2+s8+$0x0] =	vst.idx.add.f32.msk $0xffff, v1  }
0x1c: {  	v2 =	vld [tilespmem:s14+$0x20];
	_ =	sdelay $0x7  }
0x1d: {  	[tilespmem:v2+s8+$0x0] =	vst.idx.add.f32.msk $0xffff, v1  }
0x1e: {  	v2 =	vld [tilespmem:s14+$0x30];
	_ =	sdelay $0x7  }
0x1f: {  	[tilespmem:v2+s8+$0x0] =	vst.idx.add.f32.msk $0xffff, v1  }
0x20: {  	v2 =	vld [tilespmem:s14+$0x40];
	_ =	sdelay $0x7  }
0x21: {  	[tilespmem:v2+s8+$0x0] =	vst.idx.add.f32.msk $0xffff, v1  }
0x22: {  	v2 =	vld [tilespmem:s14+$0x50];
	_ =	sdelay $0x7  }
0x23: {  	[tilespmem:v2+s8+$0x0] =	vst.idx.add.f32.msk $0xffff, v1  }
0x24: {  	v2 =	vld [tilespmem:s14+$0x60];
	_ =	sdelay $0x7  }
0x25: {  	[tilespmem:v2+s8+$0x0] =	vst.idx.add.f32.msk $0xffff, v1  }
0x26: {  	v2 =	vld [tilespmem:s14+$0x70];
	_ =	sdelay $0x2  }
0x27: {  	p1 =	sne.s32 s13, $0x9A00  }
.Ltmp1:
0x28: {  	_ = 	snop;
	(pc) =	sbr.rel @p1 .LBB2_4-.Ltmp1, $2  }
0x29: {  	_ =	sdelay $0x2  }
0x2a: {  	s13 =	sadd.s32 $0x200, s13;
	[tilespmem:v2+s8+$0x0] =	vst.idx.add.f32.msk $0xffff, v1  }
0x2b: {  	s13 =	simm.s32 @!p0 $0x0;
	s14 =	simm.s32 @!p0 $0x4F80  }
0x2c: {  	[tilespmem:s14], [sflag:$0x2] =	stream.linear.gather @!p0 [hbm4b:s4+s13], $0x80, $0x38;
	[tilespmem:$0x5000] =	vst v63  }
0x2d: {  	s13 =	simm.s32 @!p0 $0x2  }
0x2e: {  	_ =	swait.ge @!p0 [sflag:s13], $0x80  }
0x2f: {  	[sflag:s13] =	ssyncset.done @!p0 $0x0  }
0x30: {  	[sflag:s13] =	ssyncadd.s32 @!p0 $0xFFFFFF80  }
0x31: {  	v2 =	vld @!p0 [tilespmem:$0x4F80];
	_ =	sdelay $0x6  }
0x32: {  	v3 =	vimm.f32 @!p0 $1.000000000e+00;
	s13 =	simm.s32 @!p0 $0x2800  }
0x33: {  	[tilespmem:v2+s13+$0x0] =	vst.idx.add.f32.msk @!p0 $0xffff, v3  }
0x34: {  	v2 =	vld @!p0 [tilespmem:$0x4F90];
	_ =	sdelay $0x7  }
0x35: {  	[tilespmem:v2+s13+$0x0] =	vst.idx.add.f32.msk @!p0 $0xffff, v3  }
0x36: {  	v2 =	vld @!p0 [tilespmem:$0x4FA0];
	_ =	sdelay $0x7  }
0x37: {  	[tilespmem:v2+s13+$0x0] =	vst.idx.add.f32.msk @!p0 $0xffff, v3  }
0x38: {  	v2 =	vld @!p0 [tilespmem:$0x4FB0];
	_ =	sdelay $0x7  }
0x39: {  	[tilespmem:v2+s13+$0x0] =	vst.idx.add.f32.msk @!p0 $0xffff, v3  }
0x3a: {  	v2 =	vld @!p0 [tilespmem:$0x4FC0];
	_ =	sdelay $0x7  }
0x3b: {  	[tilespmem:v2+s13+$0x0] =	vst.idx.add.f32.msk @!p0 $0xffff, v3  }
0x3c: {  	v2 =	vld @!p0 [tilespmem:$0x4FD0];
	_ =	sdelay $0x7  }
0x3d: {  	[tilespmem:v2+s13+$0x0] =	vst.idx.add.f32.msk @!p0 $0xffff, v3  }
0x3e: {  	v2 =	vld @!p0 [tilespmem:$0x4FE0];
	_ =	sdelay $0x7  }
0x3f: {  	[tilespmem:v2+s13+$0x0] =	vst.idx.add.f32.msk @!p0 $0xffff, v3  }
0x40: {  	v2 =	vld @!p0 [tilespmem:$0x4FF0];
	_ =	sdelay $0x5  }
0x41: {  	s12 =	sadd.s32 $0x1, s12  }
0x42: {  	p1 =	sne.s32 s12, s6  }
.Ltmp2:
0x43: {  	[tilespmem:v2+s13+$0x0] =	vst.idx.add.f32.msk @!p0 $0xffff, v3;
	(pc) =	sbr.rel @p1 .LBB2_1-.Ltmp2, $4  }
0x44: {  	[hbm4b:s5+s9] =	stream.strided.scatter [tilespmem:s8], [sflag:$0x2], $0x2780, s10, s9, $0x38;
	[tilespmem:$0x5000] =	vst v63  }
0x45: {  	_ =	swait.ge [sflag:s11], $0x2780  }
0x46: {  	[sflag:s11] =	ssyncset.done $0x0  }
0x47: {  	[sflag:s11] =	ssyncadd.s32 $0xFFFFD880  }
0x48: {  	_ =	sfence.sel $0x180000  }
0x49: {  	[bflag:$0x0] =	sbarrier.arrive $0xFFFF  }
0x4a: {  	p0 =	sne.s32 s0, $0x0;
	_ =	strace $0x90000047  }
0x4b: {  	s0 =	sadd.s32 @!p0 $0x100000, s1;
	[bflag:$0x2] =	sbarrier.arrive $0xFFFF  }
0x4c: {  	[sflag:s0] =	ssyncadd.tile.s32 @!p0 $0x1;
	_ =	shalt  }
.Lfunc_end2:
_tile_overlayer_lowered:
.L_overlay_start_2:
0x4d: {  	(tag) =	ssettag $0x2  }
0x4e: {  	s0 =	rddreg [dreg:$0x0];
	s2 =	stileid.u32  }
0x4f: {  	s1 =	rddreg [dreg:$0x1];
	p0 =	sne.s32 s2, $0x0  }
0x50: {  	s3 =	rddreg [dreg:$0x2];
	[bflag:$0x3] =	sbarrier.arrive $0xFFFF;
	s2 =	simm.s32 @!p0 $0x1C02  }
0x51: {  	[timem:s3], [sflag:s2] =	dma.local @!p0 [hbm:s0], s1  }
0x52: {  	s0 =	simm.s32 @!p0 $0x2  }
0x53: {  	_ =	swait.ge @!p0 [sflag:s0], s1  }
0x54: {  	s1 =	ssub.s32 @!p0 $0x0, s1;
	[sflag:s0] =	ssyncset.done @!p0 $0x0  }
0x55: {  	[sflag:s0] =	ssyncadd.s32 @!p0 s1  }
0x56: {  	[bflag:$0x3] =	sbarrier.arrive $0xFFFF  }
0x57: {  	_ =	shalt  }

// kernel: kernel.15.cloned.1.call-start
scs
__scs_entry_jumppad:
0x0: {  	(pc) =	sbr.rel $0x88, $3  }
0x1: {  	(tag) =	ssettag $0x0;
	lr =	simm.s32 $0x1  }
0x2: {  	[smem:$0x3F96] =	sst lr;
	_ =	strace $0xD0000000  }
0x3: {  	_ = 	snop  }
0x4: {  	_ = 	snop  }
0x5: {  	_ = 	snop  }
0x6: {  	_ = 	snop  }
0x7: {  	_ = 	snop  }
__scs_overlays_trampoline_lowered:
0x8: {  	[smem:$0x3FA5] =	sst s0  }
0x9: {  	[smem:$0x3FA6] =	sst s1  }
0xa: {  	[smem:$0x3FA7] =	sst s2  }
0xb: {  	[smem:$0x3FA8] =	sst s3  }
0xc: {  	[smem:$0x3FA9] =	sst s4  }
0xd: {  	[smem:$0x3FAA] =	sst s5  }
0xe: {  	[smem:$0x3FAB] =	sst s6  }
0xf: {  	[smem:$0x3FAC] =	sst s7  }
0x10: {  	[smem:$0x3FAD] =	sst s8  }
0x11: {  	[smem:$0x3FAE] =	sst s9;
	s0 =	simm.s32 @!p0 $0x0  }
0x12: {  	s1 =	sld [smem:$0x3F94];
	s0 =	simm.s32 @p0 $0x1  }
0x13: {  	[smem:$0x3FAF] =	sst s0;
	s0 =	simm.s32 @!p1 $0x0  }
0x14: {  	s2 =	sld [smem:$0x3F93];
	s0 =	simm.s32 @p1 $0x1  }
0x15: {  	[smem:$0x3FB0] =	sst s0;
	s0 =	simm.s32 @!p2 $0x0  }
0x16: {  	s3 =	sld [smem:$0x3FDB];
	s0 =	simm.s32 @p2 $0x1  }
0x17: {  	s4 =	simm.s32 $0x1BF5;
	[smem:$0x3FB2] =	sst s0  }
0x18: {  	s0 =	sld [smem:$0x3F95];
	_ =	swait.ge [sflag:s4], $0x0  }
0x19: {  	s7 =	sld [smem:$0x3F96]  }
0x1a: {  	s8 =	sadd.s32 $0xFFFFE003, lr  }
0x1b: {  	s9 =	sadd.s32 $0xFFFFFEF7, lr;
	s5 =	simm.s32 $0xFFFFFFFF;
	p2 =	slt.u32 s8, $0xFFFFF086  }
0x1c: {  	p1 =	slt.u32 s9, $0xF7A;
	s5 =	simm.s32 @!p2 $0x0  }
0x1d: {  	s5 =	simm.s32 @p1 $0x1;
	p0 =	seq.s32 s7, s2  }
0x1e: {  	s7 =	smul.u32 @!p0 $0xF7A, s2;
	p2 =	seq.s32 @!p0 s5, $0x0  }
0x1f: {  	s9 =	smul.u32 $0xF7A, s1;
	s8 =	simm.s32 @!p0 $0x1BF5;
	p2 =	por !p2, p0  }
0x20: {  	[sflag:s8] =	ssyncset.s32 @!p0 $0xFFFFF086;
	s6 =	sadd.s32 @!p0 s3, s7;
	s7 =	simm.s32 @!p0 $0x108  }
0x21: {  	s3 =	sadd.s32 s3, s9;
	s6 =	sadd.s32 @!p0 $0x88, s6;
	s7 =	simm.s32 @p2 $0x1082  }
0x22: {  	[simem:s7], [sflag:s8] =	dma.local @!p0 [hbm:s6], $0xF7A  }
0x23: {  	s9 =	sor.u32 $0xD0000000, s2;
	s6 =	simm.s32 $0x108;
	_ =	swait.ge @!p0 [sflag:s8], $0x0  }
0x24: {  	s3 =	sadd.s32 $0x88, s3;
	s6 =	simm.s32 @!p1 $0x1082;
	[sflag:s4] =	ssyncset.s32 $0xFFFFF086  }
0x25: {  	[simem:s6], [sflag:s4] =	dma.local [hbm:s3], $0xF7A  }
0x26: {  	[smem:$0x3F96] =	sst s1;
	(tag) =	ssettag s2;
	_ =	strace s9  }
0x27: {  	s1 =	sld [smem:$0x3FA6]  }
0x28: {  	s2 =	sld [smem:$0x3FA7]  }
0x29: {  	s4 =	sld [smem:$0x3FA9]  }
0x2a: {  	p0 =	seq.s32 s5, $0x0;
	s5 =	sld [smem:$0x3FAA]  }
0x2b: {  	s6 =	sld [smem:$0x3FAB]  }
0x2c: {  	s7 =	sld [smem:$0x3FAC]  }
0x2d: {  	s3 =	simm.s32 $0x108;
	s8 =	sld [smem:$0x3FAD]  }
0x2e: {  	s3 =	simm.s32 @!p0 $0x1082;
	s9 =	sld [smem:$0x3FAE]  }
0x2f: {  	lr =	sadd.s32 s0, s3;
	s0 =	sld [smem:$0x3FA5]  }
0x30: {  	s3 =	sld [smem:$0x3FA8]  }
0x31: {  	[smem:$0x3FB1] =	sst s10  }
0x32: {  	s10 =	sld [smem:$0x3FAF];
	_ =	sdelay $0x3  }
0x33: {  	p0 =	seq.s32 s10, $0x1;
	s10 =	sld [smem:$0x3FB1];
	_ =	sdelay $0x3  }
0x34: {  	[smem:$0x3FB1] =	sst s10  }
0x35: {  	s10 =	sld [smem:$0x3FB0];
	_ =	sdelay $0x3  }
0x36: {  	p1 =	seq.s32 s10, $0x1;
	s10 =	sld [smem:$0x3FB1];
	_ =	sdelay $0x3  }
0x37: {  	[smem:$0x3FB1] =	sst s10  }
0x38: {  	s10 =	sld [smem:$0x3FB2]  }
0x39: {  	_ = 	snop;
	(pc) =	sbr.ind lr, $3  }
0x3a: {  	_ = 	snop  }
0x3b: {  	_ = 	snop  }
0x3c: {  	p2 =	seq.s32 s10, $0x1;
	s10 =	sld [smem:$0x3FB1]  }
0x3d: {  	_ =	shalt  }
0x3e: {  	_ =	shalt  }
0x3f: {  	_ =	shalt  }
0x40: {  	_ =	shalt  }
0x41: {  	_ =	shalt  }
0x42: {  	_ =	shalt  }
0x43: {  	_ =	shalt  }
0x44: {  	_ =	shalt  }
0x45: {  	_ =	shalt  }
0x46: {  	_ =	shalt  }
0x47: {  	_ =	shalt  }
0x48: {  	_ =	shalt  }
0x49: {  	_ =	shalt  }
0x4a: {  	_ =	shalt  }
0x4b: {  	_ =	shalt  }
0x4c: {  	_ =	shalt  }
0x4d: {  	_ =	shalt  }
0x4e: {  	_ =	shalt  }
0x4f: {  	_ =	shalt  }
0x50: {  	_ =	shalt  }
0x51: {  	_ =	shalt  }
0x52: {  	_ =	shalt  }
0x53: {  	_ =	shalt  }
0x54: {  	_ =	shalt  }
0x55: {  	_ =	shalt  }
0x56: {  	_ =	shalt  }
0x57: {  	_ =	shalt  }
0x58: {  	_ =	shalt  }
0x59: {  	_ =	shalt  }
0x5a: {  	_ =	shalt  }
0x5b: {  	_ =	shalt  }
0x5c: {  	_ =	shalt  }
0x5d: {  	_ =	shalt  }
0x5e: {  	_ =	shalt  }
0x5f: {  	_ =	shalt  }
0x60: {  	_ =	shalt  }
0x61: {  	_ =	shalt  }
0x62: {  	_ =	shalt  }
0x63: {  	_ =	shalt  }
0x64: {  	_ =	shalt  }
0x65: {  	_ =	shalt  }
0x66: {  	_ =	shalt  }
0x67: {  	_ =	shalt  }
0x68: {  	_ =	shalt  }
0x69: {  	_ =	shalt  }
0x6a: {  	_ =	shalt  }
0x6b: {  	_ =	shalt  }
0x6c: {  	_ =	shalt  }
0x6d: {  	_ =	shalt  }
0x6e: {  	_ =	shalt  }
0x6f: {  	_ =	shalt  }
0x70: {  	_ =	shalt  }
0x71: {  	_ =	shalt  }
0x72: {  	_ =	shalt  }
0x73: {  	_ =	shalt  }
0x74: {  	_ =	shalt  }
0x75: {  	_ =	shalt  }
0x76: {  	_ =	shalt  }
0x77: {  	_ =	shalt  }
0x78: {  	_ =	shalt  }
0x79: {  	_ =	shalt  }
0x7a: {  	_ =	shalt  }
0x7b: {  	_ =	shalt  }
0x7c: {  	_ =	shalt  }
0x7d: {  	_ =	shalt  }
0x7e: {  	_ =	shalt  }
0x7f: {  	_ =	shalt  }
0x80: {  	_ =	shalt  }
0x81: {  	_ =	shalt  }
0x82: {  	_ =	shalt  }
0x83: {  	_ =	shalt  }
0x84: {  	_ =	shalt  }
0x85: {  	_ =	shalt  }
0x86: {  	_ =	shalt  }
0x87: {  	_ =	shalt  }
.Lfunc_end0:
.L_simem_size_0:
called_computation.1_lowered:
.L_overlay_start_0:
0x88: {  	s2 =	sld [smem:$0x3FD9]  }
0x89: {  	s3 =	sld [smem:$0x3FFE];
	_ =	sdelay $0x1  }
0x8a: {  	s1 =	srdreg.scid  }
0x8b: {  	s0 =	sand.u32 $0x1, s1  }
0x8c: {  	s17 =	sshll.u32 s0, $0xA;
	s2 =	sadd.s32 s3, s2  }
0x8d: {  	s2 =	sadd.s32 s2, s17  }
0x8e: {  	[smem:$0x3FBD] =	sst s2  }
0x8f: {  	_ = 	snop  }
0x90: {  	s18 =	sld [smem:$0x3FC9]  }
0x91: {  	s4 =	sld [smem:$0x3FD0];
	(tm) =	ssettm $0x1  }
0x92: {  	s19 =	sld [smem:$0x3FFB];
	_ =	sdelay $0x3  }
0x93: {  	_ =	strace s19  }
0x94: {  	s2 =	sld [smem:$0x3FFC];
	_ =	sdelay $0x3  }
0x95: {  	_ =	strace s2  }
0x96: {  	s2 =	sld [smem:$0x3FFD];
	_ =	sdelay $0x3  }
0x97: {  	_ =	strace s2  }
0x98: {  	_ =	strace $0x8FFFFFFF  }
0x99: {  	s20 =	sld [smem:$0x3FDB];
	_ =	sdelay $0x1  }
0x9a: {  	s5 =	simm.s32 $_scs_section_size  }
0x9b: {  	s6 =	simm.s32 $_size__tile_overlayer_lowered;
	s7 =	simm.s32 $_tile_overlayer_lowered  }
0x9c: {  	s8 =	simm.s32 $0x1BFF;
	s21 =	sshll.u32 s7, $0x1;
	s5 =	sadd.s32 s5, s20  }
0x9d: {  	s22 =	simm.s32 $0x0;
	s6 =	sshll.u32 s6, $0x1;
	s7 =	sadd.s32 s21, s5  }
0x9e: {  	[timem:s22], [sflag:s8] =	dma.local [hbm:s7], s6  }
0x9f: {  	_ =	swait.ge [sflag:s8], s6  }
0xa0: {  	s6 =	ssub.s32 $0x0, s6;
	[sflag:s8] =	ssyncset.done $0x0  }
0xa1: {  	[sflag:s8] =	ssyncadd.s32 s6;
	_ =	sdelay $0x1  }
0xa2: {  	s23 =	simm.s32 $0x1B8B  }
0xa3: {  	_ =	swait.ge [sflag:s23], $0x1  }
0xa4: {  	[sflag:s23] =	ssyncset.done $0x0  }
0xa5: {  	[sflag:s23] =	ssyncadd.s32 $0xFFFFFFFF  }
0xa6: {  	s6 =	sld [smem:$0x0]  }
0xa7: {  	s7 =	sand.u32 $0xFFFFFFFE, s1  }
0xa8: {  	p0 =	sne.s32 s1, s7  }
0xa9: {  	s7 =	sshll.u32 @p0 s7, $0xE  }
0xaa: {  	s7 =	sadd.s32 @p0 $0x11B8D, s7;
	s8 =	sshll.u32 @p0 s6, $0x11  }
0xab: {  	s7 =	sor.u32 @p0 s8, s7  }
0xac: {  	[sflag:s7] =	ssyncadd.remote.s32 @p0 $0x1;
	_ =	sdelay $0x1  }
0xad: {  	s7 =	simm.s32 @p0 $0x1B8D  }
0xae: {  	_ =	swait.eq @p0 [sflag:s7], $0x1  }
0xaf: {  	[sflag:s7] =	ssyncadd.s32 @p0 $0xFFFFFFFF  }
0xb0: {  	s8 =	sshll.u32 @!p0 s1, $0xE  }
0xb1: {  	s8 =	sor.u32 @!p0 $0x4000, s8;
	s7 =	simm.s32 @!p0 $0x1B8D  }
0xb2: {  	s6 =	sshll.u32 @!p0 s6, $0x11;
	s8 =	sadd.s32 @!p0 $0x11B8D, s8;
	_ =	swait.eq @!p0 [sflag:s7], $0x1  }
0xb3: {  	s6 =	sor.u32 @!p0 s6, s8;
	[sflag:s7] =	ssyncadd.s32 @!p0 $0xFFFFFFFF  }
0xb4: {  	s25 =	simm.s32 $0x1B8E;
	s24 =	sld [smem:$0x3FFE];
	[sflag:s6] =	ssyncadd.remote.s32 @!p0 $0x1  }
0xb5: {  	s26 =	simm.s32 $execute0_lowered;
	[smem:$0x3FD2] =	sst s25  }
0xb6: {  	s7 =	sshll.u32 s26, $0x1;
	_ =	strace $0x80000049;
	[dreg:$0x1] =	wrdreg $0xFFFFFFFF  }
0xb7: {  	s28 =	simm.s32 $_size_execute0_lowered;
	s5 =	sadd.s32 s5, s7;
	[dreg:$0x0] =	wrdreg $0x0  }
0xb8: {  	s7 =	sshll.u32 s28, $0x1;
	[dreg:$0x2] =	wrdreg s5  }
0xb9: {  	[dreg:$0x3] =	wrdreg s7  }
0xba: {  	[dreg:$0x4] =	wrdreg $0xC0  }
0xbb: {  	_ =	task [dreg:s22], $0x5FFFF  }
0xbc: {  	[dreg:$0x1] =	wrdreg $0xFFFFFFFF  }
0xbd: {  	[dreg:$0x0] =	wrdreg $0x60  }
0xbe: {  	[dreg:$0x2] =	wrdreg s18  }
0xbf: {  	[dreg:$0x3] =	wrdreg s4  }
0xc0: {  	[dreg:$0x4] =	wrdreg s24  }
0xc1: {  	[dreg:$0x5] =	wrdreg $0xA9000  }
0xc2: {  	[dreg:$0x6] =	wrdreg $0xA  }
0xc3: {  	_ =	task.clear_ibuf [dreg:s22], $0x7FFFF;
	_ =	strace $0x90000049  }
0xc4: {  	s29 =	simm.s32 $0xA;
	_ =	strace $0x8000004B  }
0xc5: {  	_ =	swait.ge [sflag:s29], $0x1  }
0xc6: {  	[sflag:s29] =	ssyncadd.s32 $0xFFFFFFFF  }
0xc7: {  	_ =	strace $0x9000004B  }
0xc8: {  	_ =	sfence  }
0xc9: {  	s30 =	sld [smem:$0x0];
	_ =	sdelay $0x2  }
0xca: {  	s31 =	sshll.u32 s1, $0xD;
	s1 =	sshrl.u32 s1, $0x2  }
0xcb: {  	s4 =	sand.u32 $0x4000, s31;
	s1 =	sadd.s32 s1, s30  }
0xcc: {  	s0 =	sor.u32 s4, s0;
	s1 =	sshll.u32 s1, $0x11  }
0xcd: {  	s0 =	sor.u32 s1, s0  }
0xce: {  	s0 =	sadd.s32 $0x8F2B, s0  }
0xcf: {  	[sflag:s0] =	ssyncadd.remote.s32 $0x1  }
0xd0: {  	_ =	sfence.sel $0xFFFF  }
0xd1: {  	[dreg:$0x0] =	wrdreg $0xFFFFFFFF;
	(pc) =	sbr.abs _section_cstart, $3  }
0xd2: {  	[dreg:$0x1] =	wrdreg $0xFFFFFFFF  }
0xd3: {  	_ =	task.clear_ibuf [dreg:s22], $0x2FFFF;
	_ =	strace $0x9FFFFFFF  }
0xd4: {  	(tm) =	ssettm $0x7FFFFFFF  }
0xd5: {  	_ =	shalt  }
tec
execute0_lowered:
.L_overlay_start_1:
0x0: {  	(tag) =	ssettag $0x1  }
0x1: {  	s1 =	rddreg [dreg:$0x0]  }
0x2: {  	s0 =	rddreg [dreg:$0x1]  }
0x3: {  	s2 =	rddreg [dreg:$0x2]  }
0x4: {  	s3 =	rddreg [dreg:$0x3];
	s4 =	srdreg.scid  }
0x5: {  	s10 =	stileid.u32;
	s7 =	simm.s32 $0x0;
	s28 =	simm.s32 $0x6800  }
0x6: {  	s29 =	simm.s32 $0xC0;
	s30 =	simm.s32 $0x8800;
	s31 =	simm.s32 $0x4  }
0x7: {  	s4 =	sand.u32 $0x1, s4;
	s5 =	sshll.u32 s10, $0x1;
	s17 =	smul.u32 $0x13800, s10  }
0x8: {  	[smem:$0x7FF] =	sst s7;
	s8 =	sadd.s32 $0x15E00, s2;
	s18 =	smul.u32 $0x4E000, s10  }
0x9: {  	p0 =	sgt.u32 s10, $0x1;
	s6 =	smul.u32 $0x138800, s4;
	s5 =	sor.u32 s4, s5  }
0xa: {  	_ =	strace $0x8000004A;
	s4 =	ssub.s32 $0x2, s4;
	s9 =	sshll.u32 s5, $0x4  }
0xb: {  	s5 =	smul.u32 $0x2800, s5;
	s19 =	sshrl.u32 s4, $0x1;
	s7 =	sshrl.u32 s18, $0x2  }
0xc: {  	s18 =	simm.s32 $0x1400;
	s15 =	sadd.s32 s9, s2;
	s6 =	sadd.s32 s17, s6  }
0xd: {  	s4 =	ssub.s32 s4, s19;
	s19 =	simm.s32 $0x2800;
	s20 =	sshrl.u32 s5, $0x3  }
0xe: {  	s6 =	sshrl.u32 s6, $0x3;
	s5 =	sadd.s32 s7, s3;
	s21 =	sadd.s32 s0, s20  }
0xf: {  	s14 =	sadd.s32 $0x15C00, s15;
	s22 =	sadd.s32 s8, s20;
	[dreg:$0x5] =	wrdreg s21  }
0x10: {  	s15 =	sadd.s32 $0xBE00, s15;
	s23 =	sadd.s32 $0x4000, s5;
	[dreg:$0x6] =	wrdreg s22  }
0x11: {  	s17 =	smax.u32 s4, $0x1;
	s24 =	sadd.s32 $0x8000, s5;
	[dreg:$0x7] =	wrdreg s23  }
0x12: {  	s4 =	simm.s32 $0x8;
	s25 =	sadd.s32 $0xC000, s5;
	[dreg:$0x8] =	wrdreg s24  }
0x13: {  	s2 =	sadd.s32 s6, s2;
	s26 =	sadd.s32 $0x10000, s5;
	[dreg:$0x9] =	wrdreg s25  }
0x14: {  	s6 =	sadd.s32 $0x280, s20;
	s20 =	simm.s32 $0x1;
	[dreg:$0xa] =	wrdreg s26  }
0x15: {  	s12 =	sadd.s32 s0, s6;
	s13 =	sadd.s32 s8, s6;
	s16 =	sadd.s32 $0x29C00, s2  }
0x16: {  	s21 =	simm.s32 $0x2;
	s22 =	simm.s32 $0x7;
	s23 =	simm.s32 $0x40  }
0x17: {  	s24 =	simm.s32 $0x4800;
	s25 =	simm.s32 $0x3;
	s26 =	simm.s32 $0x80  }
0x18: {  	v0 =	vimm.f32 $0.0e+00;
	s0 =	simm.s32 $0x5;
	s2 =	simm.s32 $0x6;
	s6 =	simm.s32 $0x0  }
.LBB2_1:
0x19: {  	s7 =	simm.s32 $0x0;
	s8 =	rddreg [dreg:$0x5]  }
0x1a: {  	[tilespmem:s7], [sflag:$0x7] =	stream.linear.gather [hbm4b:s8+s7], $0x1400, $0x38;
	[tilespmem:$0x1E180] =	vst v63  }
0x1b: {  	s11 =	rddreg [dreg:$0x6]  }
0x1c: {  	[tilespmem:s18], [sflag:$0x7] =	stream.linear.gather [hbm4b:s11+s7], $0x1400, $0x38;
	[tilespmem:$0x1E180] =	vst v63  }
0x1d: {  	s8 =	simm.s32 $0x200;
	s7 =	simm.s32 $0x0  }
.LBB2_2:
0x1e: {  	p1 =	sne.s32 s8, $0xFE00;
	[tilespmem:s7+$0x2870] =	vst v0  }
0x1f: {  	[tilespmem:s7+$0x2800] =	vst v0  }
0x20: {  	[tilespmem:s7+$0x2810] =	vst v0  }
.Ltmp0:
0x21: {  	[tilespmem:s7+$0x2820] =	vst v0;
	(pc) =	sbr.rel @p1 .LBB2_2-.Ltmp0, $4  }
0x22: {  	[tilespmem:s7+$0x2830] =	vst v0  }
0x23: {  	[tilespmem:s7+$0x2840] =	vst v0  }
0x24: {  	[tilespmem:s7+$0x2850] =	vst v0  }
0x25: {  	[tilespmem:s7+$0x2860] =	vst v0;
	s7 =	sshra.s32 s8, $0x2;
	s8 =	sadd.s32 $0x200, s8  }
0x26: {  	[tilespmem:s7+$0x2870] =	vst v0  }
0x27: {  	[tilespmem:s7+$0x2800] =	vst v0  }
0x28: {  	[tilespmem:s7+$0x2810] =	vst v0  }
0x29: {  	[tilespmem:s7+$0x2820] =	vst v0  }
0x2a: {  	[tilespmem:s7+$0x2830] =	vst v0  }
0x2b: {  	[tilespmem:s7+$0x2840] =	vst v0  }
0x2c: {  	[tilespmem:s7+$0x2850] =	vst v0  }
0x2d: {  	[tilespmem:s7+$0x2860] =	vst v0  }
0x2e: {  	[spmem:s5] =	stream.linear.scatter [tilespmem:s19], [sflag:$0x1], $0x4000, $0x38;
	[tilespmem:$0x1E180] =	vst v63  }
0x2f: {  	s10 =	rddreg [dreg:$0x7]  }
0x30: {  	[spmem:s10] =	stream.linear.scatter [tilespmem:s19], [sflag:$0x2], $0x4000, $0x38;
	[tilespmem:$0x1E180] =	vst v63  }
0x31: {  	s11 =	rddreg [dreg:$0x8]  }
0x32: {  	[spmem:s11] =	stream.linear.scatter [tilespmem:s19], [sflag:$0x1], $0x4000, $0x38;
	[tilespmem:$0x1E180] =	vst v63  }
0x33: {  	s8 =	rddreg [dreg:$0x9]  }
0x34: {  	[spmem:s8] =	stream.linear.scatter [tilespmem:s19], [sflag:$0x2], $0x4000, $0x38;
	[tilespmem:$0x1E180] =	vst v63  }
0x35: {  	s9 =	rddreg [dreg:$0xa]  }
0x36: {  	[spmem:s9] =	stream.linear.scatter [tilespmem:s19], [sflag:$0x1], $0x4000, $0x38;
	[tilespmem:$0x1E180] =	vst v63  }
0x37: {  	_ =	swait.ge [sflag:s20], $0x4000  }
0x38: {  	[sflag:s20] =	ssyncset.done $0x0  }
0x39: {  	[sflag:s20] =	ssyncadd.s32 $0xFFFFC000  }
0x3a: {  	_ =	swait.ge [sflag:s21], $0x4000  }
0x3b: {  	[sflag:s21] =	ssyncset.done $0x0  }
0x3c: {  	[sflag:s21] =	ssyncadd.s32 $0xFFFFC000  }
0x3d: {  	_ =	swait.ge [sflag:s20], $0x4000  }
0x3e: {  	[sflag:s20] =	ssyncset.done $0x0  }
0x3f: {  	[sflag:s20] =	ssyncadd.s32 $0xFFFFC000  }
0x40: {  	_ =	swait.ge [sflag:s21], $0x4000  }
0x41: {  	[sflag:s21] =	ssyncset.done $0x0  }
0x42: {  	[sflag:s21] =	ssyncadd.s32 $0xFFFFC000  }
0x43: {  	_ =	swait.ge [sflag:s20], $0x4000  }
0x44: {  	[sflag:s20] =	ssyncset.done $0x0  }
0x45: {  	[sflag:s20] =	ssyncadd.s32 $0xFFFFC000  }
0x46: {  	[bflag:$0x0] =	sbarrier.arrive $0xFFFF  }
0x47: {  	_ =	swait.ge [sflag:s22], $0x1400  }
0x48: {  	[sflag:s22] =	ssyncset.done $0x0  }
0x49: {  	[sflag:s22] =	ssyncadd.s32 $0xFFFFEC00  }
0x4a: {  	_ =	swait.ge [sflag:s22], $0x1400  }
0x4b: {  	[sflag:s22] =	ssyncset.done $0x0  }
0x4c: {  	s10 =	simm.s32 $0x0;
	[sflag:s22] =	ssyncadd.s32 $0xFFFFEC00  }
0x4d: {  	[tilespmem:s19], [sflag:$0x1] =	stream.indirect.gather [hbm4b:s1+s23], $0x80, s10, s23, $0xb8;
	[tilespmem:$0x1E180] =	vst v63  }
0x4e: {  	_ = 	snop  }
0x4f: {  	[tilespmem:s24], [sflag:$0x3] =	stream.indirect.gather [hbm4b:s1+s23], $0x80, s23, s23, $0xb8;
	[tilespmem:$0x1E180] =	vst v63  }
0x50: {  	_ =	swait.ge [sflag:s20], $0x2000  }
0x51: {  	[sflag:s20] =	ssyncset.done $0x0  }
0x52: {  	[sflag:s20] =	ssyncadd.s32 $0xFFFFE000  }
0x53: {  	_ =	swait.ge [sflag:s25], $0x2000  }
0x54: {  	[sflag:s25] =	ssyncset.done $0x0  }
0x55: {  	[sflag:s25] =	ssyncadd.s32 $0xFFFFE000  }
0x56: {  	[spmem:s3] =	stream.indirect.scatter.add.f32 [tilespmem:s19], [sflag:$0x5], $0x80, s18, s26, $0xb8;
	[tilespmem:$0x1E180] =	vst v63  }
0x57: {  	_ = 	snop  }
0x58: {  	[tilespmem:s28], [sflag:$0x2] =	stream.indirect.gather [hbm4b:s1+s23], $0x80, s26, s23, $0xb8;
	[tilespmem:$0x1E180] =	vst v63  }
0x59: {  	_ = 	snop  }
0x5a: {  	[tilespmem:s30], [sflag:$0x4] =	stream.indirect.gather [hbm4b:s1+s23], $0x80, s29, s23, $0xb8;
	[tilespmem:$0x1E180] =	vst v63  }
0x5b: {  	_ =	swait.ge [sflag:s21], $0x2000  }
0x5c: {  	[sflag:s21] =	ssyncset.done $0x0  }
0x5d: {  	[sflag:s21] =	ssyncadd.s32 $0xFFFFE000  }
0x5e: {  	_ =	swait.ge [sflag:s31], $0x2000  }
0x5f: {  	[sflag:s31] =	ssyncset.done $0x0  }
0x60: {  	s11 =	simm.s32 $0x1480;
	[sflag:s31] =	ssyncadd.s32 $0xFFFFE000  }
0x61: {  	[spmem:s3] =	stream.indirect.scatter.add.f32 [tilespmem:s28], [sflag:$0x6], $0x80, s11, s26, $0xb8;
	[tilespmem:$0x1E180] =	vst v63  }
0x62: {  	_ =	swait.ge [sflag:s0], $0x4000  }
0x63: {  	[sflag:s0] =	ssyncset.done $0x0  }
0x64: {  	s8 =	simm.s32 $0x100;
	[sflag:s0] =	ssyncadd.s32 $0xFFFFC000  }
0x65: {  	[tilespmem:s19], [sflag:$0x1] =	stream.indirect.gather [hbm4b:s1+s23], $0x80, s8, s23, $0xb8;
	[tilespmem:$0x1E180] =	vst v63  }
0x66: {  	s9 =	simm.s32 $0x140  }
0x67: {  	[tilespmem:s24], [sflag:$0x3] =	stream.indirect.gather [hbm4b:s1+s23], $0x80, s9, s23, $0xb8;
	[tilespmem:$0x1E180] =	vst v63  }
0x68: {  	_ =	swait.ge [sflag:s20], $0x2000  }
0x69: {  	[sflag:s20] =	ssyncset.done $0x0  }
0x6a: {  	[sflag:s20] =	ssyncadd.s32 $0xFFFFE000  }
0x6b: {  	_ =	swait.ge [sflag:s25], $0x2000  }
0x6c: {  	[sflag:s25] =	ssyncset.done $0x0  }
0x6d: {  	s10 =	simm.s32 $0x1500;
	[sflag:s25] =	ssyncadd.s32 $0xFFFFE000  }
0x6e: {  	[spmem:s3] =	stream.indirect.scatter.add.f32 [tilespmem:s19], [sflag:$0x5], $0x80, s10, s26, $0xb8;
	[tilespmem:$0x1E180] =	vst v63  }
0x6f: {  	_ =	swait.ge [sflag:s2], $0x4000  }
0x70: {  	s7 =	simm.s32 $0x400;
	[sflag:s2] =	ssyncset.done $0x0  }
0x71: {  	s11 =	simm.s32 $0x180;
	s8 =	simm.s32 $0x1C0;
	[sflag:s2] =	ssyncadd.s32 $0xFFFFC000  }
0x72: {  	[tilespmem:s28], [sflag:$0x2] =	stream.indirect.gather [hbm4b:s1+s23], $0x80, s11, s23, $0xb8;
	[tilespmem:$0x1E180] =	vst v63  }
.LBB2_4:
0x73: {  	[tilespmem:s30], [sflag:$0x4] =	stream.indirect.gather [hbm4b:s1+s23], $0x80, s8, s23, $0xb8;
	[tilespmem:$0x1E180] =	vst v63  }
0x74: {  	s8 =	smov.u32 s7  }
0x75: {  	p1 =	sne.s32 s7, $0x4800;
	s7 =	sadd.s32 $0x400, s7;
	_ =	swait.ge [sflag:s21], $0x2000  }
0x76: {  	[sflag:s21] =	ssyncset.done $0x0  }
0x77: {  	[sflag:s21] =	ssyncadd.s32 $0xFFFFE000  }
0x78: {  	_ =	swait.ge [sflag:s31], $0x2000  }
0x79: {  	s8 =	sshra.s32 s8, $0x2;
	[sflag:s31] =	ssyncset.done $0x0  }
0x7a: {  	s9 =	sadd.s32 $0x1480, s8;
	[sflag:s31] =	ssyncadd.s32 $0xFFFFE000  }
0x7b: {  	[spmem:s3] =	stream.indirect.scatter.add.f32 [tilespmem:s28], [sflag:$0x6], $0x80, s9, s26, $0xb8;
	[tilespmem:$0x1E180] =	vst v63  }
0x7c: {  	_ =	swait.ge [sflag:s0], $0x4000  }
0x7d: {  	[sflag:s0] =	ssyncset.done $0x0  }
0x7e: {  	s9 =	sadd.s32 $0x100, s8;
	[sflag:s0] =	ssyncadd.s32 $0xFFFFC000  }
0x7f: {  	[tilespmem:s19], [sflag:$0x1] =	stream.indirect.gather [hbm4b:s1+s23], $0x80, s9, s23, $0xb8;
	[tilespmem:$0x1E180] =	vst v63  }
0x80: {  	s9 =	sadd.s32 $0x140, s8  }
0x81: {  	[tilespmem:s24], [sflag:$0x3] =	stream.indirect.gather [hbm4b:s1+s23], $0x80, s9, s23, $0xb8;
	[tilespmem:$0x1E180] =	vst v63  }
0x82: {  	_ =	swait.ge [sflag:s20], $0x2000  }
0x83: {  	[sflag:s20] =	ssyncset.done $0x0  }
0x84: {  	[sflag:s20] =	ssyncadd.s32 $0xFFFFE000  }
0x85: {  	_ =	swait.ge [sflag:s25], $0x2000  }
0x86: {  	[sflag:s25] =	ssyncset.done $0x0  }
0x87: {  	s9 =	sadd.s32 $0x1500, s8;
	[sflag:s25] =	ssyncadd.s32 $0xFFFFE000  }
0x88: {  	[spmem:s3] =	stream.indirect.scatter.add.f32 [tilespmem:s19], [sflag:$0x5], $0x80, s9, s26, $0xb8;
	[tilespmem:$0x1E180] =	vst v63  }
.Ltmp1:
0x89: {  	_ =	swait.ge [sflag:s2], $0x4000;
	(pc) =	sbr.rel @p1 .LBB2_4-.Ltmp1, $4  }
0x8a: {  	[sflag:s2] =	ssyncset.done $0x0  }
0x8b: {  	s9 =	sadd.s32 $0x180, s8;
	[sflag:s2] =	ssyncadd.s32 $0xFFFFC000  }
0x8c: {  	[tilespmem:s28], [sflag:$0x2] =	stream.indirect.gather [hbm4b:s1+s23], $0x80, s9, s23, $0xb8;
	[tilespmem:$0x1E180] =	vst v63  }
0x8d: {  	s8 =	sadd.s32 $0x1C0, s8  }
0x8e: {  	[tilespmem:s30], [sflag:$0x4] =	stream.indirect.gather [hbm4b:s1+s23], $0x80, s8, s23, $0xb8;
	[tilespmem:$0x1E180] =	vst v63  }
0x8f: {  	_ =	swait.ge [sflag:s21], $0x2000  }
0x90: {  	[sflag:s21] =	ssyncset.done $0x0  }
0x91: {  	[sflag:s21] =	ssyncadd.s32 $0xFFFFE000  }
0x92: {  	_ =	swait.ge [sflag:s31], $0x2000  }
0x93: {  	[sflag:s31] =	ssyncset.done $0x0  }
0x94: {  	s7 =	simm.s32 $0x2780;
	[sflag:s31] =	ssyncadd.s32 $0xFFFFE000  }
0x95: {  	[spmem:s3] =	stream.indirect.scatter.add.f32 [tilespmem:s28], [sflag:$0x6], $0x80, s7, s26, $0xb8;
	[tilespmem:$0x1E180] =	vst v63  }
0x96: {  	_ =	swait.ge [sflag:s0], $0x4000  }
0x97: {  	[sflag:s0] =	ssyncset.done $0x0  }
0x98: {  	[sflag:s0] =	ssyncadd.s32 $0xFFFFC000  }
0x99: {  	_ =	swait.ge [sflag:s2], $0x4000  }
0x9a: {  	[sflag:s2] =	ssyncset.done $0x0  }
0x9b: {  	s10 =	simm.s32 $0x0;
	[sflag:s2] =	ssyncadd.s32 $0xFFFFC000  }
0x9c: {  	[tilespmem:s10], [sflag:$0x8] =	stream.linear.gather [hbm4b:s12+s10], $0x1300, $0x38;
	[tilespmem:$0x1E180] =	vst v63  }
0x9d: {  	_ =	swait.ge [sflag:s4], $0x1300  }
0x9e: {  	[sflag:s4] =	ssyncset.done $0x0  }
0x9f: {  	[sflag:s4] =	ssyncadd.s32 $0xFFFFED00  }
0xa0: {  	[tilespmem:s18], [sflag:$0x8] =	stream.linear.gather [hbm4b:s13+s10], $0x1300, $0x38;
	[tilespmem:$0x1E180] =	vst v63  }
0xa1: {  	_ =	swait.ge [sflag:s4], $0x1300  }
0xa2: {  	[sflag:s4] =	ssyncset.done $0x0  }
0xa3: {  	[sflag:s4] =	ssyncadd.s32 $0xFFFFED00  }
0xa4: {  	[tilespmem:s19], [sflag:$0x1] =	stream.indirect.gather [hbm4b:s1+s23], $0x80, s10, s23, $0xb8;
	[tilespmem:$0x1E180] =	vst v63  }
0xa5: {  	_ = 	snop  }
0xa6: {  	[tilespmem:s24], [sflag:$0x3] =	stream.indirect.gather [hbm4b:s1+s23], $0x80, s23, s23, $0xb8;
	[tilespmem:$0x1E180] =	vst v63  }
0xa7: {  	_ =	swait.ge [sflag:s20], $0x2000  }
0xa8: {  	[sflag:s20] =	ssyncset.done $0x0  }
0xa9: {  	[sflag:s20] =	ssyncadd.s32 $0xFFFFE000  }
0xaa: {  	_ =	swait.ge [sflag:s25], $0x2000  }
0xab: {  	[sflag:s25] =	ssyncset.done $0x0  }
0xac: {  	[sflag:s25] =	ssyncadd.s32 $0xFFFFE000  }
0xad: {  	[spmem:s3] =	stream.indirect.scatter.add.f32 [tilespmem:s19], [sflag:$0x5], $0x80, s18, s26, $0xb8;
	[tilespmem:$0x1E180] =	vst v63  }
0xae: {  	_ = 	snop  }
0xaf: {  	[tilespmem:s28], [sflag:$0x2] =	stream.indirect.gather [hbm4b:s1+s23], $0x80, s26, s23, $0xb8;
	[tilespmem:$0x1E180] =	vst v63  }
0xb0: {  	_ = 	snop  }
0xb1: {  	[tilespmem:s30], [sflag:$0x4] =	stream.indirect.gather [hbm4b:s1+s23], $0x80, s29, s23, $0xb8;
	[tilespmem:$0x1E180] =	vst v63  }
0xb2: {  	_ =	swait.ge [sflag:s21], $0x2000  }
0xb3: {  	[sflag:s21] =	ssyncset.done $0x0  }
0xb4: {  	[sflag:s21] =	ssyncadd.s32 $0xFFFFE000  }
0xb5: {  	_ =	swait.ge [sflag:s31], $0x2000  }
0xb6: {  	[sflag:s31] =	ssyncset.done $0x0  }
0xb7: {  	s11 =	simm.s32 $0x1480;
	[sflag:s31] =	ssyncadd.s32 $0xFFFFE000  }
0xb8: {  	[spmem:s3] =	stream.indirect.scatter.add.f32 [tilespmem:s28], [sflag:$0x6], $0x80, s11, s26, $0xb8;
	[tilespmem:$0x1E180] =	vst v63  }
0xb9: {  	_ =	swait.ge [sflag:s0], $0x4000  }
0xba: {  	[sflag:s0] =	ssyncset.done $0x0  }
0xbb: {  	s8 =	simm.s32 $0x100;
	[sflag:s0] =	ssyncadd.s32 $0xFFFFC000  }
0xbc: {  	[tilespmem:s19], [sflag:$0x1] =	stream.indirect.gather [hbm4b:s1+s23], $0x80, s8, s23, $0xb8;
	[tilespmem:$0x1E180] =	vst v63  }
0xbd: {  	s9 =	simm.s32 $0x140  }
0xbe: {  	[tilespmem:s24], [sflag:$0x3] =	stream.indirect.gather [hbm4b:s1+s23], $0x80, s9, s23, $0xb8;
	[tilespmem:$0x1E180] =	vst v63  }
0xbf: {  	_ =	swait.ge [sflag:s20], $0x2000  }
0xc0: {  	[sflag:s20] =	ssyncset.done $0x0  }
0xc1: {  	[sflag:s20] =	ssyncadd.s32 $0xFFFFE000  }
0xc2: {  	_ =	swait.ge [sflag:s25], $0x2000  }
0xc3: {  	[sflag:s25] =	ssyncset.done $0x0  }
0xc4: {  	s10 =	simm.s32 $0x1500;
	[sflag:s25] =	ssyncadd.s32 $0xFFFFE000  }
0xc5: {  	[spmem:s3] =	stream.indirect.scatter.add.f32 [tilespmem:s19], [sflag:$0x5], $0x80, s10, s26, $0xb8;
	[tilespmem:$0x1E180] =	vst v63  }
0xc6: {  	_ =	swait.ge [sflag:s2], $0x4000  }
0xc7: {  	s7 =	simm.s32 $0x400;
	[sflag:s2] =	ssyncset.done $0x0  }
0xc8: {  	s11 =	simm.s32 $0x180;
	s8 =	simm.s32 $0x1C0;
	[sflag:s2] =	ssyncadd.s32 $0xFFFFC000  }
0xc9: {  	[tilespmem:s28], [sflag:$0x2] =	stream.indirect.gather [hbm4b:s1+s23], $0x80, s11, s23, $0xb8;
	[tilespmem:$0x1E180] =	vst v63  }
.LBB2_6:
0xca: {  	[tilespmem:s30], [sflag:$0x4] =	stream.indirect.gather [hbm4b:s1+s23], $0x80, s8, s23, $0xb8;
	[tilespmem:$0x1E180] =	vst v63  }
0xcb: {  	s8 =	smov.u32 s7  }
0xcc: {  	p1 =	sne.s32 s7, $0x4400;
	s7 =	sadd.s32 $0x400, s7;
	_ =	swait.ge [sflag:s21], $0x2000  }
0xcd: {  	[sflag:s21] =	ssyncset.done $0x0  }
0xce: {  	[sflag:s21] =	ssyncadd.s32 $0xFFFFE000  }
0xcf: {  	_ =	swait.ge [sflag:s31], $0x2000  }
0xd0: {  	s8 =	sshra.s32 s8, $0x2;
	[sflag:s31] =	ssyncset.done $0x0  }
0xd1: {  	s9 =	sadd.s32 $0x1480, s8;
	[sflag:s31] =	ssyncadd.s32 $0xFFFFE000  }
0xd2: {  	[spmem:s3] =	stream.indirect.scatter.add.f32 [tilespmem:s28], [sflag:$0x6], $0x80, s9, s26, $0xb8;
	[tilespmem:$0x1E180] =	vst v63  }
0xd3: {  	_ =	swait.ge [sflag:s0], $0x4000  }
0xd4: {  	[sflag:s0] =	ssyncset.done $0x0  }
0xd5: {  	s9 =	sadd.s32 $0x100, s8;
	[sflag:s0] =	ssyncadd.s32 $0xFFFFC000  }
0xd6: {  	[tilespmem:s19], [sflag:$0x1] =	stream.indirect.gather [hbm4b:s1+s23], $0x80, s9, s23, $0xb8;
	[tilespmem:$0x1E180] =	vst v63  }
0xd7: {  	s9 =	sadd.s32 $0x140, s8  }
0xd8: {  	[tilespmem:s24], [sflag:$0x3] =	stream.indirect.gather [hbm4b:s1+s23], $0x80, s9, s23, $0xb8;
	[tilespmem:$0x1E180] =	vst v63  }
0xd9: {  	_ =	swait.ge [sflag:s20], $0x2000  }
0xda: {  	[sflag:s20] =	ssyncset.done $0x0  }
0xdb: {  	[sflag:s20] =	ssyncadd.s32 $0xFFFFE000  }
0xdc: {  	_ =	swait.ge [sflag:s25], $0x2000  }
0xdd: {  	[sflag:s25] =	ssyncset.done $0x0  }
0xde: {  	s9 =	sadd.s32 $0x1500, s8;
	[sflag:s25] =	ssyncadd.s32 $0xFFFFE000  }
0xdf: {  	[spmem:s3] =	stream.indirect.scatter.add.f32 [tilespmem:s19], [sflag:$0x5], $0x80, s9, s26, $0xb8;
	[tilespmem:$0x1E180] =	vst v63  }
.Ltmp2:
0xe0: {  	_ =	swait.ge [sflag:s2], $0x4000;
	(pc) =	sbr.rel @p1 .LBB2_6-.Ltmp2, $4  }
0xe1: {  	[sflag:s2] =	ssyncset.done $0x0  }
0xe2: {  	s9 =	sadd.s32 $0x180, s8;
	[sflag:s2] =	ssyncadd.s32 $0xFFFFC000  }
0xe3: {  	[tilespmem:s28], [sflag:$0x2] =	stream.indirect.gather [hbm4b:s1+s23], $0x80, s9, s23, $0xb8;
	[tilespmem:$0x1E180] =	vst v63  }
0xe4: {  	s8 =	sadd.s32 $0x1C0, s8  }
0xe5: {  	[tilespmem:s30], [sflag:$0x4] =	stream.indirect.gather [hbm4b:s1+s23], $0x80, s8, s23, $0xb8;
	[tilespmem:$0x1E180] =	vst v63  }
0xe6: {  	_ =	swait.ge [sflag:s21], $0x2000  }
0xe7: {  	[sflag:s21] =	ssyncset.done $0x0  }
0xe8: {  	[sflag:s21] =	ssyncadd.s32 $0xFFFFE000  }
0xe9: {  	_ =	swait.ge [sflag:s31], $0x2000  }
0xea: {  	[sflag:s31] =	ssyncset.done $0x0  }
0xeb: {  	s7 =	simm.s32 $0x2680;
	[sflag:s31] =	ssyncadd.s32 $0xFFFFE000  }
0xec: {  	[spmem:s3] =	stream.indirect.scatter.add.f32 [tilespmem:s28], [sflag:$0x6], $0x80, s7, s26, $0xb8;
	[tilespmem:$0x1E180] =	vst v63  }
0xed: {  	_ =	swait.ge [sflag:s0], $0x4000  }
0xee: {  	[sflag:s0] =	ssyncset.done $0x0  }
0xef: {  	[sflag:s0] =	ssyncadd.s32 $0xFFFFC000  }
0xf0: {  	_ =	swait.ge [sflag:s2], $0x4000  }
0xf1: {  	s8 =	simm.s32 @!p0 $0xA800;
	[sflag:s2] =	ssyncset.done $0x0  }
0xf2: {  	s9 =	simm.s32 @!p0 $0x8;
	s7 =	simm.s32 @!p0 $0x0;
	[sflag:s2] =	ssyncadd.s32 $0xFFFFC000  }
0xf3: {  	[tilespmem:s8], [sflag:$0x8] =	stream.linear.gather @!p0 [hbm4b:s14+s7], $0x80, $0x38;
	[tilespmem:$0x1E180] =	vst v63  }
0xf4: {  	_ =	swait.ge @!p0 [sflag:s9], $0x80  }
0xf5: {  	[sflag:s9] =	ssyncset.done @!p0 $0x0  }
0xf6: {  	s10 =	simm.s32 @!p0 $0xA880;
	[sflag:s9] =	ssyncadd.s32 @!p0 $0xFFFFFF80  }
0xf7: {  	[tilespmem:s10], [sflag:$0x8] =	stream.linear.gather @!p0 [hbm4b:s15+s7], $0x80, $0x38;
	[tilespmem:$0x1E180] =	vst v63  }
0xf8: {  	_ =	swait.ge @!p0 [sflag:s9], $0x80  }
0xf9: {  	[sflag:s9] =	ssyncset.done @!p0 $0x0  }
0xfa: {  	s11 =	simm.s32 @!p0 $0x2800;
	s7 =	simm.s32 @!p0 $0x80;
	[sflag:s9] =	ssyncadd.s32 @!p0 $0xFFFFFF80  }
0xfb: {  	[tilespmem:s11], [sflag:$0x1] =	stream.indirect.gather @!p0 [hbm4b:s1+s7], $0x80, s8, s7, $0xb8;
	[tilespmem:$0x1E180] =	vst v63  }
0xfc: {  	s8 =	simm.s32 @!p0 $0x1  }
0xfd: {  	_ =	swait.ge @!p0 [sflag:s8], $0x4000  }
0xfe: {  	[sflag:s8] =	ssyncset.done @!p0 $0x0  }
0xff: {  	[sflag:s8] =	ssyncadd.s32 @!p0 $0xFFFFC000  }
0x100: {  	[spmem:s3] =	stream.indirect.scatter.add.f32 @!p0 [tilespmem:s11], [sflag:$0x8], $0x80, s10, s7, $0xb8;
	[tilespmem:$0x1E180] =	vst v63  }
0x101: {  	s6 =	sadd.s32 $0x1, s6;
	_ =	swait.ge @!p0 [sflag:s9], $0x4000  }
0x102: {  	p1 =	sne.s32 s6, s17;
	s10 =	stileid.u32;
	[sflag:s9] =	ssyncset.done @!p0 $0x0  }
0x103: {  	s11 =	sshrl.u32 s5, $0x3;
	s7 =	sshll.u32 s10, $0x6;
	[sflag:s9] =	ssyncadd.s32 @!p0 $0xFFFFC000  }
.Ltmp3:
0x104: {  	s7 =	sor.u32 $0x1C08, s7;
	[bflag:$0x0] =	sbarrier.arrive $0xFFFF;
	(pc) =	sbr.rel @p1 .LBB2_1-.Ltmp3, $4  }
0x105: {  	[hbm:s16], [sflag:s7] =	dma.local [spmem:s11], $0x2800  }
0x106: {  	_ =	swait.ge [sflag:s4], $0x2800  }
0x107: {  	[sflag:s4] =	ssyncset.done $0x0  }
0x108: {  	[sflag:s4] =	ssyncadd.s32 $0xFFFFD800  }
0x109: {  	_ =	sfence.sel $0x180000  }
0x10a: {  	[bflag:$0x0] =	sbarrier.arrive $0xFFFF  }
0x10b: {  	_ =	strace $0x9000004A  }
0x10c: {  	s0 =	stileid.u32;
	[bflag:$0x2] =	sbarrier.arrive $0xFFFF  }
0x10d: {  	p0 =	sne.s32 s0, $0x0;
	s0 =	rddreg [dreg:$0x4]  }
0x10e: {  	s0 =	sadd.s32 @!p0 $0x100000, s0  }
0x10f: {  	[sflag:s0] =	ssyncadd.tile.s32 @!p0 $0x1;
	_ =	shalt  }
.Lfunc_end2:
_tile_overlayer_lowered:
.L_overlay_start_2:
0x110: {  	(tag) =	ssettag $0x2  }
0x111: {  	s0 =	rddreg [dreg:$0x0];
	s2 =	stileid.u32  }
0x112: {  	s1 =	rddreg [dreg:$0x1];
	p0 =	sne.s32 s2, $0x0  }
0x113: {  	s3 =	rddreg [dreg:$0x2];
	[bflag:$0x3] =	sbarrier.arrive $0xFFFF;
	s2 =	simm.s32 @!p0 $0x1C08  }
0x114: {  	[timem:s3], [sflag:s2] =	dma.local @!p0 [hbm:s0], s1  }
0x115: {  	s0 =	simm.s32 @!p0 $0x8  }
0x116: {  	_ =	swait.ge @!p0 [sflag:s0], s1  }
0x117: {  	s1 =	ssub.s32 @!p0 $0x0, s1;
	[sflag:s0] =	ssyncset.done @!p0 $0x0  }
0x118: {  	[sflag:s0] =	ssyncadd.s32 @!p0 s1  }
0x119: {  	[bflag:$0x3] =	sbarrier.arrive $0xFFFF  }
0x11a: {  	_ =	shalt  }

// kernel: kernel.18.cloned.1.call-start
scs
__scs_entry_jumppad:
0x0: {  	(pc) =	sbr.rel $0x88, $3  }
0x1: {  	(tag) =	ssettag $0x0;
	lr =	simm.s32 $0x1  }
0x2: {  	[smem:$0x3F96] =	sst lr;
	_ =	strace $0xD0000000  }
0x3: {  	_ = 	snop  }
0x4: {  	_ = 	snop  }
0x5: {  	_ = 	snop  }
0x6: {  	_ = 	snop  }
0x7: {  	_ = 	snop  }
__scs_overlays_trampoline_lowered:
0x8: {  	[smem:$0x3FA5] =	sst s0  }
0x9: {  	[smem:$0x3FA6] =	sst s1  }
0xa: {  	[smem:$0x3FA7] =	sst s2  }
0xb: {  	[smem:$0x3FA8] =	sst s3  }
0xc: {  	[smem:$0x3FA9] =	sst s4  }
0xd: {  	[smem:$0x3FAA] =	sst s5  }
0xe: {  	[smem:$0x3FAB] =	sst s6  }
0xf: {  	[smem:$0x3FAC] =	sst s7  }
0x10: {  	[smem:$0x3FAD] =	sst s8  }
0x11: {  	[smem:$0x3FAE] =	sst s9;
	s0 =	simm.s32 @!p0 $0x0  }
0x12: {  	s1 =	sld [smem:$0x3F94];
	s0 =	simm.s32 @p0 $0x1  }
0x13: {  	[smem:$0x3FAF] =	sst s0;
	s0 =	simm.s32 @!p1 $0x0  }
0x14: {  	s2 =	sld [smem:$0x3F93];
	s0 =	simm.s32 @p1 $0x1  }
0x15: {  	[smem:$0x3FB0] =	sst s0;
	s0 =	simm.s32 @!p2 $0x0  }
0x16: {  	s3 =	sld [smem:$0x3FDB];
	s0 =	simm.s32 @p2 $0x1  }
0x17: {  	s4 =	simm.s32 $0x1BF5;
	[smem:$0x3FB2] =	sst s0  }
0x18: {  	s0 =	sld [smem:$0x3F95];
	_ =	swait.ge [sflag:s4], $0x0  }
0x19: {  	s7 =	sld [smem:$0x3F96]  }
0x1a: {  	s8 =	sadd.s32 $0xFFFFE003, lr  }
0x1b: {  	s9 =	sadd.s32 $0xFFFFFEF7, lr;
	s5 =	simm.s32 $0xFFFFFFFF;
	p2 =	slt.u32 s8, $0xFFFFF086  }
0x1c: {  	p1 =	slt.u32 s9, $0xF7A;
	s5 =	simm.s32 @!p2 $0x0  }
0x1d: {  	s5 =	simm.s32 @p1 $0x1;
	p0 =	seq.s32 s7, s2  }
0x1e: {  	s7 =	smul.u32 @!p0 $0xF7A, s2;
	p2 =	seq.s32 @!p0 s5, $0x0  }
0x1f: {  	s9 =	smul.u32 $0xF7A, s1;
	s8 =	simm.s32 @!p0 $0x1BF5;
	p2 =	por !p2, p0  }
0x20: {  	[sflag:s8] =	ssyncset.s32 @!p0 $0xFFFFF086;
	s6 =	sadd.s32 @!p0 s3, s7;
	s7 =	simm.s32 @!p0 $0x108  }
0x21: {  	s3 =	sadd.s32 s3, s9;
	s6 =	sadd.s32 @!p0 $0x88, s6;
	s7 =	simm.s32 @p2 $0x1082  }
0x22: {  	[simem:s7], [sflag:s8] =	dma.local @!p0 [hbm:s6], $0xF7A  }
0x23: {  	s9 =	sor.u32 $0xD0000000, s2;
	s6 =	simm.s32 $0x108;
	_ =	swait.ge @!p0 [sflag:s8], $0x0  }
0x24: {  	s3 =	sadd.s32 $0x88, s3;
	s6 =	simm.s32 @!p1 $0x1082;
	[sflag:s4] =	ssyncset.s32 $0xFFFFF086  }
0x25: {  	[simem:s6], [sflag:s4] =	dma.local [hbm:s3], $0xF7A  }
0x26: {  	[smem:$0x3F96] =	sst s1;
	(tag) =	ssettag s2;
	_ =	strace s9  }
0x27: {  	s1 =	sld [smem:$0x3FA6]  }
0x28: {  	s2 =	sld [smem:$0x3FA7]  }
0x29: {  	s4 =	sld [smem:$0x3FA9]  }
0x2a: {  	p0 =	seq.s32 s5, $0x0;
	s5 =	sld [smem:$0x3FAA]  }
0x2b: {  	s6 =	sld [smem:$0x3FAB]  }
0x2c: {  	s7 =	sld [smem:$0x3FAC]  }
0x2d: {  	s3 =	simm.s32 $0x108;
	s8 =	sld [smem:$0x3FAD]  }
0x2e: {  	s3 =	simm.s32 @!p0 $0x1082;
	s9 =	sld [smem:$0x3FAE]  }
0x2f: {  	lr =	sadd.s32 s0, s3;
	s0 =	sld [smem:$0x3FA5]  }
0x30: {  	s3 =	sld [smem:$0x3FA8]  }
0x31: {  	[smem:$0x3FB1] =	sst s10  }
0x32: {  	s10 =	sld [smem:$0x3FAF];
	_ =	sdelay $0x3  }
0x33: {  	p0 =	seq.s32 s10, $0x1;
	s10 =	sld [smem:$0x3FB1];
	_ =	sdelay $0x3  }
0x34: {  	[smem:$0x3FB1] =	sst s10  }
0x35: {  	s10 =	sld [smem:$0x3FB0];
	_ =	sdelay $0x3  }
0x36: {  	p1 =	seq.s32 s10, $0x1;
	s10 =	sld [smem:$0x3FB1];
	_ =	sdelay $0x3  }
0x37: {  	[smem:$0x3FB1] =	sst s10  }
0x38: {  	s10 =	sld [smem:$0x3FB2]  }
0x39: {  	_ = 	snop;
	(pc) =	sbr.ind lr, $3  }
0x3a: {  	_ = 	snop  }
0x3b: {  	_ = 	snop  }
0x3c: {  	p2 =	seq.s32 s10, $0x1;
	s10 =	sld [smem:$0x3FB1]  }
0x3d: {  	_ =	shalt  }
0x3e: {  	_ =	shalt  }
0x3f: {  	_ =	shalt  }
0x40: {  	_ =	shalt  }
0x41: {  	_ =	shalt  }
0x42: {  	_ =	shalt  }
0x43: {  	_ =	shalt  }
0x44: {  	_ =	shalt  }
0x45: {  	_ =	shalt  }
0x46: {  	_ =	shalt  }
0x47: {  	_ =	shalt  }
0x48: {  	_ =	shalt  }
0x49: {  	_ =	shalt  }
0x4a: {  	_ =	shalt  }
0x4b: {  	_ =	shalt  }
0x4c: {  	_ =	shalt  }
0x4d: {  	_ =	shalt  }
0x4e: {  	_ =	shalt  }
0x4f: {  	_ =	shalt  }
0x50: {  	_ =	shalt  }
0x51: {  	_ =	shalt  }
0x52: {  	_ =	shalt  }
0x53: {  	_ =	shalt  }
0x54: {  	_ =	shalt  }
0x55: {  	_ =	shalt  }
0x56: {  	_ =	shalt  }
0x57: {  	_ =	shalt  }
0x58: {  	_ =	shalt  }
0x59: {  	_ =	shalt  }
0x5a: {  	_ =	shalt  }
0x5b: {  	_ =	shalt  }
0x5c: {  	_ =	shalt  }
0x5d: {  	_ =	shalt  }
0x5e: {  	_ =	shalt  }
0x5f: {  	_ =	shalt  }
0x60: {  	_ =	shalt  }
0x61: {  	_ =	shalt  }
0x62: {  	_ =	shalt  }
0x63: {  	_ =	shalt  }
0x64: {  	_ =	shalt  }
0x65: {  	_ =	shalt  }
0x66: {  	_ =	shalt  }
0x67: {  	_ =	shalt  }
0x68: {  	_ =	shalt  }
0x69: {  	_ =	shalt  }
0x6a: {  	_ =	shalt  }
0x6b: {  	_ =	shalt  }
0x6c: {  	_ =	shalt  }
0x6d: {  	_ =	shalt  }
0x6e: {  	_ =	shalt  }
0x6f: {  	_ =	shalt  }
0x70: {  	_ =	shalt  }
0x71: {  	_ =	shalt  }
0x72: {  	_ =	shalt  }
0x73: {  	_ =	shalt  }
0x74: {  	_ =	shalt  }
0x75: {  	_ =	shalt  }
0x76: {  	_ =	shalt  }
0x77: {  	_ =	shalt  }
0x78: {  	_ =	shalt  }
0x79: {  	_ =	shalt  }
0x7a: {  	_ =	shalt  }
0x7b: {  	_ =	shalt  }
0x7c: {  	_ =	shalt  }
0x7d: {  	_ =	shalt  }
0x7e: {  	_ =	shalt  }
0x7f: {  	_ =	shalt  }
0x80: {  	_ =	shalt  }
0x81: {  	_ =	shalt  }
0x82: {  	_ =	shalt  }
0x83: {  	_ =	shalt  }
0x84: {  	_ =	shalt  }
0x85: {  	_ =	shalt  }
0x86: {  	_ =	shalt  }
0x87: {  	_ =	shalt  }
.Lfunc_end0:
.L_simem_size_0:
called_computation.2_lowered:
.L_overlay_start_0:
0x88: {  	s2 =	sld [smem:$0x3FD9]  }
0x89: {  	s3 =	sld [smem:$0x3FFE];
	_ =	sdelay $0x1  }
0x8a: {  	s1 =	srdreg.scid  }
0x8b: {  	s0 =	sand.u32 $0x1, s1  }
0x8c: {  	s17 =	sshll.u32 s0, $0xA;
	s2 =	sadd.s32 s3, s2  }
0x8d: {  	s2 =	sadd.s32 s2, s17  }
0x8e: {  	[smem:$0x3FBD] =	sst s2  }
0x8f: {  	_ = 	snop  }
0x90: {  	s2 =	sld [smem:$0x3FD0];
	(tm) =	ssettm $0x1  }
0x91: {  	s18 =	sld [smem:$0x3FFB];
	_ =	sdelay $0x3  }
0x92: {  	_ =	strace s18  }
0x93: {  	s3 =	sld [smem:$0x3FFC];
	_ =	sdelay $0x3  }
0x94: {  	_ =	strace s3  }
0x95: {  	s3 =	sld [smem:$0x3FFD];
	_ =	sdelay $0x3  }
0x96: {  	_ =	strace s3  }
0x97: {  	_ =	strace $0x8FFFFFFF  }
0x98: {  	s19 =	sld [smem:$0x3FDB];
	_ =	sdelay $0x1  }
0x99: {  	s4 =	simm.s32 $_scs_section_size  }
0x9a: {  	s5 =	simm.s32 $_size__tile_overlayer_lowered;
	s6 =	simm.s32 $_tile_overlayer_lowered  }
0x9b: {  	s22 =	simm.s32 $0x1BFF;
	s21 =	sshll.u32 s6, $0x1;
	s3 =	sadd.s32 s4, s19  }
0x9c: {  	s7 =	simm.s32 $0x0;
	s20 =	sshll.u32 s5, $0x1;
	s5 =	sadd.s32 s21, s3  }
0x9d: {  	[timem:s7], [sflag:s22] =	dma.local [hbm:s5], s20  }
0x9e: {  	_ =	swait.ge [sflag:s22], s20  }
0x9f: {  	s4 =	ssub.s32 $0x0, s20;
	[sflag:s22] =	ssyncset.done $0x0  }
0xa0: {  	[sflag:s22] =	ssyncadd.s32 s4;
	_ =	sdelay $0x1  }
0xa1: {  	s23 =	simm.s32 $0x1B8B  }
0xa2: {  	_ =	swait.ge [sflag:s23], $0x1  }
0xa3: {  	[sflag:s23] =	ssyncset.done $0x0  }
0xa4: {  	s25 =	simm.s32 $0x1B8E;
	s24 =	sld [smem:$0x3FFE];
	[sflag:s23] =	ssyncadd.s32 $0xFFFFFFFF  }
0xa5: {  	s26 =	simm.s32 $execute0_lowered;
	[smem:$0x3FD2] =	sst s25  }
0xa6: {  	s5 =	sshll.u32 s26, $0x1;
	_ =	strace $0x8000004C;
	[dreg:$0x1] =	wrdreg $0xFFFFFFFF  }
0xa7: {  	s28 =	simm.s32 $_size_execute0_lowered;
	s3 =	sadd.s32 s3, s5;
	[dreg:$0x0] =	wrdreg $0x0  }
0xa8: {  	s5 =	sshll.u32 s28, $0x1;
	[dreg:$0x2] =	wrdreg s3  }
0xa9: {  	[dreg:$0x3] =	wrdreg s5  }
0xaa: {  	[dreg:$0x4] =	wrdreg $0xC0  }
0xab: {  	_ =	task [dreg:s7], $0x5FFFF  }
0xac: {  	[dreg:$0x1] =	wrdreg $0xFFFFFFFF  }
0xad: {  	[dreg:$0x0] =	wrdreg $0x60  }
0xae: {  	[dreg:$0x2] =	wrdreg s24  }
0xaf: {  	[dreg:$0x3] =	wrdreg s2  }
0xb0: {  	[dreg:$0x4] =	wrdreg $0xA9000  }
0xb1: {  	[dreg:$0x5] =	wrdreg $0x9  }
0xb2: {  	_ =	task.clear_ibuf [dreg:s7], $0x6FFFF;
	_ =	strace $0x9000004C  }
0xb3: {  	s29 =	simm.s32 $0x9;
	_ =	strace $0x8000004E  }
0xb4: {  	_ =	swait.ge [sflag:s29], $0x1  }
0xb5: {  	[sflag:s29] =	ssyncadd.s32 $0xFFFFFFFF  }
0xb6: {  	_ =	strace $0x9000004E  }
0xb7: {  	_ =	sfence  }
0xb8: {  	s30 =	sld [smem:$0x0];
	_ =	sdelay $0x2  }
0xb9: {  	s31 =	sshll.u32 s1, $0xD;
	s1 =	sshrl.u32 s1, $0x2  }
0xba: {  	s3 =	sand.u32 $0x4000, s31;
	s1 =	sadd.s32 s1, s30  }
0xbb: {  	s0 =	sor.u32 s3, s0;
	s1 =	sshll.u32 s1, $0x11  }
0xbc: {  	s0 =	sor.u32 s1, s0  }
0xbd: {  	s0 =	sadd.s32 $0x8F2B, s0  }
0xbe: {  	[sflag:s0] =	ssyncadd.remote.s32 $0x1  }
0xbf: {  	_ =	sfence.sel $0xFFFF  }
0xc0: {  	[dreg:$0x0] =	wrdreg $0xFFFFFFFF;
	(pc) =	sbr.abs _section_cstart, $3  }
0xc1: {  	[dreg:$0x1] =	wrdreg $0xFFFFFFFF  }
0xc2: {  	_ =	task.clear_ibuf [dreg:s7], $0x2FFFF;
	_ =	strace $0x9FFFFFFF  }
0xc3: {  	(tm) =	ssettm $0x7FFFFFFF  }
tec
execute0_lowered:
.L_overlay_start_1:
0x0: {  	(tag) =	ssettag $0x1  }
0x1: {  	s0 =	rddreg [dreg:$0x0]  }
0x2: {  	s1 =	rddreg [dreg:$0x1]  }
0x3: {  	s2 =	rddreg [dreg:$0x2];
	s3 =	srdreg.scid;
	s4 =	simm.s32 $0x0  }
0x4: {  	s10 =	stileid.u32;
	s28 =	simm.s32 $0x6800;
	s29 =	simm.s32 $0xC0  }
0x5: {  	s30 =	simm.s32 $0x8800;
	s31 =	simm.s32 $0x4;
	s3 =	sand.u32 $0x1, s3  }
0x6: {  	[smem:$0x7FF] =	sst s4;
	s18 =	sshll.u32 s10, $0x1;
	s7 =	smul.u32 $0x13800, s10  }
0x7: {  	s4 =	sadd.s32 $0x1FE00, s0;
	s8 =	sadd.s32 $0x15E00, s0;
	s19 =	smul.u32 $0x4E000, s10  }
0x8: {  	p0 =	sgt.u32 s10, $0x1;
	s5 =	smul.u32 $0x138800, s3;
	_ =	strace $0x8000004D  }
0x9: {  	s6 =	sor.u32 s3, s18;
	s3 =	ssub.s32 $0x2, s3;
	s18 =	simm.s32 $0x1400  }
0xa: {  	s9 =	sshll.u32 s6, $0x4;
	s6 =	smul.u32 $0x2800, s6;
	s20 =	sshrl.u32 s3, $0x1  }
0xb: {  	s15 =	sadd.s32 s9, s0;
	s5 =	sadd.s32 s7, s5;
	s7 =	sshrl.u32 s19, $0x2  }
0xc: {  	s3 =	ssub.s32 s3, s20;
	s19 =	simm.s32 $0x2800;
	s20 =	simm.s32 $0x1  }
0xd: {  	s5 =	sshrl.u32 s5, $0x3;
	s6 =	sshrl.u32 s6, $0x3;
	s14 =	sadd.s32 $0x15C00, s15  }
0xe: {  	s15 =	sadd.s32 $0xBE00, s15;
	s17 =	smax.u32 s3, $0x1;
	s3 =	simm.s32 $0x8  }
0xf: {  	s0 =	sadd.s32 s5, s0;
	s5 =	sadd.s32 s7, s2;
	s21 =	sadd.s32 s1, s6  }
0x10: {  	s22 =	sadd.s32 s8, s6;
	s6 =	sadd.s32 $0x280, s6;
	[dreg:$0x4] =	wrdreg s21  }
0x11: {  	[dreg:$0x5] =	wrdreg s22;
	s23 =	sadd.s32 $0x4000, s5;
	s24 =	sadd.s32 $0x8000, s5  }
0x12: {  	s25 =	sadd.s32 $0xC000, s5;
	s26 =	sadd.s32 $0x10000, s5;
	s12 =	sadd.s32 s1, s6  }
0x13: {  	s13 =	sadd.s32 s8, s6;
	s16 =	sadd.s32 $0x47000, s0;
	[dreg:$0x6] =	wrdreg s23  }
0x14: {  	s21 =	simm.s32 $0x2;
	s22 =	simm.s32 $0x7;
	[dreg:$0x7] =	wrdreg s24  }
0x15: {  	s0 =	simm.s32 $0x5;
	s1 =	simm.s32 $0x6;
	[dreg:$0x8] =	wrdreg s25  }
0x16: {  	s6 =	simm.s32 $0x0;
	[dreg:$0x9] =	wrdreg s26;
	s23 =	simm.s32 $0x40  }
0x17: {  	v0 =	vimm.f32 $0.0e+00;
	s24 =	simm.s32 $0x4800;
	s25 =	simm.s32 $0x3;
	s26 =	simm.s32 $0x80  }
.LBB2_1:
0x18: {  	s7 =	simm.s32 $0x0;
	s8 =	rddreg [dreg:$0x4]  }
0x19: {  	[tilespmem:s7], [sflag:$0x7] =	stream.linear.gather [hbm4b:s8+s7], $0x1400, $0x38;
	[tilespmem:$0x1E180] =	vst v63  }
0x1a: {  	s11 =	rddreg [dreg:$0x5]  }
0x1b: {  	[tilespmem:s18], [sflag:$0x7] =	stream.linear.gather [hbm4b:s11+s7], $0x1400, $0x38;
	[tilespmem:$0x1E180] =	vst v63  }
0x1c: {  	s8 =	simm.s32 $0x200;
	s7 =	simm.s32 $0x0  }
.LBB2_2:
0x1d: {  	p1 =	sne.s32 s8, $0xFE00;
	[tilespmem:s7+$0x2870] =	vst v0  }
0x1e: {  	[tilespmem:s7+$0x2800] =	vst v0  }
0x1f: {  	[tilespmem:s7+$0x2810] =	vst v0  }
.Ltmp0:
0x20: {  	[tilespmem:s7+$0x2820] =	vst v0;
	(pc) =	sbr.rel @p1 .LBB2_2-.Ltmp0, $4  }
0x21: {  	[tilespmem:s7+$0x2830] =	vst v0  }
0x22: {  	[tilespmem:s7+$0x2840] =	vst v0  }
0x23: {  	[tilespmem:s7+$0x2850] =	vst v0  }
0x24: {  	[tilespmem:s7+$0x2860] =	vst v0;
	s7 =	sshra.s32 s8, $0x2;
	s8 =	sadd.s32 $0x200, s8  }
0x25: {  	[tilespmem:s7+$0x2870] =	vst v0  }
0x26: {  	[tilespmem:s7+$0x2800] =	vst v0  }
0x27: {  	[tilespmem:s7+$0x2810] =	vst v0  }
0x28: {  	[tilespmem:s7+$0x2820] =	vst v0  }
0x29: {  	[tilespmem:s7+$0x2830] =	vst v0  }
0x2a: {  	[tilespmem:s7+$0x2840] =	vst v0  }
0x2b: {  	[tilespmem:s7+$0x2850] =	vst v0  }
0x2c: {  	[tilespmem:s7+$0x2860] =	vst v0  }
0x2d: {  	[spmem:s5] =	stream.linear.scatter [tilespmem:s19], [sflag:$0x1], $0x4000, $0x38;
	[tilespmem:$0x1E180] =	vst v63  }
0x2e: {  	s10 =	rddreg [dreg:$0x6]  }
0x2f: {  	[spmem:s10] =	stream.linear.scatter [tilespmem:s19], [sflag:$0x2], $0x4000, $0x38;
	[tilespmem:$0x1E180] =	vst v63  }
0x30: {  	s11 =	rddreg [dreg:$0x7]  }
0x31: {  	[spmem:s11] =	stream.linear.scatter [tilespmem:s19], [sflag:$0x1], $0x4000, $0x38;
	[tilespmem:$0x1E180] =	vst v63  }
0x32: {  	s8 =	rddreg [dreg:$0x8]  }
0x33: {  	[spmem:s8] =	stream.linear.scatter [tilespmem:s19], [sflag:$0x2], $0x4000, $0x38;
	[tilespmem:$0x1E180] =	vst v63  }
0x34: {  	s9 =	rddreg [dreg:$0x9]  }
0x35: {  	[spmem:s9] =	stream.linear.scatter [tilespmem:s19], [sflag:$0x1], $0x4000, $0x38;
	[tilespmem:$0x1E180] =	vst v63  }
0x36: {  	_ =	swait.ge [sflag:s20], $0x4000  }
0x37: {  	[sflag:s20] =	ssyncset.done $0x0  }
0x38: {  	[sflag:s20] =	ssyncadd.s32 $0xFFFFC000  }
0x39: {  	_ =	swait.ge [sflag:s21], $0x4000  }
0x3a: {  	[sflag:s21] =	ssyncset.done $0x0  }
0x3b: {  	[sflag:s21] =	ssyncadd.s32 $0xFFFFC000  }
0x3c: {  	_ =	swait.ge [sflag:s20], $0x4000  }
0x3d: {  	[sflag:s20] =	ssyncset.done $0x0  }
0x3e: {  	[sflag:s20] =	ssyncadd.s32 $0xFFFFC000  }
0x3f: {  	_ =	swait.ge [sflag:s21], $0x4000  }
0x40: {  	[sflag:s21] =	ssyncset.done $0x0  }
0x41: {  	[sflag:s21] =	ssyncadd.s32 $0xFFFFC000  }
0x42: {  	_ =	swait.ge [sflag:s20], $0x4000  }
0x43: {  	[sflag:s20] =	ssyncset.done $0x0  }
0x44: {  	[sflag:s20] =	ssyncadd.s32 $0xFFFFC000  }
0x45: {  	[bflag:$0x0] =	sbarrier.arrive $0xFFFF  }
0x46: {  	_ =	swait.ge [sflag:s22], $0x1400  }
0x47: {  	[sflag:s22] =	ssyncset.done $0x0  }
0x48: {  	[sflag:s22] =	ssyncadd.s32 $0xFFFFEC00  }
0x49: {  	_ =	swait.ge [sflag:s22], $0x1400  }
0x4a: {  	[sflag:s22] =	ssyncset.done $0x0  }
0x4b: {  	s10 =	simm.s32 $0x0;
	[sflag:s22] =	ssyncadd.s32 $0xFFFFEC00  }
0x4c: {  	[tilespmem:s19], [sflag:$0x1] =	stream.indirect.gather [hbm4b:s4+s23], $0x80, s10, s23, $0xb8;
	[tilespmem:$0x1E180] =	vst v63  }
0x4d: {  	_ = 	snop  }
0x4e: {  	[tilespmem:s24], [sflag:$0x3] =	stream.indirect.gather [hbm4b:s4+s23], $0x80, s23, s23, $0xb8;
	[tilespmem:$0x1E180] =	vst v63  }
0x4f: {  	_ =	swait.ge [sflag:s20], $0x2000  }
0x50: {  	[sflag:s20] =	ssyncset.done $0x0  }
0x51: {  	[sflag:s20] =	ssyncadd.s32 $0xFFFFE000  }
0x52: {  	_ =	swait.ge [sflag:s25], $0x2000  }
0x53: {  	[sflag:s25] =	ssyncset.done $0x0  }
0x54: {  	[sflag:s25] =	ssyncadd.s32 $0xFFFFE000  }
0x55: {  	[spmem:s2] =	stream.indirect.scatter.add.f32 [tilespmem:s19], [sflag:$0x5], $0x80, s18, s26, $0xb8;
	[tilespmem:$0x1E180] =	vst v63  }
0x56: {  	_ = 	snop  }
0x57: {  	[tilespmem:s28], [sflag:$0x2] =	stream.indirect.gather [hbm4b:s4+s23], $0x80, s26, s23, $0xb8;
	[tilespmem:$0x1E180] =	vst v63  }
0x58: {  	_ = 	snop  }
0x59: {  	[tilespmem:s30], [sflag:$0x4] =	stream.indirect.gather [hbm4b:s4+s23], $0x80, s29, s23, $0xb8;
	[tilespmem:$0x1E180] =	vst v63  }
0x5a: {  	_ =	swait.ge [sflag:s21], $0x2000  }
0x5b: {  	[sflag:s21] =	ssyncset.done $0x0  }
0x5c: {  	[sflag:s21] =	ssyncadd.s32 $0xFFFFE000  }
0x5d: {  	_ =	swait.ge [sflag:s31], $0x2000  }
0x5e: {  	[sflag:s31] =	ssyncset.done $0x0  }
0x5f: {  	s11 =	simm.s32 $0x1480;
	[sflag:s31] =	ssyncadd.s32 $0xFFFFE000  }
0x60: {  	[spmem:s2] =	stream.indirect.scatter.add.f32 [tilespmem:s28], [sflag:$0x6], $0x80, s11, s26, $0xb8;
	[tilespmem:$0x1E180] =	vst v63  }
0x61: {  	_ =	swait.ge [sflag:s0], $0x4000  }
0x62: {  	[sflag:s0] =	ssyncset.done $0x0  }
0x63: {  	s8 =	simm.s32 $0x100;
	[sflag:s0] =	ssyncadd.s32 $0xFFFFC000  }
0x64: {  	[tilespmem:s19], [sflag:$0x1] =	stream.indirect.gather [hbm4b:s4+s23], $0x80, s8, s23, $0xb8;
	[tilespmem:$0x1E180] =	vst v63  }
0x65: {  	s9 =	simm.s32 $0x140  }
0x66: {  	[tilespmem:s24], [sflag:$0x3] =	stream.indirect.gather [hbm4b:s4+s23], $0x80, s9, s23, $0xb8;
	[tilespmem:$0x1E180] =	vst v63  }
0x67: {  	_ =	swait.ge [sflag:s20], $0x2000  }
0x68: {  	[sflag:s20] =	ssyncset.done $0x0  }
0x69: {  	[sflag:s20] =	ssyncadd.s32 $0xFFFFE000  }
0x6a: {  	_ =	swait.ge [sflag:s25], $0x2000  }
0x6b: {  	[sflag:s25] =	ssyncset.done $0x0  }
0x6c: {  	s10 =	simm.s32 $0x1500;
	[sflag:s25] =	ssyncadd.s32 $0xFFFFE000  }
0x6d: {  	[spmem:s2] =	stream.indirect.scatter.add.f32 [tilespmem:s19], [sflag:$0x5], $0x80, s10, s26, $0xb8;
	[tilespmem:$0x1E180] =	vst v63  }
0x6e: {  	_ =	swait.ge [sflag:s1], $0x4000  }
0x6f: {  	s7 =	simm.s32 $0x400;
	[sflag:s1] =	ssyncset.done $0x0  }
0x70: {  	s11 =	simm.s32 $0x180;
	s8 =	simm.s32 $0x1C0;
	[sflag:s1] =	ssyncadd.s32 $0xFFFFC000  }
0x71: {  	[tilespmem:s28], [sflag:$0x2] =	stream.indirect.gather [hbm4b:s4+s23], $0x80, s11, s23, $0xb8;
	[tilespmem:$0x1E180] =	vst v63  }
.LBB2_4:
0x72: {  	[tilespmem:s30], [sflag:$0x4] =	stream.indirect.gather [hbm4b:s4+s23], $0x80, s8, s23, $0xb8;
	[tilespmem:$0x1E180] =	vst v63  }
0x73: {  	s8 =	smov.u32 s7  }
0x74: {  	p1 =	sne.s32 s7, $0x4800;
	s7 =	sadd.s32 $0x400, s7;
	_ =	swait.ge [sflag:s21], $0x2000  }
0x75: {  	[sflag:s21] =	ssyncset.done $0x0  }
0x76: {  	[sflag:s21] =	ssyncadd.s32 $0xFFFFE000  }
0x77: {  	_ =	swait.ge [sflag:s31], $0x2000  }
0x78: {  	s8 =	sshra.s32 s8, $0x2;
	[sflag:s31] =	ssyncset.done $0x0  }
0x79: {  	s9 =	sadd.s32 $0x1480, s8;
	[sflag:s31] =	ssyncadd.s32 $0xFFFFE000  }
0x7a: {  	[spmem:s2] =	stream.indirect.scatter.add.f32 [tilespmem:s28], [sflag:$0x6], $0x80, s9, s26, $0xb8;
	[tilespmem:$0x1E180] =	vst v63  }
0x7b: {  	_ =	swait.ge [sflag:s0], $0x4000  }
0x7c: {  	[sflag:s0] =	ssyncset.done $0x0  }
0x7d: {  	s9 =	sadd.s32 $0x100, s8;
	[sflag:s0] =	ssyncadd.s32 $0xFFFFC000  }
0x7e: {  	[tilespmem:s19], [sflag:$0x1] =	stream.indirect.gather [hbm4b:s4+s23], $0x80, s9, s23, $0xb8;
	[tilespmem:$0x1E180] =	vst v63  }
0x7f: {  	s9 =	sadd.s32 $0x140, s8  }
0x80: {  	[tilespmem:s24], [sflag:$0x3] =	stream.indirect.gather [hbm4b:s4+s23], $0x80, s9, s23, $0xb8;
	[tilespmem:$0x1E180] =	vst v63  }
0x81: {  	_ =	swait.ge [sflag:s20], $0x2000  }
0x82: {  	[sflag:s20] =	ssyncset.done $0x0  }
0x83: {  	[sflag:s20] =	ssyncadd.s32 $0xFFFFE000  }
0x84: {  	_ =	swait.ge [sflag:s25], $0x2000  }
0x85: {  	[sflag:s25] =	ssyncset.done $0x0  }
0x86: {  	s9 =	sadd.s32 $0x1500, s8;
	[sflag:s25] =	ssyncadd.s32 $0xFFFFE000  }
0x87: {  	[spmem:s2] =	stream.indirect.scatter.add.f32 [tilespmem:s19], [sflag:$0x5], $0x80, s9, s26, $0xb8;
	[tilespmem:$0x1E180] =	vst v63  }
.Ltmp1:
0x88: {  	_ =	swait.ge [sflag:s1], $0x4000;
	(pc) =	sbr.rel @p1 .LBB2_4-.Ltmp1, $4  }
0x89: {  	[sflag:s1] =	ssyncset.done $0x0  }
0x8a: {  	s9 =	sadd.s32 $0x180, s8;
	[sflag:s1] =	ssyncadd.s32 $0xFFFFC000  }
0x8b: {  	[tilespmem:s28], [sflag:$0x2] =	stream.indirect.gather [hbm4b:s4+s23], $0x80, s9, s23, $0xb8;
	[tilespmem:$0x1E180] =	vst v63  }
0x8c: {  	s8 =	sadd.s32 $0x1C0, s8  }
0x8d: {  	[tilespmem:s30], [sflag:$0x4] =	stream.indirect.gather [hbm4b:s4+s23], $0x80, s8, s23, $0xb8;
	[tilespmem:$0x1E180] =	vst v63  }
0x8e: {  	_ =	swait.ge [sflag:s21], $0x2000  }
0x8f: {  	[sflag:s21] =	ssyncset.done $0x0  }
0x90: {  	[sflag:s21] =	ssyncadd.s32 $0xFFFFE000  }
0x91: {  	_ =	swait.ge [sflag:s31], $0x2000  }
0x92: {  	[sflag:s31] =	ssyncset.done $0x0  }
0x93: {  	s7 =	simm.s32 $0x2780;
	[sflag:s31] =	ssyncadd.s32 $0xFFFFE000  }
0x94: {  	[spmem:s2] =	stream.indirect.scatter.add.f32 [tilespmem:s28], [sflag:$0x6], $0x80, s7, s26, $0xb8;
	[tilespmem:$0x1E180] =	vst v63  }
0x95: {  	_ =	swait.ge [sflag:s0], $0x4000  }
0x96: {  	[sflag:s0] =	ssyncset.done $0x0  }
0x97: {  	[sflag:s0] =	ssyncadd.s32 $0xFFFFC000  }
0x98: {  	_ =	swait.ge [sflag:s1], $0x4000  }
0x99: {  	[sflag:s1] =	ssyncset.done $0x0  }
0x9a: {  	s10 =	simm.s32 $0x0;
	[sflag:s1] =	ssyncadd.s32 $0xFFFFC000  }
0x9b: {  	[tilespmem:s10], [sflag:$0x8] =	stream.linear.gather [hbm4b:s12+s10], $0x1300, $0x38;
	[tilespmem:$0x1E180] =	vst v63  }
0x9c: {  	_ =	swait.ge [sflag:s3], $0x1300  }
0x9d: {  	[sflag:s3] =	ssyncset.done $0x0  }
0x9e: {  	[sflag:s3] =	ssyncadd.s32 $0xFFFFED00  }
0x9f: {  	[tilespmem:s18], [sflag:$0x8] =	stream.linear.gather [hbm4b:s13+s10], $0x1300, $0x38;
	[tilespmem:$0x1E180] =	vst v63  }
0xa0: {  	_ =	swait.ge [sflag:s3], $0x1300  }
0xa1: {  	[sflag:s3] =	ssyncset.done $0x0  }
0xa2: {  	[sflag:s3] =	ssyncadd.s32 $0xFFFFED00  }
0xa3: {  	[tilespmem:s19], [sflag:$0x1] =	stream.indirect.gather [hbm4b:s4+s23], $0x80, s10, s23, $0xb8;
	[tilespmem:$0x1E180] =	vst v63  }
0xa4: {  	_ = 	snop  }
0xa5: {  	[tilespmem:s24], [sflag:$0x3] =	stream.indirect.gather [hbm4b:s4+s23], $0x80, s23, s23, $0xb8;
	[tilespmem:$0x1E180] =	vst v63  }
0xa6: {  	_ =	swait.ge [sflag:s20], $0x2000  }
0xa7: {  	[sflag:s20] =	ssyncset.done $0x0  }
0xa8: {  	[sflag:s20] =	ssyncadd.s32 $0xFFFFE000  }
0xa9: {  	_ =	swait.ge [sflag:s25], $0x2000  }
0xaa: {  	[sflag:s25] =	ssyncset.done $0x0  }
0xab: {  	[sflag:s25] =	ssyncadd.s32 $0xFFFFE000  }
0xac: {  	[spmem:s2] =	stream.indirect.scatter.add.f32 [tilespmem:s19], [sflag:$0x5], $0x80, s18, s26, $0xb8;
	[tilespmem:$0x1E180] =	vst v63  }
0xad: {  	_ = 	snop  }
0xae: {  	[tilespmem:s28], [sflag:$0x2] =	stream.indirect.gather [hbm4b:s4+s23], $0x80, s26, s23, $0xb8;
	[tilespmem:$0x1E180] =	vst v63  }
0xaf: {  	_ = 	snop  }
0xb0: {  	[tilespmem:s30], [sflag:$0x4] =	stream.indirect.gather [hbm4b:s4+s23], $0x80, s29, s23, $0xb8;
	[tilespmem:$0x1E180] =	vst v63  }
0xb1: {  	_ =	swait.ge [sflag:s21], $0x2000  }
0xb2: {  	[sflag:s21] =	ssyncset.done $0x0  }
0xb3: {  	[sflag:s21] =	ssyncadd.s32 $0xFFFFE000  }
0xb4: {  	_ =	swait.ge [sflag:s31], $0x2000  }
0xb5: {  	[sflag:s31] =	ssyncset.done $0x0  }
0xb6: {  	s11 =	simm.s32 $0x1480;
	[sflag:s31] =	ssyncadd.s32 $0xFFFFE000  }
0xb7: {  	[spmem:s2] =	stream.indirect.scatter.add.f32 [tilespmem:s28], [sflag:$0x6], $0x80, s11, s26, $0xb8;
	[tilespmem:$0x1E180] =	vst v63  }
0xb8: {  	_ =	swait.ge [sflag:s0], $0x4000  }
0xb9: {  	[sflag:s0] =	ssyncset.done $0x0  }
0xba: {  	s8 =	simm.s32 $0x100;
	[sflag:s0] =	ssyncadd.s32 $0xFFFFC000  }
0xbb: {  	[tilespmem:s19], [sflag:$0x1] =	stream.indirect.gather [hbm4b:s4+s23], $0x80, s8, s23, $0xb8;
	[tilespmem:$0x1E180] =	vst v63  }
0xbc: {  	s9 =	simm.s32 $0x140  }
0xbd: {  	[tilespmem:s24], [sflag:$0x3] =	stream.indirect.gather [hbm4b:s4+s23], $0x80, s9, s23, $0xb8;
	[tilespmem:$0x1E180] =	vst v63  }
0xbe: {  	_ =	swait.ge [sflag:s20], $0x2000  }
0xbf: {  	[sflag:s20] =	ssyncset.done $0x0  }
0xc0: {  	[sflag:s20] =	ssyncadd.s32 $0xFFFFE000  }
0xc1: {  	_ =	swait.ge [sflag:s25], $0x2000  }
0xc2: {  	[sflag:s25] =	ssyncset.done $0x0  }
0xc3: {  	s10 =	simm.s32 $0x1500;
	[sflag:s25] =	ssyncadd.s32 $0xFFFFE000  }
0xc4: {  	[spmem:s2] =	stream.indirect.scatter.add.f32 [tilespmem:s19], [sflag:$0x5], $0x80, s10, s26, $0xb8;
	[tilespmem:$0x1E180] =	vst v63  }
0xc5: {  	_ =	swait.ge [sflag:s1], $0x4000  }
0xc6: {  	s7 =	simm.s32 $0x400;
	[sflag:s1] =	ssyncset.done $0x0  }
0xc7: {  	s11 =	simm.s32 $0x180;
	s8 =	simm.s32 $0x1C0;
	[sflag:s1] =	ssyncadd.s32 $0xFFFFC000  }
0xc8: {  	[tilespmem:s28], [sflag:$0x2] =	stream.indirect.gather [hbm4b:s4+s23], $0x80, s11, s23, $0xb8;
	[tilespmem:$0x1E180] =	vst v63  }
.LBB2_6:
0xc9: {  	[tilespmem:s30], [sflag:$0x4] =	stream.indirect.gather [hbm4b:s4+s23], $0x80, s8, s23, $0xb8;
	[tilespmem:$0x1E180] =	vst v63  }
0xca: {  	s8 =	smov.u32 s7  }
0xcb: {  	p1 =	sne.s32 s7, $0x4400;
	s7 =	sadd.s32 $0x400, s7;
	_ =	swait.ge [sflag:s21], $0x2000  }
0xcc: {  	[sflag:s21] =	ssyncset.done $0x0  }
0xcd: {  	[sflag:s21] =	ssyncadd.s32 $0xFFFFE000  }
0xce: {  	_ =	swait.ge [sflag:s31], $0x2000  }
0xcf: {  	s8 =	sshra.s32 s8, $0x2;
	[sflag:s31] =	ssyncset.done $0x0  }
0xd0: {  	s9 =	sadd.s32 $0x1480, s8;
	[sflag:s31] =	ssyncadd.s32 $0xFFFFE000  }
0xd1: {  	[spmem:s2] =	stream.indirect.scatter.add.f32 [tilespmem:s28], [sflag:$0x6], $0x80, s9, s26, $0xb8;
	[tilespmem:$0x1E180] =	vst v63  }
0xd2: {  	_ =	swait.ge [sflag:s0], $0x4000  }
0xd3: {  	[sflag:s0] =	ssyncset.done $0x0  }
0xd4: {  	s9 =	sadd.s32 $0x100, s8;
	[sflag:s0] =	ssyncadd.s32 $0xFFFFC000  }
0xd5: {  	[tilespmem:s19], [sflag:$0x1] =	stream.indirect.gather [hbm4b:s4+s23], $0x80, s9, s23, $0xb8;
	[tilespmem:$0x1E180] =	vst v63  }
0xd6: {  	s9 =	sadd.s32 $0x140, s8  }
0xd7: {  	[tilespmem:s24], [sflag:$0x3] =	stream.indirect.gather [hbm4b:s4+s23], $0x80, s9, s23, $0xb8;
	[tilespmem:$0x1E180] =	vst v63  }
0xd8: {  	_ =	swait.ge [sflag:s20], $0x2000  }
0xd9: {  	[sflag:s20] =	ssyncset.done $0x0  }
0xda: {  	[sflag:s20] =	ssyncadd.s32 $0xFFFFE000  }
0xdb: {  	_ =	swait.ge [sflag:s25], $0x2000  }
0xdc: {  	[sflag:s25] =	ssyncset.done $0x0  }
0xdd: {  	s9 =	sadd.s32 $0x1500, s8;
	[sflag:s25] =	ssyncadd.s32 $0xFFFFE000  }
0xde: {  	[spmem:s2] =	stream.indirect.scatter.add.f32 [tilespmem:s19], [sflag:$0x5], $0x80, s9, s26, $0xb8;
	[tilespmem:$0x1E180] =	vst v63  }
.Ltmp2:
0xdf: {  	_ =	swait.ge [sflag:s1], $0x4000;
	(pc) =	sbr.rel @p1 .LBB2_6-.Ltmp2, $4  }
0xe0: {  	[sflag:s1] =	ssyncset.done $0x0  }
0xe1: {  	s9 =	sadd.s32 $0x180, s8;
	[sflag:s1] =	ssyncadd.s32 $0xFFFFC000  }
0xe2: {  	[tilespmem:s28], [sflag:$0x2] =	stream.indirect.gather [hbm4b:s4+s23], $0x80, s9, s23, $0xb8;
	[tilespmem:$0x1E180] =	vst v63  }
0xe3: {  	s8 =	sadd.s32 $0x1C0, s8  }
0xe4: {  	[tilespmem:s30], [sflag:$0x4] =	stream.indirect.gather [hbm4b:s4+s23], $0x80, s8, s23, $0xb8;
	[tilespmem:$0x1E180] =	vst v63  }
0xe5: {  	_ =	swait.ge [sflag:s21], $0x2000  }
0xe6: {  	[sflag:s21] =	ssyncset.done $0x0  }
0xe7: {  	[sflag:s21] =	ssyncadd.s32 $0xFFFFE000  }
0xe8: {  	_ =	swait.ge [sflag:s31], $0x2000  }
0xe9: {  	[sflag:s31] =	ssyncset.done $0x0  }
0xea: {  	s7 =	simm.s32 $0x2680;
	[sflag:s31] =	ssyncadd.s32 $0xFFFFE000  }
0xeb: {  	[spmem:s2] =	stream.indirect.scatter.add.f32 [tilespmem:s28], [sflag:$0x6], $0x80, s7, s26, $0xb8;
	[tilespmem:$0x1E180] =	vst v63  }
0xec: {  	_ =	swait.ge [sflag:s0], $0x4000  }
0xed: {  	[sflag:s0] =	ssyncset.done $0x0  }
0xee: {  	[sflag:s0] =	ssyncadd.s32 $0xFFFFC000  }
0xef: {  	_ =	swait.ge [sflag:s1], $0x4000  }
0xf0: {  	s8 =	simm.s32 @!p0 $0xA800;
	[sflag:s1] =	ssyncset.done $0x0  }
0xf1: {  	s9 =	simm.s32 @!p0 $0x8;
	s7 =	simm.s32 @!p0 $0x0;
	[sflag:s1] =	ssyncadd.s32 $0xFFFFC000  }
0xf2: {  	[tilespmem:s8], [sflag:$0x8] =	stream.linear.gather @!p0 [hbm4b:s14+s7], $0x80, $0x38;
	[tilespmem:$0x1E180] =	vst v63  }
0xf3: {  	_ =	swait.ge @!p0 [sflag:s9], $0x80  }
0xf4: {  	[sflag:s9] =	ssyncset.done @!p0 $0x0  }
0xf5: {  	s10 =	simm.s32 @!p0 $0xA880;
	[sflag:s9] =	ssyncadd.s32 @!p0 $0xFFFFFF80  }
0xf6: {  	[tilespmem:s10], [sflag:$0x8] =	stream.linear.gather @!p0 [hbm4b:s15+s7], $0x80, $0x38;
	[tilespmem:$0x1E180] =	vst v63  }
0xf7: {  	_ =	swait.ge @!p0 [sflag:s9], $0x80  }
0xf8: {  	[sflag:s9] =	ssyncset.done @!p0 $0x0  }
0xf9: {  	s11 =	simm.s32 @!p0 $0x2800;
	s7 =	simm.s32 @!p0 $0x80;
	[sflag:s9] =	ssyncadd.s32 @!p0 $0xFFFFFF80  }
0xfa: {  	[tilespmem:s11], [sflag:$0x1] =	stream.indirect.gather @!p0 [hbm4b:s4+s7], $0x80, s8, s7, $0xb8;
	[tilespmem:$0x1E180] =	vst v63  }
0xfb: {  	s8 =	simm.s32 @!p0 $0x1  }
0xfc: {  	_ =	swait.ge @!p0 [sflag:s8], $0x4000  }
0xfd: {  	[sflag:s8] =	ssyncset.done @!p0 $0x0  }
0xfe: {  	[sflag:s8] =	ssyncadd.s32 @!p0 $0xFFFFC000  }
0xff: {  	[spmem:s2] =	stream.indirect.scatter.add.f32 @!p0 [tilespmem:s11], [sflag:$0x8], $0x80, s10, s7, $0xb8;
	[tilespmem:$0x1E180] =	vst v63  }
0x100: {  	s6 =	sadd.s32 $0x1, s6;
	_ =	swait.ge @!p0 [sflag:s9], $0x4000  }
0x101: {  	p1 =	sne.s32 s6, s17;
	s10 =	stileid.u32;
	[sflag:s9] =	ssyncset.done @!p0 $0x0  }
0x102: {  	s11 =	sshrl.u32 s5, $0x3;
	s7 =	sshll.u32 s10, $0x6;
	[sflag:s9] =	ssyncadd.s32 @!p0 $0xFFFFC000  }
.Ltmp3:
0x103: {  	s7 =	sor.u32 $0x1C08, s7;
	[bflag:$0x0] =	sbarrier.arrive $0xFFFF;
	(pc) =	sbr.rel @p1 .LBB2_1-.Ltmp3, $4  }
0x104: {  	[hbm:s16], [sflag:s7] =	dma.local [spmem:s11], $0x2800  }
0x105: {  	_ =	swait.ge [sflag:s3], $0x2800  }
0x106: {  	[sflag:s3] =	ssyncset.done $0x0  }
0x107: {  	[sflag:s3] =	ssyncadd.s32 $0xFFFFD800  }
0x108: {  	_ =	sfence.sel $0x180000  }
0x109: {  	[bflag:$0x0] =	sbarrier.arrive $0xFFFF  }
0x10a: {  	_ =	strace $0x9000004D  }
0x10b: {  	s0 =	stileid.u32;
	[bflag:$0x2] =	sbarrier.arrive $0xFFFF  }
0x10c: {  	p0 =	sne.s32 s0, $0x0;
	s0 =	rddreg [dreg:$0x3]  }
0x10d: {  	s0 =	sadd.s32 @!p0 $0x100000, s0  }
0x10e: {  	[sflag:s0] =	ssyncadd.tile.s32 @!p0 $0x1;
	_ =	shalt  }
.Lfunc_end2:
_tile_overlayer_lowered:
.L_overlay_start_2:
0x10f: {  	(tag) =	ssettag $0x2  }
0x110: {  	s0 =	rddreg [dreg:$0x0];
	s2 =	stileid.u32  }
0x111: {  	s1 =	rddreg [dreg:$0x1];
	p0 =	sne.s32 s2, $0x0  }
0x112: {  	s3 =	rddreg [dreg:$0x2];
	[bflag:$0x3] =	sbarrier.arrive $0xFFFF;
	s2 =	simm.s32 @!p0 $0x1C08  }
0x113: {  	[timem:s3], [sflag:s2] =	dma.local @!p0 [hbm:s0], s1  }
0x114: {  	s0 =	simm.s32 @!p0 $0x8  }
0x115: {  	_ =	swait.ge @!p0 [sflag:s0], s1  }
0x116: {  	s1 =	ssub.s32 @!p0 $0x0, s1;
	[sflag:s0] =	ssyncset.done @!p0 $0x0  }
0x117: {  	[sflag:s0] =	ssyncadd.s32 @!p0 s1  }
0x118: {  	[bflag:$0x3] =	sbarrier.arrive $0xFFFF  }
0x119: {  	_ =	shalt  }

// kernel: kernel.21.cloned.1.call-start
scs
__scs_entry_jumppad:
0x0: {  	(pc) =	sbr.rel $0x88, $3  }
0x1: {  	(tag) =	ssettag $0x0;
	lr =	simm.s32 $0x1  }
0x2: {  	[smem:$0x3F96] =	sst lr;
	_ =	strace $0xD0000000  }
0x3: {  	_ = 	snop  }
0x4: {  	_ = 	snop  }
0x5: {  	_ = 	snop  }
0x6: {  	_ = 	snop  }
0x7: {  	_ = 	snop  }
__scs_overlays_trampoline_lowered:
0x8: {  	[smem:$0x3FA5] =	sst s0  }
0x9: {  	[smem:$0x3FA6] =	sst s1  }
0xa: {  	[smem:$0x3FA7] =	sst s2  }
0xb: {  	[smem:$0x3FA8] =	sst s3  }
0xc: {  	[smem:$0x3FA9] =	sst s4  }
0xd: {  	[smem:$0x3FAA] =	sst s5  }
0xe: {  	[smem:$0x3FAB] =	sst s6  }
0xf: {  	[smem:$0x3FAC] =	sst s7  }
0x10: {  	[smem:$0x3FAD] =	sst s8  }
0x11: {  	[smem:$0x3FAE] =	sst s9;
	s0 =	simm.s32 @!p0 $0x0  }
0x12: {  	s1 =	sld [smem:$0x3F94];
	s0 =	simm.s32 @p0 $0x1  }
0x13: {  	[smem:$0x3FAF] =	sst s0;
	s0 =	simm.s32 @!p1 $0x0  }
0x14: {  	s2 =	sld [smem:$0x3F93];
	s0 =	simm.s32 @p1 $0x1  }
0x15: {  	[smem:$0x3FB0] =	sst s0;
	s0 =	simm.s32 @!p2 $0x0  }
0x16: {  	s3 =	sld [smem:$0x3FDB];
	s0 =	simm.s32 @p2 $0x1  }
0x17: {  	s4 =	simm.s32 $0x1BF5;
	[smem:$0x3FB2] =	sst s0  }
0x18: {  	s0 =	sld [smem:$0x3F95];
	_ =	swait.ge [sflag:s4], $0x0  }
0x19: {  	s7 =	sld [smem:$0x3F96]  }
0x1a: {  	s8 =	sadd.s32 $0xFFFFE003, lr  }
0x1b: {  	s9 =	sadd.s32 $0xFFFFFEF7, lr;
	s5 =	simm.s32 $0xFFFFFFFF;
	p2 =	slt.u32 s8, $0xFFFFF086  }
0x1c: {  	p1 =	slt.u32 s9, $0xF7A;
	s5 =	simm.s32 @!p2 $0x0  }
0x1d: {  	s5 =	simm.s32 @p1 $0x1;
	p0 =	seq.s32 s7, s2  }
0x1e: {  	s7 =	smul.u32 @!p0 $0xF7A, s2;
	p2 =	seq.s32 @!p0 s5, $0x0  }
0x1f: {  	s9 =	smul.u32 $0xF7A, s1;
	s8 =	simm.s32 @!p0 $0x1BF5;
	p2 =	por !p2, p0  }
0x20: {  	[sflag:s8] =	ssyncset.s32 @!p0 $0xFFFFF086;
	s6 =	sadd.s32 @!p0 s3, s7;
	s7 =	simm.s32 @!p0 $0x108  }
0x21: {  	s3 =	sadd.s32 s3, s9;
	s6 =	sadd.s32 @!p0 $0x88, s6;
	s7 =	simm.s32 @p2 $0x1082  }
0x22: {  	[simem:s7], [sflag:s8] =	dma.local @!p0 [hbm:s6], $0xF7A  }
0x23: {  	s9 =	sor.u32 $0xD0000000, s2;
	s6 =	simm.s32 $0x108;
	_ =	swait.ge @!p0 [sflag:s8], $0x0  }
0x24: {  	s3 =	sadd.s32 $0x88, s3;
	s6 =	simm.s32 @!p1 $0x1082;
	[sflag:s4] =	ssyncset.s32 $0xFFFFF086  }
0x25: {  	[simem:s6], [sflag:s4] =	dma.local [hbm:s3], $0xF7A  }
0x26: {  	[smem:$0x3F96] =	sst s1;
	(tag) =	ssettag s2;
	_ =	strace s9  }
0x27: {  	s1 =	sld [smem:$0x3FA6]  }
0x28: {  	s2 =	sld [smem:$0x3FA7]  }
0x29: {  	s4 =	sld [smem:$0x3FA9]  }
0x2a: {  	p0 =	seq.s32 s5, $0x0;
	s5 =	sld [smem:$0x3FAA]  }
0x2b: {  	s6 =	sld [smem:$0x3FAB]  }
0x2c: {  	s7 =	sld [smem:$0x3FAC]  }
0x2d: {  	s3 =	simm.s32 $0x108;
	s8 =	sld [smem:$0x3FAD]  }
0x2e: {  	s3 =	simm.s32 @!p0 $0x1082;
	s9 =	sld [smem:$0x3FAE]  }
0x2f: {  	lr =	sadd.s32 s0, s3;
	s0 =	sld [smem:$0x3FA5]  }
0x30: {  	s3 =	sld [smem:$0x3FA8]  }
0x31: {  	[smem:$0x3FB1] =	sst s10  }
0x32: {  	s10 =	sld [smem:$0x3FAF];
	_ =	sdelay $0x3  }
0x33: {  	p0 =	seq.s32 s10, $0x1;
	s10 =	sld [smem:$0x3FB1];
	_ =	sdelay $0x3  }
0x34: {  	[smem:$0x3FB1] =	sst s10  }
0x35: {  	s10 =	sld [smem:$0x3FB0];
	_ =	sdelay $0x3  }
0x36: {  	p1 =	seq.s32 s10, $0x1;
	s10 =	sld [smem:$0x3FB1];
	_ =	sdelay $0x3  }
0x37: {  	[smem:$0x3FB1] =	sst s10  }
0x38: {  	s10 =	sld [smem:$0x3FB2]  }
0x39: {  	_ = 	snop;
	(pc) =	sbr.ind lr, $3  }
0x3a: {  	_ = 	snop  }
0x3b: {  	_ = 	snop  }
0x3c: {  	p2 =	seq.s32 s10, $0x1;
	s10 =	sld [smem:$0x3FB1]  }
0x3d: {  	_ =	shalt  }
0x3e: {  	_ =	shalt  }
0x3f: {  	_ =	shalt  }
0x40: {  	_ =	shalt  }
0x41: {  	_ =	shalt  }
0x42: {  	_ =	shalt  }
0x43: {  	_ =	shalt  }
0x44: {  	_ =	shalt  }
0x45: {  	_ =	shalt  }
0x46: {  	_ =	shalt  }
0x47: {  	_ =	shalt  }
0x48: {  	_ =	shalt  }
0x49: {  	_ =	shalt  }
0x4a: {  	_ =	shalt  }
0x4b: {  	_ =	shalt  }
0x4c: {  	_ =	shalt  }
0x4d: {  	_ =	shalt  }
0x4e: {  	_ =	shalt  }
0x4f: {  	_ =	shalt  }
0x50: {  	_ =	shalt  }
0x51: {  	_ =	shalt  }
0x52: {  	_ =	shalt  }
0x53: {  	_ =	shalt  }
0x54: {  	_ =	shalt  }
0x55: {  	_ =	shalt  }
0x56: {  	_ =	shalt  }
0x57: {  	_ =	shalt  }
0x58: {  	_ =	shalt  }
0x59: {  	_ =	shalt  }
0x5a: {  	_ =	shalt  }
0x5b: {  	_ =	shalt  }
0x5c: {  	_ =	shalt  }
0x5d: {  	_ =	shalt  }
0x5e: {  	_ =	shalt  }
0x5f: {  	_ =	shalt  }
0x60: {  	_ =	shalt  }
0x61: {  	_ =	shalt  }
0x62: {  	_ =	shalt  }
0x63: {  	_ =	shalt  }
0x64: {  	_ =	shalt  }
0x65: {  	_ =	shalt  }
0x66: {  	_ =	shalt  }
0x67: {  	_ =	shalt  }
0x68: {  	_ =	shalt  }
0x69: {  	_ =	shalt  }
0x6a: {  	_ =	shalt  }
0x6b: {  	_ =	shalt  }
0x6c: {  	_ =	shalt  }
0x6d: {  	_ =	shalt  }
0x6e: {  	_ =	shalt  }
0x6f: {  	_ =	shalt  }
0x70: {  	_ =	shalt  }
0x71: {  	_ =	shalt  }
0x72: {  	_ =	shalt  }
0x73: {  	_ =	shalt  }
0x74: {  	_ =	shalt  }
0x75: {  	_ =	shalt  }
0x76: {  	_ =	shalt  }
0x77: {  	_ =	shalt  }
0x78: {  	_ =	shalt  }
0x79: {  	_ =	shalt  }
0x7a: {  	_ =	shalt  }
0x7b: {  	_ =	shalt  }
0x7c: {  	_ =	shalt  }
0x7d: {  	_ =	shalt  }
0x7e: {  	_ =	shalt  }
0x7f: {  	_ =	shalt  }
0x80: {  	_ =	shalt  }
0x81: {  	_ =	shalt  }
0x82: {  	_ =	shalt  }
0x83: {  	_ =	shalt  }
0x84: {  	_ =	shalt  }
0x85: {  	_ =	shalt  }
0x86: {  	_ =	shalt  }
0x87: {  	_ =	shalt  }
.Lfunc_end0:
.L_simem_size_0:
called_computation.3_lowered:
.L_overlay_start_0:
0x88: {  	s2 =	sld [smem:$0x3FD9]  }
0x89: {  	s3 =	sld [smem:$0x3FFE];
	_ =	sdelay $0x1  }
0x8a: {  	s1 =	srdreg.scid  }
0x8b: {  	s0 =	sand.u32 $0x1, s1  }
0x8c: {  	s17 =	sshll.u32 s0, $0xA;
	s2 =	sadd.s32 s3, s2  }
0x8d: {  	s2 =	sadd.s32 s2, s17  }
0x8e: {  	[smem:$0x3FBD] =	sst s2  }
0x8f: {  	_ = 	snop  }
0x90: {  	s2 =	sld [smem:$0x3FD0];
	(tm) =	ssettm $0x1  }
0x91: {  	s18 =	sld [smem:$0x3FFB];
	_ =	sdelay $0x3  }
0x92: {  	_ =	strace s18  }
0x93: {  	s3 =	sld [smem:$0x3FFC];
	_ =	sdelay $0x3  }
0x94: {  	_ =	strace s3  }
0x95: {  	s3 =	sld [smem:$0x3FFD];
	_ =	sdelay $0x3  }
0x96: {  	_ =	strace s3  }
0x97: {  	_ =	strace $0x8FFFFFFF  }
0x98: {  	s19 =	sld [smem:$0x3FDB];
	_ =	sdelay $0x1  }
0x99: {  	s4 =	simm.s32 $_scs_section_size  }
0x9a: {  	s5 =	simm.s32 $_size__tile_overlayer_lowered;
	s6 =	simm.s32 $_tile_overlayer_lowered  }
0x9b: {  	s22 =	simm.s32 $0x1BFF;
	s21 =	sshll.u32 s6, $0x1;
	s3 =	sadd.s32 s4, s19  }
0x9c: {  	s7 =	simm.s32 $0x0;
	s20 =	sshll.u32 s5, $0x1;
	s5 =	sadd.s32 s21, s3  }
0x9d: {  	[timem:s7], [sflag:s22] =	dma.local [hbm:s5], s20  }
0x9e: {  	_ =	swait.ge [sflag:s22], s20  }
0x9f: {  	s4 =	ssub.s32 $0x0, s20;
	[sflag:s22] =	ssyncset.done $0x0  }
0xa0: {  	[sflag:s22] =	ssyncadd.s32 s4;
	_ =	sdelay $0x1  }
0xa1: {  	s23 =	simm.s32 $0x1B8B  }
0xa2: {  	_ =	swait.ge [sflag:s23], $0x1  }
0xa3: {  	[sflag:s23] =	ssyncset.done $0x0  }
0xa4: {  	s25 =	simm.s32 $0x1B8E;
	s24 =	sld [smem:$0x3FFE];
	[sflag:s23] =	ssyncadd.s32 $0xFFFFFFFF  }
0xa5: {  	s26 =	simm.s32 $execute0_lowered;
	[smem:$0x3FD2] =	sst s25  }
0xa6: {  	s5 =	sshll.u32 s26, $0x1;
	_ =	strace $0x8000004F;
	[dreg:$0x1] =	wrdreg $0xFFFFFFFF  }
0xa7: {  	s28 =	simm.s32 $_size_execute0_lowered;
	s3 =	sadd.s32 s3, s5;
	[dreg:$0x0] =	wrdreg $0x0  }
0xa8: {  	s5 =	sshll.u32 s28, $0x1;
	[dreg:$0x2] =	wrdreg s3  }
0xa9: {  	[dreg:$0x3] =	wrdreg s5  }
0xaa: {  	[dreg:$0x4] =	wrdreg $0xC0  }
0xab: {  	_ =	task [dreg:s7], $0x5FFFF  }
0xac: {  	[dreg:$0x1] =	wrdreg $0xFFFFFFFF  }
0xad: {  	[dreg:$0x0] =	wrdreg $0x60  }
0xae: {  	[dreg:$0x2] =	wrdreg s24  }
0xaf: {  	[dreg:$0x3] =	wrdreg s2  }
0xb0: {  	[dreg:$0x4] =	wrdreg $0xA9000  }
0xb1: {  	[dreg:$0x5] =	wrdreg $0x9  }
0xb2: {  	_ =	task.clear_ibuf [dreg:s7], $0x6FFFF;
	_ =	strace $0x9000004F  }
0xb3: {  	s29 =	simm.s32 $0x9;
	_ =	strace $0x80000051  }
0xb4: {  	_ =	swait.ge [sflag:s29], $0x1  }
0xb5: {  	[sflag:s29] =	ssyncadd.s32 $0xFFFFFFFF  }
0xb6: {  	_ =	strace $0x90000051  }
0xb7: {  	_ =	sfence  }
0xb8: {  	s30 =	sld [smem:$0x0];
	_ =	sdelay $0x2  }
0xb9: {  	s31 =	sshll.u32 s1, $0xD;
	s1 =	sshrl.u32 s1, $0x2  }
0xba: {  	s3 =	sand.u32 $0x4000, s31;
	s1 =	sadd.s32 s1, s30  }
0xbb: {  	s0 =	sor.u32 s3, s0;
	s1 =	sshll.u32 s1, $0x11  }
0xbc: {  	s0 =	sor.u32 s1, s0  }
0xbd: {  	s0 =	sadd.s32 $0x8F2B, s0  }
0xbe: {  	[sflag:s0] =	ssyncadd.remote.s32 $0x1  }
0xbf: {  	_ =	sfence.sel $0xFFFF  }
0xc0: {  	[dreg:$0x0] =	wrdreg $0xFFFFFFFF;
	(pc) =	sbr.abs _section_cstart, $3  }
0xc1: {  	[dreg:$0x1] =	wrdreg $0xFFFFFFFF  }
0xc2: {  	_ =	task.clear_ibuf [dreg:s7], $0x2FFFF;
	_ =	strace $0x9FFFFFFF  }
0xc3: {  	(tm) =	ssettm $0x7FFFFFFF  }
tec
execute0_lowered:
.L_overlay_start_1:
0x0: {  	(tag) =	ssettag $0x1  }
0x1: {  	s0 =	rddreg [dreg:$0x0]  }
0x2: {  	s1 =	rddreg [dreg:$0x1]  }
0x3: {  	s2 =	rddreg [dreg:$0x2];
	s3 =	srdreg.scid;
	s4 =	simm.s32 $0x0  }
0x4: {  	s10 =	stileid.u32;
	s28 =	simm.s32 $0x6800;
	s29 =	simm.s32 $0xC0  }
0x5: {  	s30 =	simm.s32 $0x8800;
	s31 =	simm.s32 $0x4;
	s3 =	sand.u32 $0x1, s3  }
0x6: {  	[smem:$0x7FF] =	sst s4;
	s18 =	sshll.u32 s10, $0x1;
	s7 =	smul.u32 $0x13800, s10  }
0x7: {  	s4 =	sadd.s32 $0x1FE00, s0;
	s8 =	sadd.s32 $0x15E00, s0;
	s19 =	smul.u32 $0x4E000, s10  }
0x8: {  	p0 =	sgt.u32 s10, $0x1;
	s5 =	smul.u32 $0x138800, s3;
	_ =	strace $0x80000050  }
0x9: {  	s6 =	sor.u32 s3, s18;
	s3 =	ssub.s32 $0x2, s3;
	s18 =	simm.s32 $0x1400  }
0xa: {  	s9 =	sshll.u32 s6, $0x4;
	s6 =	smul.u32 $0x2800, s6;
	s20 =	sshrl.u32 s3, $0x1  }
0xb: {  	s15 =	sadd.s32 s9, s0;
	s5 =	sadd.s32 s7, s5;
	s7 =	sshrl.u32 s19, $0x2  }
0xc: {  	s3 =	ssub.s32 s3, s20;
	s19 =	simm.s32 $0x2800;
	s20 =	simm.s32 $0x1  }
0xd: {  	s5 =	sshrl.u32 s5, $0x3;
	s6 =	sshrl.u32 s6, $0x3;
	s14 =	sadd.s32 $0x15C00, s15  }
0xe: {  	s15 =	sadd.s32 $0xBE00, s15;
	s17 =	smax.u32 s3, $0x1;
	s3 =	simm.s32 $0x8  }
0xf: {  	s0 =	sadd.s32 s5, s0;
	s5 =	sadd.s32 s7, s2;
	s21 =	sadd.s32 s1, s6  }
0x10: {  	s22 =	sadd.s32 s8, s6;
	s6 =	sadd.s32 $0x280, s6;
	[dreg:$0x4] =	wrdreg s21  }
0x11: {  	[dreg:$0x5] =	wrdreg s22;
	s23 =	sadd.s32 $0x4000, s5;
	s24 =	sadd.s32 $0x8000, s5  }
0x12: {  	s25 =	sadd.s32 $0xC000, s5;
	s26 =	sadd.s32 $0x10000, s5;
	s12 =	sadd.s32 s1, s6  }
0x13: {  	s13 =	sadd.s32 s8, s6;
	s16 =	sadd.s32 $0x47000, s0;
	[dreg:$0x6] =	wrdreg s23  }
0x14: {  	s21 =	simm.s32 $0x2;
	s22 =	simm.s32 $0x7;
	[dreg:$0x7] =	wrdreg s24  }
0x15: {  	s0 =	simm.s32 $0x5;
	s1 =	simm.s32 $0x6;
	[dreg:$0x8] =	wrdreg s25  }
0x16: {  	s6 =	simm.s32 $0x0;
	[dreg:$0x9] =	wrdreg s26;
	s23 =	simm.s32 $0x40  }
0x17: {  	v0 =	vimm.f32 $0.0e+00;
	s24 =	simm.s32 $0x4800;
	s25 =	simm.s32 $0x3;
	s26 =	simm.s32 $0x80  }
.LBB2_1:
0x18: {  	s7 =	simm.s32 $0x0;
	s8 =	rddreg [dreg:$0x4]  }
0x19: {  	[tilespmem:s7], [sflag:$0x7] =	stream.linear.gather [hbm4b:s8+s7], $0x1400, $0x38;
	[tilespmem:$0x1E180] =	vst v63  }
0x1a: {  	s11 =	rddreg [dreg:$0x5]  }
0x1b: {  	[tilespmem:s18], [sflag:$0x7] =	stream.linear.gather [hbm4b:s11+s7], $0x1400, $0x38;
	[tilespmem:$0x1E180] =	vst v63  }
0x1c: {  	s8 =	simm.s32 $0x200;
	s7 =	simm.s32 $0x0  }
.LBB2_2:
0x1d: {  	p1 =	sne.s32 s8, $0xFE00;
	[tilespmem:s7+$0x2870] =	vst v0  }
0x1e: {  	[tilespmem:s7+$0x2800] =	vst v0  }
0x1f: {  	[tilespmem:s7+$0x2810] =	vst v0  }
.Ltmp0:
0x20: {  	[tilespmem:s7+$0x2820] =	vst v0;
	(pc) =	sbr.rel @p1 .LBB2_2-.Ltmp0, $4  }
0x21: {  	[tilespmem:s7+$0x2830] =	vst v0  }
0x22: {  	[tilespmem:s7+$0x2840] =	vst v0  }
0x23: {  	[tilespmem:s7+$0x2850] =	vst v0  }
0x24: {  	[tilespmem:s7+$0x2860] =	vst v0;
	s7 =	sshra.s32 s8, $0x2;
	s8 =	sadd.s32 $0x200, s8  }
0x25: {  	[tilespmem:s7+$0x2870] =	vst v0  }
0x26: {  	[tilespmem:s7+$0x2800] =	vst v0  }
0x27: {  	[tilespmem:s7+$0x2810] =	vst v0  }
0x28: {  	[tilespmem:s7+$0x2820] =	vst v0  }
0x29: {  	[tilespmem:s7+$0x2830] =	vst v0  }
0x2a: {  	[tilespmem:s7+$0x2840] =	vst v0  }
0x2b: {  	[tilespmem:s7+$0x2850] =	vst v0  }
0x2c: {  	[tilespmem:s7+$0x2860] =	vst v0  }
0x2d: {  	[spmem:s5] =	stream.linear.scatter [tilespmem:s19], [sflag:$0x1], $0x4000, $0x38;
	[tilespmem:$0x1E180] =	vst v63  }
0x2e: {  	s10 =	rddreg [dreg:$0x6]  }
0x2f: {  	[spmem:s10] =	stream.linear.scatter [tilespmem:s19], [sflag:$0x2], $0x4000, $0x38;
	[tilespmem:$0x1E180] =	vst v63  }
0x30: {  	s11 =	rddreg [dreg:$0x7]  }
0x31: {  	[spmem:s11] =	stream.linear.scatter [tilespmem:s19], [sflag:$0x1], $0x4000, $0x38;
	[tilespmem:$0x1E180] =	vst v63  }
0x32: {  	s8 =	rddreg [dreg:$0x8]  }
0x33: {  	[spmem:s8] =	stream.linear.scatter [tilespmem:s19], [sflag:$0x2], $0x4000, $0x38;
	[tilespmem:$0x1E180] =	vst v63  }
0x34: {  	s9 =	rddreg [dreg:$0x9]  }
0x35: {  	[spmem:s9] =	stream.linear.scatter [tilespmem:s19], [sflag:$0x1], $0x4000, $0x38;
	[tilespmem:$0x1E180] =	vst v63  }
0x36: {  	_ =	swait.ge [sflag:s20], $0x4000  }
0x37: {  	[sflag:s20] =	ssyncset.done $0x0  }
0x38: {  	[sflag:s20] =	ssyncadd.s32 $0xFFFFC000  }
0x39: {  	_ =	swait.ge [sflag:s21], $0x4000  }
0x3a: {  	[sflag:s21] =	ssyncset.done $0x0  }
0x3b: {  	[sflag:s21] =	ssyncadd.s32 $0xFFFFC000  }
0x3c: {  	_ =	swait.ge [sflag:s20], $0x4000  }
0x3d: {  	[sflag:s20] =	ssyncset.done $0x0  }
0x3e: {  	[sflag:s20] =	ssyncadd.s32 $0xFFFFC000  }
0x3f: {  	_ =	swait.ge [sflag:s21], $0x4000  }
0x40: {  	[sflag:s21] =	ssyncset.done $0x0  }
0x41: {  	[sflag:s21] =	ssyncadd.s32 $0xFFFFC000  }
0x42: {  	_ =	swait.ge [sflag:s20], $0x4000  }
0x43: {  	[sflag:s20] =	ssyncset.done $0x0  }
0x44: {  	[sflag:s20] =	ssyncadd.s32 $0xFFFFC000  }
0x45: {  	[bflag:$0x0] =	sbarrier.arrive $0xFFFF  }
0x46: {  	_ =	swait.ge [sflag:s22], $0x1400  }
0x47: {  	[sflag:s22] =	ssyncset.done $0x0  }
0x48: {  	[sflag:s22] =	ssyncadd.s32 $0xFFFFEC00  }
0x49: {  	_ =	swait.ge [sflag:s22], $0x1400  }
0x4a: {  	[sflag:s22] =	ssyncset.done $0x0  }
0x4b: {  	s10 =	simm.s32 $0x0;
	[sflag:s22] =	ssyncadd.s32 $0xFFFFEC00  }
0x4c: {  	[tilespmem:s19], [sflag:$0x1] =	stream.indirect.gather [hbm4b:s4+s23], $0x80, s10, s23, $0xb8;
	[tilespmem:$0x1E180] =	vst v63  }
0x4d: {  	_ = 	snop  }
0x4e: {  	[tilespmem:s24], [sflag:$0x3] =	stream.indirect.gather [hbm4b:s4+s23], $0x80, s23, s23, $0xb8;
	[tilespmem:$0x1E180] =	vst v63  }
0x4f: {  	_ =	swait.ge [sflag:s20], $0x2000  }
0x50: {  	[sflag:s20] =	ssyncset.done $0x0  }
0x51: {  	[sflag:s20] =	ssyncadd.s32 $0xFFFFE000  }
0x52: {  	_ =	swait.ge [sflag:s25], $0x2000  }
0x53: {  	[sflag:s25] =	ssyncset.done $0x0  }
0x54: {  	[sflag:s25] =	ssyncadd.s32 $0xFFFFE000  }
0x55: {  	[spmem:s2] =	stream.indirect.scatter.add.f32 [tilespmem:s19], [sflag:$0x5], $0x80, s18, s26, $0xb8;
	[tilespmem:$0x1E180] =	vst v63  }
0x56: {  	_ = 	snop  }
0x57: {  	[tilespmem:s28], [sflag:$0x2] =	stream.indirect.gather [hbm4b:s4+s23], $0x80, s26, s23, $0xb8;
	[tilespmem:$0x1E180] =	vst v63  }
0x58: {  	_ = 	snop  }
0x59: {  	[tilespmem:s30], [sflag:$0x4] =	stream.indirect.gather [hbm4b:s4+s23], $0x80, s29, s23, $0xb8;
	[tilespmem:$0x1E180] =	vst v63  }
0x5a: {  	_ =	swait.ge [sflag:s21], $0x2000  }
0x5b: {  	[sflag:s21] =	ssyncset.done $0x0  }
0x5c: {  	[sflag:s21] =	ssyncadd.s32 $0xFFFFE000  }
0x5d: {  	_ =	swait.ge [sflag:s31], $0x2000  }
0x5e: {  	[sflag:s31] =	ssyncset.done $0x0  }
0x5f: {  	s11 =	simm.s32 $0x1480;
	[sflag:s31] =	ssyncadd.s32 $0xFFFFE000  }
0x60: {  	[spmem:s2] =	stream.indirect.scatter.add.f32 [tilespmem:s28], [sflag:$0x6], $0x80, s11, s26, $0xb8;
	[tilespmem:$0x1E180] =	vst v63  }
0x61: {  	_ =	swait.ge [sflag:s0], $0x4000  }
0x62: {  	[sflag:s0] =	ssyncset.done $0x0  }
0x63: {  	s8 =	simm.s32 $0x100;
	[sflag:s0] =	ssyncadd.s32 $0xFFFFC000  }
0x64: {  	[tilespmem:s19], [sflag:$0x1] =	stream.indirect.gather [hbm4b:s4+s23], $0x80, s8, s23, $0xb8;
	[tilespmem:$0x1E180] =	vst v63  }
0x65: {  	s9 =	simm.s32 $0x140  }
0x66: {  	[tilespmem:s24], [sflag:$0x3] =	stream.indirect.gather [hbm4b:s4+s23], $0x80, s9, s23, $0xb8;
	[tilespmem:$0x1E180] =	vst v63  }
0x67: {  	_ =	swait.ge [sflag:s20], $0x2000  }
0x68: {  	[sflag:s20] =	ssyncset.done $0x0  }
0x69: {  	[sflag:s20] =	ssyncadd.s32 $0xFFFFE000  }
0x6a: {  	_ =	swait.ge [sflag:s25], $0x2000  }
0x6b: {  	[sflag:s25] =	ssyncset.done $0x0  }
0x6c: {  	s10 =	simm.s32 $0x1500;
	[sflag:s25] =	ssyncadd.s32 $0xFFFFE000  }
0x6d: {  	[spmem:s2] =	stream.indirect.scatter.add.f32 [tilespmem:s19], [sflag:$0x5], $0x80, s10, s26, $0xb8;
	[tilespmem:$0x1E180] =	vst v63  }
0x6e: {  	_ =	swait.ge [sflag:s1], $0x4000  }
0x6f: {  	s7 =	simm.s32 $0x400;
	[sflag:s1] =	ssyncset.done $0x0  }
0x70: {  	s11 =	simm.s32 $0x180;
	s8 =	simm.s32 $0x1C0;
	[sflag:s1] =	ssyncadd.s32 $0xFFFFC000  }
0x71: {  	[tilespmem:s28], [sflag:$0x2] =	stream.indirect.gather [hbm4b:s4+s23], $0x80, s11, s23, $0xb8;
	[tilespmem:$0x1E180] =	vst v63  }
.LBB2_4:
0x72: {  	[tilespmem:s30], [sflag:$0x4] =	stream.indirect.gather [hbm4b:s4+s23], $0x80, s8, s23, $0xb8;
	[tilespmem:$0x1E180] =	vst v63  }
0x73: {  	s8 =	smov.u32 s7  }
0x74: {  	p1 =	sne.s32 s7, $0x4800;
	s7 =	sadd.s32 $0x400, s7;
	_ =	swait.ge [sflag:s21], $0x2000  }
0x75: {  	[sflag:s21] =	ssyncset.done $0x0  }
0x76: {  	[sflag:s21] =	ssyncadd.s32 $0xFFFFE000  }
0x77: {  	_ =	swait.ge [sflag:s31], $0x2000  }
0x78: {  	s8 =	sshra.s32 s8, $0x2;
	[sflag:s31] =	ssyncset.done $0x0  }
0x79: {  	s9 =	sadd.s32 $0x1480, s8;
	[sflag:s31] =	ssyncadd.s32 $0xFFFFE000  }
0x7a: {  	[spmem:s2] =	stream.indirect.scatter.add.f32 [tilespmem:s28], [sflag:$0x6], $0x80, s9, s26, $0xb8;
	[tilespmem:$0x1E180] =	vst v63  }
0x7b: {  	_ =	swait.ge [sflag:s0], $0x4000  }
0x7c: {  	[sflag:s0] =	ssyncset.done $0x0  }
0x7d: {  	s9 =	sadd.s32 $0x100, s8;
	[sflag:s0] =	ssyncadd.s32 $0xFFFFC000  }
0x7e: {  	[tilespmem:s19], [sflag:$0x1] =	stream.indirect.gather [hbm4b:s4+s23], $0x80, s9, s23, $0xb8;
	[tilespmem:$0x1E180] =	vst v63  }
0x7f: {  	s9 =	sadd.s32 $0x140, s8  }
0x80: {  	[tilespmem:s24], [sflag:$0x3] =	stream.indirect.gather [hbm4b:s4+s23], $0x80, s9, s23, $0xb8;
	[tilespmem:$0x1E180] =	vst v63  }
0x81: {  	_ =	swait.ge [sflag:s20], $0x2000  }
0x82: {  	[sflag:s20] =	ssyncset.done $0x0  }
0x83: {  	[sflag:s20] =	ssyncadd.s32 $0xFFFFE000  }
0x84: {  	_ =	swait.ge [sflag:s25], $0x2000  }
0x85: {  	[sflag:s25] =	ssyncset.done $0x0  }
0x86: {  	s9 =	sadd.s32 $0x1500, s8;
	[sflag:s25] =	ssyncadd.s32 $0xFFFFE000  }
0x87: {  	[spmem:s2] =	stream.indirect.scatter.add.f32 [tilespmem:s19], [sflag:$0x5], $0x80, s9, s26, $0xb8;
	[tilespmem:$0x1E180] =	vst v63  }
.Ltmp1:
0x88: {  	_ =	swait.ge [sflag:s1], $0x4000;
	(pc) =	sbr.rel @p1 .LBB2_4-.Ltmp1, $4  }
0x89: {  	[sflag:s1] =	ssyncset.done $0x0  }
0x8a: {  	s9 =	sadd.s32 $0x180, s8;
	[sflag:s1] =	ssyncadd.s32 $0xFFFFC000  }
0x8b: {  	[tilespmem:s28], [sflag:$0x2] =	stream.indirect.gather [hbm4b:s4+s23], $0x80, s9, s23, $0xb8;
	[tilespmem:$0x1E180] =	vst v63  }
0x8c: {  	s8 =	sadd.s32 $0x1C0, s8  }
0x8d: {  	[tilespmem:s30], [sflag:$0x4] =	stream.indirect.gather [hbm4b:s4+s23], $0x80, s8, s23, $0xb8;
	[tilespmem:$0x1E180] =	vst v63  }
0x8e: {  	_ =	swait.ge [sflag:s21], $0x2000  }
0x8f: {  	[sflag:s21] =	ssyncset.done $0x0  }
0x90: {  	[sflag:s21] =	ssyncadd.s32 $0xFFFFE000  }
0x91: {  	_ =	swait.ge [sflag:s31], $0x2000  }
0x92: {  	[sflag:s31] =	ssyncset.done $0x0  }
0x93: {  	s7 =	simm.s32 $0x2780;
	[sflag:s31] =	ssyncadd.s32 $0xFFFFE000  }
0x94: {  	[spmem:s2] =	stream.indirect.scatter.add.f32 [tilespmem:s28], [sflag:$0x6], $0x80, s7, s26, $0xb8;
	[tilespmem:$0x1E180] =	vst v63  }
0x95: {  	_ =	swait.ge [sflag:s0], $0x4000  }
0x96: {  	[sflag:s0] =	ssyncset.done $0x0  }
0x97: {  	[sflag:s0] =	ssyncadd.s32 $0xFFFFC000  }
0x98: {  	_ =	swait.ge [sflag:s1], $0x4000  }
0x99: {  	[sflag:s1] =	ssyncset.done $0x0  }
0x9a: {  	s10 =	simm.s32 $0x0;
	[sflag:s1] =	ssyncadd.s32 $0xFFFFC000  }
0x9b: {  	[tilespmem:s10], [sflag:$0x8] =	stream.linear.gather [hbm4b:s12+s10], $0x1300, $0x38;
	[tilespmem:$0x1E180] =	vst v63  }
0x9c: {  	_ =	swait.ge [sflag:s3], $0x1300  }
0x9d: {  	[sflag:s3] =	ssyncset.done $0x0  }
0x9e: {  	[sflag:s3] =	ssyncadd.s32 $0xFFFFED00  }
0x9f: {  	[tilespmem:s18], [sflag:$0x8] =	stream.linear.gather [hbm4b:s13+s10], $0x1300, $0x38;
	[tilespmem:$0x1E180] =	vst v63  }
0xa0: {  	_ =	swait.ge [sflag:s3], $0x1300  }
0xa1: {  	[sflag:s3] =	ssyncset.done $0x0  }
0xa2: {  	[sflag:s3] =	ssyncadd.s32 $0xFFFFED00  }
0xa3: {  	[tilespmem:s19], [sflag:$0x1] =	stream.indirect.gather [hbm4b:s4+s23], $0x80, s10, s23, $0xb8;
	[tilespmem:$0x1E180] =	vst v63  }
0xa4: {  	_ = 	snop  }
0xa5: {  	[tilespmem:s24], [sflag:$0x3] =	stream.indirect.gather [hbm4b:s4+s23], $0x80, s23, s23, $0xb8;
	[tilespmem:$0x1E180] =	vst v63  }
0xa6: {  	_ =	swait.ge [sflag:s20], $0x2000  }
0xa7: {  	[sflag:s20] =	ssyncset.done $0x0  }
0xa8: {  	[sflag:s20] =	ssyncadd.s32 $0xFFFFE000  }
0xa9: {  	_ =	swait.ge [sflag:s25], $0x2000  }
0xaa: {  	[sflag:s25] =	ssyncset.done $0x0  }
0xab: {  	[sflag:s25] =	ssyncadd.s32 $0xFFFFE000  }
0xac: {  	[spmem:s2] =	stream.indirect.scatter.add.f32 [tilespmem:s19], [sflag:$0x5], $0x80, s18, s26, $0xb8;
	[tilespmem:$0x1E180] =	vst v63  }
0xad: {  	_ = 	snop  }
0xae: {  	[tilespmem:s28], [sflag:$0x2] =	stream.indirect.gather [hbm4b:s4+s23], $0x80, s26, s23, $0xb8;
	[tilespmem:$0x1E180] =	vst v63  }
0xaf: {  	_ = 	snop  }
0xb0: {  	[tilespmem:s30], [sflag:$0x4] =	stream.indirect.gather [hbm4b:s4+s23], $0x80, s29, s23, $0xb8;
	[tilespmem:$0x1E180] =	vst v63  }
0xb1: {  	_ =	swait.ge [sflag:s21], $0x2000  }
0xb2: {  	[sflag:s21] =	ssyncset.done $0x0  }
0xb3: {  	[sflag:s21] =	ssyncadd.s32 $0xFFFFE000  }
0xb4: {  	_ =	swait.ge [sflag:s31], $0x2000  }
0xb5: {  	[sflag:s31] =	ssyncset.done $0x0  }
0xb6: {  	s11 =	simm.s32 $0x1480;
	[sflag:s31] =	ssyncadd.s32 $0xFFFFE000  }
0xb7: {  	[spmem:s2] =	stream.indirect.scatter.add.f32 [tilespmem:s28], [sflag:$0x6], $0x80, s11, s26, $0xb8;
	[tilespmem:$0x1E180] =	vst v63  }
0xb8: {  	_ =	swait.ge [sflag:s0], $0x4000  }
0xb9: {  	[sflag:s0] =	ssyncset.done $0x0  }
0xba: {  	s8 =	simm.s32 $0x100;
	[sflag:s0] =	ssyncadd.s32 $0xFFFFC000  }
0xbb: {  	[tilespmem:s19], [sflag:$0x1] =	stream.indirect.gather [hbm4b:s4+s23], $0x80, s8, s23, $0xb8;
	[tilespmem:$0x1E180] =	vst v63  }
0xbc: {  	s9 =	simm.s32 $0x140  }
0xbd: {  	[tilespmem:s24], [sflag:$0x3] =	stream.indirect.gather [hbm4b:s4+s23], $0x80, s9, s23, $0xb8;
	[tilespmem:$0x1E180] =	vst v63  }
0xbe: {  	_ =	swait.ge [sflag:s20], $0x2000  }
0xbf: {  	[sflag:s20] =	ssyncset.done $0x0  }
0xc0: {  	[sflag:s20] =	ssyncadd.s32 $0xFFFFE000  }
0xc1: {  	_ =	swait.ge [sflag:s25], $0x2000  }
0xc2: {  	[sflag:s25] =	ssyncset.done $0x0  }
0xc3: {  	s10 =	simm.s32 $0x1500;
	[sflag:s25] =	ssyncadd.s32 $0xFFFFE000  }
0xc4: {  	[spmem:s2] =	stream.indirect.scatter.add.f32 [tilespmem:s19], [sflag:$0x5], $0x80, s10, s26, $0xb8;
	[tilespmem:$0x1E180] =	vst v63  }
0xc5: {  	_ =	swait.ge [sflag:s1], $0x4000  }
0xc6: {  	s7 =	simm.s32 $0x400;
	[sflag:s1] =	ssyncset.done $0x0  }
0xc7: {  	s11 =	simm.s32 $0x180;
	s8 =	simm.s32 $0x1C0;
	[sflag:s1] =	ssyncadd.s32 $0xFFFFC000  }
0xc8: {  	[tilespmem:s28], [sflag:$0x2] =	stream.indirect.gather [hbm4b:s4+s23], $0x80, s11, s23, $0xb8;
	[tilespmem:$0x1E180] =	vst v63  }
.LBB2_6:
0xc9: {  	[tilespmem:s30], [sflag:$0x4] =	stream.indirect.gather [hbm4b:s4+s23], $0x80, s8, s23, $0xb8;
	[tilespmem:$0x1E180] =	vst v63  }
0xca: {  	s8 =	smov.u32 s7  }
0xcb: {  	p1 =	sne.s32 s7, $0x4400;
	s7 =	sadd.s32 $0x400, s7;
	_ =	swait.ge [sflag:s21], $0x2000  }
0xcc: {  	[sflag:s21] =	ssyncset.done $0x0  }
0xcd: {  	[sflag:s21] =	ssyncadd.s32 $0xFFFFE000  }
0xce: {  	_ =	swait.ge [sflag:s31], $0x2000  }
0xcf: {  	s8 =	sshra.s32 s8, $0x2;
	[sflag:s31] =	ssyncset.done $0x0  }
0xd0: {  	s9 =	sadd.s32 $0x1480, s8;
	[sflag:s31] =	ssyncadd.s32 $0xFFFFE000  }
0xd1: {  	[spmem:s2] =	stream.indirect.scatter.add.f32 [tilespmem:s28], [sflag:$0x6], $0x80, s9, s26, $0xb8;
	[tilespmem:$0x1E180] =	vst v63  }
0xd2: {  	_ =	swait.ge [sflag:s0], $0x4000  }
0xd3: {  	[sflag:s0] =	ssyncset.done $0x0  }
0xd4: {  	s9 =	sadd.s32 $0x100, s8;
	[sflag:s0] =	ssyncadd.s32 $0xFFFFC000  }
0xd5: {  	[tilespmem:s19], [sflag:$0x1] =	stream.indirect.gather [hbm4b:s4+s23], $0x80, s9, s23, $0xb8;
	[tilespmem:$0x1E180] =	vst v63  }
0xd6: {  	s9 =	sadd.s32 $0x140, s8  }
0xd7: {  	[tilespmem:s24], [sflag:$0x3] =	stream.indirect.gather [hbm4b:s4+s23], $0x80, s9, s23, $0xb8;
	[tilespmem:$0x1E180] =	vst v63  }
0xd8: {  	_ =	swait.ge [sflag:s20], $0x2000  }
0xd9: {  	[sflag:s20] =	ssyncset.done $0x0  }
0xda: {  	[sflag:s20] =	ssyncadd.s32 $0xFFFFE000  }
0xdb: {  	_ =	swait.ge [sflag:s25], $0x2000  }
0xdc: {  	[sflag:s25] =	ssyncset.done $0x0  }
0xdd: {  	s9 =	sadd.s32 $0x1500, s8;
	[sflag:s25] =	ssyncadd.s32 $0xFFFFE000  }
0xde: {  	[spmem:s2] =	stream.indirect.scatter.add.f32 [tilespmem:s19], [sflag:$0x5], $0x80, s9, s26, $0xb8;
	[tilespmem:$0x1E180] =	vst v63  }
.Ltmp2:
0xdf: {  	_ =	swait.ge [sflag:s1], $0x4000;
	(pc) =	sbr.rel @p1 .LBB2_6-.Ltmp2, $4  }
0xe0: {  	[sflag:s1] =	ssyncset.done $0x0  }
0xe1: {  	s9 =	sadd.s32 $0x180, s8;
	[sflag:s1] =	ssyncadd.s32 $0xFFFFC000  }
0xe2: {  	[tilespmem:s28], [sflag:$0x2] =	stream.indirect.gather [hbm4b:s4+s23], $0x80, s9, s23, $0xb8;
	[tilespmem:$0x1E180] =	vst v63  }
0xe3: {  	s8 =	sadd.s32 $0x1C0, s8  }
0xe4: {  	[tilespmem:s30], [sflag:$0x4] =	stream.indirect.gather [hbm4b:s4+s23], $0x80, s8, s23, $0xb8;
	[tilespmem:$0x1E180] =	vst v63  }
0xe5: {  	_ =	swait.ge [sflag:s21], $0x2000  }
0xe6: {  	[sflag:s21] =	ssyncset.done $0x0  }
0xe7: {  	[sflag:s21] =	ssyncadd.s32 $0xFFFFE000  }
0xe8: {  	_ =	swait.ge [sflag:s31], $0x2000  }
0xe9: {  	[sflag:s31] =	ssyncset.done $0x0  }
0xea: {  	s7 =	simm.s32 $0x2680;
	[sflag:s31] =	ssyncadd.s32 $0xFFFFE000  }
0xeb: {  	[spmem:s2] =	stream.indirect.scatter.add.f32 [tilespmem:s28], [sflag:$0x6], $0x80, s7, s26, $0xb8;
	[tilespmem:$0x1E180] =	vst v63  }
0xec: {  	_ =	swait.ge [sflag:s0], $0x4000  }
0xed: {  	[sflag:s0] =	ssyncset.done $0x0  }
0xee: {  	[sflag:s0] =	ssyncadd.s32 $0xFFFFC000  }
0xef: {  	_ =	swait.ge [sflag:s1], $0x4000  }
0xf0: {  	s8 =	simm.s32 @!p0 $0xA800;
	[sflag:s1] =	ssyncset.done $0x0  }
0xf1: {  	s9 =	simm.s32 @!p0 $0x8;
	s7 =	simm.s32 @!p0 $0x0;
	[sflag:s1] =	ssyncadd.s32 $0xFFFFC000  }
0xf2: {  	[tilespmem:s8], [sflag:$0x8] =	stream.linear.gather @!p0 [hbm4b:s14+s7], $0x80, $0x38;
	[tilespmem:$0x1E180] =	vst v63  }
0xf3: {  	_ =	swait.ge @!p0 [sflag:s9], $0x80  }
0xf4: {  	[sflag:s9] =	ssyncset.done @!p0 $0x0  }
0xf5: {  	s10 =	simm.s32 @!p0 $0xA880;
	[sflag:s9] =	ssyncadd.s32 @!p0 $0xFFFFFF80  }
0xf6: {  	[tilespmem:s10], [sflag:$0x8] =	stream.linear.gather @!p0 [hbm4b:s15+s7], $0x80, $0x38;
	[tilespmem:$0x1E180] =	vst v63  }
0xf7: {  	_ =	swait.ge @!p0 [sflag:s9], $0x80  }
0xf8: {  	[sflag:s9] =	ssyncset.done @!p0 $0x0  }
0xf9: {  	s11 =	simm.s32 @!p0 $0x2800;
	s7 =	simm.s32 @!p0 $0x80;
	[sflag:s9] =	ssyncadd.s32 @!p0 $0xFFFFFF80  }
0xfa: {  	[tilespmem:s11], [sflag:$0x1] =	stream.indirect.gather @!p0 [hbm4b:s4+s7], $0x80, s8, s7, $0xb8;
	[tilespmem:$0x1E180] =	vst v63  }
0xfb: {  	s8 =	simm.s32 @!p0 $0x1  }
0xfc: {  	_ =	swait.ge @!p0 [sflag:s8], $0x4000  }
0xfd: {  	[sflag:s8] =	ssyncset.done @!p0 $0x0  }
0xfe: {  	[sflag:s8] =	ssyncadd.s32 @!p0 $0xFFFFC000  }
0xff: {  	[spmem:s2] =	stream.indirect.scatter.add.f32 @!p0 [tilespmem:s11], [sflag:$0x8], $0x80, s10, s7, $0xb8;
	[tilespmem:$0x1E180] =	vst v63  }
0x100: {  	s6 =	sadd.s32 $0x1, s6;
	_ =	swait.ge @!p0 [sflag:s9], $0x4000  }
0x101: {  	p1 =	sne.s32 s6, s17;
	s10 =	stileid.u32;
	[sflag:s9] =	ssyncset.done @!p0 $0x0  }
0x102: {  	s11 =	sshrl.u32 s5, $0x3;
	s7 =	sshll.u32 s10, $0x6;
	[sflag:s9] =	ssyncadd.s32 @!p0 $0xFFFFC000  }
.Ltmp3:
0x103: {  	s7 =	sor.u32 $0x1C08, s7;
	[bflag:$0x0] =	sbarrier.arrive $0xFFFF;
	(pc) =	sbr.rel @p1 .LBB2_1-.Ltmp3, $4  }
0x104: {  	[hbm:s16], [sflag:s7] =	dma.local [spmem:s11], $0x2800  }
0x105: {  	_ =	swait.ge [sflag:s3], $0x2800  }
0x106: {  	[sflag:s3] =	ssyncset.done $0x0  }
0x107: {  	[sflag:s3] =	ssyncadd.s32 $0xFFFFD800  }
0x108: {  	_ =	sfence.sel $0x180000  }
0x109: {  	[bflag:$0x0] =	sbarrier.arrive $0xFFFF  }
0x10a: {  	_ =	strace $0x90000050  }
0x10b: {  	s0 =	stileid.u32;
	[bflag:$0x2] =	sbarrier.arrive $0xFFFF  }
0x10c: {  	p0 =	sne.s32 s0, $0x0;
	s0 =	rddreg [dreg:$0x3]  }
0x10d: {  	s0 =	sadd.s32 @!p0 $0x100000, s0  }
0x10e: {  	[sflag:s0] =	ssyncadd.tile.s32 @!p0 $0x1;
	_ =	shalt  }
.Lfunc_end2:
_tile_overlayer_lowered:
.L_overlay_start_2:
0x10f: {  	(tag) =	ssettag $0x2  }
0x110: {  	s0 =	rddreg [dreg:$0x0];
	s2 =	stileid.u32  }
0x111: {  	s1 =	rddreg [dreg:$0x1];
	p0 =	sne.s32 s2, $0x0  }
0x112: {  	s3 =	rddreg [dreg:$0x2];
	[bflag:$0x3] =	sbarrier.arrive $0xFFFF;
	s2 =	simm.s32 @!p0 $0x1C08  }
0x113: {  	[timem:s3], [sflag:s2] =	dma.local @!p0 [hbm:s0], s1  }
0x114: {  	s0 =	simm.s32 @!p0 $0x8  }
0x115: {  	_ =	swait.ge @!p0 [sflag:s0], s1  }
0x116: {  	s1 =	ssub.s32 @!p0 $0x0, s1;
	[sflag:s0] =	ssyncset.done @!p0 $0x0  }
0x117: {  	[sflag:s0] =	ssyncadd.s32 @!p0 s1  }
0x118: {  	[bflag:$0x3] =	sbarrier.arrive $0xFFFF  }
0x119: {  	_ =	shalt  }

</sc_bundles>
